<compile_context>
chip_gen: v7x
topology: tpu7x:2x2x1
jax: 0.10.2.dev20260603
libtpu: 0.0.44.dev20260713+nightly
codegen_flags: <defaults>
</compile_context>

<pallas_src>
import functools

import jax
import jax.numpy as jnp
from jax import lax
from jax.experimental import pallas as pl
from jax.experimental.pallas import tpu as pltpu
from jax.experimental.pallas import tpu_sc as plsc

N = 1024
NPAIR = 64
CW = 128
KA = 8
P = 8
KTC = 56
SCP = NPAIR - KTC
L = 16
NCHUNK = N // L
G = 4
NC = 2
NS = 16
NW = NC * NS
TPP = NW // SCP
RPT = N // TPP
RCHUNKS = RPT // L



def _tc_body(x_ref, y_ref, o_ref, xa, ya):
    s = pl.program_id(0)

    @pl.when(s == 0)
    def _():
        xa[4:5, :] = jnp.ones((1, N), jnp.float32)
        xa[5:8, :] = jnp.zeros((3, N), jnp.float32)
        ya[3:4, :] = jnp.ones((1, N), jnp.float32)
        ya[5:8, :] = jnp.zeros((3, N), jnp.float32)
        o_ref[0, 0] = jnp.float32(0.0)

    acc = jnp.float32(0.0)
    x3 = x_ref[...]
    y3 = y_ref[...]
    for q in range(P):
        xb = x3[3 * q:3 * q + 3]
        yb = y3[3 * q:3 * q + 3]
        x2 = jnp.sum(xb * xb, axis=0)
        y2 = jnp.sum(yb * yb, axis=0)
        xa[0:3, :] = xb * -2.0
        xa[3:4, :] = x2[None, :]
        ya[0:3, :] = yb
        ya[4:5, :] = y2[None, :]
        xav = xa[...]
        yav = ya[...]
        runmin = None
        colsum = jnp.float32(0.0)
        for c in range(N // CW):
            yc = yav[:, c * CW:(c + 1) * CW]
            dc = lax.dot_general(xav, yc, (((0,), (0,)), ((), ())),
                                 preferred_element_type=jnp.float32)
            runmin = dc if c == 0 else jnp.minimum(runmin, dc)
            colsum = colsum + jnp.sum(jnp.min(dc, axis=0))
        rowsum = jnp.sum(jnp.min(runmin, axis=1))
        pid = s * P + q
        w = jnp.where(pid % 8 == 0, jnp.float32(2.0), jnp.float32(1.0))
        acc = acc + w * (rowsum + colsum)

    o_ref[0, 0] += acc


_tc_call = pl.pallas_call(
    _tc_body,
    grid=(KTC // P,),
    in_specs=[
        pl.BlockSpec((P * 3, N), lambda s: (s, 0)),
        pl.BlockSpec((P * 3, N), lambda s: (s, 0)),
    ],
    out_specs=pl.BlockSpec(memory_space=pltpu.SMEM),
    out_shape=jax.ShapeDtypeStruct((1, 1), jnp.float32),
    scratch_shapes=[
        pltpu.VMEM((KA, N), jnp.float32),
        pltpu.VMEM((KA, N), jnp.float32),
    ],
    compiler_params=pltpu.CompilerParams(
        dimension_semantics=("arbitrary",),
    ),
)



_sc_kernel_cache = []


def _build_sc_kernel():
    mesh = plsc.VectorSubcoreMesh(core_axis_name="c", subcore_axis_name="s")
    return functools.partial(
        pl.kernel,
        mesh=mesh,
        out_type=(
            jax.ShapeDtypeStruct((NW, L), jnp.float32),
            jax.ShapeDtypeStruct((NW, N), jnp.float32),
        ),
        scratch_types=[
            pltpu.VMEM((N,), jnp.float32),
            pltpu.VMEM((N,), jnp.float32),
            pltpu.VMEM((N,), jnp.float32),
            pltpu.VMEM((N,), jnp.float32),
            pltpu.VMEM((N,), jnp.float32),
            pltpu.VMEM((N,), jnp.float32),
            pltpu.VMEM((N,), jnp.float32),
            pltpu.VMEM((N,), jnp.float32),
            pltpu.VMEM((N,), jnp.float32),
            pltpu.VMEM((L,), jnp.float32),
        ],
    )


def _get_sc_kernel():
    if not _sc_kernel_cache:
        _sc_kernel_cache.append(_build_sc_kernel()(_chamfer_sc_body))
    return _sc_kernel_cache[0]


def _chamfer_sc_body(x_hbm, y_hbm, row_out, col_out,
                     xs0, xs1, xs2, xsq, ym0, ym1, ym2, ysq, colbuf, accbuf):
    wid = lax.axis_index("s") * NC + lax.axis_index("c")
    u = wid // TPP
    p = KTC + u
    quarter = wid % TPP
    r0 = quarter * RPT
    inf = jnp.full((L,), jnp.inf, jnp.float32)
    lane_iota = lax.iota(jnp.int32, L)

    def lane_min(v):
        m = v
        for sh in (8, 4, 2, 1):
            m = jnp.minimum(m, m.at[lane_iota ^ sh].get(mode="promise_in_bounds"))
        return m

    pltpu.sync_copy(x_hbm.at[p * 3 + 0], xs0)
    pltpu.sync_copy(x_hbm.at[p * 3 + 1], xs1)
    pltpu.sync_copy(x_hbm.at[p * 3 + 2], xs2)
    pltpu.sync_copy(y_hbm.at[p * 3 + 0], ym0)
    pltpu.sync_copy(y_hbm.at[p * 3 + 1], ym1)
    pltpu.sync_copy(y_hbm.at[p * 3 + 2], ym2)

    def prep_y(c, _):
        s = pl.ds(c * L, L)
        a0 = ym0[s]
        a1 = ym1[s]
        a2 = ym2[s]
        ysq[s] = a0 * a0 + a1 * a1 + a2 * a2
        ym0[s] = a0 * -2.0
        ym1[s] = a1 * -2.0
        ym2[s] = a2 * -2.0
        colbuf[s] = inf
        return 0

    lax.fori_loop(0, NCHUNK, prep_y, 0)

    def prep_x(c, _):
        s = pl.ds(r0 + c * L, L)
        b0 = xs0[s]
        b1 = xs1[s]
        b2 = xs2[s]
        xsq[s] = b0 * b0 + b1 * b1 + b2 * b2
        return 0

    lax.fori_loop(0, RCHUNKS, prep_x, 0)

    def rowchunk(rc, rowacc):
        rs = pl.ds(r0 + rc * L, L)
        xv0 = xs0[rs]
        xv1 = xs1[rs]
        xv2 = xs2[rs]
        xvq = xsq[rs]
        for sb in range(L // G):
            xb = []
            for g in range(G):
                lane = sb * G + g
                xb.append((jnp.full((L,), xv0[lane]),
                           jnp.full((L,), xv1[lane]),
                           jnp.full((L,), xv2[lane]),
                           jnp.full((L,), xvq[lane])))

            def chunk(c, rows):
                s = pl.ds(c * L, L)
                m0 = ym0[s]
                m1 = ym1[s]
                m2 = ym2[s]
                ys = ysq[s]
                cm = colbuf[s]
                new_rows = []
                for g in range(G):
                    e = (ys + xb[g][3]) + xb[g][0] * m0 + xb[g][1] * m1 + xb[g][2] * m2
                    new_rows.append(jnp.minimum(rows[g], e))
                    cm = jnp.minimum(cm, e)
                colbuf[s] = cm
                return tuple(new_rows)

            rows = lax.fori_loop(0, NCHUNK, chunk, (inf,) * G)
            for g in range(G):
                rowacc = rowacc + lane_min(rows[g])
        return rowacc

    rowacc = lax.fori_loop(0, RCHUNKS, rowchunk, jnp.zeros((L,), jnp.float32))

    accbuf[...] = rowacc * 0.0625
    pltpu.sync_copy(accbuf, row_out.at[wid])
    pltpu.sync_copy(colbuf, col_out.at[wid])



def kernel(X_v, target_X_v):
    x = jnp.transpose(X_v.reshape(NPAIR, N, 3), (0, 2, 1)).reshape(NPAIR * 3, N)
    y = jnp.transpose(target_X_v.reshape(NPAIR, N, 3), (0, 2, 1)).reshape(NPAIR * 3, N)
    row_out, col_out = _get_sc_kernel()(x, y)
    tc_out = _tc_call(x, y)
    colmin = jnp.min(col_out.reshape(SCP, TPP, N), axis=1)
    pair_sums = (jnp.sum(row_out.reshape(SCP, TPP * L), axis=1)
                 + jnp.sum(colmin, axis=1))
    wts = jnp.where(jnp.arange(KTC, NPAIR) % 8 == 0, 2.0, 1.0)
    sc_total = jnp.sum(wts * pair_sums)
    return (tc_out[0, 0] + sc_total) * 0.125

# --- scband reference (transcript-rebuilt; emitter-appended) ---
"""Pipeline reference for scband-geometric-reconstruction-loss-80805514707373 (READ-ONLY COPY).

The authoritative reference and input builder live on the scoring server;
editing this copy changes nothing except your own understanding.
"""

import jax, jax.numpy as jnp
import numpy as np


def chamfer_distance_sum(x, y):
    # x: [B, N, 3], y: [B, M, 3]
    # pytorch3d chamfer_distance with point_reduction='sum', batch_reduction='mean'
    # uses squared L2 distances to the 1-nearest-neighbor.
    x2 = jnp.sum(x * x, axis=-1)  # [B, N]
    y2 = jnp.sum(y * y, axis=-1)  # [B, M]
    d = x2[:, :, None] + y2[:, None, :] - 2.0 * jnp.einsum('bnd,bmd->bnm', x, y)  # [B, N, M]
    cham_x = jnp.sum(jnp.min(d, axis=2), axis=1)  # [B] sum over points of min over y
    cham_y = jnp.sum(jnp.min(d, axis=1), axis=1)  # [B] sum over points of min over x
    return jnp.mean(cham_x + cham_y)  # batch_reduction='mean'


def setup_inputs(seed: int = 0) -> dict:
    key = jax.random.key(seed)
    k1, k2 = jax.random.split(key)
    X_v = jax.random.normal(k1, (8, 8, 1024, 3), dtype=jnp.float32)
    target_X_v = jax.random.normal(k2, (8, 8, 1024, 3), dtype=jnp.float32)
    return {"X_v": X_v, "target_X_v": target_X_v}


def reference(X_v, target_X_v):
    # Faithful to the torch module: first chamfer on view 0, then a loop over
    # range(X_v.shape[0]) indexing the view dimension (so view 0 is double-counted).
    loss = chamfer_distance_sum(X_v[:, 0, :, :], target_X_v[:, 0, :, :])
    for idx in range(X_v.shape[0]):
        tmp = chamfer_distance_sum(X_v[:, idx, :, :], target_X_v[:, idx, :, :])
        loss = loss + tmp
    return loss

if __name__ == "__main__":
    import jax
    _d = setup_inputs()
    print(jax.jit(kernel)(*tuple(_d.values())))

</pallas_src>

<mosaic_0001>
#map = affine_map<(d0, d1) -> (0, 0)>
module attributes {stable_mosaic.version = 14 : i64} {
  func.func @_chamfer_sc_body(%arg0: i32, %arg1: i32, %arg2: memref<192x1024xf32, #tpu.memory_space<hbm>>, %arg3: memref<192x1024xf32, #tpu.memory_space<hbm>>, %arg4: memref<32x16xf32, #tpu.memory_space<hbm>>, %arg5: memref<32x1024xf32, #tpu.memory_space<hbm>>, %arg6: memref<1024xf32, #tpu.memory_space<vmem>>, %arg7: memref<1024xf32, #tpu.memory_space<vmem>>, %arg8: memref<1024xf32, #tpu.memory_space<vmem>>, %arg9: memref<1024xf32, #tpu.memory_space<vmem>>, %arg10: memref<1024xf32, #tpu.memory_space<vmem>>, %arg11: memref<1024xf32, #tpu.memory_space<vmem>>, %arg12: memref<1024xf32, #tpu.memory_space<vmem>>, %arg13: memref<1024xf32, #tpu.memory_space<vmem>>, %arg14: memref<1024xf32, #tpu.memory_space<vmem>>, %arg15: memref<16xf32, #tpu.memory_space<vmem>>) attributes {dimension_semantics = [#tpu.dimension_semantics<core_parallel>, #tpu.dimension_semantics<subcore_parallel>], iteration_bounds = array<i64: 2, 16>, scalar_prefetch = 0 : i64, scratch_operands = 10 : i64, tpu.core_type = #tpu.core_type<sc_vector_subcore>, window_params = [{transform_indices = #map}, {transform_indices = #map}, {transform_indices = #map}, {transform_indices = #map}]} {
    %mul3A = arith.constant 2 : i32
    %mul3A_0 = arith.muli %arg1, %mul3A : i32
    %add3A = arith.addi %mul3A_0, %arg0 : i32
    %jit3A = arith.constant 4 : i32
    %div3A = arith.divsi %add3A, %jit3A : i32
    %sign3A = arith.constant 0 : i32
    %sign3A_1 = arith.cmpi sgt, %add3A, %sign3A : i32
    %sign3A_2 = arith.extui %sign3A_1 : i1 to i32
    %sign3A_3 = arith.constant 0 : i32
    %sign3A_4 = arith.cmpi slt, %add3A, %sign3A_3 : i32
    %sign3A_5 = arith.extui %sign3A_4 : i1 to i32
    %sign3A_6 = arith.subi %sign3A_2, %sign3A_5 : i32
    %sign3A_7 = arith.constant 0 : i32
    %sign3A_8 = arith.cmpi sgt, %jit3A, %sign3A_7 : i32
    %sign3A_9 = arith.extui %sign3A_8 : i1 to i32
    %sign3A_10 = arith.constant 0 : i32
    %sign3A_11 = arith.cmpi slt, %jit3A, %sign3A_10 : i32
    %sign3A_12 = arith.extui %sign3A_11 : i1 to i32
    %sign3A_13 = arith.subi %sign3A_9, %sign3A_12 : i32
    %ne3A = arith.cmpi ne, %sign3A_6, %sign3A_13 : i32
    %rem3A = arith.remsi %add3A, %jit3A : i32
    %ne3A_14 = arith.constant 0 : i32
    %ne3A_15 = arith.cmpi ne, %rem3A, %ne3A_14 : i32
    %and3A = arith.andi %ne3A, %ne3A_15 : i1
    %sub3A = arith.constant 1 : i32
    %sub3A_16 = arith.subi %div3A, %sub3A : i32
    %select_n3A = arith.select %and3A, %sub3A_16, %div3A : i32
    %add3A_17 = arith.constant 56 : i32
    %add3A_18 = arith.addi %add3A_17, %select_n3A : i32
    %jit3A_19 = arith.constant 4 : i32
    %eq3A = arith.constant 0 : i32
    %eq3A_20 = arith.cmpi eq, %jit3A_19, %eq3A : i32
    %jit3A_21 = arith.constant 1 : i32
    %select_n3A_22 = arith.select %eq3A_20, %jit3A_21, %jit3A_19 : i32
    %rem3A_23 = arith.remsi %add3A, %select_n3A_22 : i32
    %ne3A_24 = arith.constant 0 : i32
    %ne3A_25 = arith.cmpi ne, %rem3A_23, %ne3A_24 : i32
    %lt3A = arith.constant 0 : i32
    %lt3A_26 = arith.cmpi slt, %rem3A_23, %lt3A : i32
    %lt3A_27 = arith.constant 0 : i32
    %lt3A_28 = arith.cmpi slt, %select_n3A_22, %lt3A_27 : i32
    %ne3A_29 = arith.xori %lt3A_26, %lt3A_28 : i1
    %and3A_30 = arith.andi %ne3A_29, %ne3A_25 : i1
    %add3A_31 = arith.addi %rem3A_23, %select_n3A_22 : i32
    %select_n3A_32 = arith.select %and3A_30, %add3A_31, %rem3A_23 : i32
    %mul3A_33 = arith.constant 256 : i32
    %mul3A_34 = arith.muli %select_n3A_32, %mul3A_33 : i32
    %broadcast_in_dim3A = arith.constant 0x7F800000 : f32
    %broadcast_in_dim3A_35 = vector.broadcast %broadcast_in_dim3A : f32 to vector<16xf32>
    %iota3A = tpu.iota {dimensions = array<i32: 0>} : vector<16xi32>
    %mul3A_36 = arith.constant 3 : i32
    %mul3A_37 = arith.muli %add3A_18, %mul3A_36 : i32
    %add3A_38 = arith.constant 0 : i32
    %add3A_39 = arith.addi %mul3A_37, %add3A_38 : i32
    "tpu.region"() ({
      %run_scoped3A = tpu.sem_alloc : memref<!tpu.dma_semaphore, #tpu.memory_space<semaphore_mem>>
      %dma_start3A = arith.constant 0 : i32
      %dma_start3A_87 = tpu.memref_slice %arg2[%add3A_39, %dma_start3A] : memref<192x1024xf32, #tpu.memory_space<hbm>> -> memref<1x1024xf32, #tpu.memory_space<hbm>>
      %dma_start3A_88 = tpu.memref_squeeze %dma_start3A_87 : memref<1x1024xf32, #tpu.memory_space<hbm>> -> memref<1024xf32, #tpu.memory_space<hbm>>
      %dma_start3A_89 = arith.constant 0 : i32
      %dma_start3A_90 = tpu.memref_slice %arg2[%add3A_39, %dma_start3A_89] : memref<192x1024xf32, #tpu.memory_space<hbm>> -> memref<1x1024xf32, #tpu.memory_space<hbm>>
      %dma_start3A_91 = tpu.memref_squeeze %dma_start3A_90 : memref<1x1024xf32, #tpu.memory_space<hbm>> -> memref<1024xf32, #tpu.memory_space<hbm>>
      tpu.enqueue_dma source(%dma_start3A_91 : memref<1024xf32, #tpu.memory_space<hbm>>) target(%arg6 : memref<1024xf32, #tpu.memory_space<vmem>>) target_semaphore(%run_scoped3A : memref<!tpu.dma_semaphore, #tpu.memory_space<semaphore_mem>>)
      %dma_wait3A = arith.constant 0 : i32
      %dma_wait3A_92 = tpu.memref_slice %arg2[%add3A_39, %dma_wait3A] : memref<192x1024xf32, #tpu.memory_space<hbm>> -> memref<1x1024xf32, #tpu.memory_space<hbm>>
      %dma_wait3A_93 = tpu.memref_squeeze %dma_wait3A_92 : memref<1x1024xf32, #tpu.memory_space<hbm>> -> memref<1024xf32, #tpu.memory_space<hbm>>
      %dma_wait3A_94 = arith.constant 0 : i32
      %dma_wait3A_95 = tpu.memref_slice %arg2[%add3A_39, %dma_wait3A_94] : memref<192x1024xf32, #tpu.memory_space<hbm>> -> memref<1x1024xf32, #tpu.memory_space<hbm>>
      %dma_wait3A_96 = tpu.memref_squeeze %dma_wait3A_95 : memref<1x1024xf32, #tpu.memory_space<hbm>> -> memref<1024xf32, #tpu.memory_space<hbm>>
      tpu.wait_dma2 semaphore(%run_scoped3A : memref<!tpu.dma_semaphore, #tpu.memory_space<semaphore_mem>>) src(%dma_wait3A_96 : memref<1024xf32, #tpu.memory_space<hbm>>) dst(%arg6 : memref<1024xf32, #tpu.memory_space<vmem>>)
      tpu.yield
    }) : () -> ()
    %mul3A_40 = arith.constant 3 : i32
    %mul3A_41 = arith.muli %add3A_18, %mul3A_40 : i32
    %add3A_42 = arith.constant 1 : i32
    %add3A_43 = arith.addi %mul3A_41, %add3A_42 : i32
    "tpu.region"() ({
      %run_scoped3A = tpu.sem_alloc : memref<!tpu.dma_semaphore, #tpu.memory_space<semaphore_mem>>
      %dma_start3A = arith.constant 0 : i32
      %dma_start3A_87 = tpu.memref_slice %arg2[%add3A_43, %dma_start3A] : memref<192x1024xf32, #tpu.memory_space<hbm>> -> memref<1x1024xf32, #tpu.memory_space<hbm>>
      %dma_start3A_88 = tpu.memref_squeeze %dma_start3A_87 : memref<1x1024xf32, #tpu.memory_space<hbm>> -> memref<1024xf32, #tpu.memory_space<hbm>>
      %dma_start3A_89 = arith.constant 0 : i32
      %dma_start3A_90 = tpu.memref_slice %arg2[%add3A_43, %dma_start3A_89] : memref<192x1024xf32, #tpu.memory_space<hbm>> -> memref<1x1024xf32, #tpu.memory_space<hbm>>
      %dma_start3A_91 = tpu.memref_squeeze %dma_start3A_90 : memref<1x1024xf32, #tpu.memory_space<hbm>> -> memref<1024xf32, #tpu.memory_space<hbm>>
      tpu.enqueue_dma source(%dma_start3A_91 : memref<1024xf32, #tpu.memory_space<hbm>>) target(%arg7 : memref<1024xf32, #tpu.memory_space<vmem>>) target_semaphore(%run_scoped3A : memref<!tpu.dma_semaphore, #tpu.memory_space<semaphore_mem>>)
      %dma_wait3A = arith.constant 0 : i32
      %dma_wait3A_92 = tpu.memref_slice %arg2[%add3A_43, %dma_wait3A] : memref<192x1024xf32, #tpu.memory_space<hbm>> -> memref<1x1024xf32, #tpu.memory_space<hbm>>
      %dma_wait3A_93 = tpu.memref_squeeze %dma_wait3A_92 : memref<1x1024xf32, #tpu.memory_space<hbm>> -> memref<1024xf32, #tpu.memory_space<hbm>>
      %dma_wait3A_94 = arith.constant 0 : i32
      %dma_wait3A_95 = tpu.memref_slice %arg2[%add3A_43, %dma_wait3A_94] : memref<192x1024xf32, #tpu.memory_space<hbm>> -> memref<1x1024xf32, #tpu.memory_space<hbm>>
      %dma_wait3A_96 = tpu.memref_squeeze %dma_wait3A_95 : memref<1x1024xf32, #tpu.memory_space<hbm>> -> memref<1024xf32, #tpu.memory_space<hbm>>
      tpu.wait_dma2 semaphore(%run_scoped3A : memref<!tpu.dma_semaphore, #tpu.memory_space<semaphore_mem>>) src(%dma_wait3A_96 : memref<1024xf32, #tpu.memory_space<hbm>>) dst(%arg7 : memref<1024xf32, #tpu.memory_space<vmem>>)
      tpu.yield
    }) : () -> ()
    %mul3A_44 = arith.constant 3 : i32
    %mul3A_45 = arith.muli %add3A_18, %mul3A_44 : i32
    %add3A_46 = arith.constant 2 : i32
    %add3A_47 = arith.addi %mul3A_45, %add3A_46 : i32
    "tpu.region"() ({
      %run_scoped3A = tpu.sem_alloc : memref<!tpu.dma_semaphore, #tpu.memory_space<semaphore_mem>>
      %dma_start3A = arith.constant 0 : i32
      %dma_start3A_87 = tpu.memref_slice %arg2[%add3A_47, %dma_start3A] : memref<192x1024xf32, #tpu.memory_space<hbm>> -> memref<1x1024xf32, #tpu.memory_space<hbm>>
      %dma_start3A_88 = tpu.memref_squeeze %dma_start3A_87 : memref<1x1024xf32, #tpu.memory_space<hbm>> -> memref<1024xf32, #tpu.memory_space<hbm>>
      %dma_start3A_89 = arith.constant 0 : i32
      %dma_start3A_90 = tpu.memref_slice %arg2[%add3A_47, %dma_start3A_89] : memref<192x1024xf32, #tpu.memory_space<hbm>> -> memref<1x1024xf32, #tpu.memory_space<hbm>>
      %dma_start3A_91 = tpu.memref_squeeze %dma_start3A_90 : memref<1x1024xf32, #tpu.memory_space<hbm>> -> memref<1024xf32, #tpu.memory_space<hbm>>
      tpu.enqueue_dma source(%dma_start3A_91 : memref<1024xf32, #tpu.memory_space<hbm>>) target(%arg8 : memref<1024xf32, #tpu.memory_space<vmem>>) target_semaphore(%run_scoped3A : memref<!tpu.dma_semaphore, #tpu.memory_space<semaphore_mem>>)
      %dma_wait3A = arith.constant 0 : i32
      %dma_wait3A_92 = tpu.memref_slice %arg2[%add3A_47, %dma_wait3A] : memref<192x1024xf32, #tpu.memory_space<hbm>> -> memref<1x1024xf32, #tpu.memory_space<hbm>>
      %dma_wait3A_93 = tpu.memref_squeeze %dma_wait3A_92 : memref<1x1024xf32, #tpu.memory_space<hbm>> -> memref<1024xf32, #tpu.memory_space<hbm>>
      %dma_wait3A_94 = arith.constant 0 : i32
      %dma_wait3A_95 = tpu.memref_slice %arg2[%add3A_47, %dma_wait3A_94] : memref<192x1024xf32, #tpu.memory_space<hbm>> -> memref<1x1024xf32, #tpu.memory_space<hbm>>
      %dma_wait3A_96 = tpu.memref_squeeze %dma_wait3A_95 : memref<1x1024xf32, #tpu.memory_space<hbm>> -> memref<1024xf32, #tpu.memory_space<hbm>>
      tpu.wait_dma2 semaphore(%run_scoped3A : memref<!tpu.dma_semaphore, #tpu.memory_space<semaphore_mem>>) src(%dma_wait3A_96 : memref<1024xf32, #tpu.memory_space<hbm>>) dst(%arg8 : memref<1024xf32, #tpu.memory_space<vmem>>)
      tpu.yield
    }) : () -> ()
    %mul3A_48 = arith.constant 3 : i32
    %mul3A_49 = arith.muli %add3A_18, %mul3A_48 : i32
    %add3A_50 = arith.constant 0 : i32
    %add3A_51 = arith.addi %mul3A_49, %add3A_50 : i32
    "tpu.region"() ({
      %run_scoped3A = tpu.sem_alloc : memref<!tpu.dma_semaphore, #tpu.memory_space<semaphore_mem>>
      %dma_start3A = arith.constant 0 : i32
      %dma_start3A_87 = tpu.memref_slice %arg3[%add3A_51, %dma_start3A] : memref<192x1024xf32, #tpu.memory_space<hbm>> -> memref<1x1024xf32, #tpu.memory_space<hbm>>
      %dma_start3A_88 = tpu.memref_squeeze %dma_start3A_87 : memref<1x1024xf32, #tpu.memory_space<hbm>> -> memref<1024xf32, #tpu.memory_space<hbm>>
      %dma_start3A_89 = arith.constant 0 : i32
      %dma_start3A_90 = tpu.memref_slice %arg3[%add3A_51, %dma_start3A_89] : memref<192x1024xf32, #tpu.memory_space<hbm>> -> memref<1x1024xf32, #tpu.memory_space<hbm>>
      %dma_start3A_91 = tpu.memref_squeeze %dma_start3A_90 : memref<1x1024xf32, #tpu.memory_space<hbm>> -> memref<1024xf32, #tpu.memory_space<hbm>>
      tpu.enqueue_dma source(%dma_start3A_91 : memref<1024xf32, #tpu.memory_space<hbm>>) target(%arg10 : memref<1024xf32, #tpu.memory_space<vmem>>) target_semaphore(%run_scoped3A : memref<!tpu.dma_semaphore, #tpu.memory_space<semaphore_mem>>)
      %dma_wait3A = arith.constant 0 : i32
      %dma_wait3A_92 = tpu.memref_slice %arg3[%add3A_51, %dma_wait3A] : memref<192x1024xf32, #tpu.memory_space<hbm>> -> memref<1x1024xf32, #tpu.memory_space<hbm>>
      %dma_wait3A_93 = tpu.memref_squeeze %dma_wait3A_92 : memref<1x1024xf32, #tpu.memory_space<hbm>> -> memref<1024xf32, #tpu.memory_space<hbm>>
      %dma_wait3A_94 = arith.constant 0 : i32
      %dma_wait3A_95 = tpu.memref_slice %arg3[%add3A_51, %dma_wait3A_94] : memref<192x1024xf32, #tpu.memory_space<hbm>> -> memref<1x1024xf32, #tpu.memory_space<hbm>>
      %dma_wait3A_96 = tpu.memref_squeeze %dma_wait3A_95 : memref<1x1024xf32, #tpu.memory_space<hbm>> -> memref<1024xf32, #tpu.memory_space<hbm>>
      tpu.wait_dma2 semaphore(%run_scoped3A : memref<!tpu.dma_semaphore, #tpu.memory_space<semaphore_mem>>) src(%dma_wait3A_96 : memref<1024xf32, #tpu.memory_space<hbm>>) dst(%arg10 : memref<1024xf32, #tpu.memory_space<vmem>>)
      tpu.yield
    }) : () -> ()
    %mul3A_52 = arith.constant 3 : i32
    %mul3A_53 = arith.muli %add3A_18, %mul3A_52 : i32
    %add3A_54 = arith.constant 1 : i32
    %add3A_55 = arith.addi %mul3A_53, %add3A_54 : i32
    "tpu.region"() ({
      %run_scoped3A = tpu.sem_alloc : memref<!tpu.dma_semaphore, #tpu.memory_space<semaphore_mem>>
      %dma_start3A = arith.constant 0 : i32
      %dma_start3A_87 = tpu.memref_slice %arg3[%add3A_55, %dma_start3A] : memref<192x1024xf32, #tpu.memory_space<hbm>> -> memref<1x1024xf32, #tpu.memory_space<hbm>>
      %dma_start3A_88 = tpu.memref_squeeze %dma_start3A_87 : memref<1x1024xf32, #tpu.memory_space<hbm>> -> memref<1024xf32, #tpu.memory_space<hbm>>
      %dma_start3A_89 = arith.constant 0 : i32
      %dma_start3A_90 = tpu.memref_slice %arg3[%add3A_55, %dma_start3A_89] : memref<192x1024xf32, #tpu.memory_space<hbm>> -> memref<1x1024xf32, #tpu.memory_space<hbm>>
      %dma_start3A_91 = tpu.memref_squeeze %dma_start3A_90 : memref<1x1024xf32, #tpu.memory_space<hbm>> -> memref<1024xf32, #tpu.memory_space<hbm>>
      tpu.enqueue_dma source(%dma_start3A_91 : memref<1024xf32, #tpu.memory_space<hbm>>) target(%arg11 : memref<1024xf32, #tpu.memory_space<vmem>>) target_semaphore(%run_scoped3A : memref<!tpu.dma_semaphore, #tpu.memory_space<semaphore_mem>>)
      %dma_wait3A = arith.constant 0 : i32
      %dma_wait3A_92 = tpu.memref_slice %arg3[%add3A_55, %dma_wait3A] : memref<192x1024xf32, #tpu.memory_space<hbm>> -> memref<1x1024xf32, #tpu.memory_space<hbm>>
      %dma_wait3A_93 = tpu.memref_squeeze %dma_wait3A_92 : memref<1x1024xf32, #tpu.memory_space<hbm>> -> memref<1024xf32, #tpu.memory_space<hbm>>
      %dma_wait3A_94 = arith.constant 0 : i32
      %dma_wait3A_95 = tpu.memref_slice %arg3[%add3A_55, %dma_wait3A_94] : memref<192x1024xf32, #tpu.memory_space<hbm>> -> memref<1x1024xf32, #tpu.memory_space<hbm>>
      %dma_wait3A_96 = tpu.memref_squeeze %dma_wait3A_95 : memref<1x1024xf32, #tpu.memory_space<hbm>> -> memref<1024xf32, #tpu.memory_space<hbm>>
      tpu.wait_dma2 semaphore(%run_scoped3A : memref<!tpu.dma_semaphore, #tpu.memory_space<semaphore_mem>>) src(%dma_wait3A_96 : memref<1024xf32, #tpu.memory_space<hbm>>) dst(%arg11 : memref<1024xf32, #tpu.memory_space<vmem>>)
      tpu.yield
    }) : () -> ()
    %mul3A_56 = arith.constant 3 : i32
    %mul3A_57 = arith.muli %add3A_18, %mul3A_56 : i32
    %add3A_58 = arith.constant 2 : i32
    %add3A_59 = arith.addi %mul3A_57, %add3A_58 : i32
    "tpu.region"() ({
      %run_scoped3A = tpu.sem_alloc : memref<!tpu.dma_semaphore, #tpu.memory_space<semaphore_mem>>
      %dma_start3A = arith.constant 0 : i32
      %dma_start3A_87 = tpu.memref_slice %arg3[%add3A_59, %dma_start3A] : memref<192x1024xf32, #tpu.memory_space<hbm>> -> memref<1x1024xf32, #tpu.memory_space<hbm>>
      %dma_start3A_88 = tpu.memref_squeeze %dma_start3A_87 : memref<1x1024xf32, #tpu.memory_space<hbm>> -> memref<1024xf32, #tpu.memory_space<hbm>>
      %dma_start3A_89 = arith.constant 0 : i32
      %dma_start3A_90 = tpu.memref_slice %arg3[%add3A_59, %dma_start3A_89] : memref<192x1024xf32, #tpu.memory_space<hbm>> -> memref<1x1024xf32, #tpu.memory_space<hbm>>
      %dma_start3A_91 = tpu.memref_squeeze %dma_start3A_90 : memref<1x1024xf32, #tpu.memory_space<hbm>> -> memref<1024xf32, #tpu.memory_space<hbm>>
      tpu.enqueue_dma source(%dma_start3A_91 : memref<1024xf32, #tpu.memory_space<hbm>>) target(%arg12 : memref<1024xf32, #tpu.memory_space<vmem>>) target_semaphore(%run_scoped3A : memref<!tpu.dma_semaphore, #tpu.memory_space<semaphore_mem>>)
      %dma_wait3A = arith.constant 0 : i32
      %dma_wait3A_92 = tpu.memref_slice %arg3[%add3A_59, %dma_wait3A] : memref<192x1024xf32, #tpu.memory_space<hbm>> -> memref<1x1024xf32, #tpu.memory_space<hbm>>
      %dma_wait3A_93 = tpu.memref_squeeze %dma_wait3A_92 : memref<1x1024xf32, #tpu.memory_space<hbm>> -> memref<1024xf32, #tpu.memory_space<hbm>>
      %dma_wait3A_94 = arith.constant 0 : i32
      %dma_wait3A_95 = tpu.memref_slice %arg3[%add3A_59, %dma_wait3A_94] : memref<192x1024xf32, #tpu.memory_space<hbm>> -> memref<1x1024xf32, #tpu.memory_space<hbm>>
      %dma_wait3A_96 = tpu.memref_squeeze %dma_wait3A_95 : memref<1x1024xf32, #tpu.memory_space<hbm>> -> memref<1024xf32, #tpu.memory_space<hbm>>
      tpu.wait_dma2 semaphore(%run_scoped3A : memref<!tpu.dma_semaphore, #tpu.memory_space<semaphore_mem>>) src(%dma_wait3A_96 : memref<1024xf32, #tpu.memory_space<hbm>>) dst(%arg12 : memref<1024xf32, #tpu.memory_space<vmem>>)
      tpu.yield
    }) : () -> ()
    %scan3A = arith.constant 0 : i32
    %scan3A_60 = arith.constant 0 : i32
    %scan3A_61 = arith.constant 64 : i32
    %scan3A_62 = arith.addi %scan3A_60, %scan3A_61 : i32
    %scan3A_63 = arith.constant 1 : i32
    %scan3A_64 = scf.for %scan3A_87 = %scan3A_60 to %scan3A_62 step %scan3A_63 iter_args(%scan3A_88 = %scan3A) -> (i32)  : i32 {
      %mul3A_89 = arith.constant 16 : i32
      %mul3A_90 = arith.muli %scan3A_87, %mul3A_89 : i32
      %get3A = arith.index_cast %mul3A_90 : i32 to index
      %get3A_91 = tpu.vector_load %arg10[%get3A] {strides = array<i32>} : memref<1024xf32, #tpu.memory_space<vmem>>, vector<16xf32>,
      %get3A_92 = vector.shape_cast %get3A_91 : vector<16xf32> to vector<16xf32>
      %get3A_93 = arith.index_cast %mul3A_90 : i32 to index
      %get3A_94 = tpu.vector_load %arg11[%get3A_93] {strides = array<i32>} : memref<1024xf32, #tpu.memory_space<vmem>>, vector<16xf32>,
      %get3A_95 = vector.shape_cast %get3A_94 : vector<16xf32> to vector<16xf32>
      %get3A_96 = arith.index_cast %mul3A_90 : i32 to index
      %get3A_97 = tpu.vector_load %arg12[%get3A_96] {strides = array<i32>} : memref<1024xf32, #tpu.memory_space<vmem>>, vector<16xf32>,
      %get3A_98 = vector.shape_cast %get3A_97 : vector<16xf32> to vector<16xf32>
      %mul3A_99 = arith.mulf %get3A_92, %get3A_92 : vector<16xf32>
      %mul3A_100 = arith.mulf %get3A_95, %get3A_95 : vector<16xf32>
      %add3A_101 = arith.addf %mul3A_99, %mul3A_100 : vector<16xf32>
      %mul3A_102 = arith.mulf %get3A_98, %get3A_98 : vector<16xf32>
      %add3A_103 = arith.addf %add3A_101, %mul3A_102 : vector<16xf32>
      %swap3A_104 = arith.index_cast %mul3A_90 : i32 to index
      %swap3A_105 = tpu.vector_load %arg13[%swap3A_104] {strides = array<i32>} : memref<1024xf32, #tpu.memory_space<vmem>>, vector<16xf32>,
      %swap3A_106 = vector.shape_cast %swap3A_105 : vector<16xf32> to vector<16xf32>
      %swap3A_107 = vector.shape_cast %add3A_103 : vector<16xf32> to vector<16xf32>
      tpu.vector_store %arg13[%swap3A_104], %swap3A_107 {strides = array<i32>} : memref<1024xf32, #tpu.memory_space<vmem>>, vector<16xf32>,
      %mul3A_108 = arith.constant -2.000000e+00 : f32
      %mul3A_109 = vector.broadcast %mul3A_108 : f32 to vector<16xf32>
      %mul3A_110 = arith.mulf %get3A_92, %mul3A_109 : vector<16xf32>
      %swap3A_111 = arith.index_cast %mul3A_90 : i32 to index
      %swap3A_112 = tpu.vector_load %arg10[%swap3A_111] {strides = array<i32>} : memref<1024xf32, #tpu.memory_space<vmem>>, vector<16xf32>,
      %swap3A_113 = vector.shape_cast %swap3A_112 : vector<16xf32> to vector<16xf32>
      %swap3A_114 = vector.shape_cast %mul3A_110 : vector<16xf32> to vector<16xf32>
      tpu.vector_store %arg10[%swap3A_111], %swap3A_114 {strides = array<i32>} : memref<1024xf32, #tpu.memory_space<vmem>>, vector<16xf32>,
      %mul3A_115 = arith.constant -2.000000e+00 : f32
      %mul3A_116 = vector.broadcast %mul3A_115 : f32 to vector<16xf32>
      %mul3A_117 = arith.mulf %get3A_95, %mul3A_116 : vector<16xf32>
      %swap3A_118 = arith.index_cast %mul3A_90 : i32 to index
      %swap3A_119 = tpu.vector_load %arg11[%swap3A_118] {strides = array<i32>} : memref<1024xf32, #tpu.memory_space<vmem>>, vector<16xf32>,
      %swap3A_120 = vector.shape_cast %swap3A_119 : vector<16xf32> to vector<16xf32>
      %swap3A_121 = vector.shape_cast %mul3A_117 : vector<16xf32> to vector<16xf32>
      tpu.vector_store %arg11[%swap3A_118], %swap3A_121 {strides = array<i32>} : memref<1024xf32, #tpu.memory_space<vmem>>, vector<16xf32>,
      %mul3A_122 = arith.constant -2.000000e+00 : f32
      %mul3A_123 = vector.broadcast %mul3A_122 : f32 to vector<16xf32>
      %mul3A_124 = arith.mulf %get3A_98, %mul3A_123 : vector<16xf32>
      %swap3A_125 = arith.index_cast %mul3A_90 : i32 to index
      %swap3A_126 = tpu.vector_load %arg12[%swap3A_125] {strides = array<i32>} : memref<1024xf32, #tpu.memory_space<vmem>>, vector<16xf32>,
      %swap3A_127 = vector.shape_cast %swap3A_126 : vector<16xf32> to vector<16xf32>
      %swap3A_128 = vector.shape_cast %mul3A_124 : vector<16xf32> to vector<16xf32>
      tpu.vector_store %arg12[%swap3A_125], %swap3A_128 {strides = array<i32>} : memref<1024xf32, #tpu.memory_space<vmem>>, vector<16xf32>,
      %swap3A_129 = arith.index_cast %mul3A_90 : i32 to index
      %swap3A_130 = tpu.vector_load %arg14[%swap3A_129] {strides = array<i32>} : memref<1024xf32, #tpu.memory_space<vmem>>, vector<16xf32>,
      %swap3A_131 = vector.shape_cast %swap3A_130 : vector<16xf32> to vector<16xf32>
      %swap3A_132 = vector.shape_cast %broadcast_in_dim3A_35 : vector<16xf32> to vector<16xf32>
      tpu.vector_store %arg14[%swap3A_129], %swap3A_132 {strides = array<i32>} : memref<1024xf32, #tpu.memory_space<vmem>>, vector<16xf32>,
      %scan3A_133 = arith.constant 0 : i32
      scf.yield %scan3A_133 : i32
    }
    %scan3A_65 = arith.constant 64 : i32
    %scan3A_66 = arith.constant 0 : i32
    %scan3A_67 = arith.constant 0 : i32
    %scan3A_68 = arith.constant 16 : i32
    %scan3A_69 = arith.addi %scan3A_67, %scan3A_68 : i32
    %scan3A_70 = arith.constant 1 : i32
    %scan3A_71 = scf.for %scan3A_87 = %scan3A_67 to %scan3A_69 step %scan3A_70 iter_args(%scan3A_88 = %scan3A_66) -> (i32)  : i32 {
      %mul3A_89 = arith.constant 16 : i32
      %mul3A_90 = arith.muli %scan3A_87, %mul3A_89 : i32
      %add3A_91 = arith.addi %mul3A_34, %mul3A_90 : i32
      %get3A = arith.index_cast %add3A_91 : i32 to index
      %get3A_92 = tpu.vector_load %arg6[%get3A] {strides = array<i32>} : memref<1024xf32, #tpu.memory_space<vmem>>, vector<16xf32>,
      %get3A_93 = vector.shape_cast %get3A_92 : vector<16xf32> to vector<16xf32>
      %get3A_94 = arith.index_cast %add3A_91 : i32 to index
      %get3A_95 = tpu.vector_load %arg7[%get3A_94] {strides = array<i32>} : memref<1024xf32, #tpu.memory_space<vmem>>, vector<16xf32>,
      %get3A_96 = vector.shape_cast %get3A_95 : vector<16xf32> to vector<16xf32>
      %get3A_97 = arith.index_cast %add3A_91 : i32 to index
      %get3A_98 = tpu.vector_load %arg8[%get3A_97] {strides = array<i32>} : memref<1024xf32, #tpu.memory_space<vmem>>, vector<16xf32>,
      %get3A_99 = vector.shape_cast %get3A_98 : vector<16xf32> to vector<16xf32>
      %mul3A_100 = arith.mulf %get3A_93, %get3A_93 : vector<16xf32>
      %mul3A_101 = arith.mulf %get3A_96, %get3A_96 : vector<16xf32>
      %add3A_102 = arith.addf %mul3A_100, %mul3A_101 : vector<16xf32>
      %mul3A_103 = arith.mulf %get3A_99, %get3A_99 : vector<16xf32>
      %add3A_104 = arith.addf %add3A_102, %mul3A_103 : vector<16xf32>
      %swap3A_105 = arith.index_cast %add3A_91 : i32 to index
      %swap3A_106 = tpu.vector_load %arg9[%swap3A_105] {strides = array<i32>} : memref<1024xf32, #tpu.memory_space<vmem>>, vector<16xf32>,
      %swap3A_107 = vector.shape_cast %swap3A_106 : vector<16xf32> to vector<16xf32>
      %swap3A_108 = vector.shape_cast %add3A_104 : vector<16xf32> to vector<16xf32>
      tpu.vector_store %arg9[%swap3A_105], %swap3A_108 {strides = array<i32>} : memref<1024xf32, #tpu.memory_space<vmem>>, vector<16xf32>,
      %scan3A_109 = arith.constant 0 : i32
      scf.yield %scan3A_109 : i32
    }
    %scan3A_72 = arith.constant 16 : i32
    %broadcast_in_dim3A_73 = arith.constant 0.000000e+00 : f32
    %broadcast_in_dim3A_74 = vector.broadcast %broadcast_in_dim3A_73 : f32 to vector<16xf32>
    %scan3A_75 = arith.constant 0 : i32
    %scan3A_76 = arith.constant 16 : i32
    %scan3A_77 = arith.addi %scan3A_75, %scan3A_76 : i32
    %scan3A_78 = arith.constant 1 : i32
    %scan3A_79 = scf.for %scan3A_87 = %scan3A_75 to %scan3A_77 step %scan3A_78 iter_args(%scan3A_88 = %broadcast_in_dim3A_74) -> (vector<16xf32>)  : i32 {
      %mul3A_89 = arith.constant 16 : i32
      %mul3A_90 = arith.muli %scan3A_87, %mul3A_89 : i32
      %add3A_91 = arith.addi %mul3A_34, %mul3A_90 : i32
      %get3A = arith.index_cast %add3A_91 : i32 to index
      %get3A_92 = tpu.vector_load %arg6[%get3A] {strides = array<i32>} : memref<1024xf32, #tpu.memory_space<vmem>>, vector<16xf32>,
      %get3A_93 = vector.shape_cast %get3A_92 : vector<16xf32> to vector<16xf32>
      %get3A_94 = arith.index_cast %add3A_91 : i32 to index
      %get3A_95 = tpu.vector_load %arg7[%get3A_94] {strides = array<i32>} : memref<1024xf32, #tpu.memory_space<vmem>>, vector<16xf32>,
      %get3A_96 = vector.shape_cast %get3A_95 : vector<16xf32> to vector<16xf32>
      %get3A_97 = arith.index_cast %add3A_91 : i32 to index
      %get3A_98 = tpu.vector_load %arg8[%get3A_97] {strides = array<i32>} : memref<1024xf32, #tpu.memory_space<vmem>>, vector<16xf32>,
      %get3A_99 = vector.shape_cast %get3A_98 : vector<16xf32> to vector<16xf32>
      %get3A_100 = arith.index_cast %add3A_91 : i32 to index
      %get3A_101 = tpu.vector_load %arg9[%get3A_100] {strides = array<i32>} : memref<1024xf32, #tpu.memory_space<vmem>>, vector<16xf32>,
      %get3A_102 = vector.shape_cast %get3A_101 : vector<16xf32> to vector<16xf32>
      %slice3A = vector.extract_strided_slice %get3A_93 {offsets = [0], sizes = [1], strides = [1]} : vector<16xf32> to vector<1xf32>
      %squeeze3A = vector.extract %slice3A[0] : f32 from vector<1xf32>
      %broadcast_in_dim3A_103 = vector.broadcast %squeeze3A : f32 to vector<16xf32>
      %slice3A_104 = vector.extract_strided_slice %get3A_96 {offsets = [0], sizes = [1], strides = [1]} : vector<16xf32> to vector<1xf32>
      %squeeze3A_105 = vector.extract %slice3A_104[0] : f32 from vector<1xf32>
      %broadcast_in_dim3A_106 = vector.broadcast %squeeze3A_105 : f32 to vector<16xf32>
      %slice3A_107 = vector.extract_strided_slice %get3A_99 {offsets = [0], sizes = [1], strides = [1]} : vector<16xf32> to vector<1xf32>
      %squeeze3A_108 = vector.extract %slice3A_107[0] : f32 from vector<1xf32>
      %broadcast_in_dim3A_109 = vector.broadcast %squeeze3A_108 : f32 to vector<16xf32>
      %slice3A_110 = vector.extract_strided_slice %get3A_102 {offsets = [0], sizes = [1], strides = [1]} : vector<16xf32> to vector<1xf32>
      %squeeze3A_111 = vector.extract %slice3A_110[0] : f32 from vector<1xf32>
      %broadcast_in_dim3A_112 = vector.broadcast %squeeze3A_111 : f32 to vector<16xf32>
      %slice3A_113 = vector.extract_strided_slice %get3A_93 {offsets = [1], sizes = [1], strides = [1]} : vector<16xf32> to vector<1xf32>
      %squeeze3A_114 = vector.extract %slice3A_113[0] : f32 from vector<1xf32>
      %broadcast_in_dim3A_115 = vector.broadcast %squeeze3A_114 : f32 to vector<16xf32>
      %slice3A_116 = vector.extract_strided_slice %get3A_96 {offsets = [1], sizes = [1], strides = [1]} : vector<16xf32> to vector<1xf32>
      %squeeze3A_117 = vector.extract %slice3A_116[0] : f32 from vector<1xf32>
      %broadcast_in_dim3A_118 = vector.broadcast %squeeze3A_117 : f32 to vector<16xf32>
      %slice3A_119 = vector.extract_strided_slice %get3A_99 {offsets = [1], sizes = [1], strides = [1]} : vector<16xf32> to vector<1xf32>
      %squeeze3A_120 = vector.extract %slice3A_119[0] : f32 from vector<1xf32>
      %broadcast_in_dim3A_121 = vector.broadcast %squeeze3A_120 : f32 to vector<16xf32>
      %slice3A_122 = vector.extract_strided_slice %get3A_102 {offsets = [1], sizes = [1], strides = [1]} : vector<16xf32> to vector<1xf32>
      %squeeze3A_123 = vector.extract %slice3A_122[0] : f32 from vector<1xf32>
      %broadcast_in_dim3A_124 = vector.broadcast %squeeze3A_123 : f32 to vector<16xf32>
      %slice3A_125 = vector.extract_strided_slice %get3A_93 {offsets = [2], sizes = [1], strides = [1]} : vector<16xf32> to vector<1xf32>
      %squeeze3A_126 = vector.extract %slice3A_125[0] : f32 from vector<1xf32>
      %broadcast_in_dim3A_127 = vector.broadcast %squeeze3A_126 : f32 to vector<16xf32>
      %slice3A_128 = vector.extract_strided_slice %get3A_96 {offsets = [2], sizes = [1], strides = [1]} : vector<16xf32> to vector<1xf32>
      %squeeze3A_129 = vector.extract %slice3A_128[0] : f32 from vector<1xf32>
      %broadcast_in_dim3A_130 = vector.broadcast %squeeze3A_129 : f32 to vector<16xf32>
      %slice3A_131 = vector.extract_strided_slice %get3A_99 {offsets = [2], sizes = [1], strides = [1]} : vector<16xf32> to vector<1xf32>
      %squeeze3A_132 = vector.extract %slice3A_131[0] : f32 from vector<1xf32>
      %broadcast_in_dim3A_133 = vector.broadcast %squeeze3A_132 : f32 to vector<16xf32>
      %slice3A_134 = vector.extract_strided_slice %get3A_102 {offsets = [2], sizes = [1], strides = [1]} : vector<16xf32> to vector<1xf32>
      %squeeze3A_135 = vector.extract %slice3A_134[0] : f32 from vector<1xf32>
      %broadcast_in_dim3A_136 = vector.broadcast %squeeze3A_135 : f32 to vector<16xf32>
      %slice3A_137 = vector.extract_strided_slice %get3A_93 {offsets = [3], sizes = [1], strides = [1]} : vector<16xf32> to vector<1xf32>
      %squeeze3A_138 = vector.extract %slice3A_137[0] : f32 from vector<1xf32>
      %broadcast_in_dim3A_139 = vector.broadcast %squeeze3A_138 : f32 to vector<16xf32>
      %slice3A_140 = vector.extract_strided_slice %get3A_96 {offsets = [3], sizes = [1], strides = [1]} : vector<16xf32> to vector<1xf32>
      %squeeze3A_141 = vector.extract %slice3A_140[0] : f32 from vector<1xf32>
      %broadcast_in_dim3A_142 = vector.broadcast %squeeze3A_141 : f32 to vector<16xf32>
      %slice3A_143 = vector.extract_strided_slice %get3A_99 {offsets = [3], sizes = [1], strides = [1]} : vector<16xf32> to vector<1xf32>
      %squeeze3A_144 = vector.extract %slice3A_143[0] : f32 from vector<1xf32>
      %broadcast_in_dim3A_145 = vector.broadcast %squeeze3A_144 : f32 to vector<16xf32>
      %slice3A_146 = vector.extract_strided_slice %get3A_102 {offsets = [3], sizes = [1], strides = [1]} : vector<16xf32> to vector<1xf32>
      %squeeze3A_147 = vector.extract %slice3A_146[0] : f32 from vector<1xf32>
      %broadcast_in_dim3A_148 = vector.broadcast %squeeze3A_147 : f32 to vector<16xf32>
      %scan3A_149 = arith.constant 0 : i32
      %scan3A_150 = arith.constant 64 : i32
      %scan3A_151 = arith.addi %scan3A_149, %scan3A_150 : i32
      %scan3A_152 = arith.constant 1 : i32
      %scan3A_153:4 = scf.for %scan3A_1226 = %scan3A_149 to %scan3A_151 step %scan3A_152 iter_args(%scan3A_1227 = %broadcast_in_dim3A_35, %scan3A_1228 = %broadcast_in_dim3A_35, %scan3A_1229 = %broadcast_in_dim3A_35, %scan3A_1230 = %broadcast_in_dim3A_35) -> (vector<16xf32>, vector<16xf32>, vector<16xf32>, vector<16xf32>)  : i32 {
        %mul3A_1231 = arith.constant 16 : i32
        %mul3A_1232 = arith.muli %scan3A_1226, %mul3A_1231 : i32
        %get3A_1233 = arith.index_cast %mul3A_1232 : i32 to index
        %get3A_1234 = tpu.vector_load %arg10[%get3A_1233] {strides = array<i32>} : memref<1024xf32, #tpu.memory_space<vmem>>, vector<16xf32>,
        %get3A_1235 = vector.shape_cast %get3A_1234 : vector<16xf32> to vector<16xf32>
        %get3A_1236 = arith.index_cast %mul3A_1232 : i32 to index
        %get3A_1237 = tpu.vector_load %arg11[%get3A_1236] {strides = array<i32>} : memref<1024xf32, #tpu.memory_space<vmem>>, vector<16xf32>,
        %get3A_1238 = vector.shape_cast %get3A_1237 : vector<16xf32> to vector<16xf32>
        %get3A_1239 = arith.index_cast %mul3A_1232 : i32 to index
        %get3A_1240 = tpu.vector_load %arg12[%get3A_1239] {strides = array<i32>} : memref<1024xf32, #tpu.memory_space<vmem>>, vector<16xf32>,
        %get3A_1241 = vector.shape_cast %get3A_1240 : vector<16xf32> to vector<16xf32>
        %get3A_1242 = arith.index_cast %mul3A_1232 : i32 to index
        %get3A_1243 = tpu.vector_load %arg13[%get3A_1242] {strides = array<i32>} : memref<1024xf32, #tpu.memory_space<vmem>>, vector<16xf32>,
        %get3A_1244 = vector.shape_cast %get3A_1243 : vector<16xf32> to vector<16xf32>
        %get3A_1245 = arith.index_cast %mul3A_1232 : i32 to index
        %get3A_1246 = tpu.vector_load %arg14[%get3A_1245] {strides = array<i32>} : memref<1024xf32, #tpu.memory_space<vmem>>, vector<16xf32>,
        %get3A_1247 = vector.shape_cast %get3A_1246 : vector<16xf32> to vector<16xf32>
        %add3A_1248 = arith.addf %get3A_1244, %broadcast_in_dim3A_112 : vector<16xf32>
        %mul3A_1249 = arith.mulf %broadcast_in_dim3A_103, %get3A_1235 : vector<16xf32>
        %add3A_1250 = arith.addf %add3A_1248, %mul3A_1249 : vector<16xf32>
        %mul3A_1251 = arith.mulf %broadcast_in_dim3A_106, %get3A_1238 : vector<16xf32>
        %add3A_1252 = arith.addf %add3A_1250, %mul3A_1251 : vector<16xf32>
        %mul3A_1253 = arith.mulf %broadcast_in_dim3A_109, %get3A_1241 : vector<16xf32>
        %add3A_1254 = arith.addf %add3A_1252, %mul3A_1253 : vector<16xf32>
        %min3A_1255 = arith.minimumf %scan3A_1227, %add3A_1254 : vector<16xf32>
        %min3A_1256 = arith.minimumf %get3A_1247, %add3A_1254 : vector<16xf32>
        %add3A_1257 = arith.addf %get3A_1244, %broadcast_in_dim3A_124 : vector<16xf32>
        %mul3A_1258 = arith.mulf %broadcast_in_dim3A_115, %get3A_1235 : vector<16xf32>
        %add3A_1259 = arith.addf %add3A_1257, %mul3A_1258 : vector<16xf32>
        %mul3A_1260 = arith.mulf %broadcast_in_dim3A_118, %get3A_1238 : vector<16xf32>
        %add3A_1261 = arith.addf %add3A_1259, %mul3A_1260 : vector<16xf32>
        %mul3A_1262 = arith.mulf %broadcast_in_dim3A_121, %get3A_1241 : vector<16xf32>
        %add3A_1263 = arith.addf %add3A_1261, %mul3A_1262 : vector<16xf32>
        %min3A_1264 = arith.minimumf %scan3A_1228, %add3A_1263 : vector<16xf32>
        %min3A_1265 = arith.minimumf %min3A_1256, %add3A_1263 : vector<16xf32>
        %add3A_1266 = arith.addf %get3A_1244, %broadcast_in_dim3A_136 : vector<16xf32>
        %mul3A_1267 = arith.mulf %broadcast_in_dim3A_127, %get3A_1235 : vector<16xf32>
        %add3A_1268 = arith.addf %add3A_1266, %mul3A_1267 : vector<16xf32>
        %mul3A_1269 = arith.mulf %broadcast_in_dim3A_130, %get3A_1238 : vector<16xf32>
        %add3A_1270 = arith.addf %add3A_1268, %mul3A_1269 : vector<16xf32>
        %mul3A_1271 = arith.mulf %broadcast_in_dim3A_133, %get3A_1241 : vector<16xf32>
        %add3A_1272 = arith.addf %add3A_1270, %mul3A_1271 : vector<16xf32>
        %min3A_1273 = arith.minimumf %scan3A_1229, %add3A_1272 : vector<16xf32>
        %min3A_1274 = arith.minimumf %min3A_1265, %add3A_1272 : vector<16xf32>
        %add3A_1275 = arith.addf %get3A_1244, %broadcast_in_dim3A_148 : vector<16xf32>
        %mul3A_1276 = arith.mulf %broadcast_in_dim3A_139, %get3A_1235 : vector<16xf32>
        %add3A_1277 = arith.addf %add3A_1275, %mul3A_1276 : vector<16xf32>
        %mul3A_1278 = arith.mulf %broadcast_in_dim3A_142, %get3A_1238 : vector<16xf32>
        %add3A_1279 = arith.addf %add3A_1277, %mul3A_1278 : vector<16xf32>
        %mul3A_1280 = arith.mulf %broadcast_in_dim3A_145, %get3A_1241 : vector<16xf32>
        %add3A_1281 = arith.addf %add3A_1279, %mul3A_1280 : vector<16xf32>
        %min3A_1282 = arith.minimumf %scan3A_1230, %add3A_1281 : vector<16xf32>
        %min3A_1283 = arith.minimumf %min3A_1274, %add3A_1281 : vector<16xf32>
        %swap3A_1284 = arith.index_cast %mul3A_1232 : i32 to index
        %swap3A_1285 = tpu.vector_load %arg14[%swap3A_1284] {strides = array<i32>} : memref<1024xf32, #tpu.memory_space<vmem>>, vector<16xf32>,
        %swap3A_1286 = vector.shape_cast %swap3A_1285 : vector<16xf32> to vector<16xf32>
        %swap3A_1287 = vector.shape_cast %min3A_1283 : vector<16xf32> to vector<16xf32>
        tpu.vector_store %arg14[%swap3A_1284], %swap3A_1287 {strides = array<i32>} : memref<1024xf32, #tpu.memory_space<vmem>>, vector<16xf32>,
        scf.yield %min3A_1255, %min3A_1264, %min3A_1273, %min3A_1282 : vector<16xf32>, vector<16xf32>, vector<16xf32>, vector<16xf32>
      }
      %scan3A_154 = arith.constant 64 : i32
      %xor3A = arith.constant 8 : i32
      %xor3A_155 = vector.broadcast %xor3A : i32 to vector<16xi32>
      %xor3A_156 = arith.xori %iota3A, %xor3A_155 : vector<16xi32>
      %lt3A_157 = arith.constant 0 : i32
      %lt3A_158 = vector.broadcast %lt3A_157 : i32 to vector<16xi32>
      %lt3A_159 = arith.cmpi slt, %xor3A_156, %lt3A_158 : vector<16xi32>
      %add3A_160 = arith.constant 16 : i32
      %add3A_161 = vector.broadcast %add3A_160 : i32 to vector<16xi32>
      %add3A_162 = arith.addi %xor3A_156, %add3A_161 : vector<16xi32>
      %select_n3A_163 = arith.select %lt3A_159, %add3A_162, %xor3A_156 : vector<16xi1>, vector<16xi32>
      %broadcast_in_dim3A_164 = vector.shape_cast %select_n3A_163 : vector<16xi32> to vector<16x1xi32>
      %gather3A = vector.shape_cast %broadcast_in_dim3A_164 : vector<16x1xi32> to vector<16xi32>
      %gather3A_165 = tpu.dynamic_gather %scan3A_153#0[%gather3A] in [0] : vector<16xf32>, vector<16xi32> -> vector<16xf32>
      %min3A = arith.minimumf %scan3A_153#0, %gather3A_165 : vector<16xf32>
      %xor3A_166 = arith.constant 4 : i32
      %xor3A_167 = vector.broadcast %xor3A_166 : i32 to vector<16xi32>
      %xor3A_168 = arith.xori %iota3A, %xor3A_167 : vector<16xi32>
      %lt3A_169 = arith.constant 0 : i32
      %lt3A_170 = vector.broadcast %lt3A_169 : i32 to vector<16xi32>
      %lt3A_171 = arith.cmpi slt, %xor3A_168, %lt3A_170 : vector<16xi32>
      %add3A_172 = arith.constant 16 : i32
      %add3A_173 = vector.broadcast %add3A_172 : i32 to vector<16xi32>
      %add3A_174 = arith.addi %xor3A_168, %add3A_173 : vector<16xi32>
      %select_n3A_175 = arith.select %lt3A_171, %add3A_174, %xor3A_168 : vector<16xi1>, vector<16xi32>
      %broadcast_in_dim3A_176 = vector.shape_cast %select_n3A_175 : vector<16xi32> to vector<16x1xi32>
      %gather3A_177 = vector.shape_cast %broadcast_in_dim3A_176 : vector<16x1xi32> to vector<16xi32>
      %gather3A_178 = tpu.dynamic_gather %min3A[%gather3A_177] in [0] : vector<16xf32>, vector<16xi32> -> vector<16xf32>
      %min3A_179 = arith.minimumf %min3A, %gather3A_178 : vector<16xf32>
      %xor3A_180 = arith.constant 2 : i32
      %xor3A_181 = vector.broadcast %xor3A_180 : i32 to vector<16xi32>
      %xor3A_182 = arith.xori %iota3A, %xor3A_181 : vector<16xi32>
      %lt3A_183 = arith.constant 0 : i32
      %lt3A_184 = vector.broadcast %lt3A_183 : i32 to vector<16xi32>
      %lt3A_185 = arith.cmpi slt, %xor3A_182, %lt3A_184 : vector<16xi32>
      %add3A_186 = arith.constant 16 : i32
      %add3A_187 = vector.broadcast %add3A_186 : i32 to vector<16xi32>
      %add3A_188 = arith.addi %xor3A_182, %add3A_187 : vector<16xi32>
      %select_n3A_189 = arith.select %lt3A_185, %add3A_188, %xor3A_182 : vector<16xi1>, vector<16xi32>
      %broadcast_in_dim3A_190 = vector.shape_cast %select_n3A_189 : vector<16xi32> to vector<16x1xi32>
      %gather3A_191 = vector.shape_cast %broadcast_in_dim3A_190 : vector<16x1xi32> to vector<16xi32>
      %gather3A_192 = tpu.dynamic_gather %min3A_179[%gather3A_191] in [0] : vector<16xf32>, vector<16xi32> -> vector<16xf32>
      %min3A_193 = arith.minimumf %min3A_179, %gather3A_192 : vector<16xf32>
      %xor3A_194 = arith.constant 1 : i32
      %xor3A_195 = vector.broadcast %xor3A_194 : i32 to vector<16xi32>
      %xor3A_196 = arith.xori %iota3A, %xor3A_195 : vector<16xi32>
      %lt3A_197 = arith.constant 0 : i32
      %lt3A_198 = vector.broadcast %lt3A_197 : i32 to vector<16xi32>
      %lt3A_199 = arith.cmpi slt, %xor3A_196, %lt3A_198 : vector<16xi32>
      %add3A_200 = arith.constant 16 : i32
      %add3A_201 = vector.broadcast %add3A_200 : i32 to vector<16xi32>
      %add3A_202 = arith.addi %xor3A_196, %add3A_201 : vector<16xi32>
      %select_n3A_203 = arith.select %lt3A_199, %add3A_202, %xor3A_196 : vector<16xi1>, vector<16xi32>
      %broadcast_in_dim3A_204 = vector.shape_cast %select_n3A_203 : vector<16xi32> to vector<16x1xi32>
      %gather3A_205 = vector.shape_cast %broadcast_in_dim3A_204 : vector<16x1xi32> to vector<16xi32>
      %gather3A_206 = tpu.dynamic_gather %min3A_193[%gather3A_205] in [0] : vector<16xf32>, vector<16xi32> -> vector<16xf32>
      %min3A_207 = arith.minimumf %min3A_193, %gather3A_206 : vector<16xf32>
      %add3A_208 = arith.addf %scan3A_88, %min3A_207 : vector<16xf32>
      %xor3A_209 = arith.constant 8 : i32
      %xor3A_210 = vector.broadcast %xor3A_209 : i32 to vector<16xi32>
      %xor3A_211 = arith.xori %iota3A, %xor3A_210 : vector<16xi32>
      %lt3A_212 = arith.constant 0 : i32
      %lt3A_213 = vector.broadcast %lt3A_212 : i32 to vector<16xi32>
      %lt3A_214 = arith.cmpi slt, %xor3A_211, %lt3A_213 : vector<16xi32>
      %add3A_215 = arith.constant 16 : i32
      %add3A_216 = vector.broadcast %add3A_215 : i32 to vector<16xi32>
      %add3A_217 = arith.addi %xor3A_211, %add3A_216 : vector<16xi32>
      %select_n3A_218 = arith.select %lt3A_214, %add3A_217, %xor3A_211 : vector<16xi1>, vector<16xi32>
      %broadcast_in_dim3A_219 = vector.shape_cast %select_n3A_218 : vector<16xi32> to vector<16x1xi32>
      %gather3A_220 = vector.shape_cast %broadcast_in_dim3A_219 : vector<16x1xi32> to vector<16xi32>
      %gather3A_221 = tpu.dynamic_gather %scan3A_153#1[%gather3A_220] in [0] : vector<16xf32>, vector<16xi32> -> vector<16xf32>
      %min3A_222 = arith.minimumf %scan3A_153#1, %gather3A_221 : vector<16xf32>
      %xor3A_223 = arith.constant 4 : i32
      %xor3A_224 = vector.broadcast %xor3A_223 : i32 to vector<16xi32>
      %xor3A_225 = arith.xori %iota3A, %xor3A_224 : vector<16xi32>
      %lt3A_226 = arith.constant 0 : i32
      %lt3A_227 = vector.broadcast %lt3A_226 : i32 to vector<16xi32>
      %lt3A_228 = arith.cmpi slt, %xor3A_225, %lt3A_227 : vector<16xi32>
      %add3A_229 = arith.constant 16 : i32
      %add3A_230 = vector.broadcast %add3A_229 : i32 to vector<16xi32>
      %add3A_231 = arith.addi %xor3A_225, %add3A_230 : vector<16xi32>
      %select_n3A_232 = arith.select %lt3A_228, %add3A_231, %xor3A_225 : vector<16xi1>, vector<16xi32>
      %broadcast_in_dim3A_233 = vector.shape_cast %select_n3A_232 : vector<16xi32> to vector<16x1xi32>
      %gather3A_234 = vector.shape_cast %broadcast_in_dim3A_233 : vector<16x1xi32> to vector<16xi32>
      %gather3A_235 = tpu.dynamic_gather %min3A_222[%gather3A_234] in [0] : vector<16xf32>, vector<16xi32> -> vector<16xf32>
      %min3A_236 = arith.minimumf %min3A_222, %gather3A_235 : vector<16xf32>
      %xor3A_237 = arith.constant 2 : i32
      %xor3A_238 = vector.broadcast %xor3A_237 : i32 to vector<16xi32>
      %xor3A_239 = arith.xori %iota3A, %xor3A_238 : vector<16xi32>
      %lt3A_240 = arith.constant 0 : i32
      %lt3A_241 = vector.broadcast %lt3A_240 : i32 to vector<16xi32>
      %lt3A_242 = arith.cmpi slt, %xor3A_239, %lt3A_241 : vector<16xi32>
      %add3A_243 = arith.constant 16 : i32
      %add3A_244 = vector.broadcast %add3A_243 : i32 to vector<16xi32>
      %add3A_245 = arith.addi %xor3A_239, %add3A_244 : vector<16xi32>
      %select_n3A_246 = arith.select %lt3A_242, %add3A_245, %xor3A_239 : vector<16xi1>, vector<16xi32>
      %broadcast_in_dim3A_247 = vector.shape_cast %select_n3A_246 : vector<16xi32> to vector<16x1xi32>
      %gather3A_248 = vector.shape_cast %broadcast_in_dim3A_247 : vector<16x1xi32> to vector<16xi32>
      %gather3A_249 = tpu.dynamic_gather %min3A_236[%gather3A_248] in [0] : vector<16xf32>, vector<16xi32> -> vector<16xf32>
      %min3A_250 = arith.minimumf %min3A_236, %gather3A_249 : vector<16xf32>
      %xor3A_251 = arith.constant 1 : i32
      %xor3A_252 = vector.broadcast %xor3A_251 : i32 to vector<16xi32>
      %xor3A_253 = arith.xori %iota3A, %xor3A_252 : vector<16xi32>
      %lt3A_254 = arith.constant 0 : i32
      %lt3A_255 = vector.broadcast %lt3A_254 : i32 to vector<16xi32>
      %lt3A_256 = arith.cmpi slt, %xor3A_253, %lt3A_255 : vector<16xi32>
      %add3A_257 = arith.constant 16 : i32
      %add3A_258 = vector.broadcast %add3A_257 : i32 to vector<16xi32>
      %add3A_259 = arith.addi %xor3A_253, %add3A_258 : vector<16xi32>
      %select_n3A_260 = arith.select %lt3A_256, %add3A_259, %xor3A_253 : vector<16xi1>, vector<16xi32>
      %broadcast_in_dim3A_261 = vector.shape_cast %select_n3A_260 : vector<16xi32> to vector<16x1xi32>
      %gather3A_262 = vector.shape_cast %broadcast_in_dim3A_261 : vector<16x1xi32> to vector<16xi32>
      %gather3A_263 = tpu.dynamic_gather %min3A_250[%gather3A_262] in [0] : vector<16xf32>, vector<16xi32> -> vector<16xf32>
      %min3A_264 = arith.minimumf %min3A_250, %gather3A_263 : vector<16xf32>
      %add3A_265 = arith.addf %add3A_208, %min3A_264 : vector<16xf32>
      %xor3A_266 = arith.constant 8 : i32
      %xor3A_267 = vector.broadcast %xor3A_266 : i32 to vector<16xi32>
      %xor3A_268 = arith.xori %iota3A, %xor3A_267 : vector<16xi32>
      %lt3A_269 = arith.constant 0 : i32
      %lt3A_270 = vector.broadcast %lt3A_269 : i32 to vector<16xi32>
      %lt3A_271 = arith.cmpi slt, %xor3A_268, %lt3A_270 : vector<16xi32>
      %add3A_272 = arith.constant 16 : i32
      %add3A_273 = vector.broadcast %add3A_272 : i32 to vector<16xi32>
      %add3A_274 = arith.addi %xor3A_268, %add3A_273 : vector<16xi32>
      %select_n3A_275 = arith.select %lt3A_271, %add3A_274, %xor3A_268 : vector<16xi1>, vector<16xi32>
      %broadcast_in_dim3A_276 = vector.shape_cast %select_n3A_275 : vector<16xi32> to vector<16x1xi32>
      %gather3A_277 = vector.shape_cast %broadcast_in_dim3A_276 : vector<16x1xi32> to vector<16xi32>
      %gather3A_278 = tpu.dynamic_gather %scan3A_153#2[%gather3A_277] in [0] : vector<16xf32>, vector<16xi32> -> vector<16xf32>
      %min3A_279 = arith.minimumf %scan3A_153#2, %gather3A_278 : vector<16xf32>
      %xor3A_280 = arith.constant 4 : i32
      %xor3A_281 = vector.broadcast %xor3A_280 : i32 to vector<16xi32>
      %xor3A_282 = arith.xori %iota3A, %xor3A_281 : vector<16xi32>
      %lt3A_283 = arith.constant 0 : i32
      %lt3A_284 = vector.broadcast %lt3A_283 : i32 to vector<16xi32>
      %lt3A_285 = arith.cmpi slt, %xor3A_282, %lt3A_284 : vector<16xi32>
      %add3A_286 = arith.constant 16 : i32
      %add3A_287 = vector.broadcast %add3A_286 : i32 to vector<16xi32>
      %add3A_288 = arith.addi %xor3A_282, %add3A_287 : vector<16xi32>
      %select_n3A_289 = arith.select %lt3A_285, %add3A_288, %xor3A_282 : vector<16xi1>, vector<16xi32>
      %broadcast_in_dim3A_290 = vector.shape_cast %select_n3A_289 : vector<16xi32> to vector<16x1xi32>
      %gather3A_291 = vector.shape_cast %broadcast_in_dim3A_290 : vector<16x1xi32> to vector<16xi32>
      %gather3A_292 = tpu.dynamic_gather %min3A_279[%gather3A_291] in [0] : vector<16xf32>, vector<16xi32> -> vector<16xf32>
      %min3A_293 = arith.minimumf %min3A_279, %gather3A_292 : vector<16xf32>
      %xor3A_294 = arith.constant 2 : i32
      %xor3A_295 = vector.broadcast %xor3A_294 : i32 to vector<16xi32>
      %xor3A_296 = arith.xori %iota3A, %xor3A_295 : vector<16xi32>
      %lt3A_297 = arith.constant 0 : i32
      %lt3A_298 = vector.broadcast %lt3A_297 : i32 to vector<16xi32>
      %lt3A_299 = arith.cmpi slt, %xor3A_296, %lt3A_298 : vector<16xi32>
      %add3A_300 = arith.constant 16 : i32
      %add3A_301 = vector.broadcast %add3A_300 : i32 to vector<16xi32>
      %add3A_302 = arith.addi %xor3A_296, %add3A_301 : vector<16xi32>
      %select_n3A_303 = arith.select %lt3A_299, %add3A_302, %xor3A_296 : vector<16xi1>, vector<16xi32>
      %broadcast_in_dim3A_304 = vector.shape_cast %select_n3A_303 : vector<16xi32> to vector<16x1xi32>
      %gather3A_305 = vector.shape_cast %broadcast_in_dim3A_304 : vector<16x1xi32> to vector<16xi32>
      %gather3A_306 = tpu.dynamic_gather %min3A_293[%gather3A_305] in [0] : vector<16xf32>, vector<16xi32> -> vector<16xf32>
      %min3A_307 = arith.minimumf %min3A_293, %gather3A_306 : vector<16xf32>
      %xor3A_308 = arith.constant 1 : i32
      %xor3A_309 = vector.broadcast %xor3A_308 : i32 to vector<16xi32>
      %xor3A_310 = arith.xori %iota3A, %xor3A_309 : vector<16xi32>
      %lt3A_311 = arith.constant 0 : i32
      %lt3A_312 = vector.broadcast %lt3A_311 : i32 to vector<16xi32>
      %lt3A_313 = arith.cmpi slt, %xor3A_310, %lt3A_312 : vector<16xi32>
      %add3A_314 = arith.constant 16 : i32
      %add3A_315 = vector.broadcast %add3A_314 : i32 to vector<16xi32>
      %add3A_316 = arith.addi %xor3A_310, %add3A_315 : vector<16xi32>
      %select_n3A_317 = arith.select %lt3A_313, %add3A_316, %xor3A_310 : vector<16xi1>, vector<16xi32>
      %broadcast_in_dim3A_318 = vector.shape_cast %select_n3A_317 : vector<16xi32> to vector<16x1xi32>
      %gather3A_319 = vector.shape_cast %broadcast_in_dim3A_318 : vector<16x1xi32> to vector<16xi32>
      %gather3A_320 = tpu.dynamic_gather %min3A_307[%gather3A_319] in [0] : vector<16xf32>, vector<16xi32> -> vector<16xf32>
      %min3A_321 = arith.minimumf %min3A_307, %gather3A_320 : vector<16xf32>
      %add3A_322 = arith.addf %add3A_265, %min3A_321 : vector<16xf32>
      %xor3A_323 = arith.constant 8 : i32
      %xor3A_324 = vector.broadcast %xor3A_323 : i32 to vector<16xi32>
      %xor3A_325 = arith.xori %iota3A, %xor3A_324 : vector<16xi32>
      %lt3A_326 = arith.constant 0 : i32
      %lt3A_327 = vector.broadcast %lt3A_326 : i32 to vector<16xi32>
      %lt3A_328 = arith.cmpi slt, %xor3A_325, %lt3A_327 : vector<16xi32>
      %add3A_329 = arith.constant 16 : i32
      %add3A_330 = vector.broadcast %add3A_329 : i32 to vector<16xi32>
      %add3A_331 = arith.addi %xor3A_325, %add3A_330 : vector<16xi32>
      %select_n3A_332 = arith.select %lt3A_328, %add3A_331, %xor3A_325 : vector<16xi1>, vector<16xi32>
      %broadcast_in_dim3A_333 = vector.shape_cast %select_n3A_332 : vector<16xi32> to vector<16x1xi32>
      %gather3A_334 = vector.shape_cast %broadcast_in_dim3A_333 : vector<16x1xi32> to vector<16xi32>
      %gather3A_335 = tpu.dynamic_gather %scan3A_153#3[%gather3A_334] in [0] : vector<16xf32>, vector<16xi32> -> vector<16xf32>
      %min3A_336 = arith.minimumf %scan3A_153#3, %gather3A_335 : vector<16xf32>
      %xor3A_337 = arith.constant 4 : i32
      %xor3A_338 = vector.broadcast %xor3A_337 : i32 to vector<16xi32>
      %xor3A_339 = arith.xori %iota3A, %xor3A_338 : vector<16xi32>
      %lt3A_340 = arith.constant 0 : i32
      %lt3A_341 = vector.broadcast %lt3A_340 : i32 to vector<16xi32>
      %lt3A_342 = arith.cmpi slt, %xor3A_339, %lt3A_341 : vector<16xi32>
      %add3A_343 = arith.constant 16 : i32
      %add3A_344 = vector.broadcast %add3A_343 : i32 to vector<16xi32>
      %add3A_345 = arith.addi %xor3A_339, %add3A_344 : vector<16xi32>
      %select_n3A_346 = arith.select %lt3A_342, %add3A_345, %xor3A_339 : vector<16xi1>, vector<16xi32>
      %broadcast_in_dim3A_347 = vector.shape_cast %select_n3A_346 : vector<16xi32> to vector<16x1xi32>
      %gather3A_348 = vector.shape_cast %broadcast_in_dim3A_347 : vector<16x1xi32> to vector<16xi32>
      %gather3A_349 = tpu.dynamic_gather %min3A_336[%gather3A_348] in [0] : vector<16xf32>, vector<16xi32> -> vector<16xf32>
      %min3A_350 = arith.minimumf %min3A_336, %gather3A_349 : vector<16xf32>
      %xor3A_351 = arith.constant 2 : i32
      %xor3A_352 = vector.broadcast %xor3A_351 : i32 to vector<16xi32>
      %xor3A_353 = arith.xori %iota3A, %xor3A_352 : vector<16xi32>
      %lt3A_354 = arith.constant 0 : i32
      %lt3A_355 = vector.broadcast %lt3A_354 : i32 to vector<16xi32>
      %lt3A_356 = arith.cmpi slt, %xor3A_353, %lt3A_355 : vector<16xi32>
      %add3A_357 = arith.constant 16 : i32
      %add3A_358 = vector.broadcast %add3A_357 : i32 to vector<16xi32>
      %add3A_359 = arith.addi %xor3A_353, %add3A_358 : vector<16xi32>
      %select_n3A_360 = arith.select %lt3A_356, %add3A_359, %xor3A_353 : vector<16xi1>, vector<16xi32>
      %broadcast_in_dim3A_361 = vector.shape_cast %select_n3A_360 : vector<16xi32> to vector<16x1xi32>
      %gather3A_362 = vector.shape_cast %broadcast_in_dim3A_361 : vector<16x1xi32> to vector<16xi32>
      %gather3A_363 = tpu.dynamic_gather %min3A_350[%gather3A_362] in [0] : vector<16xf32>, vector<16xi32> -> vector<16xf32>
      %min3A_364 = arith.minimumf %min3A_350, %gather3A_363 : vector<16xf32>
      %xor3A_365 = arith.constant 1 : i32
      %xor3A_366 = vector.broadcast %xor3A_365 : i32 to vector<16xi32>
      %xor3A_367 = arith.xori %iota3A, %xor3A_366 : vector<16xi32>
      %lt3A_368 = arith.constant 0 : i32
      %lt3A_369 = vector.broadcast %lt3A_368 : i32 to vector<16xi32>
      %lt3A_370 = arith.cmpi slt, %xor3A_367, %lt3A_369 : vector<16xi32>
      %add3A_371 = arith.constant 16 : i32
      %add3A_372 = vector.broadcast %add3A_371 : i32 to vector<16xi32>
      %add3A_373 = arith.addi %xor3A_367, %add3A_372 : vector<16xi32>
      %select_n3A_374 = arith.select %lt3A_370, %add3A_373, %xor3A_367 : vector<16xi1>, vector<16xi32>
      %broadcast_in_dim3A_375 = vector.shape_cast %select_n3A_374 : vector<16xi32> to vector<16x1xi32>
      %gather3A_376 = vector.shape_cast %broadcast_in_dim3A_375 : vector<16x1xi32> to vector<16xi32>
      %gather3A_377 = tpu.dynamic_gather %min3A_364[%gather3A_376] in [0] : vector<16xf32>, vector<16xi32> -> vector<16xf32>
      %min3A_378 = arith.minimumf %min3A_364, %gather3A_377 : vector<16xf32>
      %add3A_379 = arith.addf %add3A_322, %min3A_378 : vector<16xf32>
      %slice3A_380 = vector.extract_strided_slice %get3A_93 {offsets = [4], sizes = [1], strides = [1]} : vector<16xf32> to vector<1xf32>
      %squeeze3A_381 = vector.extract %slice3A_380[0] : f32 from vector<1xf32>
      %broadcast_in_dim3A_382 = vector.broadcast %squeeze3A_381 : f32 to vector<16xf32>
      %slice3A_383 = vector.extract_strided_slice %get3A_96 {offsets = [4], sizes = [1], strides = [1]} : vector<16xf32> to vector<1xf32>
      %squeeze3A_384 = vector.extract %slice3A_383[0] : f32 from vector<1xf32>
      %broadcast_in_dim3A_385 = vector.broadcast %squeeze3A_384 : f32 to vector<16xf32>
      %slice3A_386 = vector.extract_strided_slice %get3A_99 {offsets = [4], sizes = [1], strides = [1]} : vector<16xf32> to vector<1xf32>
      %squeeze3A_387 = vector.extract %slice3A_386[0] : f32 from vector<1xf32>
      %broadcast_in_dim3A_388 = vector.broadcast %squeeze3A_387 : f32 to vector<16xf32>
      %slice3A_389 = vector.extract_strided_slice %get3A_102 {offsets = [4], sizes = [1], strides = [1]} : vector<16xf32> to vector<1xf32>
      %squeeze3A_390 = vector.extract %slice3A_389[0] : f32 from vector<1xf32>
      %broadcast_in_dim3A_391 = vector.broadcast %squeeze3A_390 : f32 to vector<16xf32>
      %slice3A_392 = vector.extract_strided_slice %get3A_93 {offsets = [5], sizes = [1], strides = [1]} : vector<16xf32> to vector<1xf32>
      %squeeze3A_393 = vector.extract %slice3A_392[0] : f32 from vector<1xf32>
      %broadcast_in_dim3A_394 = vector.broadcast %squeeze3A_393 : f32 to vector<16xf32>
      %slice3A_395 = vector.extract_strided_slice %get3A_96 {offsets = [5], sizes = [1], strides = [1]} : vector<16xf32> to vector<1xf32>
      %squeeze3A_396 = vector.extract %slice3A_395[0] : f32 from vector<1xf32>
      %broadcast_in_dim3A_397 = vector.broadcast %squeeze3A_396 : f32 to vector<16xf32>
      %slice3A_398 = vector.extract_strided_slice %get3A_99 {offsets = [5], sizes = [1], strides = [1]} : vector<16xf32> to vector<1xf32>
      %squeeze3A_399 = vector.extract %slice3A_398[0] : f32 from vector<1xf32>
      %broadcast_in_dim3A_400 = vector.broadcast %squeeze3A_399 : f32 to vector<16xf32>
      %slice3A_401 = vector.extract_strided_slice %get3A_102 {offsets = [5], sizes = [1], strides = [1]} : vector<16xf32> to vector<1xf32>
      %squeeze3A_402 = vector.extract %slice3A_401[0] : f32 from vector<1xf32>
      %broadcast_in_dim3A_403 = vector.broadcast %squeeze3A_402 : f32 to vector<16xf32>
      %slice3A_404 = vector.extract_strided_slice %get3A_93 {offsets = [6], sizes = [1], strides = [1]} : vector<16xf32> to vector<1xf32>
      %squeeze3A_405 = vector.extract %slice3A_404[0] : f32 from vector<1xf32>
      %broadcast_in_dim3A_406 = vector.broadcast %squeeze3A_405 : f32 to vector<16xf32>
      %slice3A_407 = vector.extract_strided_slice %get3A_96 {offsets = [6], sizes = [1], strides = [1]} : vector<16xf32> to vector<1xf32>
      %squeeze3A_408 = vector.extract %slice3A_407[0] : f32 from vector<1xf32>
      %broadcast_in_dim3A_409 = vector.broadcast %squeeze3A_408 : f32 to vector<16xf32>
      %slice3A_410 = vector.extract_strided_slice %get3A_99 {offsets = [6], sizes = [1], strides = [1]} : vector<16xf32> to vector<1xf32>
      %squeeze3A_411 = vector.extract %slice3A_410[0] : f32 from vector<1xf32>
      %broadcast_in_dim3A_412 = vector.broadcast %squeeze3A_411 : f32 to vector<16xf32>
      %slice3A_413 = vector.extract_strided_slice %get3A_102 {offsets = [6], sizes = [1], strides = [1]} : vector<16xf32> to vector<1xf32>
      %squeeze3A_414 = vector.extract %slice3A_413[0] : f32 from vector<1xf32>
      %broadcast_in_dim3A_415 = vector.broadcast %squeeze3A_414 : f32 to vector<16xf32>
      %slice3A_416 = vector.extract_strided_slice %get3A_93 {offsets = [7], sizes = [1], strides = [1]} : vector<16xf32> to vector<1xf32>
      %squeeze3A_417 = vector.extract %slice3A_416[0] : f32 from vector<1xf32>
      %broadcast_in_dim3A_418 = vector.broadcast %squeeze3A_417 : f32 to vector<16xf32>
      %slice3A_419 = vector.extract_strided_slice %get3A_96 {offsets = [7], sizes = [1], strides = [1]} : vector<16xf32> to vector<1xf32>
      %squeeze3A_420 = vector.extract %slice3A_419[0] : f32 from vector<1xf32>
      %broadcast_in_dim3A_421 = vector.broadcast %squeeze3A_420 : f32 to vector<16xf32>
      %slice3A_422 = vector.extract_strided_slice %get3A_99 {offsets = [7], sizes = [1], strides = [1]} : vector<16xf32> to vector<1xf32>
      %squeeze3A_423 = vector.extract %slice3A_422[0] : f32 from vector<1xf32>
      %broadcast_in_dim3A_424 = vector.broadcast %squeeze3A_423 : f32 to vector<16xf32>
      %slice3A_425 = vector.extract_strided_slice %get3A_102 {offsets = [7], sizes = [1], strides = [1]} : vector<16xf32> to vector<1xf32>
      %squeeze3A_426 = vector.extract %slice3A_425[0] : f32 from vector<1xf32>
      %broadcast_in_dim3A_427 = vector.broadcast %squeeze3A_426 : f32 to vector<16xf32>
      %scan3A_428 = arith.constant 0 : i32
      %scan3A_429 = arith.constant 64 : i32
      %scan3A_430 = arith.addi %scan3A_428, %scan3A_429 : i32
      %scan3A_431 = arith.constant 1 : i32
      %scan3A_432:4 = scf.for %scan3A_1226 = %scan3A_428 to %scan3A_430 step %scan3A_431 iter_args(%scan3A_1227 = %broadcast_in_dim3A_35, %scan3A_1228 = %broadcast_in_dim3A_35, %scan3A_1229 = %broadcast_in_dim3A_35, %scan3A_1230 = %broadcast_in_dim3A_35) -> (vector<16xf32>, vector<16xf32>, vector<16xf32>, vector<16xf32>)  : i32 {
        %mul3A_1231 = arith.constant 16 : i32
        %mul3A_1232 = arith.muli %scan3A_1226, %mul3A_1231 : i32
        %get3A_1233 = arith.index_cast %mul3A_1232 : i32 to index
        %get3A_1234 = tpu.vector_load %arg10[%get3A_1233] {strides = array<i32>} : memref<1024xf32, #tpu.memory_space<vmem>>, vector<16xf32>,
        %get3A_1235 = vector.shape_cast %get3A_1234 : vector<16xf32> to vector<16xf32>
        %get3A_1236 = arith.index_cast %mul3A_1232 : i32 to index
        %get3A_1237 = tpu.vector_load %arg11[%get3A_1236] {strides = array<i32>} : memref<1024xf32, #tpu.memory_space<vmem>>, vector<16xf32>,
        %get3A_1238 = vector.shape_cast %get3A_1237 : vector<16xf32> to vector<16xf32>
        %get3A_1239 = arith.index_cast %mul3A_1232 : i32 to index
        %get3A_1240 = tpu.vector_load %arg12[%get3A_1239] {strides = array<i32>} : memref<1024xf32, #tpu.memory_space<vmem>>, vector<16xf32>,
        %get3A_1241 = vector.shape_cast %get3A_1240 : vector<16xf32> to vector<16xf32>
        %get3A_1242 = arith.index_cast %mul3A_1232 : i32 to index
        %get3A_1243 = tpu.vector_load %arg13[%get3A_1242] {strides = array<i32>} : memref<1024xf32, #tpu.memory_space<vmem>>, vector<16xf32>,
        %get3A_1244 = vector.shape_cast %get3A_1243 : vector<16xf32> to vector<16xf32>
        %get3A_1245 = arith.index_cast %mul3A_1232 : i32 to index
        %get3A_1246 = tpu.vector_load %arg14[%get3A_1245] {strides = array<i32>} : memref<1024xf32, #tpu.memory_space<vmem>>, vector<16xf32>,
        %get3A_1247 = vector.shape_cast %get3A_1246 : vector<16xf32> to vector<16xf32>
        %add3A_1248 = arith.addf %get3A_1244, %broadcast_in_dim3A_391 : vector<16xf32>
        %mul3A_1249 = arith.mulf %broadcast_in_dim3A_382, %get3A_1235 : vector<16xf32>
        %add3A_1250 = arith.addf %add3A_1248, %mul3A_1249 : vector<16xf32>
        %mul3A_1251 = arith.mulf %broadcast_in_dim3A_385, %get3A_1238 : vector<16xf32>
        %add3A_1252 = arith.addf %add3A_1250, %mul3A_1251 : vector<16xf32>
        %mul3A_1253 = arith.mulf %broadcast_in_dim3A_388, %get3A_1241 : vector<16xf32>
        %add3A_1254 = arith.addf %add3A_1252, %mul3A_1253 : vector<16xf32>
        %min3A_1255 = arith.minimumf %scan3A_1227, %add3A_1254 : vector<16xf32>
        %min3A_1256 = arith.minimumf %get3A_1247, %add3A_1254 : vector<16xf32>
        %add3A_1257 = arith.addf %get3A_1244, %broadcast_in_dim3A_403 : vector<16xf32>
        %mul3A_1258 = arith.mulf %broadcast_in_dim3A_394, %get3A_1235 : vector<16xf32>
        %add3A_1259 = arith.addf %add3A_1257, %mul3A_1258 : vector<16xf32>
        %mul3A_1260 = arith.mulf %broadcast_in_dim3A_397, %get3A_1238 : vector<16xf32>
        %add3A_1261 = arith.addf %add3A_1259, %mul3A_1260 : vector<16xf32>
        %mul3A_1262 = arith.mulf %broadcast_in_dim3A_400, %get3A_1241 : vector<16xf32>
        %add3A_1263 = arith.addf %add3A_1261, %mul3A_1262 : vector<16xf32>
        %min3A_1264 = arith.minimumf %scan3A_1228, %add3A_1263 : vector<16xf32>
        %min3A_1265 = arith.minimumf %min3A_1256, %add3A_1263 : vector<16xf32>
        %add3A_1266 = arith.addf %get3A_1244, %broadcast_in_dim3A_415 : vector<16xf32>
        %mul3A_1267 = arith.mulf %broadcast_in_dim3A_406, %get3A_1235 : vector<16xf32>
        %add3A_1268 = arith.addf %add3A_1266, %mul3A_1267 : vector<16xf32>
        %mul3A_1269 = arith.mulf %broadcast_in_dim3A_409, %get3A_1238 : vector<16xf32>
        %add3A_1270 = arith.addf %add3A_1268, %mul3A_1269 : vector<16xf32>
        %mul3A_1271 = arith.mulf %broadcast_in_dim3A_412, %get3A_1241 : vector<16xf32>
        %add3A_1272 = arith.addf %add3A_1270, %mul3A_1271 : vector<16xf32>
        %min3A_1273 = arith.minimumf %scan3A_1229, %add3A_1272 : vector<16xf32>
        %min3A_1274 = arith.minimumf %min3A_1265, %add3A_1272 : vector<16xf32>
        %add3A_1275 = arith.addf %get3A_1244, %broadcast_in_dim3A_427 : vector<16xf32>
        %mul3A_1276 = arith.mulf %broadcast_in_dim3A_418, %get3A_1235 : vector<16xf32>
        %add3A_1277 = arith.addf %add3A_1275, %mul3A_1276 : vector<16xf32>
        %mul3A_1278 = arith.mulf %broadcast_in_dim3A_421, %get3A_1238 : vector<16xf32>
        %add3A_1279 = arith.addf %add3A_1277, %mul3A_1278 : vector<16xf32>
        %mul3A_1280 = arith.mulf %broadcast_in_dim3A_424, %get3A_1241 : vector<16xf32>
        %add3A_1281 = arith.addf %add3A_1279, %mul3A_1280 : vector<16xf32>
        %min3A_1282 = arith.minimumf %scan3A_1230, %add3A_1281 : vector<16xf32>
        %min3A_1283 = arith.minimumf %min3A_1274, %add3A_1281 : vector<16xf32>
        %swap3A_1284 = arith.index_cast %mul3A_1232 : i32 to index
        %swap3A_1285 = tpu.vector_load %arg14[%swap3A_1284] {strides = array<i32>} : memref<1024xf32, #tpu.memory_space<vmem>>, vector<16xf32>,
        %swap3A_1286 = vector.shape_cast %swap3A_1285 : vector<16xf32> to vector<16xf32>
        %swap3A_1287 = vector.shape_cast %min3A_1283 : vector<16xf32> to vector<16xf32>
        tpu.vector_store %arg14[%swap3A_1284], %swap3A_1287 {strides = array<i32>} : memref<1024xf32, #tpu.memory_space<vmem>>, vector<16xf32>,
        scf.yield %min3A_1255, %min3A_1264, %min3A_1273, %min3A_1282 : vector<16xf32>, vector<16xf32>, vector<16xf32>, vector<16xf32>
      }
      %scan3A_433 = arith.constant 64 : i32
      %xor3A_434 = arith.constant 8 : i32
      %xor3A_435 = vector.broadcast %xor3A_434 : i32 to vector<16xi32>
      %xor3A_436 = arith.xori %iota3A, %xor3A_435 : vector<16xi32>
      %lt3A_437 = arith.constant 0 : i32
      %lt3A_438 = vector.broadcast %lt3A_437 : i32 to vector<16xi32>
      %lt3A_439 = arith.cmpi slt, %xor3A_436, %lt3A_438 : vector<16xi32>
      %add3A_440 = arith.constant 16 : i32
      %add3A_441 = vector.broadcast %add3A_440 : i32 to vector<16xi32>
      %add3A_442 = arith.addi %xor3A_436, %add3A_441 : vector<16xi32>
      %select_n3A_443 = arith.select %lt3A_439, %add3A_442, %xor3A_436 : vector<16xi1>, vector<16xi32>
      %broadcast_in_dim3A_444 = vector.shape_cast %select_n3A_443 : vector<16xi32> to vector<16x1xi32>
      %gather3A_445 = vector.shape_cast %broadcast_in_dim3A_444 : vector<16x1xi32> to vector<16xi32>
      %gather3A_446 = tpu.dynamic_gather %scan3A_432#0[%gather3A_445] in [0] : vector<16xf32>, vector<16xi32> -> vector<16xf32>
      %min3A_447 = arith.minimumf %scan3A_432#0, %gather3A_446 : vector<16xf32>
      %xor3A_448 = arith.constant 4 : i32
      %xor3A_449 = vector.broadcast %xor3A_448 : i32 to vector<16xi32>
      %xor3A_450 = arith.xori %iota3A, %xor3A_449 : vector<16xi32>
      %lt3A_451 = arith.constant 0 : i32
      %lt3A_452 = vector.broadcast %lt3A_451 : i32 to vector<16xi32>
      %lt3A_453 = arith.cmpi slt, %xor3A_450, %lt3A_452 : vector<16xi32>
      %add3A_454 = arith.constant 16 : i32
      %add3A_455 = vector.broadcast %add3A_454 : i32 to vector<16xi32>
      %add3A_456 = arith.addi %xor3A_450, %add3A_455 : vector<16xi32>
      %select_n3A_457 = arith.select %lt3A_453, %add3A_456, %xor3A_450 : vector<16xi1>, vector<16xi32>
      %broadcast_in_dim3A_458 = vector.shape_cast %select_n3A_457 : vector<16xi32> to vector<16x1xi32>
      %gather3A_459 = vector.shape_cast %broadcast_in_dim3A_458 : vector<16x1xi32> to vector<16xi32>
      %gather3A_460 = tpu.dynamic_gather %min3A_447[%gather3A_459] in [0] : vector<16xf32>, vector<16xi32> -> vector<16xf32>
      %min3A_461 = arith.minimumf %min3A_447, %gather3A_460 : vector<16xf32>
      %xor3A_462 = arith.constant 2 : i32
      %xor3A_463 = vector.broadcast %xor3A_462 : i32 to vector<16xi32>
      %xor3A_464 = arith.xori %iota3A, %xor3A_463 : vector<16xi32>
      %lt3A_465 = arith.constant 0 : i32
      %lt3A_466 = vector.broadcast %lt3A_465 : i32 to vector<16xi32>
      %lt3A_467 = arith.cmpi slt, %xor3A_464, %lt3A_466 : vector<16xi32>
      %add3A_468 = arith.constant 16 : i32
      %add3A_469 = vector.broadcast %add3A_468 : i32 to vector<16xi32>
      %add3A_470 = arith.addi %xor3A_464, %add3A_469 : vector<16xi32>
      %select_n3A_471 = arith.select %lt3A_467, %add3A_470, %xor3A_464 : vector<16xi1>, vector<16xi32>
      %broadcast_in_dim3A_472 = vector.shape_cast %select_n3A_471 : vector<16xi32> to vector<16x1xi32>
      %gather3A_473 = vector.shape_cast %broadcast_in_dim3A_472 : vector<16x1xi32> to vector<16xi32>
      %gather3A_474 = tpu.dynamic_gather %min3A_461[%gather3A_473] in [0] : vector<16xf32>, vector<16xi32> -> vector<16xf32>
      %min3A_475 = arith.minimumf %min3A_461, %gather3A_474 : vector<16xf32>
      %xor3A_476 = arith.constant 1 : i32
      %xor3A_477 = vector.broadcast %xor3A_476 : i32 to vector<16xi32>
      %xor3A_478 = arith.xori %iota3A, %xor3A_477 : vector<16xi32>
      %lt3A_479 = arith.constant 0 : i32
      %lt3A_480 = vector.broadcast %lt3A_479 : i32 to vector<16xi32>
      %lt3A_481 = arith.cmpi slt, %xor3A_478, %lt3A_480 : vector<16xi32>
      %add3A_482 = arith.constant 16 : i32
      %add3A_483 = vector.broadcast %add3A_482 : i32 to vector<16xi32>
      %add3A_484 = arith.addi %xor3A_478, %add3A_483 : vector<16xi32>
      %select_n3A_485 = arith.select %lt3A_481, %add3A_484, %xor3A_478 : vector<16xi1>, vector<16xi32>
      %broadcast_in_dim3A_486 = vector.shape_cast %select_n3A_485 : vector<16xi32> to vector<16x1xi32>
      %gather3A_487 = vector.shape_cast %broadcast_in_dim3A_486 : vector<16x1xi32> to vector<16xi32>
      %gather3A_488 = tpu.dynamic_gather %min3A_475[%gather3A_487] in [0] : vector<16xf32>, vector<16xi32> -> vector<16xf32>
      %min3A_489 = arith.minimumf %min3A_475, %gather3A_488 : vector<16xf32>
      %add3A_490 = arith.addf %add3A_379, %min3A_489 : vector<16xf32>
      %xor3A_491 = arith.constant 8 : i32
      %xor3A_492 = vector.broadcast %xor3A_491 : i32 to vector<16xi32>
      %xor3A_493 = arith.xori %iota3A, %xor3A_492 : vector<16xi32>
      %lt3A_494 = arith.constant 0 : i32
      %lt3A_495 = vector.broadcast %lt3A_494 : i32 to vector<16xi32>
      %lt3A_496 = arith.cmpi slt, %xor3A_493, %lt3A_495 : vector<16xi32>
      %add3A_497 = arith.constant 16 : i32
      %add3A_498 = vector.broadcast %add3A_497 : i32 to vector<16xi32>
      %add3A_499 = arith.addi %xor3A_493, %add3A_498 : vector<16xi32>
      %select_n3A_500 = arith.select %lt3A_496, %add3A_499, %xor3A_493 : vector<16xi1>, vector<16xi32>
      %broadcast_in_dim3A_501 = vector.shape_cast %select_n3A_500 : vector<16xi32> to vector<16x1xi32>
      %gather3A_502 = vector.shape_cast %broadcast_in_dim3A_501 : vector<16x1xi32> to vector<16xi32>
      %gather3A_503 = tpu.dynamic_gather %scan3A_432#1[%gather3A_502] in [0] : vector<16xf32>, vector<16xi32> -> vector<16xf32>
      %min3A_504 = arith.minimumf %scan3A_432#1, %gather3A_503 : vector<16xf32>
      %xor3A_505 = arith.constant 4 : i32
      %xor3A_506 = vector.broadcast %xor3A_505 : i32 to vector<16xi32>
      %xor3A_507 = arith.xori %iota3A, %xor3A_506 : vector<16xi32>
      %lt3A_508 = arith.constant 0 : i32
      %lt3A_509 = vector.broadcast %lt3A_508 : i32 to vector<16xi32>
      %lt3A_510 = arith.cmpi slt, %xor3A_507, %lt3A_509 : vector<16xi32>
      %add3A_511 = arith.constant 16 : i32
      %add3A_512 = vector.broadcast %add3A_511 : i32 to vector<16xi32>
      %add3A_513 = arith.addi %xor3A_507, %add3A_512 : vector<16xi32>
      %select_n3A_514 = arith.select %lt3A_510, %add3A_513, %xor3A_507 : vector<16xi1>, vector<16xi32>
      %broadcast_in_dim3A_515 = vector.shape_cast %select_n3A_514 : vector<16xi32> to vector<16x1xi32>
      %gather3A_516 = vector.shape_cast %broadcast_in_dim3A_515 : vector<16x1xi32> to vector<16xi32>
      %gather3A_517 = tpu.dynamic_gather %min3A_504[%gather3A_516] in [0] : vector<16xf32>, vector<16xi32> -> vector<16xf32>
      %min3A_518 = arith.minimumf %min3A_504, %gather3A_517 : vector<16xf32>
      %xor3A_519 = arith.constant 2 : i32
      %xor3A_520 = vector.broadcast %xor3A_519 : i32 to vector<16xi32>
      %xor3A_521 = arith.xori %iota3A, %xor3A_520 : vector<16xi32>
      %lt3A_522 = arith.constant 0 : i32
      %lt3A_523 = vector.broadcast %lt3A_522 : i32 to vector<16xi32>
      %lt3A_524 = arith.cmpi slt, %xor3A_521, %lt3A_523 : vector<16xi32>
      %add3A_525 = arith.constant 16 : i32
      %add3A_526 = vector.broadcast %add3A_525 : i32 to vector<16xi32>
      %add3A_527 = arith.addi %xor3A_521, %add3A_526 : vector<16xi32>
      %select_n3A_528 = arith.select %lt3A_524, %add3A_527, %xor3A_521 : vector<16xi1>, vector<16xi32>
      %broadcast_in_dim3A_529 = vector.shape_cast %select_n3A_528 : vector<16xi32> to vector<16x1xi32>
      %gather3A_530 = vector.shape_cast %broadcast_in_dim3A_529 : vector<16x1xi32> to vector<16xi32>
      %gather3A_531 = tpu.dynamic_gather %min3A_518[%gather3A_530] in [0] : vector<16xf32>, vector<16xi32> -> vector<16xf32>
      %min3A_532 = arith.minimumf %min3A_518, %gather3A_531 : vector<16xf32>
      %xor3A_533 = arith.constant 1 : i32
      %xor3A_534 = vector.broadcast %xor3A_533 : i32 to vector<16xi32>
      %xor3A_535 = arith.xori %iota3A, %xor3A_534 : vector<16xi32>
      %lt3A_536 = arith.constant 0 : i32
      %lt3A_537 = vector.broadcast %lt3A_536 : i32 to vector<16xi32>
      %lt3A_538 = arith.cmpi slt, %xor3A_535, %lt3A_537 : vector<16xi32>
      %add3A_539 = arith.constant 16 : i32
      %add3A_540 = vector.broadcast %add3A_539 : i32 to vector<16xi32>
      %add3A_541 = arith.addi %xor3A_535, %add3A_540 : vector<16xi32>
      %select_n3A_542 = arith.select %lt3A_538, %add3A_541, %xor3A_535 : vector<16xi1>, vector<16xi32>
      %broadcast_in_dim3A_543 = vector.shape_cast %select_n3A_542 : vector<16xi32> to vector<16x1xi32>
      %gather3A_544 = vector.shape_cast %broadcast_in_dim3A_543 : vector<16x1xi32> to vector<16xi32>
      %gather3A_545 = tpu.dynamic_gather %min3A_532[%gather3A_544] in [0] : vector<16xf32>, vector<16xi32> -> vector<16xf32>
      %min3A_546 = arith.minimumf %min3A_532, %gather3A_545 : vector<16xf32>
      %add3A_547 = arith.addf %add3A_490, %min3A_546 : vector<16xf32>
      %xor3A_548 = arith.constant 8 : i32
      %xor3A_549 = vector.broadcast %xor3A_548 : i32 to vector<16xi32>
      %xor3A_550 = arith.xori %iota3A, %xor3A_549 : vector<16xi32>
      %lt3A_551 = arith.constant 0 : i32
      %lt3A_552 = vector.broadcast %lt3A_551 : i32 to vector<16xi32>
      %lt3A_553 = arith.cmpi slt, %xor3A_550, %lt3A_552 : vector<16xi32>
      %add3A_554 = arith.constant 16 : i32
      %add3A_555 = vector.broadcast %add3A_554 : i32 to vector<16xi32>
      %add3A_556 = arith.addi %xor3A_550, %add3A_555 : vector<16xi32>
      %select_n3A_557 = arith.select %lt3A_553, %add3A_556, %xor3A_550 : vector<16xi1>, vector<16xi32>
      %broadcast_in_dim3A_558 = vector.shape_cast %select_n3A_557 : vector<16xi32> to vector<16x1xi32>
      %gather3A_559 = vector.shape_cast %broadcast_in_dim3A_558 : vector<16x1xi32> to vector<16xi32>
      %gather3A_560 = tpu.dynamic_gather %scan3A_432#2[%gather3A_559] in [0] : vector<16xf32>, vector<16xi32> -> vector<16xf32>
      %min3A_561 = arith.minimumf %scan3A_432#2, %gather3A_560 : vector<16xf32>
      %xor3A_562 = arith.constant 4 : i32
      %xor3A_563 = vector.broadcast %xor3A_562 : i32 to vector<16xi32>
      %xor3A_564 = arith.xori %iota3A, %xor3A_563 : vector<16xi32>
      %lt3A_565 = arith.constant 0 : i32
      %lt3A_566 = vector.broadcast %lt3A_565 : i32 to vector<16xi32>
      %lt3A_567 = arith.cmpi slt, %xor3A_564, %lt3A_566 : vector<16xi32>
      %add3A_568 = arith.constant 16 : i32
      %add3A_569 = vector.broadcast %add3A_568 : i32 to vector<16xi32>
      %add3A_570 = arith.addi %xor3A_564, %add3A_569 : vector<16xi32>
      %select_n3A_571 = arith.select %lt3A_567, %add3A_570, %xor3A_564 : vector<16xi1>, vector<16xi32>
      %broadcast_in_dim3A_572 = vector.shape_cast %select_n3A_571 : vector<16xi32> to vector<16x1xi32>
      %gather3A_573 = vector.shape_cast %broadcast_in_dim3A_572 : vector<16x1xi32> to vector<16xi32>
      %gather3A_574 = tpu.dynamic_gather %min3A_561[%gather3A_573] in [0] : vector<16xf32>, vector<16xi32> -> vector<16xf32>
      %min3A_575 = arith.minimumf %min3A_561, %gather3A_574 : vector<16xf32>
      %xor3A_576 = arith.constant 2 : i32
      %xor3A_577 = vector.broadcast %xor3A_576 : i32 to vector<16xi32>
      %xor3A_578 = arith.xori %iota3A, %xor3A_577 : vector<16xi32>
      %lt3A_579 = arith.constant 0 : i32
      %lt3A_580 = vector.broadcast %lt3A_579 : i32 to vector<16xi32>
      %lt3A_581 = arith.cmpi slt, %xor3A_578, %lt3A_580 : vector<16xi32>
      %add3A_582 = arith.constant 16 : i32
      %add3A_583 = vector.broadcast %add3A_582 : i32 to vector<16xi32>
      %add3A_584 = arith.addi %xor3A_578, %add3A_583 : vector<16xi32>
      %select_n3A_585 = arith.select %lt3A_581, %add3A_584, %xor3A_578 : vector<16xi1>, vector<16xi32>
      %broadcast_in_dim3A_586 = vector.shape_cast %select_n3A_585 : vector<16xi32> to vector<16x1xi32>
      %gather3A_587 = vector.shape_cast %broadcast_in_dim3A_586 : vector<16x1xi32> to vector<16xi32>
      %gather3A_588 = tpu.dynamic_gather %min3A_575[%gather3A_587] in [0] : vector<16xf32>, vector<16xi32> -> vector<16xf32>
      %min3A_589 = arith.minimumf %min3A_575, %gather3A_588 : vector<16xf32>
      %xor3A_590 = arith.constant 1 : i32
      %xor3A_591 = vector.broadcast %xor3A_590 : i32 to vector<16xi32>
      %xor3A_592 = arith.xori %iota3A, %xor3A_591 : vector<16xi32>
      %lt3A_593 = arith.constant 0 : i32
      %lt3A_594 = vector.broadcast %lt3A_593 : i32 to vector<16xi32>
      %lt3A_595 = arith.cmpi slt, %xor3A_592, %lt3A_594 : vector<16xi32>
      %add3A_596 = arith.constant 16 : i32
      %add3A_597 = vector.broadcast %add3A_596 : i32 to vector<16xi32>
      %add3A_598 = arith.addi %xor3A_592, %add3A_597 : vector<16xi32>
      %select_n3A_599 = arith.select %lt3A_595, %add3A_598, %xor3A_592 : vector<16xi1>, vector<16xi32>
      %broadcast_in_dim3A_600 = vector.shape_cast %select_n3A_599 : vector<16xi32> to vector<16x1xi32>
      %gather3A_601 = vector.shape_cast %broadcast_in_dim3A_600 : vector<16x1xi32> to vector<16xi32>
      %gather3A_602 = tpu.dynamic_gather %min3A_589[%gather3A_601] in [0] : vector<16xf32>, vector<16xi32> -> vector<16xf32>
      %min3A_603 = arith.minimumf %min3A_589, %gather3A_602 : vector<16xf32>
      %add3A_604 = arith.addf %add3A_547, %min3A_603 : vector<16xf32>
      %xor3A_605 = arith.constant 8 : i32
      %xor3A_606 = vector.broadcast %xor3A_605 : i32 to vector<16xi32>
      %xor3A_607 = arith.xori %iota3A, %xor3A_606 : vector<16xi32>
      %lt3A_608 = arith.constant 0 : i32
      %lt3A_609 = vector.broadcast %lt3A_608 : i32 to vector<16xi32>
      %lt3A_610 = arith.cmpi slt, %xor3A_607, %lt3A_609 : vector<16xi32>
      %add3A_611 = arith.constant 16 : i32
      %add3A_612 = vector.broadcast %add3A_611 : i32 to vector<16xi32>
      %add3A_613 = arith.addi %xor3A_607, %add3A_612 : vector<16xi32>
      %select_n3A_614 = arith.select %lt3A_610, %add3A_613, %xor3A_607 : vector<16xi1>, vector<16xi32>
      %broadcast_in_dim3A_615 = vector.shape_cast %select_n3A_614 : vector<16xi32> to vector<16x1xi32>
      %gather3A_616 = vector.shape_cast %broadcast_in_dim3A_615 : vector<16x1xi32> to vector<16xi32>
      %gather3A_617 = tpu.dynamic_gather %scan3A_432#3[%gather3A_616] in [0] : vector<16xf32>, vector<16xi32> -> vector<16xf32>
      %min3A_618 = arith.minimumf %scan3A_432#3, %gather3A_617 : vector<16xf32>
      %xor3A_619 = arith.constant 4 : i32
      %xor3A_620 = vector.broadcast %xor3A_619 : i32 to vector<16xi32>
      %xor3A_621 = arith.xori %iota3A, %xor3A_620 : vector<16xi32>
      %lt3A_622 = arith.constant 0 : i32
      %lt3A_623 = vector.broadcast %lt3A_622 : i32 to vector<16xi32>
      %lt3A_624 = arith.cmpi slt, %xor3A_621, %lt3A_623 : vector<16xi32>
      %add3A_625 = arith.constant 16 : i32
      %add3A_626 = vector.broadcast %add3A_625 : i32 to vector<16xi32>
      %add3A_627 = arith.addi %xor3A_621, %add3A_626 : vector<16xi32>
      %select_n3A_628 = arith.select %lt3A_624, %add3A_627, %xor3A_621 : vector<16xi1>, vector<16xi32>
      %broadcast_in_dim3A_629 = vector.shape_cast %select_n3A_628 : vector<16xi32> to vector<16x1xi32>
      %gather3A_630 = vector.shape_cast %broadcast_in_dim3A_629 : vector<16x1xi32> to vector<16xi32>
      %gather3A_631 = tpu.dynamic_gather %min3A_618[%gather3A_630] in [0] : vector<16xf32>, vector<16xi32> -> vector<16xf32>
      %min3A_632 = arith.minimumf %min3A_618, %gather3A_631 : vector<16xf32>
      %xor3A_633 = arith.constant 2 : i32
      %xor3A_634 = vector.broadcast %xor3A_633 : i32 to vector<16xi32>
      %xor3A_635 = arith.xori %iota3A, %xor3A_634 : vector<16xi32>
      %lt3A_636 = arith.constant 0 : i32
      %lt3A_637 = vector.broadcast %lt3A_636 : i32 to vector<16xi32>
      %lt3A_638 = arith.cmpi slt, %xor3A_635, %lt3A_637 : vector<16xi32>
      %add3A_639 = arith.constant 16 : i32
      %add3A_640 = vector.broadcast %add3A_639 : i32 to vector<16xi32>
      %add3A_641 = arith.addi %xor3A_635, %add3A_640 : vector<16xi32>
      %select_n3A_642 = arith.select %lt3A_638, %add3A_641, %xor3A_635 : vector<16xi1>, vector<16xi32>
      %broadcast_in_dim3A_643 = vector.shape_cast %select_n3A_642 : vector<16xi32> to vector<16x1xi32>
      %gather3A_644 = vector.shape_cast %broadcast_in_dim3A_643 : vector<16x1xi32> to vector<16xi32>
      %gather3A_645 = tpu.dynamic_gather %min3A_632[%gather3A_644] in [0] : vector<16xf32>, vector<16xi32> -> vector<16xf32>
      %min3A_646 = arith.minimumf %min3A_632, %gather3A_645 : vector<16xf32>
      %xor3A_647 = arith.constant 1 : i32
      %xor3A_648 = vector.broadcast %xor3A_647 : i32 to vector<16xi32>
      %xor3A_649 = arith.xori %iota3A, %xor3A_648 : vector<16xi32>
      %lt3A_650 = arith.constant 0 : i32
      %lt3A_651 = vector.broadcast %lt3A_650 : i32 to vector<16xi32>
      %lt3A_652 = arith.cmpi slt, %xor3A_649, %lt3A_651 : vector<16xi32>
      %add3A_653 = arith.constant 16 : i32
      %add3A_654 = vector.broadcast %add3A_653 : i32 to vector<16xi32>
      %add3A_655 = arith.addi %xor3A_649, %add3A_654 : vector<16xi32>
      %select_n3A_656 = arith.select %lt3A_652, %add3A_655, %xor3A_649 : vector<16xi1>, vector<16xi32>
      %broadcast_in_dim3A_657 = vector.shape_cast %select_n3A_656 : vector<16xi32> to vector<16x1xi32>
      %gather3A_658 = vector.shape_cast %broadcast_in_dim3A_657 : vector<16x1xi32> to vector<16xi32>
      %gather3A_659 = tpu.dynamic_gather %min3A_646[%gather3A_658] in [0] : vector<16xf32>, vector<16xi32> -> vector<16xf32>
      %min3A_660 = arith.minimumf %min3A_646, %gather3A_659 : vector<16xf32>
      %add3A_661 = arith.addf %add3A_604, %min3A_660 : vector<16xf32>
      %slice3A_662 = vector.extract_strided_slice %get3A_93 {offsets = [8], sizes = [1], strides = [1]} : vector<16xf32> to vector<1xf32>
      %squeeze3A_663 = vector.extract %slice3A_662[0] : f32 from vector<1xf32>
      %broadcast_in_dim3A_664 = vector.broadcast %squeeze3A_663 : f32 to vector<16xf32>
      %slice3A_665 = vector.extract_strided_slice %get3A_96 {offsets = [8], sizes = [1], strides = [1]} : vector<16xf32> to vector<1xf32>
      %squeeze3A_666 = vector.extract %slice3A_665[0] : f32 from vector<1xf32>
      %broadcast_in_dim3A_667 = vector.broadcast %squeeze3A_666 : f32 to vector<16xf32>
      %slice3A_668 = vector.extract_strided_slice %get3A_99 {offsets = [8], sizes = [1], strides = [1]} : vector<16xf32> to vector<1xf32>
      %squeeze3A_669 = vector.extract %slice3A_668[0] : f32 from vector<1xf32>
      %broadcast_in_dim3A_670 = vector.broadcast %squeeze3A_669 : f32 to vector<16xf32>
      %slice3A_671 = vector.extract_strided_slice %get3A_102 {offsets = [8], sizes = [1], strides = [1]} : vector<16xf32> to vector<1xf32>
      %squeeze3A_672 = vector.extract %slice3A_671[0] : f32 from vector<1xf32>
      %broadcast_in_dim3A_673 = vector.broadcast %squeeze3A_672 : f32 to vector<16xf32>
      %slice3A_674 = vector.extract_strided_slice %get3A_93 {offsets = [9], sizes = [1], strides = [1]} : vector<16xf32> to vector<1xf32>
      %squeeze3A_675 = vector.extract %slice3A_674[0] : f32 from vector<1xf32>
      %broadcast_in_dim3A_676 = vector.broadcast %squeeze3A_675 : f32 to vector<16xf32>
      %slice3A_677 = vector.extract_strided_slice %get3A_96 {offsets = [9], sizes = [1], strides = [1]} : vector<16xf32> to vector<1xf32>
      %squeeze3A_678 = vector.extract %slice3A_677[0] : f32 from vector<1xf32>
      %broadcast_in_dim3A_679 = vector.broadcast %squeeze3A_678 : f32 to vector<16xf32>
      %slice3A_680 = vector.extract_strided_slice %get3A_99 {offsets = [9], sizes = [1], strides = [1]} : vector<16xf32> to vector<1xf32>
      %squeeze3A_681 = vector.extract %slice3A_680[0] : f32 from vector<1xf32>
      %broadcast_in_dim3A_682 = vector.broadcast %squeeze3A_681 : f32 to vector<16xf32>
      %slice3A_683 = vector.extract_strided_slice %get3A_102 {offsets = [9], sizes = [1], strides = [1]} : vector<16xf32> to vector<1xf32>
      %squeeze3A_684 = vector.extract %slice3A_683[0] : f32 from vector<1xf32>
      %broadcast_in_dim3A_685 = vector.broadcast %squeeze3A_684 : f32 to vector<16xf32>
      %slice3A_686 = vector.extract_strided_slice %get3A_93 {offsets = [10], sizes = [1], strides = [1]} : vector<16xf32> to vector<1xf32>
      %squeeze3A_687 = vector.extract %slice3A_686[0] : f32 from vector<1xf32>
      %broadcast_in_dim3A_688 = vector.broadcast %squeeze3A_687 : f32 to vector<16xf32>
      %slice3A_689 = vector.extract_strided_slice %get3A_96 {offsets = [10], sizes = [1], strides = [1]} : vector<16xf32> to vector<1xf32>
      %squeeze3A_690 = vector.extract %slice3A_689[0] : f32 from vector<1xf32>
      %broadcast_in_dim3A_691 = vector.broadcast %squeeze3A_690 : f32 to vector<16xf32>
      %slice3A_692 = vector.extract_strided_slice %get3A_99 {offsets = [10], sizes = [1], strides = [1]} : vector<16xf32> to vector<1xf32>
      %squeeze3A_693 = vector.extract %slice3A_692[0] : f32 from vector<1xf32>
      %broadcast_in_dim3A_694 = vector.broadcast %squeeze3A_693 : f32 to vector<16xf32>
      %slice3A_695 = vector.extract_strided_slice %get3A_102 {offsets = [10], sizes = [1], strides = [1]} : vector<16xf32> to vector<1xf32>
      %squeeze3A_696 = vector.extract %slice3A_695[0] : f32 from vector<1xf32>
      %broadcast_in_dim3A_697 = vector.broadcast %squeeze3A_696 : f32 to vector<16xf32>
      %slice3A_698 = vector.extract_strided_slice %get3A_93 {offsets = [11], sizes = [1], strides = [1]} : vector<16xf32> to vector<1xf32>
      %squeeze3A_699 = vector.extract %slice3A_698[0] : f32 from vector<1xf32>
      %broadcast_in_dim3A_700 = vector.broadcast %squeeze3A_699 : f32 to vector<16xf32>
      %slice3A_701 = vector.extract_strided_slice %get3A_96 {offsets = [11], sizes = [1], strides = [1]} : vector<16xf32> to vector<1xf32>
      %squeeze3A_702 = vector.extract %slice3A_701[0] : f32 from vector<1xf32>
      %broadcast_in_dim3A_703 = vector.broadcast %squeeze3A_702 : f32 to vector<16xf32>
      %slice3A_704 = vector.extract_strided_slice %get3A_99 {offsets = [11], sizes = [1], strides = [1]} : vector<16xf32> to vector<1xf32>
      %squeeze3A_705 = vector.extract %slice3A_704[0] : f32 from vector<1xf32>
      %broadcast_in_dim3A_706 = vector.broadcast %squeeze3A_705 : f32 to vector<16xf32>
      %slice3A_707 = vector.extract_strided_slice %get3A_102 {offsets = [11], sizes = [1], strides = [1]} : vector<16xf32> to vector<1xf32>
      %squeeze3A_708 = vector.extract %slice3A_707[0] : f32 from vector<1xf32>
      %broadcast_in_dim3A_709 = vector.broadcast %squeeze3A_708 : f32 to vector<16xf32>
      %scan3A_710 = arith.constant 0 : i32
      %scan3A_711 = arith.constant 64 : i32
      %scan3A_712 = arith.addi %scan3A_710, %scan3A_711 : i32
      %scan3A_713 = arith.constant 1 : i32
      %scan3A_714:4 = scf.for %scan3A_1226 = %scan3A_710 to %scan3A_712 step %scan3A_713 iter_args(%scan3A_1227 = %broadcast_in_dim3A_35, %scan3A_1228 = %broadcast_in_dim3A_35, %scan3A_1229 = %broadcast_in_dim3A_35, %scan3A_1230 = %broadcast_in_dim3A_35) -> (vector<16xf32>, vector<16xf32>, vector<16xf32>, vector<16xf32>)  : i32 {
        %mul3A_1231 = arith.constant 16 : i32
        %mul3A_1232 = arith.muli %scan3A_1226, %mul3A_1231 : i32
        %get3A_1233 = arith.index_cast %mul3A_1232 : i32 to index
        %get3A_1234 = tpu.vector_load %arg10[%get3A_1233] {strides = array<i32>} : memref<1024xf32, #tpu.memory_space<vmem>>, vector<16xf32>,
        %get3A_1235 = vector.shape_cast %get3A_1234 : vector<16xf32> to vector<16xf32>
        %get3A_1236 = arith.index_cast %mul3A_1232 : i32 to index
        %get3A_1237 = tpu.vector_load %arg11[%get3A_1236] {strides = array<i32>} : memref<1024xf32, #tpu.memory_space<vmem>>, vector<16xf32>,
        %get3A_1238 = vector.shape_cast %get3A_1237 : vector<16xf32> to vector<16xf32>
        %get3A_1239 = arith.index_cast %mul3A_1232 : i32 to index
        %get3A_1240 = tpu.vector_load %arg12[%get3A_1239] {strides = array<i32>} : memref<1024xf32, #tpu.memory_space<vmem>>, vector<16xf32>,
        %get3A_1241 = vector.shape_cast %get3A_1240 : vector<16xf32> to vector<16xf32>
        %get3A_1242 = arith.index_cast %mul3A_1232 : i32 to index
        %get3A_1243 = tpu.vector_load %arg13[%get3A_1242] {strides = array<i32>} : memref<1024xf32, #tpu.memory_space<vmem>>, vector<16xf32>,
        %get3A_1244 = vector.shape_cast %get3A_1243 : vector<16xf32> to vector<16xf32>
        %get3A_1245 = arith.index_cast %mul3A_1232 : i32 to index
        %get3A_1246 = tpu.vector_load %arg14[%get3A_1245] {strides = array<i32>} : memref<1024xf32, #tpu.memory_space<vmem>>, vector<16xf32>,
        %get3A_1247 = vector.shape_cast %get3A_1246 : vector<16xf32> to vector<16xf32>
        %add3A_1248 = arith.addf %get3A_1244, %broadcast_in_dim3A_673 : vector<16xf32>
        %mul3A_1249 = arith.mulf %broadcast_in_dim3A_664, %get3A_1235 : vector<16xf32>
        %add3A_1250 = arith.addf %add3A_1248, %mul3A_1249 : vector<16xf32>
        %mul3A_1251 = arith.mulf %broadcast_in_dim3A_667, %get3A_1238 : vector<16xf32>
        %add3A_1252 = arith.addf %add3A_1250, %mul3A_1251 : vector<16xf32>
        %mul3A_1253 = arith.mulf %broadcast_in_dim3A_670, %get3A_1241 : vector<16xf32>
        %add3A_1254 = arith.addf %add3A_1252, %mul3A_1253 : vector<16xf32>
        %min3A_1255 = arith.minimumf %scan3A_1227, %add3A_1254 : vector<16xf32>
        %min3A_1256 = arith.minimumf %get3A_1247, %add3A_1254 : vector<16xf32>
        %add3A_1257 = arith.addf %get3A_1244, %broadcast_in_dim3A_685 : vector<16xf32>
        %mul3A_1258 = arith.mulf %broadcast_in_dim3A_676, %get3A_1235 : vector<16xf32>
        %add3A_1259 = arith.addf %add3A_1257, %mul3A_1258 : vector<16xf32>
        %mul3A_1260 = arith.mulf %broadcast_in_dim3A_679, %get3A_1238 : vector<16xf32>
        %add3A_1261 = arith.addf %add3A_1259, %mul3A_1260 : vector<16xf32>
        %mul3A_1262 = arith.mulf %broadcast_in_dim3A_682, %get3A_1241 : vector<16xf32>
        %add3A_1263 = arith.addf %add3A_1261, %mul3A_1262 : vector<16xf32>
        %min3A_1264 = arith.minimumf %scan3A_1228, %add3A_1263 : vector<16xf32>
        %min3A_1265 = arith.minimumf %min3A_1256, %add3A_1263 : vector<16xf32>
        %add3A_1266 = arith.addf %get3A_1244, %broadcast_in_dim3A_697 : vector<16xf32>
        %mul3A_1267 = arith.mulf %broadcast_in_dim3A_688, %get3A_1235 : vector<16xf32>
        %add3A_1268 = arith.addf %add3A_1266, %mul3A_1267 : vector<16xf32>
        %mul3A_1269 = arith.mulf %broadcast_in_dim3A_691, %get3A_1238 : vector<16xf32>
        %add3A_1270 = arith.addf %add3A_1268, %mul3A_1269 : vector<16xf32>
        %mul3A_1271 = arith.mulf %broadcast_in_dim3A_694, %get3A_1241 : vector<16xf32>
        %add3A_1272 = arith.addf %add3A_1270, %mul3A_1271 : vector<16xf32>
        %min3A_1273 = arith.minimumf %scan3A_1229, %add3A_1272 : vector<16xf32>
        %min3A_1274 = arith.minimumf %min3A_1265, %add3A_1272 : vector<16xf32>
        %add3A_1275 = arith.addf %get3A_1244, %broadcast_in_dim3A_709 : vector<16xf32>
        %mul3A_1276 = arith.mulf %broadcast_in_dim3A_700, %get3A_1235 : vector<16xf32>
        %add3A_1277 = arith.addf %add3A_1275, %mul3A_1276 : vector<16xf32>
        %mul3A_1278 = arith.mulf %broadcast_in_dim3A_703, %get3A_1238 : vector<16xf32>
        %add3A_1279 = arith.addf %add3A_1277, %mul3A_1278 : vector<16xf32>
        %mul3A_1280 = arith.mulf %broadcast_in_dim3A_706, %get3A_1241 : vector<16xf32>
        %add3A_1281 = arith.addf %add3A_1279, %mul3A_1280 : vector<16xf32>
        %min3A_1282 = arith.minimumf %scan3A_1230, %add3A_1281 : vector<16xf32>
        %min3A_1283 = arith.minimumf %min3A_1274, %add3A_1281 : vector<16xf32>
        %swap3A_1284 = arith.index_cast %mul3A_1232 : i32 to index
        %swap3A_1285 = tpu.vector_load %arg14[%swap3A_1284] {strides = array<i32>} : memref<1024xf32, #tpu.memory_space<vmem>>, vector<16xf32>,
        %swap3A_1286 = vector.shape_cast %swap3A_1285 : vector<16xf32> to vector<16xf32>
        %swap3A_1287 = vector.shape_cast %min3A_1283 : vector<16xf32> to vector<16xf32>
        tpu.vector_store %arg14[%swap3A_1284], %swap3A_1287 {strides = array<i32>} : memref<1024xf32, #tpu.memory_space<vmem>>, vector<16xf32>,
        scf.yield %min3A_1255, %min3A_1264, %min3A_1273, %min3A_1282 : vector<16xf32>, vector<16xf32>, vector<16xf32>, vector<16xf32>
      }
      %scan3A_715 = arith.constant 64 : i32
      %xor3A_716 = arith.constant 8 : i32
      %xor3A_717 = vector.broadcast %xor3A_716 : i32 to vector<16xi32>
      %xor3A_718 = arith.xori %iota3A, %xor3A_717 : vector<16xi32>
      %lt3A_719 = arith.constant 0 : i32
      %lt3A_720 = vector.broadcast %lt3A_719 : i32 to vector<16xi32>
      %lt3A_721 = arith.cmpi slt, %xor3A_718, %lt3A_720 : vector<16xi32>
      %add3A_722 = arith.constant 16 : i32
      %add3A_723 = vector.broadcast %add3A_722 : i32 to vector<16xi32>
      %add3A_724 = arith.addi %xor3A_718, %add3A_723 : vector<16xi32>
      %select_n3A_725 = arith.select %lt3A_721, %add3A_724, %xor3A_718 : vector<16xi1>, vector<16xi32>
      %broadcast_in_dim3A_726 = vector.shape_cast %select_n3A_725 : vector<16xi32> to vector<16x1xi32>
      %gather3A_727 = vector.shape_cast %broadcast_in_dim3A_726 : vector<16x1xi32> to vector<16xi32>
      %gather3A_728 = tpu.dynamic_gather %scan3A_714#0[%gather3A_727] in [0] : vector<16xf32>, vector<16xi32> -> vector<16xf32>
      %min3A_729 = arith.minimumf %scan3A_714#0, %gather3A_728 : vector<16xf32>
      %xor3A_730 = arith.constant 4 : i32
      %xor3A_731 = vector.broadcast %xor3A_730 : i32 to vector<16xi32>
      %xor3A_732 = arith.xori %iota3A, %xor3A_731 : vector<16xi32>
      %lt3A_733 = arith.constant 0 : i32
      %lt3A_734 = vector.broadcast %lt3A_733 : i32 to vector<16xi32>
      %lt3A_735 = arith.cmpi slt, %xor3A_732, %lt3A_734 : vector<16xi32>
      %add3A_736 = arith.constant 16 : i32
      %add3A_737 = vector.broadcast %add3A_736 : i32 to vector<16xi32>
      %add3A_738 = arith.addi %xor3A_732, %add3A_737 : vector<16xi32>
      %select_n3A_739 = arith.select %lt3A_735, %add3A_738, %xor3A_732 : vector<16xi1>, vector<16xi32>
      %broadcast_in_dim3A_740 = vector.shape_cast %select_n3A_739 : vector<16xi32> to vector<16x1xi32>
      %gather3A_741 = vector.shape_cast %broadcast_in_dim3A_740 : vector<16x1xi32> to vector<16xi32>
      %gather3A_742 = tpu.dynamic_gather %min3A_729[%gather3A_741] in [0] : vector<16xf32>, vector<16xi32> -> vector<16xf32>
      %min3A_743 = arith.minimumf %min3A_729, %gather3A_742 : vector<16xf32>
      %xor3A_744 = arith.constant 2 : i32
      %xor3A_745 = vector.broadcast %xor3A_744 : i32 to vector<16xi32>
      %xor3A_746 = arith.xori %iota3A, %xor3A_745 : vector<16xi32>
      %lt3A_747 = arith.constant 0 : i32
      %lt3A_748 = vector.broadcast %lt3A_747 : i32 to vector<16xi32>
      %lt3A_749 = arith.cmpi slt, %xor3A_746, %lt3A_748 : vector<16xi32>
      %add3A_750 = arith.constant 16 : i32
      %add3A_751 = vector.broadcast %add3A_750 : i32 to vector<16xi32>
      %add3A_752 = arith.addi %xor3A_746, %add3A_751 : vector<16xi32>
      %select_n3A_753 = arith.select %lt3A_749, %add3A_752, %xor3A_746 : vector<16xi1>, vector<16xi32>
      %broadcast_in_dim3A_754 = vector.shape_cast %select_n3A_753 : vector<16xi32> to vector<16x1xi32>
      %gather3A_755 = vector.shape_cast %broadcast_in_dim3A_754 : vector<16x1xi32> to vector<16xi32>
      %gather3A_756 = tpu.dynamic_gather %min3A_743[%gather3A_755] in [0] : vector<16xf32>, vector<16xi32> -> vector<16xf32>
      %min3A_757 = arith.minimumf %min3A_743, %gather3A_756 : vector<16xf32>
      %xor3A_758 = arith.constant 1 : i32
      %xor3A_759 = vector.broadcast %xor3A_758 : i32 to vector<16xi32>
      %xor3A_760 = arith.xori %iota3A, %xor3A_759 : vector<16xi32>
      %lt3A_761 = arith.constant 0 : i32
      %lt3A_762 = vector.broadcast %lt3A_761 : i32 to vector<16xi32>
      %lt3A_763 = arith.cmpi slt, %xor3A_760, %lt3A_762 : vector<16xi32>
      %add3A_764 = arith.constant 16 : i32
      %add3A_765 = vector.broadcast %add3A_764 : i32 to vector<16xi32>
      %add3A_766 = arith.addi %xor3A_760, %add3A_765 : vector<16xi32>
      %select_n3A_767 = arith.select %lt3A_763, %add3A_766, %xor3A_760 : vector<16xi1>, vector<16xi32>
      %broadcast_in_dim3A_768 = vector.shape_cast %select_n3A_767 : vector<16xi32> to vector<16x1xi32>
      %gather3A_769 = vector.shape_cast %broadcast_in_dim3A_768 : vector<16x1xi32> to vector<16xi32>
      %gather3A_770 = tpu.dynamic_gather %min3A_757[%gather3A_769] in [0] : vector<16xf32>, vector<16xi32> -> vector<16xf32>
      %min3A_771 = arith.minimumf %min3A_757, %gather3A_770 : vector<16xf32>
      %add3A_772 = arith.addf %add3A_661, %min3A_771 : vector<16xf32>
      %xor3A_773 = arith.constant 8 : i32
      %xor3A_774 = vector.broadcast %xor3A_773 : i32 to vector<16xi32>
      %xor3A_775 = arith.xori %iota3A, %xor3A_774 : vector<16xi32>
      %lt3A_776 = arith.constant 0 : i32
      %lt3A_777 = vector.broadcast %lt3A_776 : i32 to vector<16xi32>
      %lt3A_778 = arith.cmpi slt, %xor3A_775, %lt3A_777 : vector<16xi32>
      %add3A_779 = arith.constant 16 : i32
      %add3A_780 = vector.broadcast %add3A_779 : i32 to vector<16xi32>
      %add3A_781 = arith.addi %xor3A_775, %add3A_780 : vector<16xi32>
      %select_n3A_782 = arith.select %lt3A_778, %add3A_781, %xor3A_775 : vector<16xi1>, vector<16xi32>
      %broadcast_in_dim3A_783 = vector.shape_cast %select_n3A_782 : vector<16xi32> to vector<16x1xi32>
      %gather3A_784 = vector.shape_cast %broadcast_in_dim3A_783 : vector<16x1xi32> to vector<16xi32>
      %gather3A_785 = tpu.dynamic_gather %scan3A_714#1[%gather3A_784] in [0] : vector<16xf32>, vector<16xi32> -> vector<16xf32>
      %min3A_786 = arith.minimumf %scan3A_714#1, %gather3A_785 : vector<16xf32>
      %xor3A_787 = arith.constant 4 : i32
      %xor3A_788 = vector.broadcast %xor3A_787 : i32 to vector<16xi32>
      %xor3A_789 = arith.xori %iota3A, %xor3A_788 : vector<16xi32>
      %lt3A_790 = arith.constant 0 : i32
      %lt3A_791 = vector.broadcast %lt3A_790 : i32 to vector<16xi32>
      %lt3A_792 = arith.cmpi slt, %xor3A_789, %lt3A_791 : vector<16xi32>
      %add3A_793 = arith.constant 16 : i32
      %add3A_794 = vector.broadcast %add3A_793 : i32 to vector<16xi32>
      %add3A_795 = arith.addi %xor3A_789, %add3A_794 : vector<16xi32>
      %select_n3A_796 = arith.select %lt3A_792, %add3A_795, %xor3A_789 : vector<16xi1>, vector<16xi32>
      %broadcast_in_dim3A_797 = vector.shape_cast %select_n3A_796 : vector<16xi32> to vector<16x1xi32>
      %gather3A_798 = vector.shape_cast %broadcast_in_dim3A_797 : vector<16x1xi32> to vector<16xi32>
      %gather3A_799 = tpu.dynamic_gather %min3A_786[%gather3A_798] in [0] : vector<16xf32>, vector<16xi32> -> vector<16xf32>
      %min3A_800 = arith.minimumf %min3A_786, %gather3A_799 : vector<16xf32>
      %xor3A_801 = arith.constant 2 : i32
      %xor3A_802 = vector.broadcast %xor3A_801 : i32 to vector<16xi32>
      %xor3A_803 = arith.xori %iota3A, %xor3A_802 : vector<16xi32>
      %lt3A_804 = arith.constant 0 : i32
      %lt3A_805 = vector.broadcast %lt3A_804 : i32 to vector<16xi32>
      %lt3A_806 = arith.cmpi slt, %xor3A_803, %lt3A_805 : vector<16xi32>
      %add3A_807 = arith.constant 16 : i32
      %add3A_808 = vector.broadcast %add3A_807 : i32 to vector<16xi32>
      %add3A_809 = arith.addi %xor3A_803, %add3A_808 : vector<16xi32>
      %select_n3A_810 = arith.select %lt3A_806, %add3A_809, %xor3A_803 : vector<16xi1>, vector<16xi32>
      %broadcast_in_dim3A_811 = vector.shape_cast %select_n3A_810 : vector<16xi32> to vector<16x1xi32>
      %gather3A_812 = vector.shape_cast %broadcast_in_dim3A_811 : vector<16x1xi32> to vector<16xi32>
      %gather3A_813 = tpu.dynamic_gather %min3A_800[%gather3A_812] in [0] : vector<16xf32>, vector<16xi32> -> vector<16xf32>
      %min3A_814 = arith.minimumf %min3A_800, %gather3A_813 : vector<16xf32>
      %xor3A_815 = arith.constant 1 : i32
      %xor3A_816 = vector.broadcast %xor3A_815 : i32 to vector<16xi32>
      %xor3A_817 = arith.xori %iota3A, %xor3A_816 : vector<16xi32>
      %lt3A_818 = arith.constant 0 : i32
      %lt3A_819 = vector.broadcast %lt3A_818 : i32 to vector<16xi32>
      %lt3A_820 = arith.cmpi slt, %xor3A_817, %lt3A_819 : vector<16xi32>
      %add3A_821 = arith.constant 16 : i32
      %add3A_822 = vector.broadcast %add3A_821 : i32 to vector<16xi32>
      %add3A_823 = arith.addi %xor3A_817, %add3A_822 : vector<16xi32>
      %select_n3A_824 = arith.select %lt3A_820, %add3A_823, %xor3A_817 : vector<16xi1>, vector<16xi32>
      %broadcast_in_dim3A_825 = vector.shape_cast %select_n3A_824 : vector<16xi32> to vector<16x1xi32>
      %gather3A_826 = vector.shape_cast %broadcast_in_dim3A_825 : vector<16x1xi32> to vector<16xi32>
      %gather3A_827 = tpu.dynamic_gather %min3A_814[%gather3A_826] in [0] : vector<16xf32>, vector<16xi32> -> vector<16xf32>
      %min3A_828 = arith.minimumf %min3A_814, %gather3A_827 : vector<16xf32>
      %add3A_829 = arith.addf %add3A_772, %min3A_828 : vector<16xf32>
      %xor3A_830 = arith.constant 8 : i32
      %xor3A_831 = vector.broadcast %xor3A_830 : i32 to vector<16xi32>
      %xor3A_832 = arith.xori %iota3A, %xor3A_831 : vector<16xi32>
      %lt3A_833 = arith.constant 0 : i32
      %lt3A_834 = vector.broadcast %lt3A_833 : i32 to vector<16xi32>
      %lt3A_835 = arith.cmpi slt, %xor3A_832, %lt3A_834 : vector<16xi32>
      %add3A_836 = arith.constant 16 : i32
      %add3A_837 = vector.broadcast %add3A_836 : i32 to vector<16xi32>
      %add3A_838 = arith.addi %xor3A_832, %add3A_837 : vector<16xi32>
      %select_n3A_839 = arith.select %lt3A_835, %add3A_838, %xor3A_832 : vector<16xi1>, vector<16xi32>
      %broadcast_in_dim3A_840 = vector.shape_cast %select_n3A_839 : vector<16xi32> to vector<16x1xi32>
      %gather3A_841 = vector.shape_cast %broadcast_in_dim3A_840 : vector<16x1xi32> to vector<16xi32>
      %gather3A_842 = tpu.dynamic_gather %scan3A_714#2[%gather3A_841] in [0] : vector<16xf32>, vector<16xi32> -> vector<16xf32>
      %min3A_843 = arith.minimumf %scan3A_714#2, %gather3A_842 : vector<16xf32>
      %xor3A_844 = arith.constant 4 : i32
      %xor3A_845 = vector.broadcast %xor3A_844 : i32 to vector<16xi32>
      %xor3A_846 = arith.xori %iota3A, %xor3A_845 : vector<16xi32>
      %lt3A_847 = arith.constant 0 : i32
      %lt3A_848 = vector.broadcast %lt3A_847 : i32 to vector<16xi32>
      %lt3A_849 = arith.cmpi slt, %xor3A_846, %lt3A_848 : vector<16xi32>
      %add3A_850 = arith.constant 16 : i32
      %add3A_851 = vector.broadcast %add3A_850 : i32 to vector<16xi32>
      %add3A_852 = arith.addi %xor3A_846, %add3A_851 : vector<16xi32>
      %select_n3A_853 = arith.select %lt3A_849, %add3A_852, %xor3A_846 : vector<16xi1>, vector<16xi32>
      %broadcast_in_dim3A_854 = vector.shape_cast %select_n3A_853 : vector<16xi32> to vector<16x1xi32>
      %gather3A_855 = vector.shape_cast %broadcast_in_dim3A_854 : vector<16x1xi32> to vector<16xi32>
      %gather3A_856 = tpu.dynamic_gather %min3A_843[%gather3A_855] in [0] : vector<16xf32>, vector<16xi32> -> vector<16xf32>
      %min3A_857 = arith.minimumf %min3A_843, %gather3A_856 : vector<16xf32>
      %xor3A_858 = arith.constant 2 : i32
      %xor3A_859 = vector.broadcast %xor3A_858 : i32 to vector<16xi32>
      %xor3A_860 = arith.xori %iota3A, %xor3A_859 : vector<16xi32>
      %lt3A_861 = arith.constant 0 : i32
      %lt3A_862 = vector.broadcast %lt3A_861 : i32 to vector<16xi32>
      %lt3A_863 = arith.cmpi slt, %xor3A_860, %lt3A_862 : vector<16xi32>
      %add3A_864 = arith.constant 16 : i32
      %add3A_865 = vector.broadcast %add3A_864 : i32 to vector<16xi32>
      %add3A_866 = arith.addi %xor3A_860, %add3A_865 : vector<16xi32>
      %select_n3A_867 = arith.select %lt3A_863, %add3A_866, %xor3A_860 : vector<16xi1>, vector<16xi32>
      %broadcast_in_dim3A_868 = vector.shape_cast %select_n3A_867 : vector<16xi32> to vector<16x1xi32>
      %gather3A_869 = vector.shape_cast %broadcast_in_dim3A_868 : vector<16x1xi32> to vector<16xi32>
      %gather3A_870 = tpu.dynamic_gather %min3A_857[%gather3A_869] in [0] : vector<16xf32>, vector<16xi32> -> vector<16xf32>
      %min3A_871 = arith.minimumf %min3A_857, %gather3A_870 : vector<16xf32>
      %xor3A_872 = arith.constant 1 : i32
      %xor3A_873 = vector.broadcast %xor3A_872 : i32 to vector<16xi32>
      %xor3A_874 = arith.xori %iota3A, %xor3A_873 : vector<16xi32>
      %lt3A_875 = arith.constant 0 : i32
      %lt3A_876 = vector.broadcast %lt3A_875 : i32 to vector<16xi32>
      %lt3A_877 = arith.cmpi slt, %xor3A_874, %lt3A_876 : vector<16xi32>
      %add3A_878 = arith.constant 16 : i32
      %add3A_879 = vector.broadcast %add3A_878 : i32 to vector<16xi32>
      %add3A_880 = arith.addi %xor3A_874, %add3A_879 : vector<16xi32>
      %select_n3A_881 = arith.select %lt3A_877, %add3A_880, %xor3A_874 : vector<16xi1>, vector<16xi32>
      %broadcast_in_dim3A_882 = vector.shape_cast %select_n3A_881 : vector<16xi32> to vector<16x1xi32>
      %gather3A_883 = vector.shape_cast %broadcast_in_dim3A_882 : vector<16x1xi32> to vector<16xi32>
      %gather3A_884 = tpu.dynamic_gather %min3A_871[%gather3A_883] in [0] : vector<16xf32>, vector<16xi32> -> vector<16xf32>
      %min3A_885 = arith.minimumf %min3A_871, %gather3A_884 : vector<16xf32>
      %add3A_886 = arith.addf %add3A_829, %min3A_885 : vector<16xf32>
      %xor3A_887 = arith.constant 8 : i32
      %xor3A_888 = vector.broadcast %xor3A_887 : i32 to vector<16xi32>
      %xor3A_889 = arith.xori %iota3A, %xor3A_888 : vector<16xi32>
      %lt3A_890 = arith.constant 0 : i32
      %lt3A_891 = vector.broadcast %lt3A_890 : i32 to vector<16xi32>
      %lt3A_892 = arith.cmpi slt, %xor3A_889, %lt3A_891 : vector<16xi32>
      %add3A_893 = arith.constant 16 : i32
      %add3A_894 = vector.broadcast %add3A_893 : i32 to vector<16xi32>
      %add3A_895 = arith.addi %xor3A_889, %add3A_894 : vector<16xi32>
      %select_n3A_896 = arith.select %lt3A_892, %add3A_895, %xor3A_889 : vector<16xi1>, vector<16xi32>
      %broadcast_in_dim3A_897 = vector.shape_cast %select_n3A_896 : vector<16xi32> to vector<16x1xi32>
      %gather3A_898 = vector.shape_cast %broadcast_in_dim3A_897 : vector<16x1xi32> to vector<16xi32>
      %gather3A_899 = tpu.dynamic_gather %scan3A_714#3[%gather3A_898] in [0] : vector<16xf32>, vector<16xi32> -> vector<16xf32>
      %min3A_900 = arith.minimumf %scan3A_714#3, %gather3A_899 : vector<16xf32>
      %xor3A_901 = arith.constant 4 : i32
      %xor3A_902 = vector.broadcast %xor3A_901 : i32 to vector<16xi32>
      %xor3A_903 = arith.xori %iota3A, %xor3A_902 : vector<16xi32>
      %lt3A_904 = arith.constant 0 : i32
      %lt3A_905 = vector.broadcast %lt3A_904 : i32 to vector<16xi32>
      %lt3A_906 = arith.cmpi slt, %xor3A_903, %lt3A_905 : vector<16xi32>
      %add3A_907 = arith.constant 16 : i32
      %add3A_908 = vector.broadcast %add3A_907 : i32 to vector<16xi32>
      %add3A_909 = arith.addi %xor3A_903, %add3A_908 : vector<16xi32>
      %select_n3A_910 = arith.select %lt3A_906, %add3A_909, %xor3A_903 : vector<16xi1>, vector<16xi32>
      %broadcast_in_dim3A_911 = vector.shape_cast %select_n3A_910 : vector<16xi32> to vector<16x1xi32>
      %gather3A_912 = vector.shape_cast %broadcast_in_dim3A_911 : vector<16x1xi32> to vector<16xi32>
      %gather3A_913 = tpu.dynamic_gather %min3A_900[%gather3A_912] in [0] : vector<16xf32>, vector<16xi32> -> vector<16xf32>
      %min3A_914 = arith.minimumf %min3A_900, %gather3A_913 : vector<16xf32>
      %xor3A_915 = arith.constant 2 : i32
      %xor3A_916 = vector.broadcast %xor3A_915 : i32 to vector<16xi32>
      %xor3A_917 = arith.xori %iota3A, %xor3A_916 : vector<16xi32>
      %lt3A_918 = arith.constant 0 : i32
      %lt3A_919 = vector.broadcast %lt3A_918 : i32 to vector<16xi32>
      %lt3A_920 = arith.cmpi slt, %xor3A_917, %lt3A_919 : vector<16xi32>
      %add3A_921 = arith.constant 16 : i32
      %add3A_922 = vector.broadcast %add3A_921 : i32 to vector<16xi32>
      %add3A_923 = arith.addi %xor3A_917, %add3A_922 : vector<16xi32>
      %select_n3A_924 = arith.select %lt3A_920, %add3A_923, %xor3A_917 : vector<16xi1>, vector<16xi32>
      %broadcast_in_dim3A_925 = vector.shape_cast %select_n3A_924 : vector<16xi32> to vector<16x1xi32>
      %gather3A_926 = vector.shape_cast %broadcast_in_dim3A_925 : vector<16x1xi32> to vector<16xi32>
      %gather3A_927 = tpu.dynamic_gather %min3A_914[%gather3A_926] in [0] : vector<16xf32>, vector<16xi32> -> vector<16xf32>
      %min3A_928 = arith.minimumf %min3A_914, %gather3A_927 : vector<16xf32>
      %xor3A_929 = arith.constant 1 : i32
      %xor3A_930 = vector.broadcast %xor3A_929 : i32 to vector<16xi32>
      %xor3A_931 = arith.xori %iota3A, %xor3A_930 : vector<16xi32>
      %lt3A_932 = arith.constant 0 : i32
      %lt3A_933 = vector.broadcast %lt3A_932 : i32 to vector<16xi32>
      %lt3A_934 = arith.cmpi slt, %xor3A_931, %lt3A_933 : vector<16xi32>
      %add3A_935 = arith.constant 16 : i32
      %add3A_936 = vector.broadcast %add3A_935 : i32 to vector<16xi32>
      %add3A_937 = arith.addi %xor3A_931, %add3A_936 : vector<16xi32>
      %select_n3A_938 = arith.select %lt3A_934, %add3A_937, %xor3A_931 : vector<16xi1>, vector<16xi32>
      %broadcast_in_dim3A_939 = vector.shape_cast %select_n3A_938 : vector<16xi32> to vector<16x1xi32>
      %gather3A_940 = vector.shape_cast %broadcast_in_dim3A_939 : vector<16x1xi32> to vector<16xi32>
      %gather3A_941 = tpu.dynamic_gather %min3A_928[%gather3A_940] in [0] : vector<16xf32>, vector<16xi32> -> vector<16xf32>
      %min3A_942 = arith.minimumf %min3A_928, %gather3A_941 : vector<16xf32>
      %add3A_943 = arith.addf %add3A_886, %min3A_942 : vector<16xf32>
      %slice3A_944 = vector.extract_strided_slice %get3A_93 {offsets = [12], sizes = [1], strides = [1]} : vector<16xf32> to vector<1xf32>
      %squeeze3A_945 = vector.extract %slice3A_944[0] : f32 from vector<1xf32>
      %broadcast_in_dim3A_946 = vector.broadcast %squeeze3A_945 : f32 to vector<16xf32>
      %slice3A_947 = vector.extract_strided_slice %get3A_96 {offsets = [12], sizes = [1], strides = [1]} : vector<16xf32> to vector<1xf32>
      %squeeze3A_948 = vector.extract %slice3A_947[0] : f32 from vector<1xf32>
      %broadcast_in_dim3A_949 = vector.broadcast %squeeze3A_948 : f32 to vector<16xf32>
      %slice3A_950 = vector.extract_strided_slice %get3A_99 {offsets = [12], sizes = [1], strides = [1]} : vector<16xf32> to vector<1xf32>
      %squeeze3A_951 = vector.extract %slice3A_950[0] : f32 from vector<1xf32>
      %broadcast_in_dim3A_952 = vector.broadcast %squeeze3A_951 : f32 to vector<16xf32>
      %slice3A_953 = vector.extract_strided_slice %get3A_102 {offsets = [12], sizes = [1], strides = [1]} : vector<16xf32> to vector<1xf32>
      %squeeze3A_954 = vector.extract %slice3A_953[0] : f32 from vector<1xf32>
      %broadcast_in_dim3A_955 = vector.broadcast %squeeze3A_954 : f32 to vector<16xf32>
      %slice3A_956 = vector.extract_strided_slice %get3A_93 {offsets = [13], sizes = [1], strides = [1]} : vector<16xf32> to vector<1xf32>
      %squeeze3A_957 = vector.extract %slice3A_956[0] : f32 from vector<1xf32>
      %broadcast_in_dim3A_958 = vector.broadcast %squeeze3A_957 : f32 to vector<16xf32>
      %slice3A_959 = vector.extract_strided_slice %get3A_96 {offsets = [13], sizes = [1], strides = [1]} : vector<16xf32> to vector<1xf32>
      %squeeze3A_960 = vector.extract %slice3A_959[0] : f32 from vector<1xf32>
      %broadcast_in_dim3A_961 = vector.broadcast %squeeze3A_960 : f32 to vector<16xf32>
      %slice3A_962 = vector.extract_strided_slice %get3A_99 {offsets = [13], sizes = [1], strides = [1]} : vector<16xf32> to vector<1xf32>
      %squeeze3A_963 = vector.extract %slice3A_962[0] : f32 from vector<1xf32>
      %broadcast_in_dim3A_964 = vector.broadcast %squeeze3A_963 : f32 to vector<16xf32>
      %slice3A_965 = vector.extract_strided_slice %get3A_102 {offsets = [13], sizes = [1], strides = [1]} : vector<16xf32> to vector<1xf32>
      %squeeze3A_966 = vector.extract %slice3A_965[0] : f32 from vector<1xf32>
      %broadcast_in_dim3A_967 = vector.broadcast %squeeze3A_966 : f32 to vector<16xf32>
      %slice3A_968 = vector.extract_strided_slice %get3A_93 {offsets = [14], sizes = [1], strides = [1]} : vector<16xf32> to vector<1xf32>
      %squeeze3A_969 = vector.extract %slice3A_968[0] : f32 from vector<1xf32>
      %broadcast_in_dim3A_970 = vector.broadcast %squeeze3A_969 : f32 to vector<16xf32>
      %slice3A_971 = vector.extract_strided_slice %get3A_96 {offsets = [14], sizes = [1], strides = [1]} : vector<16xf32> to vector<1xf32>
      %squeeze3A_972 = vector.extract %slice3A_971[0] : f32 from vector<1xf32>
      %broadcast_in_dim3A_973 = vector.broadcast %squeeze3A_972 : f32 to vector<16xf32>
      %slice3A_974 = vector.extract_strided_slice %get3A_99 {offsets = [14], sizes = [1], strides = [1]} : vector<16xf32> to vector<1xf32>
      %squeeze3A_975 = vector.extract %slice3A_974[0] : f32 from vector<1xf32>
      %broadcast_in_dim3A_976 = vector.broadcast %squeeze3A_975 : f32 to vector<16xf32>
      %slice3A_977 = vector.extract_strided_slice %get3A_102 {offsets = [14], sizes = [1], strides = [1]} : vector<16xf32> to vector<1xf32>
      %squeeze3A_978 = vector.extract %slice3A_977[0] : f32 from vector<1xf32>
      %broadcast_in_dim3A_979 = vector.broadcast %squeeze3A_978 : f32 to vector<16xf32>
      %slice3A_980 = vector.extract_strided_slice %get3A_93 {offsets = [15], sizes = [1], strides = [1]} : vector<16xf32> to vector<1xf32>
      %squeeze3A_981 = vector.extract %slice3A_980[0] : f32 from vector<1xf32>
      %broadcast_in_dim3A_982 = vector.broadcast %squeeze3A_981 : f32 to vector<16xf32>
      %slice3A_983 = vector.extract_strided_slice %get3A_96 {offsets = [15], sizes = [1], strides = [1]} : vector<16xf32> to vector<1xf32>
      %squeeze3A_984 = vector.extract %slice3A_983[0] : f32 from vector<1xf32>
      %broadcast_in_dim3A_985 = vector.broadcast %squeeze3A_984 : f32 to vector<16xf32>
      %slice3A_986 = vector.extract_strided_slice %get3A_99 {offsets = [15], sizes = [1], strides = [1]} : vector<16xf32> to vector<1xf32>
      %squeeze3A_987 = vector.extract %slice3A_986[0] : f32 from vector<1xf32>
      %broadcast_in_dim3A_988 = vector.broadcast %squeeze3A_987 : f32 to vector<16xf32>
      %slice3A_989 = vector.extract_strided_slice %get3A_102 {offsets = [15], sizes = [1], strides = [1]} : vector<16xf32> to vector<1xf32>
      %squeeze3A_990 = vector.extract %slice3A_989[0] : f32 from vector<1xf32>
      %broadcast_in_dim3A_991 = vector.broadcast %squeeze3A_990 : f32 to vector<16xf32>
      %scan3A_992 = arith.constant 0 : i32
      %scan3A_993 = arith.constant 64 : i32
      %scan3A_994 = arith.addi %scan3A_992, %scan3A_993 : i32
      %scan3A_995 = arith.constant 1 : i32
      %scan3A_996:4 = scf.for %scan3A_1226 = %scan3A_992 to %scan3A_994 step %scan3A_995 iter_args(%scan3A_1227 = %broadcast_in_dim3A_35, %scan3A_1228 = %broadcast_in_dim3A_35, %scan3A_1229 = %broadcast_in_dim3A_35, %scan3A_1230 = %broadcast_in_dim3A_35) -> (vector<16xf32>, vector<16xf32>, vector<16xf32>, vector<16xf32>)  : i32 {
        %mul3A_1231 = arith.constant 16 : i32
        %mul3A_1232 = arith.muli %scan3A_1226, %mul3A_1231 : i32
        %get3A_1233 = arith.index_cast %mul3A_1232 : i32 to index
        %get3A_1234 = tpu.vector_load %arg10[%get3A_1233] {strides = array<i32>} : memref<1024xf32, #tpu.memory_space<vmem>>, vector<16xf32>,
        %get3A_1235 = vector.shape_cast %get3A_1234 : vector<16xf32> to vector<16xf32>
        %get3A_1236 = arith.index_cast %mul3A_1232 : i32 to index
        %get3A_1237 = tpu.vector_load %arg11[%get3A_1236] {strides = array<i32>} : memref<1024xf32, #tpu.memory_space<vmem>>, vector<16xf32>,
        %get3A_1238 = vector.shape_cast %get3A_1237 : vector<16xf32> to vector<16xf32>
        %get3A_1239 = arith.index_cast %mul3A_1232 : i32 to index
        %get3A_1240 = tpu.vector_load %arg12[%get3A_1239] {strides = array<i32>} : memref<1024xf32, #tpu.memory_space<vmem>>, vector<16xf32>,
        %get3A_1241 = vector.shape_cast %get3A_1240 : vector<16xf32> to vector<16xf32>
        %get3A_1242 = arith.index_cast %mul3A_1232 : i32 to index
        %get3A_1243 = tpu.vector_load %arg13[%get3A_1242] {strides = array<i32>} : memref<1024xf32, #tpu.memory_space<vmem>>, vector<16xf32>,
        %get3A_1244 = vector.shape_cast %get3A_1243 : vector<16xf32> to vector<16xf32>
        %get3A_1245 = arith.index_cast %mul3A_1232 : i32 to index
        %get3A_1246 = tpu.vector_load %arg14[%get3A_1245] {strides = array<i32>} : memref<1024xf32, #tpu.memory_space<vmem>>, vector<16xf32>,
        %get3A_1247 = vector.shape_cast %get3A_1246 : vector<16xf32> to vector<16xf32>
        %add3A_1248 = arith.addf %get3A_1244, %broadcast_in_dim3A_955 : vector<16xf32>
        %mul3A_1249 = arith.mulf %broadcast_in_dim3A_946, %get3A_1235 : vector<16xf32>
        %add3A_1250 = arith.addf %add3A_1248, %mul3A_1249 : vector<16xf32>
        %mul3A_1251 = arith.mulf %broadcast_in_dim3A_949, %get3A_1238 : vector<16xf32>
        %add3A_1252 = arith.addf %add3A_1250, %mul3A_1251 : vector<16xf32>
        %mul3A_1253 = arith.mulf %broadcast_in_dim3A_952, %get3A_1241 : vector<16xf32>
        %add3A_1254 = arith.addf %add3A_1252, %mul3A_1253 : vector<16xf32>
        %min3A_1255 = arith.minimumf %scan3A_1227, %add3A_1254 : vector<16xf32>
        %min3A_1256 = arith.minimumf %get3A_1247, %add3A_1254 : vector<16xf32>
        %add3A_1257 = arith.addf %get3A_1244, %broadcast_in_dim3A_967 : vector<16xf32>
        %mul3A_1258 = arith.mulf %broadcast_in_dim3A_958, %get3A_1235 : vector<16xf32>
        %add3A_1259 = arith.addf %add3A_1257, %mul3A_1258 : vector<16xf32>
        %mul3A_1260 = arith.mulf %broadcast_in_dim3A_961, %get3A_1238 : vector<16xf32>
        %add3A_1261 = arith.addf %add3A_1259, %mul3A_1260 : vector<16xf32>
        %mul3A_1262 = arith.mulf %broadcast_in_dim3A_964, %get3A_1241 : vector<16xf32>
        %add3A_1263 = arith.addf %add3A_1261, %mul3A_1262 : vector<16xf32>
        %min3A_1264 = arith.minimumf %scan3A_1228, %add3A_1263 : vector<16xf32>
        %min3A_1265 = arith.minimumf %min3A_1256, %add3A_1263 : vector<16xf32>
        %add3A_1266 = arith.addf %get3A_1244, %broadcast_in_dim3A_979 : vector<16xf32>
        %mul3A_1267 = arith.mulf %broadcast_in_dim3A_970, %get3A_1235 : vector<16xf32>
        %add3A_1268 = arith.addf %add3A_1266, %mul3A_1267 : vector<16xf32>
        %mul3A_1269 = arith.mulf %broadcast_in_dim3A_973, %get3A_1238 : vector<16xf32>
        %add3A_1270 = arith.addf %add3A_1268, %mul3A_1269 : vector<16xf32>
        %mul3A_1271 = arith.mulf %broadcast_in_dim3A_976, %get3A_1241 : vector<16xf32>
        %add3A_1272 = arith.addf %add3A_1270, %mul3A_1271 : vector<16xf32>
        %min3A_1273 = arith.minimumf %scan3A_1229, %add3A_1272 : vector<16xf32>
        %min3A_1274 = arith.minimumf %min3A_1265, %add3A_1272 : vector<16xf32>
        %add3A_1275 = arith.addf %get3A_1244, %broadcast_in_dim3A_991 : vector<16xf32>
        %mul3A_1276 = arith.mulf %broadcast_in_dim3A_982, %get3A_1235 : vector<16xf32>
        %add3A_1277 = arith.addf %add3A_1275, %mul3A_1276 : vector<16xf32>
        %mul3A_1278 = arith.mulf %broadcast_in_dim3A_985, %get3A_1238 : vector<16xf32>
        %add3A_1279 = arith.addf %add3A_1277, %mul3A_1278 : vector<16xf32>
        %mul3A_1280 = arith.mulf %broadcast_in_dim3A_988, %get3A_1241 : vector<16xf32>
        %add3A_1281 = arith.addf %add3A_1279, %mul3A_1280 : vector<16xf32>
        %min3A_1282 = arith.minimumf %scan3A_1230, %add3A_1281 : vector<16xf32>
        %min3A_1283 = arith.minimumf %min3A_1274, %add3A_1281 : vector<16xf32>
        %swap3A_1284 = arith.index_cast %mul3A_1232 : i32 to index
        %swap3A_1285 = tpu.vector_load %arg14[%swap3A_1284] {strides = array<i32>} : memref<1024xf32, #tpu.memory_space<vmem>>, vector<16xf32>,
        %swap3A_1286 = vector.shape_cast %swap3A_1285 : vector<16xf32> to vector<16xf32>
        %swap3A_1287 = vector.shape_cast %min3A_1283 : vector<16xf32> to vector<16xf32>
        tpu.vector_store %arg14[%swap3A_1284], %swap3A_1287 {strides = array<i32>} : memref<1024xf32, #tpu.memory_space<vmem>>, vector<16xf32>,
        scf.yield %min3A_1255, %min3A_1264, %min3A_1273, %min3A_1282 : vector<16xf32>, vector<16xf32>, vector<16xf32>, vector<16xf32>
      }
      %scan3A_997 = arith.constant 64 : i32
      %xor3A_998 = arith.constant 8 : i32
      %xor3A_999 = vector.broadcast %xor3A_998 : i32 to vector<16xi32>
      %xor3A_1000 = arith.xori %iota3A, %xor3A_999 : vector<16xi32>
      %lt3A_1001 = arith.constant 0 : i32
      %lt3A_1002 = vector.broadcast %lt3A_1001 : i32 to vector<16xi32>
      %lt3A_1003 = arith.cmpi slt, %xor3A_1000, %lt3A_1002 : vector<16xi32>
      %add3A_1004 = arith.constant 16 : i32
      %add3A_1005 = vector.broadcast %add3A_1004 : i32 to vector<16xi32>
      %add3A_1006 = arith.addi %xor3A_1000, %add3A_1005 : vector<16xi32>
      %select_n3A_1007 = arith.select %lt3A_1003, %add3A_1006, %xor3A_1000 : vector<16xi1>, vector<16xi32>
      %broadcast_in_dim3A_1008 = vector.shape_cast %select_n3A_1007 : vector<16xi32> to vector<16x1xi32>
      %gather3A_1009 = vector.shape_cast %broadcast_in_dim3A_1008 : vector<16x1xi32> to vector<16xi32>
      %gather3A_1010 = tpu.dynamic_gather %scan3A_996#0[%gather3A_1009] in [0] : vector<16xf32>, vector<16xi32> -> vector<16xf32>
      %min3A_1011 = arith.minimumf %scan3A_996#0, %gather3A_1010 : vector<16xf32>
      %xor3A_1012 = arith.constant 4 : i32
      %xor3A_1013 = vector.broadcast %xor3A_1012 : i32 to vector<16xi32>
      %xor3A_1014 = arith.xori %iota3A, %xor3A_1013 : vector<16xi32>
      %lt3A_1015 = arith.constant 0 : i32
      %lt3A_1016 = vector.broadcast %lt3A_1015 : i32 to vector<16xi32>
      %lt3A_1017 = arith.cmpi slt, %xor3A_1014, %lt3A_1016 : vector<16xi32>
      %add3A_1018 = arith.constant 16 : i32
      %add3A_1019 = vector.broadcast %add3A_1018 : i32 to vector<16xi32>
      %add3A_1020 = arith.addi %xor3A_1014, %add3A_1019 : vector<16xi32>
      %select_n3A_1021 = arith.select %lt3A_1017, %add3A_1020, %xor3A_1014 : vector<16xi1>, vector<16xi32>
      %broadcast_in_dim3A_1022 = vector.shape_cast %select_n3A_1021 : vector<16xi32> to vector<16x1xi32>
      %gather3A_1023 = vector.shape_cast %broadcast_in_dim3A_1022 : vector<16x1xi32> to vector<16xi32>
      %gather3A_1024 = tpu.dynamic_gather %min3A_1011[%gather3A_1023] in [0] : vector<16xf32>, vector<16xi32> -> vector<16xf32>
      %min3A_1025 = arith.minimumf %min3A_1011, %gather3A_1024 : vector<16xf32>
      %xor3A_1026 = arith.constant 2 : i32
      %xor3A_1027 = vector.broadcast %xor3A_1026 : i32 to vector<16xi32>
      %xor3A_1028 = arith.xori %iota3A, %xor3A_1027 : vector<16xi32>
      %lt3A_1029 = arith.constant 0 : i32
      %lt3A_1030 = vector.broadcast %lt3A_1029 : i32 to vector<16xi32>
      %lt3A_1031 = arith.cmpi slt, %xor3A_1028, %lt3A_1030 : vector<16xi32>
      %add3A_1032 = arith.constant 16 : i32
      %add3A_1033 = vector.broadcast %add3A_1032 : i32 to vector<16xi32>
      %add3A_1034 = arith.addi %xor3A_1028, %add3A_1033 : vector<16xi32>
      %select_n3A_1035 = arith.select %lt3A_1031, %add3A_1034, %xor3A_1028 : vector<16xi1>, vector<16xi32>
      %broadcast_in_dim3A_1036 = vector.shape_cast %select_n3A_1035 : vector<16xi32> to vector<16x1xi32>
      %gather3A_1037 = vector.shape_cast %broadcast_in_dim3A_1036 : vector<16x1xi32> to vector<16xi32>
      %gather3A_1038 = tpu.dynamic_gather %min3A_1025[%gather3A_1037] in [0] : vector<16xf32>, vector<16xi32> -> vector<16xf32>
      %min3A_1039 = arith.minimumf %min3A_1025, %gather3A_1038 : vector<16xf32>
      %xor3A_1040 = arith.constant 1 : i32
      %xor3A_1041 = vector.broadcast %xor3A_1040 : i32 to vector<16xi32>
      %xor3A_1042 = arith.xori %iota3A, %xor3A_1041 : vector<16xi32>
      %lt3A_1043 = arith.constant 0 : i32
      %lt3A_1044 = vector.broadcast %lt3A_1043 : i32 to vector<16xi32>
      %lt3A_1045 = arith.cmpi slt, %xor3A_1042, %lt3A_1044 : vector<16xi32>
      %add3A_1046 = arith.constant 16 : i32
      %add3A_1047 = vector.broadcast %add3A_1046 : i32 to vector<16xi32>
      %add3A_1048 = arith.addi %xor3A_1042, %add3A_1047 : vector<16xi32>
      %select_n3A_1049 = arith.select %lt3A_1045, %add3A_1048, %xor3A_1042 : vector<16xi1>, vector<16xi32>
      %broadcast_in_dim3A_1050 = vector.shape_cast %select_n3A_1049 : vector<16xi32> to vector<16x1xi32>
      %gather3A_1051 = vector.shape_cast %broadcast_in_dim3A_1050 : vector<16x1xi32> to vector<16xi32>
      %gather3A_1052 = tpu.dynamic_gather %min3A_1039[%gather3A_1051] in [0] : vector<16xf32>, vector<16xi32> -> vector<16xf32>
      %min3A_1053 = arith.minimumf %min3A_1039, %gather3A_1052 : vector<16xf32>
      %add3A_1054 = arith.addf %add3A_943, %min3A_1053 : vector<16xf32>
      %xor3A_1055 = arith.constant 8 : i32
      %xor3A_1056 = vector.broadcast %xor3A_1055 : i32 to vector<16xi32>
      %xor3A_1057 = arith.xori %iota3A, %xor3A_1056 : vector<16xi32>
      %lt3A_1058 = arith.constant 0 : i32
      %lt3A_1059 = vector.broadcast %lt3A_1058 : i32 to vector<16xi32>
      %lt3A_1060 = arith.cmpi slt, %xor3A_1057, %lt3A_1059 : vector<16xi32>
      %add3A_1061 = arith.constant 16 : i32
      %add3A_1062 = vector.broadcast %add3A_1061 : i32 to vector<16xi32>
      %add3A_1063 = arith.addi %xor3A_1057, %add3A_1062 : vector<16xi32>
      %select_n3A_1064 = arith.select %lt3A_1060, %add3A_1063, %xor3A_1057 : vector<16xi1>, vector<16xi32>
      %broadcast_in_dim3A_1065 = vector.shape_cast %select_n3A_1064 : vector<16xi32> to vector<16x1xi32>
      %gather3A_1066 = vector.shape_cast %broadcast_in_dim3A_1065 : vector<16x1xi32> to vector<16xi32>
      %gather3A_1067 = tpu.dynamic_gather %scan3A_996#1[%gather3A_1066] in [0] : vector<16xf32>, vector<16xi32> -> vector<16xf32>
      %min3A_1068 = arith.minimumf %scan3A_996#1, %gather3A_1067 : vector<16xf32>
      %xor3A_1069 = arith.constant 4 : i32
      %xor3A_1070 = vector.broadcast %xor3A_1069 : i32 to vector<16xi32>
      %xor3A_1071 = arith.xori %iota3A, %xor3A_1070 : vector<16xi32>
      %lt3A_1072 = arith.constant 0 : i32
      %lt3A_1073 = vector.broadcast %lt3A_1072 : i32 to vector<16xi32>
      %lt3A_1074 = arith.cmpi slt, %xor3A_1071, %lt3A_1073 : vector<16xi32>
      %add3A_1075 = arith.constant 16 : i32
      %add3A_1076 = vector.broadcast %add3A_1075 : i32 to vector<16xi32>
      %add3A_1077 = arith.addi %xor3A_1071, %add3A_1076 : vector<16xi32>
      %select_n3A_1078 = arith.select %lt3A_1074, %add3A_1077, %xor3A_1071 : vector<16xi1>, vector<16xi32>
      %broadcast_in_dim3A_1079 = vector.shape_cast %select_n3A_1078 : vector<16xi32> to vector<16x1xi32>
      %gather3A_1080 = vector.shape_cast %broadcast_in_dim3A_1079 : vector<16x1xi32> to vector<16xi32>
      %gather3A_1081 = tpu.dynamic_gather %min3A_1068[%gather3A_1080] in [0] : vector<16xf32>, vector<16xi32> -> vector<16xf32>
      %min3A_1082 = arith.minimumf %min3A_1068, %gather3A_1081 : vector<16xf32>
      %xor3A_1083 = arith.constant 2 : i32
      %xor3A_1084 = vector.broadcast %xor3A_1083 : i32 to vector<16xi32>
      %xor3A_1085 = arith.xori %iota3A, %xor3A_1084 : vector<16xi32>
      %lt3A_1086 = arith.constant 0 : i32
      %lt3A_1087 = vector.broadcast %lt3A_1086 : i32 to vector<16xi32>
      %lt3A_1088 = arith.cmpi slt, %xor3A_1085, %lt3A_1087 : vector<16xi32>
      %add3A_1089 = arith.constant 16 : i32
      %add3A_1090 = vector.broadcast %add3A_1089 : i32 to vector<16xi32>
      %add3A_1091 = arith.addi %xor3A_1085, %add3A_1090 : vector<16xi32>
      %select_n3A_1092 = arith.select %lt3A_1088, %add3A_1091, %xor3A_1085 : vector<16xi1>, vector<16xi32>
      %broadcast_in_dim3A_1093 = vector.shape_cast %select_n3A_1092 : vector<16xi32> to vector<16x1xi32>
      %gather3A_1094 = vector.shape_cast %broadcast_in_dim3A_1093 : vector<16x1xi32> to vector<16xi32>
      %gather3A_1095 = tpu.dynamic_gather %min3A_1082[%gather3A_1094] in [0] : vector<16xf32>, vector<16xi32> -> vector<16xf32>
      %min3A_1096 = arith.minimumf %min3A_1082, %gather3A_1095 : vector<16xf32>
      %xor3A_1097 = arith.constant 1 : i32
      %xor3A_1098 = vector.broadcast %xor3A_1097 : i32 to vector<16xi32>
      %xor3A_1099 = arith.xori %iota3A, %xor3A_1098 : vector<16xi32>
      %lt3A_1100 = arith.constant 0 : i32
      %lt3A_1101 = vector.broadcast %lt3A_1100 : i32 to vector<16xi32>
      %lt3A_1102 = arith.cmpi slt, %xor3A_1099, %lt3A_1101 : vector<16xi32>
      %add3A_1103 = arith.constant 16 : i32
      %add3A_1104 = vector.broadcast %add3A_1103 : i32 to vector<16xi32>
      %add3A_1105 = arith.addi %xor3A_1099, %add3A_1104 : vector<16xi32>
      %select_n3A_1106 = arith.select %lt3A_1102, %add3A_1105, %xor3A_1099 : vector<16xi1>, vector<16xi32>
      %broadcast_in_dim3A_1107 = vector.shape_cast %select_n3A_1106 : vector<16xi32> to vector<16x1xi32>
      %gather3A_1108 = vector.shape_cast %broadcast_in_dim3A_1107 : vector<16x1xi32> to vector<16xi32>
      %gather3A_1109 = tpu.dynamic_gather %min3A_1096[%gather3A_1108] in [0] : vector<16xf32>, vector<16xi32> -> vector<16xf32>
      %min3A_1110 = arith.minimumf %min3A_1096, %gather3A_1109 : vector<16xf32>
      %add3A_1111 = arith.addf %add3A_1054, %min3A_1110 : vector<16xf32>
      %xor3A_1112 = arith.constant 8 : i32
      %xor3A_1113 = vector.broadcast %xor3A_1112 : i32 to vector<16xi32>
      %xor3A_1114 = arith.xori %iota3A, %xor3A_1113 : vector<16xi32>
      %lt3A_1115 = arith.constant 0 : i32
      %lt3A_1116 = vector.broadcast %lt3A_1115 : i32 to vector<16xi32>
      %lt3A_1117 = arith.cmpi slt, %xor3A_1114, %lt3A_1116 : vector<16xi32>
      %add3A_1118 = arith.constant 16 : i32
      %add3A_1119 = vector.broadcast %add3A_1118 : i32 to vector<16xi32>
      %add3A_1120 = arith.addi %xor3A_1114, %add3A_1119 : vector<16xi32>
      %select_n3A_1121 = arith.select %lt3A_1117, %add3A_1120, %xor3A_1114 : vector<16xi1>, vector<16xi32>
      %broadcast_in_dim3A_1122 = vector.shape_cast %select_n3A_1121 : vector<16xi32> to vector<16x1xi32>
      %gather3A_1123 = vector.shape_cast %broadcast_in_dim3A_1122 : vector<16x1xi32> to vector<16xi32>
      %gather3A_1124 = tpu.dynamic_gather %scan3A_996#2[%gather3A_1123] in [0] : vector<16xf32>, vector<16xi32> -> vector<16xf32>
      %min3A_1125 = arith.minimumf %scan3A_996#2, %gather3A_1124 : vector<16xf32>
      %xor3A_1126 = arith.constant 4 : i32
      %xor3A_1127 = vector.broadcast %xor3A_1126 : i32 to vector<16xi32>
      %xor3A_1128 = arith.xori %iota3A, %xor3A_1127 : vector<16xi32>
      %lt3A_1129 = arith.constant 0 : i32
      %lt3A_1130 = vector.broadcast %lt3A_1129 : i32 to vector<16xi32>
      %lt3A_1131 = arith.cmpi slt, %xor3A_1128, %lt3A_1130 : vector<16xi32>
      %add3A_1132 = arith.constant 16 : i32
      %add3A_1133 = vector.broadcast %add3A_1132 : i32 to vector<16xi32>
      %add3A_1134 = arith.addi %xor3A_1128, %add3A_1133 : vector<16xi32>
      %select_n3A_1135 = arith.select %lt3A_1131, %add3A_1134, %xor3A_1128 : vector<16xi1>, vector<16xi32>
      %broadcast_in_dim3A_1136 = vector.shape_cast %select_n3A_1135 : vector<16xi32> to vector<16x1xi32>
      %gather3A_1137 = vector.shape_cast %broadcast_in_dim3A_1136 : vector<16x1xi32> to vector<16xi32>
      %gather3A_1138 = tpu.dynamic_gather %min3A_1125[%gather3A_1137] in [0] : vector<16xf32>, vector<16xi32> -> vector<16xf32>
      %min3A_1139 = arith.minimumf %min3A_1125, %gather3A_1138 : vector<16xf32>
      %xor3A_1140 = arith.constant 2 : i32
      %xor3A_1141 = vector.broadcast %xor3A_1140 : i32 to vector<16xi32>
      %xor3A_1142 = arith.xori %iota3A, %xor3A_1141 : vector<16xi32>
      %lt3A_1143 = arith.constant 0 : i32
      %lt3A_1144 = vector.broadcast %lt3A_1143 : i32 to vector<16xi32>
      %lt3A_1145 = arith.cmpi slt, %xor3A_1142, %lt3A_1144 : vector<16xi32>
      %add3A_1146 = arith.constant 16 : i32
      %add3A_1147 = vector.broadcast %add3A_1146 : i32 to vector<16xi32>
      %add3A_1148 = arith.addi %xor3A_1142, %add3A_1147 : vector<16xi32>
      %select_n3A_1149 = arith.select %lt3A_1145, %add3A_1148, %xor3A_1142 : vector<16xi1>, vector<16xi32>
      %broadcast_in_dim3A_1150 = vector.shape_cast %select_n3A_1149 : vector<16xi32> to vector<16x1xi32>
      %gather3A_1151 = vector.shape_cast %broadcast_in_dim3A_1150 : vector<16x1xi32> to vector<16xi32>
      %gather3A_1152 = tpu.dynamic_gather %min3A_1139[%gather3A_1151] in [0] : vector<16xf32>, vector<16xi32> -> vector<16xf32>
      %min3A_1153 = arith.minimumf %min3A_1139, %gather3A_1152 : vector<16xf32>
      %xor3A_1154 = arith.constant 1 : i32
      %xor3A_1155 = vector.broadcast %xor3A_1154 : i32 to vector<16xi32>
      %xor3A_1156 = arith.xori %iota3A, %xor3A_1155 : vector<16xi32>
      %lt3A_1157 = arith.constant 0 : i32
      %lt3A_1158 = vector.broadcast %lt3A_1157 : i32 to vector<16xi32>
      %lt3A_1159 = arith.cmpi slt, %xor3A_1156, %lt3A_1158 : vector<16xi32>
      %add3A_1160 = arith.constant 16 : i32
      %add3A_1161 = vector.broadcast %add3A_1160 : i32 to vector<16xi32>
      %add3A_1162 = arith.addi %xor3A_1156, %add3A_1161 : vector<16xi32>
      %select_n3A_1163 = arith.select %lt3A_1159, %add3A_1162, %xor3A_1156 : vector<16xi1>, vector<16xi32>
      %broadcast_in_dim3A_1164 = vector.shape_cast %select_n3A_1163 : vector<16xi32> to vector<16x1xi32>
      %gather3A_1165 = vector.shape_cast %broadcast_in_dim3A_1164 : vector<16x1xi32> to vector<16xi32>
      %gather3A_1166 = tpu.dynamic_gather %min3A_1153[%gather3A_1165] in [0] : vector<16xf32>, vector<16xi32> -> vector<16xf32>
      %min3A_1167 = arith.minimumf %min3A_1153, %gather3A_1166 : vector<16xf32>
      %add3A_1168 = arith.addf %add3A_1111, %min3A_1167 : vector<16xf32>
      %xor3A_1169 = arith.constant 8 : i32
      %xor3A_1170 = vector.broadcast %xor3A_1169 : i32 to vector<16xi32>
      %xor3A_1171 = arith.xori %iota3A, %xor3A_1170 : vector<16xi32>
      %lt3A_1172 = arith.constant 0 : i32
      %lt3A_1173 = vector.broadcast %lt3A_1172 : i32 to vector<16xi32>
      %lt3A_1174 = arith.cmpi slt, %xor3A_1171, %lt3A_1173 : vector<16xi32>
      %add3A_1175 = arith.constant 16 : i32
      %add3A_1176 = vector.broadcast %add3A_1175 : i32 to vector<16xi32>
      %add3A_1177 = arith.addi %xor3A_1171, %add3A_1176 : vector<16xi32>
      %select_n3A_1178 = arith.select %lt3A_1174, %add3A_1177, %xor3A_1171 : vector<16xi1>, vector<16xi32>
      %broadcast_in_dim3A_1179 = vector.shape_cast %select_n3A_1178 : vector<16xi32> to vector<16x1xi32>
      %gather3A_1180 = vector.shape_cast %broadcast_in_dim3A_1179 : vector<16x1xi32> to vector<16xi32>
      %gather3A_1181 = tpu.dynamic_gather %scan3A_996#3[%gather3A_1180] in [0] : vector<16xf32>, vector<16xi32> -> vector<16xf32>
      %min3A_1182 = arith.minimumf %scan3A_996#3, %gather3A_1181 : vector<16xf32>
      %xor3A_1183 = arith.constant 4 : i32
      %xor3A_1184 = vector.broadcast %xor3A_1183 : i32 to vector<16xi32>
      %xor3A_1185 = arith.xori %iota3A, %xor3A_1184 : vector<16xi32>
      %lt3A_1186 = arith.constant 0 : i32
      %lt3A_1187 = vector.broadcast %lt3A_1186 : i32 to vector<16xi32>
      %lt3A_1188 = arith.cmpi slt, %xor3A_1185, %lt3A_1187 : vector<16xi32>
      %add3A_1189 = arith.constant 16 : i32
      %add3A_1190 = vector.broadcast %add3A_1189 : i32 to vector<16xi32>
      %add3A_1191 = arith.addi %xor3A_1185, %add3A_1190 : vector<16xi32>
      %select_n3A_1192 = arith.select %lt3A_1188, %add3A_1191, %xor3A_1185 : vector<16xi1>, vector<16xi32>
      %broadcast_in_dim3A_1193 = vector.shape_cast %select_n3A_1192 : vector<16xi32> to vector<16x1xi32>
      %gather3A_1194 = vector.shape_cast %broadcast_in_dim3A_1193 : vector<16x1xi32> to vector<16xi32>
      %gather3A_1195 = tpu.dynamic_gather %min3A_1182[%gather3A_1194] in [0] : vector<16xf32>, vector<16xi32> -> vector<16xf32>
      %min3A_1196 = arith.minimumf %min3A_1182, %gather3A_1195 : vector<16xf32>
      %xor3A_1197 = arith.constant 2 : i32
      %xor3A_1198 = vector.broadcast %xor3A_1197 : i32 to vector<16xi32>
      %xor3A_1199 = arith.xori %iota3A, %xor3A_1198 : vector<16xi32>
      %lt3A_1200 = arith.constant 0 : i32
      %lt3A_1201 = vector.broadcast %lt3A_1200 : i32 to vector<16xi32>
      %lt3A_1202 = arith.cmpi slt, %xor3A_1199, %lt3A_1201 : vector<16xi32>
      %add3A_1203 = arith.constant 16 : i32
      %add3A_1204 = vector.broadcast %add3A_1203 : i32 to vector<16xi32>
      %add3A_1205 = arith.addi %xor3A_1199, %add3A_1204 : vector<16xi32>
      %select_n3A_1206 = arith.select %lt3A_1202, %add3A_1205, %xor3A_1199 : vector<16xi1>, vector<16xi32>
      %broadcast_in_dim3A_1207 = vector.shape_cast %select_n3A_1206 : vector<16xi32> to vector<16x1xi32>
      %gather3A_1208 = vector.shape_cast %broadcast_in_dim3A_1207 : vector<16x1xi32> to vector<16xi32>
      %gather3A_1209 = tpu.dynamic_gather %min3A_1196[%gather3A_1208] in [0] : vector<16xf32>, vector<16xi32> -> vector<16xf32>
      %min3A_1210 = arith.minimumf %min3A_1196, %gather3A_1209 : vector<16xf32>
      %xor3A_1211 = arith.constant 1 : i32
      %xor3A_1212 = vector.broadcast %xor3A_1211 : i32 to vector<16xi32>
      %xor3A_1213 = arith.xori %iota3A, %xor3A_1212 : vector<16xi32>
      %lt3A_1214 = arith.constant 0 : i32
      %lt3A_1215 = vector.broadcast %lt3A_1214 : i32 to vector<16xi32>
      %lt3A_1216 = arith.cmpi slt, %xor3A_1213, %lt3A_1215 : vector<16xi32>
      %add3A_1217 = arith.constant 16 : i32
      %add3A_1218 = vector.broadcast %add3A_1217 : i32 to vector<16xi32>
      %add3A_1219 = arith.addi %xor3A_1213, %add3A_1218 : vector<16xi32>
      %select_n3A_1220 = arith.select %lt3A_1216, %add3A_1219, %xor3A_1213 : vector<16xi1>, vector<16xi32>
      %broadcast_in_dim3A_1221 = vector.shape_cast %select_n3A_1220 : vector<16xi32> to vector<16x1xi32>
      %gather3A_1222 = vector.shape_cast %broadcast_in_dim3A_1221 : vector<16x1xi32> to vector<16xi32>
      %gather3A_1223 = tpu.dynamic_gather %min3A_1210[%gather3A_1222] in [0] : vector<16xf32>, vector<16xi32> -> vector<16xf32>
      %min3A_1224 = arith.minimumf %min3A_1210, %gather3A_1223 : vector<16xf32>
      %add3A_1225 = arith.addf %add3A_1168, %min3A_1224 : vector<16xf32>
      scf.yield %add3A_1225 : vector<16xf32>
    }
    %scan3A_80 = arith.constant 16 : i32
    %mul3A_81 = arith.constant 6.250000e-02 : f32
    %mul3A_82 = vector.broadcast %mul3A_81 : f32 to vector<16xf32>
    %mul3A_83 = arith.mulf %scan3A_79, %mul3A_82 : vector<16xf32>
    %swap3A = arith.constant 0 : index
    %swap3A_84 = tpu.vector_load %arg15[%swap3A] {strides = array<i32>} : memref<16xf32, #tpu.memory_space<vmem>>, vector<16xf32>,
    %swap3A_85 = vector.shape_cast %swap3A_84 : vector<16xf32> to vector<16xf32>
    %swap3A_86 = vector.shape_cast %mul3A_83 : vector<16xf32> to vector<16xf32>
    tpu.vector_store %arg15[%swap3A], %swap3A_86 {strides = array<i32>} : memref<16xf32, #tpu.memory_space<vmem>>, vector<16xf32>,
    "tpu.region"() ({
      %run_scoped3A = tpu.sem_alloc : memref<!tpu.dma_semaphore, #tpu.memory_space<semaphore_mem>>
      %dma_start3A = arith.constant 0 : i32
      %dma_start3A_87 = tpu.memref_slice %arg4[%add3A, %dma_start3A] : memref<32x16xf32, #tpu.memory_space<hbm>> -> memref<1x16xf32, #tpu.memory_space<hbm>>
      %dma_start3A_88 = tpu.memref_squeeze %dma_start3A_87 : memref<1x16xf32, #tpu.memory_space<hbm>> -> memref<16xf32, #tpu.memory_space<hbm>>
      %dma_start3A_89 = arith.constant 0 : i32
      %dma_start3A_90 = tpu.memref_slice %arg4[%add3A, %dma_start3A_89] : memref<32x16xf32, #tpu.memory_space<hbm>> -> memref<1x16xf32, #tpu.memory_space<hbm>>
      %dma_start3A_91 = tpu.memref_squeeze %dma_start3A_90 : memref<1x16xf32, #tpu.memory_space<hbm>> -> memref<16xf32, #tpu.memory_space<hbm>>
      tpu.enqueue_dma source(%arg15 : memref<16xf32, #tpu.memory_space<vmem>>) target(%dma_start3A_91 : memref<16xf32, #tpu.memory_space<hbm>>) target_semaphore(%run_scoped3A : memref<!tpu.dma_semaphore, #tpu.memory_space<semaphore_mem>>)
      %dma_wait3A = arith.constant 0 : i32
      %dma_wait3A_92 = tpu.memref_slice %arg4[%add3A, %dma_wait3A] : memref<32x16xf32, #tpu.memory_space<hbm>> -> memref<1x16xf32, #tpu.memory_space<hbm>>
      %dma_wait3A_93 = tpu.memref_squeeze %dma_wait3A_92 : memref<1x16xf32, #tpu.memory_space<hbm>> -> memref<16xf32, #tpu.memory_space<hbm>>
      %dma_wait3A_94 = arith.constant 0 : i32
      %dma_wait3A_95 = tpu.memref_slice %arg4[%add3A, %dma_wait3A_94] : memref<32x16xf32, #tpu.memory_space<hbm>> -> memref<1x16xf32, #tpu.memory_space<hbm>>
      %dma_wait3A_96 = tpu.memref_squeeze %dma_wait3A_95 : memref<1x16xf32, #tpu.memory_space<hbm>> -> memref<16xf32, #tpu.memory_space<hbm>>
      tpu.wait_dma2 semaphore(%run_scoped3A : memref<!tpu.dma_semaphore, #tpu.memory_space<semaphore_mem>>) src(%arg15 : memref<16xf32, #tpu.memory_space<vmem>>) dst(%dma_wait3A_96 : memref<16xf32, #tpu.memory_space<hbm>>)
      tpu.yield
    }) : () -> ()
    "tpu.region"() ({
      %run_scoped3A = tpu.sem_alloc : memref<!tpu.dma_semaphore, #tpu.memory_space<semaphore_mem>>
      %dma_start3A = arith.constant 0 : i32
      %dma_start3A_87 = tpu.memref_slice %arg5[%add3A, %dma_start3A] : memref<32x1024xf32, #tpu.memory_space<hbm>> -> memref<1x1024xf32, #tpu.memory_space<hbm>>
      %dma_start3A_88 = tpu.memref_squeeze %dma_start3A_87 : memref<1x1024xf32, #tpu.memory_space<hbm>> -> memref<1024xf32, #tpu.memory_space<hbm>>
      %dma_start3A_89 = arith.constant 0 : i32
      %dma_start3A_90 = tpu.memref_slice %arg5[%add3A, %dma_start3A_89] : memref<32x1024xf32, #tpu.memory_space<hbm>> -> memref<1x1024xf32, #tpu.memory_space<hbm>>
      %dma_start3A_91 = tpu.memref_squeeze %dma_start3A_90 : memref<1x1024xf32, #tpu.memory_space<hbm>> -> memref<1024xf32, #tpu.memory_space<hbm>>
      tpu.enqueue_dma source(%arg14 : memref<1024xf32, #tpu.memory_space<vmem>>) target(%dma_start3A_91 : memref<1024xf32, #tpu.memory_space<hbm>>) target_semaphore(%run_scoped3A : memref<!tpu.dma_semaphore, #tpu.memory_space<semaphore_mem>>)
      %dma_wait3A = arith.constant 0 : i32
      %dma_wait3A_92 = tpu.memref_slice %arg5[%add3A, %dma_wait3A] : memref<32x1024xf32, #tpu.memory_space<hbm>> -> memref<1x1024xf32, #tpu.memory_space<hbm>>
      %dma_wait3A_93 = tpu.memref_squeeze %dma_wait3A_92 : memref<1x1024xf32, #tpu.memory_space<hbm>> -> memref<1024xf32, #tpu.memory_space<hbm>>
      %dma_wait3A_94 = arith.constant 0 : i32
      %dma_wait3A_95 = tpu.memref_slice %arg5[%add3A, %dma_wait3A_94] : memref<32x1024xf32, #tpu.memory_space<hbm>> -> memref<1x1024xf32, #tpu.memory_space<hbm>>
      %dma_wait3A_96 = tpu.memref_squeeze %dma_wait3A_95 : memref<1x1024xf32, #tpu.memory_space<hbm>> -> memref<1024xf32, #tpu.memory_space<hbm>>
      tpu.wait_dma2 semaphore(%run_scoped3A : memref<!tpu.dma_semaphore, #tpu.memory_space<semaphore_mem>>) src(%arg14 : memref<1024xf32, #tpu.memory_space<vmem>>) dst(%dma_wait3A_96 : memref<1024xf32, #tpu.memory_space<hbm>>)
      tpu.yield
    }) : () -> ()
    return
  }
}

module attributes {stable_mosaic.version = 14 : i64} {
  func.func @_tc_body(%arg0: i32, %arg1: memref<24x1024xf32, #tpu.memory_space<vmem>>, %arg2: memref<24x1024xf32, #tpu.memory_space<vmem>>, %arg3: memref<1x1xf32, #tpu.memory_space<smem>>, %arg4: memref<8x1024xf32, #tpu.memory_space<vmem>>, %arg5: memref<8x1024xf32, #tpu.memory_space<vmem>>) attributes {dimension_semantics = [#tpu.dimension_semantics<arbitrary>], iteration_bounds = array<i64: 7>, scalar_prefetch = 0 : i64, scratch_operands = 2 : i64, tpu.core_type = #tpu.core_type<tc>, window_params = [{transform_indices = @transform_0, window_bounds = array<i64: 24, 1024>}, {transform_indices = @transform_1, window_bounds = array<i64: 24, 1024>}, {transform_indices = @transform_2, window_bounds = array<i64: 1, 1>}]} {
    %eq3A = arith.constant 0 : i32
    %eq3A_0 = arith.cmpi eq, %arg0, %eq3A : i32
    %convert_element_type3A = arith.extui %eq3A_0 : i1 to i32
    %cond3A = arith.constant 0 : i32
    %cond3A_1 = arith.cmpi ne, %convert_element_type3A, %cond3A : i32
    scf.if %cond3A_1 {
      %broadcast_in_dim3A_1296 = arith.constant 1.000000e+00 : f32
      %broadcast_in_dim3A_1297 = vector.broadcast %broadcast_in_dim3A_1296 : f32 to vector<1x1024xf32>
      %swap3A_1298 = arith.constant 4 : index
      %swap3A_1299 = arith.constant 0 : index
      %swap3A_1300 = vector.load %arg4[%swap3A_1298, %swap3A_1299] : memref<8x1024xf32, #tpu.memory_space<vmem>>, vector<1x1024xf32>
      tpu.vector_store %arg4[%swap3A_1298, %swap3A_1299], %broadcast_in_dim3A_1297 {strides = array<i32>} : memref<8x1024xf32, #tpu.memory_space<vmem>>, vector<1x1024xf32>,
      %broadcast_in_dim3A_1301 = arith.constant 0.000000e+00 : f32
      %broadcast_in_dim3A_1302 = vector.broadcast %broadcast_in_dim3A_1301 : f32 to vector<3x1024xf32>
      %swap3A_1303 = arith.constant 5 : index
      %swap3A_1304 = arith.constant 0 : index
      %swap3A_1305 = vector.load %arg4[%swap3A_1303, %swap3A_1304] : memref<8x1024xf32, #tpu.memory_space<vmem>>, vector<3x1024xf32>
      tpu.vector_store %arg4[%swap3A_1303, %swap3A_1304], %broadcast_in_dim3A_1302 {strides = array<i32>} : memref<8x1024xf32, #tpu.memory_space<vmem>>, vector<3x1024xf32>,
      %broadcast_in_dim3A_1306 = arith.constant 1.000000e+00 : f32
      %broadcast_in_dim3A_1307 = vector.broadcast %broadcast_in_dim3A_1306 : f32 to vector<1x1024xf32>
      %swap3A_1308 = arith.constant 3 : index
      %swap3A_1309 = arith.constant 0 : index
      %swap3A_1310 = vector.load %arg5[%swap3A_1308, %swap3A_1309] : memref<8x1024xf32, #tpu.memory_space<vmem>>, vector<1x1024xf32>
      tpu.vector_store %arg5[%swap3A_1308, %swap3A_1309], %broadcast_in_dim3A_1307 {strides = array<i32>} : memref<8x1024xf32, #tpu.memory_space<vmem>>, vector<1x1024xf32>,
      %broadcast_in_dim3A_1311 = arith.constant 0.000000e+00 : f32
      %broadcast_in_dim3A_1312 = vector.broadcast %broadcast_in_dim3A_1311 : f32 to vector<3x1024xf32>
      %swap3A_1313 = arith.constant 5 : index
      %swap3A_1314 = arith.constant 0 : index
      %swap3A_1315 = vector.load %arg5[%swap3A_1313, %swap3A_1314] : memref<8x1024xf32, #tpu.memory_space<vmem>>, vector<3x1024xf32>
      tpu.vector_store %arg5[%swap3A_1313, %swap3A_1314], %broadcast_in_dim3A_1312 {strides = array<i32>} : memref<8x1024xf32, #tpu.memory_space<vmem>>, vector<3x1024xf32>,
      %swap3A_1316 = arith.constant 0.000000e+00 : f32
      %swap3A_1317 = arith.constant 0 : index
      %swap3A_1318 = arith.constant 0 : index
      %swap3A_1319 = memref.load %arg3[%swap3A_1317, %swap3A_1318] : memref<1x1xf32, #tpu.memory_space<smem>>
      memref.store %swap3A_1316, %arg3[%swap3A_1317, %swap3A_1318] : memref<1x1xf32, #tpu.memory_space<smem>>
    } else {
    }
    %get3A = arith.constant 0 : index
    %get3A_2 = arith.constant 0 : index
    %get3A_3 = vector.load %arg1[%get3A, %get3A_2] : memref<24x1024xf32, #tpu.memory_space<vmem>>, vector<24x1024xf32>
    %get3A_4 = arith.constant 0 : index
    %get3A_5 = arith.constant 0 : index
    %get3A_6 = vector.load %arg2[%get3A_4, %get3A_5] : memref<24x1024xf32, #tpu.memory_space<vmem>>, vector<24x1024xf32>
    %slice3A = vector.extract_strided_slice %get3A_3 {offsets = [0, 0], sizes = [3, 1024], strides = [1, 1]} : vector<24x1024xf32> to vector<3x1024xf32>
    %slice3A_7 = vector.extract_strided_slice %get3A_6 {offsets = [0, 0], sizes = [3, 1024], strides = [1, 1]} : vector<24x1024xf32> to vector<3x1024xf32>
    %mul3A = arith.mulf %slice3A, %slice3A : vector<3x1024xf32>
    %reduce_sum3A = arith.constant dense<0.000000e+00> : vector<1024xf32>
    %reduce_sum3A_8 = vector.multi_reduction <add>, %mul3A, %reduce_sum3A [0] : vector<3x1024xf32> to vector<1024xf32>
    %mul3A_9 = arith.mulf %slice3A_7, %slice3A_7 : vector<3x1024xf32>
    %reduce_sum3A_10 = arith.constant dense<0.000000e+00> : vector<1024xf32>
    %reduce_sum3A_11 = vector.multi_reduction <add>, %mul3A_9, %reduce_sum3A_10 [0] : vector<3x1024xf32> to vector<1024xf32>
    %mul3A_12 = arith.constant -2.000000e+00 : f32
    %mul3A_13 = vector.broadcast %mul3A_12 : f32 to vector<3x1024xf32>
    %mul3A_14 = arith.mulf %slice3A, %mul3A_13 : vector<3x1024xf32>
    %swap3A = arith.constant 0 : index
    %swap3A_15 = arith.constant 0 : index
    %swap3A_16 = vector.load %arg4[%swap3A, %swap3A_15] : memref<8x1024xf32, #tpu.memory_space<vmem>>, vector<3x1024xf32>
    tpu.vector_store %arg4[%swap3A, %swap3A_15], %mul3A_14 {strides = array<i32>} : memref<8x1024xf32, #tpu.memory_space<vmem>>, vector<3x1024xf32>,
    %broadcast_in_dim3A = vector.shape_cast %reduce_sum3A_8 : vector<1024xf32> to vector<1x1024xf32>
    %swap3A_17 = arith.constant 3 : index
    %swap3A_18 = arith.constant 0 : index
    %swap3A_19 = vector.load %arg4[%swap3A_17, %swap3A_18] : memref<8x1024xf32, #tpu.memory_space<vmem>>, vector<1x1024xf32>
    tpu.vector_store %arg4[%swap3A_17, %swap3A_18], %broadcast_in_dim3A {strides = array<i32>} : memref<8x1024xf32, #tpu.memory_space<vmem>>, vector<1x1024xf32>,
    %swap3A_20 = arith.constant 0 : index
    %swap3A_21 = arith.constant 0 : index
    %swap3A_22 = vector.load %arg5[%swap3A_20, %swap3A_21] : memref<8x1024xf32, #tpu.memory_space<vmem>>, vector<3x1024xf32>
    tpu.vector_store %arg5[%swap3A_20, %swap3A_21], %slice3A_7 {strides = array<i32>} : memref<8x1024xf32, #tpu.memory_space<vmem>>, vector<3x1024xf32>,
    %broadcast_in_dim3A_23 = vector.shape_cast %reduce_sum3A_11 : vector<1024xf32> to vector<1x1024xf32>
    %swap3A_24 = arith.constant 4 : index
    %swap3A_25 = arith.constant 0 : index
    %swap3A_26 = vector.load %arg5[%swap3A_24, %swap3A_25] : memref<8x1024xf32, #tpu.memory_space<vmem>>, vector<1x1024xf32>
    tpu.vector_store %arg5[%swap3A_24, %swap3A_25], %broadcast_in_dim3A_23 {strides = array<i32>} : memref<8x1024xf32, #tpu.memory_space<vmem>>, vector<1x1024xf32>,
    %get3A_27 = arith.constant 0 : index
    %get3A_28 = arith.constant 0 : index
    %get3A_29 = vector.load %arg4[%get3A_27, %get3A_28] : memref<8x1024xf32, #tpu.memory_space<vmem>>, vector<8x1024xf32>
    %get3A_30 = arith.constant 0 : index
    %get3A_31 = arith.constant 0 : index
    %get3A_32 = vector.load %arg5[%get3A_30, %get3A_31] : memref<8x1024xf32, #tpu.memory_space<vmem>>, vector<8x1024xf32>
    %slice3A_33 = vector.extract_strided_slice %get3A_32 {offsets = [0, 0], sizes = [8, 128], strides = [1, 1]} : vector<8x1024xf32> to vector<8x128xf32>
    %dot_general3A = arith.constant dense<0.000000e+00> : vector<1024x128xf32>
    %dot_general3A_34 = tpu.matmul %get3A_29, %slice3A_33, %dot_general3A {dimension_numbers = #tpu.dot_dimension_numbers<[0], [0], [1], [1], [0, 1, 1, 1], [], []>, transpose_lhs_hint = false} : vector<8x1024xf32>, vector<8x128xf32>, vector<1024x128xf32> -> vector<1024x128xf32>
    %reduce_min3A = arith.constant dense<0x7F800000> : vector<128xf32>
    %reduce_min3A_35 = vector.multi_reduction <minimumf>, %dot_general3A_34, %reduce_min3A [0] : vector<1024x128xf32> to vector<128xf32>
    %reduce_sum3A_36 = vector.shape_cast %reduce_min3A_35 : vector<128xf32> to vector<1x128xf32>
    %reduce_sum3A_37 = arith.constant dense<0.000000e+00> : vector<1xf32>
    %reduce_sum3A_38 = vector.multi_reduction <add>, %reduce_sum3A_36, %reduce_sum3A_37 [1] : vector<1x128xf32> to vector<1xf32>
    %reduce_sum3A_39 = vector.shape_cast %reduce_sum3A_38 : vector<1xf32> to vector<1x1xf32>
    %reduce_sum3A_40 = vector.extract %reduce_sum3A_39[0, 0] : f32 from vector<1x1xf32>
    %add3A = arith.constant 0.000000e+00 : f32
    %add3A_41 = arith.addf %add3A, %reduce_sum3A_40 : f32
    %slice3A_42 = vector.extract_strided_slice %get3A_32 {offsets = [0, 128], sizes = [8, 128], strides = [1, 1]} : vector<8x1024xf32> to vector<8x128xf32>
    %dot_general3A_43 = arith.constant dense<0.000000e+00> : vector<1024x128xf32>
    %dot_general3A_44 = tpu.matmul %get3A_29, %slice3A_42, %dot_general3A_43 {dimension_numbers = #tpu.dot_dimension_numbers<[0], [0], [1], [1], [0, 1, 1, 1], [], []>, transpose_lhs_hint = false} : vector<8x1024xf32>, vector<8x128xf32>, vector<1024x128xf32> -> vector<1024x128xf32>
    %min3A = arith.minimumf %dot_general3A_34, %dot_general3A_44 : vector<1024x128xf32>
    %reduce_min3A_45 = arith.constant dense<0x7F800000> : vector<128xf32>
    %reduce_min3A_46 = vector.multi_reduction <minimumf>, %dot_general3A_44, %reduce_min3A_45 [0] : vector<1024x128xf32> to vector<128xf32>
    %reduce_sum3A_47 = vector.shape_cast %reduce_min3A_46 : vector<128xf32> to vector<1x128xf32>
    %reduce_sum3A_48 = arith.constant dense<0.000000e+00> : vector<1xf32>
    %reduce_sum3A_49 = vector.multi_reduction <add>, %reduce_sum3A_47, %reduce_sum3A_48 [1] : vector<1x128xf32> to vector<1xf32>
    %reduce_sum3A_50 = vector.shape_cast %reduce_sum3A_49 : vector<1xf32> to vector<1x1xf32>
    %reduce_sum3A_51 = vector.extract %reduce_sum3A_50[0, 0] : f32 from vector<1x1xf32>
    %add3A_52 = arith.addf %add3A_41, %reduce_sum3A_51 : f32
    %slice3A_53 = vector.extract_strided_slice %get3A_32 {offsets = [0, 256], sizes = [8, 128], strides = [1, 1]} : vector<8x1024xf32> to vector<8x128xf32>
    %dot_general3A_54 = arith.constant dense<0.000000e+00> : vector<1024x128xf32>
    %dot_general3A_55 = tpu.matmul %get3A_29, %slice3A_53, %dot_general3A_54 {dimension_numbers = #tpu.dot_dimension_numbers<[0], [0], [1], [1], [0, 1, 1, 1], [], []>, transpose_lhs_hint = false} : vector<8x1024xf32>, vector<8x128xf32>, vector<1024x128xf32> -> vector<1024x128xf32>
    %min3A_56 = arith.minimumf %min3A, %dot_general3A_55 : vector<1024x128xf32>
    %reduce_min3A_57 = arith.constant dense<0x7F800000> : vector<128xf32>
    %reduce_min3A_58 = vector.multi_reduction <minimumf>, %dot_general3A_55, %reduce_min3A_57 [0] : vector<1024x128xf32> to vector<128xf32>
    %reduce_sum3A_59 = vector.shape_cast %reduce_min3A_58 : vector<128xf32> to vector<1x128xf32>
    %reduce_sum3A_60 = arith.constant dense<0.000000e+00> : vector<1xf32>
    %reduce_sum3A_61 = vector.multi_reduction <add>, %reduce_sum3A_59, %reduce_sum3A_60 [1] : vector<1x128xf32> to vector<1xf32>
    %reduce_sum3A_62 = vector.shape_cast %reduce_sum3A_61 : vector<1xf32> to vector<1x1xf32>
    %reduce_sum3A_63 = vector.extract %reduce_sum3A_62[0, 0] : f32 from vector<1x1xf32>
    %add3A_64 = arith.addf %add3A_52, %reduce_sum3A_63 : f32
    %slice3A_65 = vector.extract_strided_slice %get3A_32 {offsets = [0, 384], sizes = [8, 128], strides = [1, 1]} : vector<8x1024xf32> to vector<8x128xf32>
    %dot_general3A_66 = arith.constant dense<0.000000e+00> : vector<1024x128xf32>
    %dot_general3A_67 = tpu.matmul %get3A_29, %slice3A_65, %dot_general3A_66 {dimension_numbers = #tpu.dot_dimension_numbers<[0], [0], [1], [1], [0, 1, 1, 1], [], []>, transpose_lhs_hint = false} : vector<8x1024xf32>, vector<8x128xf32>, vector<1024x128xf32> -> vector<1024x128xf32>
    %min3A_68 = arith.minimumf %min3A_56, %dot_general3A_67 : vector<1024x128xf32>
    %reduce_min3A_69 = arith.constant dense<0x7F800000> : vector<128xf32>
    %reduce_min3A_70 = vector.multi_reduction <minimumf>, %dot_general3A_67, %reduce_min3A_69 [0] : vector<1024x128xf32> to vector<128xf32>
    %reduce_sum3A_71 = vector.shape_cast %reduce_min3A_70 : vector<128xf32> to vector<1x128xf32>
    %reduce_sum3A_72 = arith.constant dense<0.000000e+00> : vector<1xf32>
    %reduce_sum3A_73 = vector.multi_reduction <add>, %reduce_sum3A_71, %reduce_sum3A_72 [1] : vector<1x128xf32> to vector<1xf32>
    %reduce_sum3A_74 = vector.shape_cast %reduce_sum3A_73 : vector<1xf32> to vector<1x1xf32>
    %reduce_sum3A_75 = vector.extract %reduce_sum3A_74[0, 0] : f32 from vector<1x1xf32>
    %add3A_76 = arith.addf %add3A_64, %reduce_sum3A_75 : f32
    %slice3A_77 = vector.extract_strided_slice %get3A_32 {offsets = [0, 512], sizes = [8, 128], strides = [1, 1]} : vector<8x1024xf32> to vector<8x128xf32>
    %dot_general3A_78 = arith.constant dense<0.000000e+00> : vector<1024x128xf32>
    %dot_general3A_79 = tpu.matmul %get3A_29, %slice3A_77, %dot_general3A_78 {dimension_numbers = #tpu.dot_dimension_numbers<[0], [0], [1], [1], [0, 1, 1, 1], [], []>, transpose_lhs_hint = false} : vector<8x1024xf32>, vector<8x128xf32>, vector<1024x128xf32> -> vector<1024x128xf32>
    %min3A_80 = arith.minimumf %min3A_68, %dot_general3A_79 : vector<1024x128xf32>
    %reduce_min3A_81 = arith.constant dense<0x7F800000> : vector<128xf32>
    %reduce_min3A_82 = vector.multi_reduction <minimumf>, %dot_general3A_79, %reduce_min3A_81 [0] : vector<1024x128xf32> to vector<128xf32>
    %reduce_sum3A_83 = vector.shape_cast %reduce_min3A_82 : vector<128xf32> to vector<1x128xf32>
    %reduce_sum3A_84 = arith.constant dense<0.000000e+00> : vector<1xf32>
    %reduce_sum3A_85 = vector.multi_reduction <add>, %reduce_sum3A_83, %reduce_sum3A_84 [1] : vector<1x128xf32> to vector<1xf32>
    %reduce_sum3A_86 = vector.shape_cast %reduce_sum3A_85 : vector<1xf32> to vector<1x1xf32>
    %reduce_sum3A_87 = vector.extract %reduce_sum3A_86[0, 0] : f32 from vector<1x1xf32>
    %add3A_88 = arith.addf %add3A_76, %reduce_sum3A_87 : f32
    %slice3A_89 = vector.extract_strided_slice %get3A_32 {offsets = [0, 640], sizes = [8, 128], strides = [1, 1]} : vector<8x1024xf32> to vector<8x128xf32>
    %dot_general3A_90 = arith.constant dense<0.000000e+00> : vector<1024x128xf32>
    %dot_general3A_91 = tpu.matmul %get3A_29, %slice3A_89, %dot_general3A_90 {dimension_numbers = #tpu.dot_dimension_numbers<[0], [0], [1], [1], [0, 1, 1, 1], [], []>, transpose_lhs_hint = false} : vector<8x1024xf32>, vector<8x128xf32>, vector<1024x128xf32> -> vector<1024x128xf32>
    %min3A_92 = arith.minimumf %min3A_80, %dot_general3A_91 : vector<1024x128xf32>
    %reduce_min3A_93 = arith.constant dense<0x7F800000> : vector<128xf32>
    %reduce_min3A_94 = vector.multi_reduction <minimumf>, %dot_general3A_91, %reduce_min3A_93 [0] : vector<1024x128xf32> to vector<128xf32>
    %reduce_sum3A_95 = vector.shape_cast %reduce_min3A_94 : vector<128xf32> to vector<1x128xf32>
    %reduce_sum3A_96 = arith.constant dense<0.000000e+00> : vector<1xf32>
    %reduce_sum3A_97 = vector.multi_reduction <add>, %reduce_sum3A_95, %reduce_sum3A_96 [1] : vector<1x128xf32> to vector<1xf32>
    %reduce_sum3A_98 = vector.shape_cast %reduce_sum3A_97 : vector<1xf32> to vector<1x1xf32>
    %reduce_sum3A_99 = vector.extract %reduce_sum3A_98[0, 0] : f32 from vector<1x1xf32>
    %add3A_100 = arith.addf %add3A_88, %reduce_sum3A_99 : f32
    %slice3A_101 = vector.extract_strided_slice %get3A_32 {offsets = [0, 768], sizes = [8, 128], strides = [1, 1]} : vector<8x1024xf32> to vector<8x128xf32>
    %dot_general3A_102 = arith.constant dense<0.000000e+00> : vector<1024x128xf32>
    %dot_general3A_103 = tpu.matmul %get3A_29, %slice3A_101, %dot_general3A_102 {dimension_numbers = #tpu.dot_dimension_numbers<[0], [0], [1], [1], [0, 1, 1, 1], [], []>, transpose_lhs_hint = false} : vector<8x1024xf32>, vector<8x128xf32>, vector<1024x128xf32> -> vector<1024x128xf32>
    %min3A_104 = arith.minimumf %min3A_92, %dot_general3A_103 : vector<1024x128xf32>
    %reduce_min3A_105 = arith.constant dense<0x7F800000> : vector<128xf32>
    %reduce_min3A_106 = vector.multi_reduction <minimumf>, %dot_general3A_103, %reduce_min3A_105 [0] : vector<1024x128xf32> to vector<128xf32>
    %reduce_sum3A_107 = vector.shape_cast %reduce_min3A_106 : vector<128xf32> to vector<1x128xf32>
    %reduce_sum3A_108 = arith.constant dense<0.000000e+00> : vector<1xf32>
    %reduce_sum3A_109 = vector.multi_reduction <add>, %reduce_sum3A_107, %reduce_sum3A_108 [1] : vector<1x128xf32> to vector<1xf32>
    %reduce_sum3A_110 = vector.shape_cast %reduce_sum3A_109 : vector<1xf32> to vector<1x1xf32>
    %reduce_sum3A_111 = vector.extract %reduce_sum3A_110[0, 0] : f32 from vector<1x1xf32>
    %add3A_112 = arith.addf %add3A_100, %reduce_sum3A_111 : f32
    %slice3A_113 = vector.extract_strided_slice %get3A_32 {offsets = [0, 896], sizes = [8, 128], strides = [1, 1]} : vector<8x1024xf32> to vector<8x128xf32>
    %dot_general3A_114 = arith.constant dense<0.000000e+00> : vector<1024x128xf32>
    %dot_general3A_115 = tpu.matmul %get3A_29, %slice3A_113, %dot_general3A_114 {dimension_numbers = #tpu.dot_dimension_numbers<[0], [0], [1], [1], [0, 1, 1, 1], [], []>, transpose_lhs_hint = false} : vector<8x1024xf32>, vector<8x128xf32>, vector<1024x128xf32> -> vector<1024x128xf32>
    %min3A_116 = arith.minimumf %min3A_104, %dot_general3A_115 : vector<1024x128xf32>
    %reduce_min3A_117 = arith.constant dense<0x7F800000> : vector<128xf32>
    %reduce_min3A_118 = vector.multi_reduction <minimumf>, %dot_general3A_115, %reduce_min3A_117 [0] : vector<1024x128xf32> to vector<128xf32>
    %reduce_sum3A_119 = vector.shape_cast %reduce_min3A_118 : vector<128xf32> to vector<1x128xf32>
    %reduce_sum3A_120 = arith.constant dense<0.000000e+00> : vector<1xf32>
    %reduce_sum3A_121 = vector.multi_reduction <add>, %reduce_sum3A_119, %reduce_sum3A_120 [1] : vector<1x128xf32> to vector<1xf32>
    %reduce_sum3A_122 = vector.shape_cast %reduce_sum3A_121 : vector<1xf32> to vector<1x1xf32>
    %reduce_sum3A_123 = vector.extract %reduce_sum3A_122[0, 0] : f32 from vector<1x1xf32>
    %add3A_124 = arith.addf %add3A_112, %reduce_sum3A_123 : f32
    %reduce_min3A_125 = arith.constant dense<0x7F800000> : vector<1024xf32>
    %reduce_min3A_126 = vector.multi_reduction <minimumf>, %min3A_116, %reduce_min3A_125 [1] : vector<1024x128xf32> to vector<1024xf32>
    %reduce_sum3A_127 = vector.shape_cast %reduce_min3A_126 : vector<1024xf32> to vector<1x1024xf32>
    %reduce_sum3A_128 = arith.constant dense<0.000000e+00> : vector<1xf32>
    %reduce_sum3A_129 = vector.multi_reduction <add>, %reduce_sum3A_127, %reduce_sum3A_128 [1] : vector<1x1024xf32> to vector<1xf32>
    %reduce_sum3A_130 = vector.shape_cast %reduce_sum3A_129 : vector<1xf32> to vector<1x1xf32>
    %reduce_sum3A_131 = vector.extract %reduce_sum3A_130[0, 0] : f32 from vector<1x1xf32>
    %mul3A_132 = arith.constant 8 : i32
    %mul3A_133 = arith.muli %arg0, %mul3A_132 : i32
    %add3A_134 = arith.constant 0 : i32
    %add3A_135 = arith.addi %mul3A_133, %add3A_134 : i32
    %jit3A = arith.constant 8 : i32
    %eq3A_136 = arith.constant 0 : i32
    %eq3A_137 = arith.cmpi eq, %jit3A, %eq3A_136 : i32
    %jit3A_138 = arith.constant 1 : i32
    %select_n3A = arith.select %eq3A_137, %jit3A_138, %jit3A : i32
    %rem3A = arith.remsi %add3A_135, %select_n3A : i32
    %ne3A = arith.constant 0 : i32
    %ne3A_139 = arith.cmpi ne, %rem3A, %ne3A : i32
    %lt3A = arith.constant 0 : i32
    %lt3A_140 = arith.cmpi slt, %rem3A, %lt3A : i32
    %lt3A_141 = arith.constant 0 : i32
    %lt3A_142 = arith.cmpi slt, %select_n3A, %lt3A_141 : i32
    %ne3A_143 = arith.xori %lt3A_140, %lt3A_142 : i1
    %and3A = arith.andi %ne3A_143, %ne3A_139 : i1
    %add3A_144 = arith.addi %rem3A, %select_n3A : i32
    %select_n3A_145 = arith.select %and3A, %add3A_144, %rem3A : i32
    %eq3A_146 = arith.constant 0 : i32
    %eq3A_147 = arith.cmpi eq, %select_n3A_145, %eq3A_146 : i32
    %jit3A_148 = arith.constant 2.000000e+00 : f32
    %jit3A_149 = arith.constant 1.000000e+00 : f32
    %select_n3A_150 = arith.select %eq3A_147, %jit3A_148, %jit3A_149 : f32
    %add3A_151 = arith.addf %reduce_sum3A_131, %add3A_124 : f32
    %mul3A_152 = arith.mulf %select_n3A_150, %add3A_151 : f32
    %add3A_153 = arith.constant 0.000000e+00 : f32
    %add3A_154 = arith.addf %add3A_153, %mul3A_152 : f32
    %slice3A_155 = vector.extract_strided_slice %get3A_3 {offsets = [3, 0], sizes = [3, 1024], strides = [1, 1]} : vector<24x1024xf32> to vector<3x1024xf32>
    %slice3A_156 = vector.extract_strided_slice %get3A_6 {offsets = [3, 0], sizes = [3, 1024], strides = [1, 1]} : vector<24x1024xf32> to vector<3x1024xf32>
    %mul3A_157 = arith.mulf %slice3A_155, %slice3A_155 : vector<3x1024xf32>
    %reduce_sum3A_158 = arith.constant dense<0.000000e+00> : vector<1024xf32>
    %reduce_sum3A_159 = vector.multi_reduction <add>, %mul3A_157, %reduce_sum3A_158 [0] : vector<3x1024xf32> to vector<1024xf32>
    %mul3A_160 = arith.mulf %slice3A_156, %slice3A_156 : vector<3x1024xf32>
    %reduce_sum3A_161 = arith.constant dense<0.000000e+00> : vector<1024xf32>
    %reduce_sum3A_162 = vector.multi_reduction <add>, %mul3A_160, %reduce_sum3A_161 [0] : vector<3x1024xf32> to vector<1024xf32>
    %mul3A_163 = arith.constant -2.000000e+00 : f32
    %mul3A_164 = vector.broadcast %mul3A_163 : f32 to vector<3x1024xf32>
    %mul3A_165 = arith.mulf %slice3A_155, %mul3A_164 : vector<3x1024xf32>
    %swap3A_166 = arith.constant 0 : index
    %swap3A_167 = arith.constant 0 : index
    %swap3A_168 = vector.load %arg4[%swap3A_166, %swap3A_167] : memref<8x1024xf32, #tpu.memory_space<vmem>>, vector<3x1024xf32>
    tpu.vector_store %arg4[%swap3A_166, %swap3A_167], %mul3A_165 {strides = array<i32>} : memref<8x1024xf32, #tpu.memory_space<vmem>>, vector<3x1024xf32>,
    %broadcast_in_dim3A_169 = vector.shape_cast %reduce_sum3A_159 : vector<1024xf32> to vector<1x1024xf32>
    %swap3A_170 = arith.constant 3 : index
    %swap3A_171 = arith.constant 0 : index
    %swap3A_172 = vector.load %arg4[%swap3A_170, %swap3A_171] : memref<8x1024xf32, #tpu.memory_space<vmem>>, vector<1x1024xf32>
    tpu.vector_store %arg4[%swap3A_170, %swap3A_171], %broadcast_in_dim3A_169 {strides = array<i32>} : memref<8x1024xf32, #tpu.memory_space<vmem>>, vector<1x1024xf32>,
    %swap3A_173 = arith.constant 0 : index
    %swap3A_174 = arith.constant 0 : index
    %swap3A_175 = vector.load %arg5[%swap3A_173, %swap3A_174] : memref<8x1024xf32, #tpu.memory_space<vmem>>, vector<3x1024xf32>
    tpu.vector_store %arg5[%swap3A_173, %swap3A_174], %slice3A_156 {strides = array<i32>} : memref<8x1024xf32, #tpu.memory_space<vmem>>, vector<3x1024xf32>,
    %broadcast_in_dim3A_176 = vector.shape_cast %reduce_sum3A_162 : vector<1024xf32> to vector<1x1024xf32>
    %swap3A_177 = arith.constant 4 : index
    %swap3A_178 = arith.constant 0 : index
    %swap3A_179 = vector.load %arg5[%swap3A_177, %swap3A_178] : memref<8x1024xf32, #tpu.memory_space<vmem>>, vector<1x1024xf32>
    tpu.vector_store %arg5[%swap3A_177, %swap3A_178], %broadcast_in_dim3A_176 {strides = array<i32>} : memref<8x1024xf32, #tpu.memory_space<vmem>>, vector<1x1024xf32>,
    %get3A_180 = arith.constant 0 : index
    %get3A_181 = arith.constant 0 : index
    %get3A_182 = vector.load %arg4[%get3A_180, %get3A_181] : memref<8x1024xf32, #tpu.memory_space<vmem>>, vector<8x1024xf32>
    %get3A_183 = arith.constant 0 : index
    %get3A_184 = arith.constant 0 : index
    %get3A_185 = vector.load %arg5[%get3A_183, %get3A_184] : memref<8x1024xf32, #tpu.memory_space<vmem>>, vector<8x1024xf32>
    %slice3A_186 = vector.extract_strided_slice %get3A_185 {offsets = [0, 0], sizes = [8, 128], strides = [1, 1]} : vector<8x1024xf32> to vector<8x128xf32>
    %dot_general3A_187 = arith.constant dense<0.000000e+00> : vector<1024x128xf32>
    %dot_general3A_188 = tpu.matmul %get3A_182, %slice3A_186, %dot_general3A_187 {dimension_numbers = #tpu.dot_dimension_numbers<[0], [0], [1], [1], [0, 1, 1, 1], [], []>, transpose_lhs_hint = false} : vector<8x1024xf32>, vector<8x128xf32>, vector<1024x128xf32> -> vector<1024x128xf32>
    %reduce_min3A_189 = arith.constant dense<0x7F800000> : vector<128xf32>
    %reduce_min3A_190 = vector.multi_reduction <minimumf>, %dot_general3A_188, %reduce_min3A_189 [0] : vector<1024x128xf32> to vector<128xf32>
    %reduce_sum3A_191 = vector.shape_cast %reduce_min3A_190 : vector<128xf32> to vector<1x128xf32>
    %reduce_sum3A_192 = arith.constant dense<0.000000e+00> : vector<1xf32>
    %reduce_sum3A_193 = vector.multi_reduction <add>, %reduce_sum3A_191, %reduce_sum3A_192 [1] : vector<1x128xf32> to vector<1xf32>
    %reduce_sum3A_194 = vector.shape_cast %reduce_sum3A_193 : vector<1xf32> to vector<1x1xf32>
    %reduce_sum3A_195 = vector.extract %reduce_sum3A_194[0, 0] : f32 from vector<1x1xf32>
    %add3A_196 = arith.constant 0.000000e+00 : f32
    %add3A_197 = arith.addf %add3A_196, %reduce_sum3A_195 : f32
    %slice3A_198 = vector.extract_strided_slice %get3A_185 {offsets = [0, 128], sizes = [8, 128], strides = [1, 1]} : vector<8x1024xf32> to vector<8x128xf32>
    %dot_general3A_199 = arith.constant dense<0.000000e+00> : vector<1024x128xf32>
    %dot_general3A_200 = tpu.matmul %get3A_182, %slice3A_198, %dot_general3A_199 {dimension_numbers = #tpu.dot_dimension_numbers<[0], [0], [1], [1], [0, 1, 1, 1], [], []>, transpose_lhs_hint = false} : vector<8x1024xf32>, vector<8x128xf32>, vector<1024x128xf32> -> vector<1024x128xf32>
    %min3A_201 = arith.minimumf %dot_general3A_188, %dot_general3A_200 : vector<1024x128xf32>
    %reduce_min3A_202 = arith.constant dense<0x7F800000> : vector<128xf32>
    %reduce_min3A_203 = vector.multi_reduction <minimumf>, %dot_general3A_200, %reduce_min3A_202 [0] : vector<1024x128xf32> to vector<128xf32>
    %reduce_sum3A_204 = vector.shape_cast %reduce_min3A_203 : vector<128xf32> to vector<1x128xf32>
    %reduce_sum3A_205 = arith.constant dense<0.000000e+00> : vector<1xf32>
    %reduce_sum3A_206 = vector.multi_reduction <add>, %reduce_sum3A_204, %reduce_sum3A_205 [1] : vector<1x128xf32> to vector<1xf32>
    %reduce_sum3A_207 = vector.shape_cast %reduce_sum3A_206 : vector<1xf32> to vector<1x1xf32>
    %reduce_sum3A_208 = vector.extract %reduce_sum3A_207[0, 0] : f32 from vector<1x1xf32>
    %add3A_209 = arith.addf %add3A_197, %reduce_sum3A_208 : f32
    %slice3A_210 = vector.extract_strided_slice %get3A_185 {offsets = [0, 256], sizes = [8, 128], strides = [1, 1]} : vector<8x1024xf32> to vector<8x128xf32>
    %dot_general3A_211 = arith.constant dense<0.000000e+00> : vector<1024x128xf32>
    %dot_general3A_212 = tpu.matmul %get3A_182, %slice3A_210, %dot_general3A_211 {dimension_numbers = #tpu.dot_dimension_numbers<[0], [0], [1], [1], [0, 1, 1, 1], [], []>, transpose_lhs_hint = false} : vector<8x1024xf32>, vector<8x128xf32>, vector<1024x128xf32> -> vector<1024x128xf32>
    %min3A_213 = arith.minimumf %min3A_201, %dot_general3A_212 : vector<1024x128xf32>
    %reduce_min3A_214 = arith.constant dense<0x7F800000> : vector<128xf32>
    %reduce_min3A_215 = vector.multi_reduction <minimumf>, %dot_general3A_212, %reduce_min3A_214 [0] : vector<1024x128xf32> to vector<128xf32>
    %reduce_sum3A_216 = vector.shape_cast %reduce_min3A_215 : vector<128xf32> to vector<1x128xf32>
    %reduce_sum3A_217 = arith.constant dense<0.000000e+00> : vector<1xf32>
    %reduce_sum3A_218 = vector.multi_reduction <add>, %reduce_sum3A_216, %reduce_sum3A_217 [1] : vector<1x128xf32> to vector<1xf32>
    %reduce_sum3A_219 = vector.shape_cast %reduce_sum3A_218 : vector<1xf32> to vector<1x1xf32>
    %reduce_sum3A_220 = vector.extract %reduce_sum3A_219[0, 0] : f32 from vector<1x1xf32>
    %add3A_221 = arith.addf %add3A_209, %reduce_sum3A_220 : f32
    %slice3A_222 = vector.extract_strided_slice %get3A_185 {offsets = [0, 384], sizes = [8, 128], strides = [1, 1]} : vector<8x1024xf32> to vector<8x128xf32>
    %dot_general3A_223 = arith.constant dense<0.000000e+00> : vector<1024x128xf32>
    %dot_general3A_224 = tpu.matmul %get3A_182, %slice3A_222, %dot_general3A_223 {dimension_numbers = #tpu.dot_dimension_numbers<[0], [0], [1], [1], [0, 1, 1, 1], [], []>, transpose_lhs_hint = false} : vector<8x1024xf32>, vector<8x128xf32>, vector<1024x128xf32> -> vector<1024x128xf32>
    %min3A_225 = arith.minimumf %min3A_213, %dot_general3A_224 : vector<1024x128xf32>
    %reduce_min3A_226 = arith.constant dense<0x7F800000> : vector<128xf32>
    %reduce_min3A_227 = vector.multi_reduction <minimumf>, %dot_general3A_224, %reduce_min3A_226 [0] : vector<1024x128xf32> to vector<128xf32>
    %reduce_sum3A_228 = vector.shape_cast %reduce_min3A_227 : vector<128xf32> to vector<1x128xf32>
    %reduce_sum3A_229 = arith.constant dense<0.000000e+00> : vector<1xf32>
    %reduce_sum3A_230 = vector.multi_reduction <add>, %reduce_sum3A_228, %reduce_sum3A_229 [1] : vector<1x128xf32> to vector<1xf32>
    %reduce_sum3A_231 = vector.shape_cast %reduce_sum3A_230 : vector<1xf32> to vector<1x1xf32>
    %reduce_sum3A_232 = vector.extract %reduce_sum3A_231[0, 0] : f32 from vector<1x1xf32>
    %add3A_233 = arith.addf %add3A_221, %reduce_sum3A_232 : f32
    %slice3A_234 = vector.extract_strided_slice %get3A_185 {offsets = [0, 512], sizes = [8, 128], strides = [1, 1]} : vector<8x1024xf32> to vector<8x128xf32>
    %dot_general3A_235 = arith.constant dense<0.000000e+00> : vector<1024x128xf32>
    %dot_general3A_236 = tpu.matmul %get3A_182, %slice3A_234, %dot_general3A_235 {dimension_numbers = #tpu.dot_dimension_numbers<[0], [0], [1], [1], [0, 1, 1, 1], [], []>, transpose_lhs_hint = false} : vector<8x1024xf32>, vector<8x128xf32>, vector<1024x128xf32> -> vector<1024x128xf32>
    %min3A_237 = arith.minimumf %min3A_225, %dot_general3A_236 : vector<1024x128xf32>
    %reduce_min3A_238 = arith.constant dense<0x7F800000> : vector<128xf32>
    %reduce_min3A_239 = vector.multi_reduction <minimumf>, %dot_general3A_236, %reduce_min3A_238 [0] : vector<1024x128xf32> to vector<128xf32>
    %reduce_sum3A_240 = vector.shape_cast %reduce_min3A_239 : vector<128xf32> to vector<1x128xf32>
    %reduce_sum3A_241 = arith.constant dense<0.000000e+00> : vector<1xf32>
    %reduce_sum3A_242 = vector.multi_reduction <add>, %reduce_sum3A_240, %reduce_sum3A_241 [1] : vector<1x128xf32> to vector<1xf32>
    %reduce_sum3A_243 = vector.shape_cast %reduce_sum3A_242 : vector<1xf32> to vector<1x1xf32>
    %reduce_sum3A_244 = vector.extract %reduce_sum3A_243[0, 0] : f32 from vector<1x1xf32>
    %add3A_245 = arith.addf %add3A_233, %reduce_sum3A_244 : f32
    %slice3A_246 = vector.extract_strided_slice %get3A_185 {offsets = [0, 640], sizes = [8, 128], strides = [1, 1]} : vector<8x1024xf32> to vector<8x128xf32>
    %dot_general3A_247 = arith.constant dense<0.000000e+00> : vector<1024x128xf32>
    %dot_general3A_248 = tpu.matmul %get3A_182, %slice3A_246, %dot_general3A_247 {dimension_numbers = #tpu.dot_dimension_numbers<[0], [0], [1], [1], [0, 1, 1, 1], [], []>, transpose_lhs_hint = false} : vector<8x1024xf32>, vector<8x128xf32>, vector<1024x128xf32> -> vector<1024x128xf32>
    %min3A_249 = arith.minimumf %min3A_237, %dot_general3A_248 : vector<1024x128xf32>
    %reduce_min3A_250 = arith.constant dense<0x7F800000> : vector<128xf32>
    %reduce_min3A_251 = vector.multi_reduction <minimumf>, %dot_general3A_248, %reduce_min3A_250 [0] : vector<1024x128xf32> to vector<128xf32>
    %reduce_sum3A_252 = vector.shape_cast %reduce_min3A_251 : vector<128xf32> to vector<1x128xf32>
    %reduce_sum3A_253 = arith.constant dense<0.000000e+00> : vector<1xf32>
    %reduce_sum3A_254 = vector.multi_reduction <add>, %reduce_sum3A_252, %reduce_sum3A_253 [1] : vector<1x128xf32> to vector<1xf32>
    %reduce_sum3A_255 = vector.shape_cast %reduce_sum3A_254 : vector<1xf32> to vector<1x1xf32>
    %reduce_sum3A_256 = vector.extract %reduce_sum3A_255[0, 0] : f32 from vector<1x1xf32>
    %add3A_257 = arith.addf %add3A_245, %reduce_sum3A_256 : f32
    %slice3A_258 = vector.extract_strided_slice %get3A_185 {offsets = [0, 768], sizes = [8, 128], strides = [1, 1]} : vector<8x1024xf32> to vector<8x128xf32>
    %dot_general3A_259 = arith.constant dense<0.000000e+00> : vector<1024x128xf32>
    %dot_general3A_260 = tpu.matmul %get3A_182, %slice3A_258, %dot_general3A_259 {dimension_numbers = #tpu.dot_dimension_numbers<[0], [0], [1], [1], [0, 1, 1, 1], [], []>, transpose_lhs_hint = false} : vector<8x1024xf32>, vector<8x128xf32>, vector<1024x128xf32> -> vector<1024x128xf32>
    %min3A_261 = arith.minimumf %min3A_249, %dot_general3A_260 : vector<1024x128xf32>
    %reduce_min3A_262 = arith.constant dense<0x7F800000> : vector<128xf32>
    %reduce_min3A_263 = vector.multi_reduction <minimumf>, %dot_general3A_260, %reduce_min3A_262 [0] : vector<1024x128xf32> to vector<128xf32>
    %reduce_sum3A_264 = vector.shape_cast %reduce_min3A_263 : vector<128xf32> to vector<1x128xf32>
    %reduce_sum3A_265 = arith.constant dense<0.000000e+00> : vector<1xf32>
    %reduce_sum3A_266 = vector.multi_reduction <add>, %reduce_sum3A_264, %reduce_sum3A_265 [1] : vector<1x128xf32> to vector<1xf32>
    %reduce_sum3A_267 = vector.shape_cast %reduce_sum3A_266 : vector<1xf32> to vector<1x1xf32>
    %reduce_sum3A_268 = vector.extract %reduce_sum3A_267[0, 0] : f32 from vector<1x1xf32>
    %add3A_269 = arith.addf %add3A_257, %reduce_sum3A_268 : f32
    %slice3A_270 = vector.extract_strided_slice %get3A_185 {offsets = [0, 896], sizes = [8, 128], strides = [1, 1]} : vector<8x1024xf32> to vector<8x128xf32>
    %dot_general3A_271 = arith.constant dense<0.000000e+00> : vector<1024x128xf32>
    %dot_general3A_272 = tpu.matmul %get3A_182, %slice3A_270, %dot_general3A_271 {dimension_numbers = #tpu.dot_dimension_numbers<[0], [0], [1], [1], [0, 1, 1, 1], [], []>, transpose_lhs_hint = false} : vector<8x1024xf32>, vector<8x128xf32>, vector<1024x128xf32> -> vector<1024x128xf32>
    %min3A_273 = arith.minimumf %min3A_261, %dot_general3A_272 : vector<1024x128xf32>
    %reduce_min3A_274 = arith.constant dense<0x7F800000> : vector<128xf32>
    %reduce_min3A_275 = vector.multi_reduction <minimumf>, %dot_general3A_272, %reduce_min3A_274 [0] : vector<1024x128xf32> to vector<128xf32>
    %reduce_sum3A_276 = vector.shape_cast %reduce_min3A_275 : vector<128xf32> to vector<1x128xf32>
    %reduce_sum3A_277 = arith.constant dense<0.000000e+00> : vector<1xf32>
    %reduce_sum3A_278 = vector.multi_reduction <add>, %reduce_sum3A_276, %reduce_sum3A_277 [1] : vector<1x128xf32> to vector<1xf32>
    %reduce_sum3A_279 = vector.shape_cast %reduce_sum3A_278 : vector<1xf32> to vector<1x1xf32>
    %reduce_sum3A_280 = vector.extract %reduce_sum3A_279[0, 0] : f32 from vector<1x1xf32>
    %add3A_281 = arith.addf %add3A_269, %reduce_sum3A_280 : f32
    %reduce_min3A_282 = arith.constant dense<0x7F800000> : vector<1024xf32>
    %reduce_min3A_283 = vector.multi_reduction <minimumf>, %min3A_273, %reduce_min3A_282 [1] : vector<1024x128xf32> to vector<1024xf32>
    %reduce_sum3A_284 = vector.shape_cast %reduce_min3A_283 : vector<1024xf32> to vector<1x1024xf32>
    %reduce_sum3A_285 = arith.constant dense<0.000000e+00> : vector<1xf32>
    %reduce_sum3A_286 = vector.multi_reduction <add>, %reduce_sum3A_284, %reduce_sum3A_285 [1] : vector<1x1024xf32> to vector<1xf32>
    %reduce_sum3A_287 = vector.shape_cast %reduce_sum3A_286 : vector<1xf32> to vector<1x1xf32>
    %reduce_sum3A_288 = vector.extract %reduce_sum3A_287[0, 0] : f32 from vector<1x1xf32>
    %mul3A_289 = arith.constant 8 : i32
    %mul3A_290 = arith.muli %arg0, %mul3A_289 : i32
    %add3A_291 = arith.constant 1 : i32
    %add3A_292 = arith.addi %mul3A_290, %add3A_291 : i32
    %jit3A_293 = arith.constant 8 : i32
    %eq3A_294 = arith.constant 0 : i32
    %eq3A_295 = arith.cmpi eq, %jit3A_293, %eq3A_294 : i32
    %jit3A_296 = arith.constant 1 : i32
    %select_n3A_297 = arith.select %eq3A_295, %jit3A_296, %jit3A_293 : i32
    %rem3A_298 = arith.remsi %add3A_292, %select_n3A_297 : i32
    %ne3A_299 = arith.constant 0 : i32
    %ne3A_300 = arith.cmpi ne, %rem3A_298, %ne3A_299 : i32
    %lt3A_301 = arith.constant 0 : i32
    %lt3A_302 = arith.cmpi slt, %rem3A_298, %lt3A_301 : i32
    %lt3A_303 = arith.constant 0 : i32
    %lt3A_304 = arith.cmpi slt, %select_n3A_297, %lt3A_303 : i32
    %ne3A_305 = arith.xori %lt3A_302, %lt3A_304 : i1
    %and3A_306 = arith.andi %ne3A_305, %ne3A_300 : i1
    %add3A_307 = arith.addi %rem3A_298, %select_n3A_297 : i32
    %select_n3A_308 = arith.select %and3A_306, %add3A_307, %rem3A_298 : i32
    %eq3A_309 = arith.constant 0 : i32
    %eq3A_310 = arith.cmpi eq, %select_n3A_308, %eq3A_309 : i32
    %jit3A_311 = arith.constant 2.000000e+00 : f32
    %jit3A_312 = arith.constant 1.000000e+00 : f32
    %select_n3A_313 = arith.select %eq3A_310, %jit3A_311, %jit3A_312 : f32
    %add3A_314 = arith.addf %reduce_sum3A_288, %add3A_281 : f32
    %mul3A_315 = arith.mulf %select_n3A_313, %add3A_314 : f32
    %add3A_316 = arith.addf %add3A_154, %mul3A_315 : f32
    %slice3A_317 = vector.extract_strided_slice %get3A_3 {offsets = [6, 0], sizes = [3, 1024], strides = [1, 1]} : vector<24x1024xf32> to vector<3x1024xf32>
    %slice3A_318 = vector.extract_strided_slice %get3A_6 {offsets = [6, 0], sizes = [3, 1024], strides = [1, 1]} : vector<24x1024xf32> to vector<3x1024xf32>
    %mul3A_319 = arith.mulf %slice3A_317, %slice3A_317 : vector<3x1024xf32>
    %reduce_sum3A_320 = arith.constant dense<0.000000e+00> : vector<1024xf32>
    %reduce_sum3A_321 = vector.multi_reduction <add>, %mul3A_319, %reduce_sum3A_320 [0] : vector<3x1024xf32> to vector<1024xf32>
    %mul3A_322 = arith.mulf %slice3A_318, %slice3A_318 : vector<3x1024xf32>
    %reduce_sum3A_323 = arith.constant dense<0.000000e+00> : vector<1024xf32>
    %reduce_sum3A_324 = vector.multi_reduction <add>, %mul3A_322, %reduce_sum3A_323 [0] : vector<3x1024xf32> to vector<1024xf32>
    %mul3A_325 = arith.constant -2.000000e+00 : f32
    %mul3A_326 = vector.broadcast %mul3A_325 : f32 to vector<3x1024xf32>
    %mul3A_327 = arith.mulf %slice3A_317, %mul3A_326 : vector<3x1024xf32>
    %swap3A_328 = arith.constant 0 : index
    %swap3A_329 = arith.constant 0 : index
    %swap3A_330 = vector.load %arg4[%swap3A_328, %swap3A_329] : memref<8x1024xf32, #tpu.memory_space<vmem>>, vector<3x1024xf32>
    tpu.vector_store %arg4[%swap3A_328, %swap3A_329], %mul3A_327 {strides = array<i32>} : memref<8x1024xf32, #tpu.memory_space<vmem>>, vector<3x1024xf32>,
    %broadcast_in_dim3A_331 = vector.shape_cast %reduce_sum3A_321 : vector<1024xf32> to vector<1x1024xf32>
    %swap3A_332 = arith.constant 3 : index
    %swap3A_333 = arith.constant 0 : index
    %swap3A_334 = vector.load %arg4[%swap3A_332, %swap3A_333] : memref<8x1024xf32, #tpu.memory_space<vmem>>, vector<1x1024xf32>
    tpu.vector_store %arg4[%swap3A_332, %swap3A_333], %broadcast_in_dim3A_331 {strides = array<i32>} : memref<8x1024xf32, #tpu.memory_space<vmem>>, vector<1x1024xf32>,
    %swap3A_335 = arith.constant 0 : index
    %swap3A_336 = arith.constant 0 : index
    %swap3A_337 = vector.load %arg5[%swap3A_335, %swap3A_336] : memref<8x1024xf32, #tpu.memory_space<vmem>>, vector<3x1024xf32>
    tpu.vector_store %arg5[%swap3A_335, %swap3A_336], %slice3A_318 {strides = array<i32>} : memref<8x1024xf32, #tpu.memory_space<vmem>>, vector<3x1024xf32>,
    %broadcast_in_dim3A_338 = vector.shape_cast %reduce_sum3A_324 : vector<1024xf32> to vector<1x1024xf32>
    %swap3A_339 = arith.constant 4 : index
    %swap3A_340 = arith.constant 0 : index
    %swap3A_341 = vector.load %arg5[%swap3A_339, %swap3A_340] : memref<8x1024xf32, #tpu.memory_space<vmem>>, vector<1x1024xf32>
    tpu.vector_store %arg5[%swap3A_339, %swap3A_340], %broadcast_in_dim3A_338 {strides = array<i32>} : memref<8x1024xf32, #tpu.memory_space<vmem>>, vector<1x1024xf32>,
    %get3A_342 = arith.constant 0 : index
    %get3A_343 = arith.constant 0 : index
    %get3A_344 = vector.load %arg4[%get3A_342, %get3A_343] : memref<8x1024xf32, #tpu.memory_space<vmem>>, vector<8x1024xf32>
    %get3A_345 = arith.constant 0 : index
    %get3A_346 = arith.constant 0 : index
    %get3A_347 = vector.load %arg5[%get3A_345, %get3A_346] : memref<8x1024xf32, #tpu.memory_space<vmem>>, vector<8x1024xf32>
    %slice3A_348 = vector.extract_strided_slice %get3A_347 {offsets = [0, 0], sizes = [8, 128], strides = [1, 1]} : vector<8x1024xf32> to vector<8x128xf32>
    %dot_general3A_349 = arith.constant dense<0.000000e+00> : vector<1024x128xf32>
    %dot_general3A_350 = tpu.matmul %get3A_344, %slice3A_348, %dot_general3A_349 {dimension_numbers = #tpu.dot_dimension_numbers<[0], [0], [1], [1], [0, 1, 1, 1], [], []>, transpose_lhs_hint = false} : vector<8x1024xf32>, vector<8x128xf32>, vector<1024x128xf32> -> vector<1024x128xf32>
    %reduce_min3A_351 = arith.constant dense<0x7F800000> : vector<128xf32>
    %reduce_min3A_352 = vector.multi_reduction <minimumf>, %dot_general3A_350, %reduce_min3A_351 [0] : vector<1024x128xf32> to vector<128xf32>
    %reduce_sum3A_353 = vector.shape_cast %reduce_min3A_352 : vector<128xf32> to vector<1x128xf32>
    %reduce_sum3A_354 = arith.constant dense<0.000000e+00> : vector<1xf32>
    %reduce_sum3A_355 = vector.multi_reduction <add>, %reduce_sum3A_353, %reduce_sum3A_354 [1] : vector<1x128xf32> to vector<1xf32>
    %reduce_sum3A_356 = vector.shape_cast %reduce_sum3A_355 : vector<1xf32> to vector<1x1xf32>
    %reduce_sum3A_357 = vector.extract %reduce_sum3A_356[0, 0] : f32 from vector<1x1xf32>
    %add3A_358 = arith.constant 0.000000e+00 : f32
    %add3A_359 = arith.addf %add3A_358, %reduce_sum3A_357 : f32
    %slice3A_360 = vector.extract_strided_slice %get3A_347 {offsets = [0, 128], sizes = [8, 128], strides = [1, 1]} : vector<8x1024xf32> to vector<8x128xf32>
    %dot_general3A_361 = arith.constant dense<0.000000e+00> : vector<1024x128xf32>
    %dot_general3A_362 = tpu.matmul %get3A_344, %slice3A_360, %dot_general3A_361 {dimension_numbers = #tpu.dot_dimension_numbers<[0], [0], [1], [1], [0, 1, 1, 1], [], []>, transpose_lhs_hint = false} : vector<8x1024xf32>, vector<8x128xf32>, vector<1024x128xf32> -> vector<1024x128xf32>
    %min3A_363 = arith.minimumf %dot_general3A_350, %dot_general3A_362 : vector<1024x128xf32>
    %reduce_min3A_364 = arith.constant dense<0x7F800000> : vector<128xf32>
    %reduce_min3A_365 = vector.multi_reduction <minimumf>, %dot_general3A_362, %reduce_min3A_364 [0] : vector<1024x128xf32> to vector<128xf32>
    %reduce_sum3A_366 = vector.shape_cast %reduce_min3A_365 : vector<128xf32> to vector<1x128xf32>
    %reduce_sum3A_367 = arith.constant dense<0.000000e+00> : vector<1xf32>
    %reduce_sum3A_368 = vector.multi_reduction <add>, %reduce_sum3A_366, %reduce_sum3A_367 [1] : vector<1x128xf32> to vector<1xf32>
    %reduce_sum3A_369 = vector.shape_cast %reduce_sum3A_368 : vector<1xf32> to vector<1x1xf32>
    %reduce_sum3A_370 = vector.extract %reduce_sum3A_369[0, 0] : f32 from vector<1x1xf32>
    %add3A_371 = arith.addf %add3A_359, %reduce_sum3A_370 : f32
    %slice3A_372 = vector.extract_strided_slice %get3A_347 {offsets = [0, 256], sizes = [8, 128], strides = [1, 1]} : vector<8x1024xf32> to vector<8x128xf32>
    %dot_general3A_373 = arith.constant dense<0.000000e+00> : vector<1024x128xf32>
    %dot_general3A_374 = tpu.matmul %get3A_344, %slice3A_372, %dot_general3A_373 {dimension_numbers = #tpu.dot_dimension_numbers<[0], [0], [1], [1], [0, 1, 1, 1], [], []>, transpose_lhs_hint = false} : vector<8x1024xf32>, vector<8x128xf32>, vector<1024x128xf32> -> vector<1024x128xf32>
    %min3A_375 = arith.minimumf %min3A_363, %dot_general3A_374 : vector<1024x128xf32>
    %reduce_min3A_376 = arith.constant dense<0x7F800000> : vector<128xf32>
    %reduce_min3A_377 = vector.multi_reduction <minimumf>, %dot_general3A_374, %reduce_min3A_376 [0] : vector<1024x128xf32> to vector<128xf32>
    %reduce_sum3A_378 = vector.shape_cast %reduce_min3A_377 : vector<128xf32> to vector<1x128xf32>
    %reduce_sum3A_379 = arith.constant dense<0.000000e+00> : vector<1xf32>
    %reduce_sum3A_380 = vector.multi_reduction <add>, %reduce_sum3A_378, %reduce_sum3A_379 [1] : vector<1x128xf32> to vector<1xf32>
    %reduce_sum3A_381 = vector.shape_cast %reduce_sum3A_380 : vector<1xf32> to vector<1x1xf32>
    %reduce_sum3A_382 = vector.extract %reduce_sum3A_381[0, 0] : f32 from vector<1x1xf32>
    %add3A_383 = arith.addf %add3A_371, %reduce_sum3A_382 : f32
    %slice3A_384 = vector.extract_strided_slice %get3A_347 {offsets = [0, 384], sizes = [8, 128], strides = [1, 1]} : vector<8x1024xf32> to vector<8x128xf32>
    %dot_general3A_385 = arith.constant dense<0.000000e+00> : vector<1024x128xf32>
    %dot_general3A_386 = tpu.matmul %get3A_344, %slice3A_384, %dot_general3A_385 {dimension_numbers = #tpu.dot_dimension_numbers<[0], [0], [1], [1], [0, 1, 1, 1], [], []>, transpose_lhs_hint = false} : vector<8x1024xf32>, vector<8x128xf32>, vector<1024x128xf32> -> vector<1024x128xf32>
    %min3A_387 = arith.minimumf %min3A_375, %dot_general3A_386 : vector<1024x128xf32>
    %reduce_min3A_388 = arith.constant dense<0x7F800000> : vector<128xf32>
    %reduce_min3A_389 = vector.multi_reduction <minimumf>, %dot_general3A_386, %reduce_min3A_388 [0] : vector<1024x128xf32> to vector<128xf32>
    %reduce_sum3A_390 = vector.shape_cast %reduce_min3A_389 : vector<128xf32> to vector<1x128xf32>
    %reduce_sum3A_391 = arith.constant dense<0.000000e+00> : vector<1xf32>
    %reduce_sum3A_392 = vector.multi_reduction <add>, %reduce_sum3A_390, %reduce_sum3A_391 [1] : vector<1x128xf32> to vector<1xf32>
    %reduce_sum3A_393 = vector.shape_cast %reduce_sum3A_392 : vector<1xf32> to vector<1x1xf32>
    %reduce_sum3A_394 = vector.extract %reduce_sum3A_393[0, 0] : f32 from vector<1x1xf32>
    %add3A_395 = arith.addf %add3A_383, %reduce_sum3A_394 : f32
    %slice3A_396 = vector.extract_strided_slice %get3A_347 {offsets = [0, 512], sizes = [8, 128], strides = [1, 1]} : vector<8x1024xf32> to vector<8x128xf32>
    %dot_general3A_397 = arith.constant dense<0.000000e+00> : vector<1024x128xf32>
    %dot_general3A_398 = tpu.matmul %get3A_344, %slice3A_396, %dot_general3A_397 {dimension_numbers = #tpu.dot_dimension_numbers<[0], [0], [1], [1], [0, 1, 1, 1], [], []>, transpose_lhs_hint = false} : vector<8x1024xf32>, vector<8x128xf32>, vector<1024x128xf32> -> vector<1024x128xf32>
    %min3A_399 = arith.minimumf %min3A_387, %dot_general3A_398 : vector<1024x128xf32>
    %reduce_min3A_400 = arith.constant dense<0x7F800000> : vector<128xf32>
    %reduce_min3A_401 = vector.multi_reduction <minimumf>, %dot_general3A_398, %reduce_min3A_400 [0] : vector<1024x128xf32> to vector<128xf32>
    %reduce_sum3A_402 = vector.shape_cast %reduce_min3A_401 : vector<128xf32> to vector<1x128xf32>
    %reduce_sum3A_403 = arith.constant dense<0.000000e+00> : vector<1xf32>
    %reduce_sum3A_404 = vector.multi_reduction <add>, %reduce_sum3A_402, %reduce_sum3A_403 [1] : vector<1x128xf32> to vector<1xf32>
    %reduce_sum3A_405 = vector.shape_cast %reduce_sum3A_404 : vector<1xf32> to vector<1x1xf32>
    %reduce_sum3A_406 = vector.extract %reduce_sum3A_405[0, 0] : f32 from vector<1x1xf32>
    %add3A_407 = arith.addf %add3A_395, %reduce_sum3A_406 : f32
    %slice3A_408 = vector.extract_strided_slice %get3A_347 {offsets = [0, 640], sizes = [8, 128], strides = [1, 1]} : vector<8x1024xf32> to vector<8x128xf32>
    %dot_general3A_409 = arith.constant dense<0.000000e+00> : vector<1024x128xf32>
    %dot_general3A_410 = tpu.matmul %get3A_344, %slice3A_408, %dot_general3A_409 {dimension_numbers = #tpu.dot_dimension_numbers<[0], [0], [1], [1], [0, 1, 1, 1], [], []>, transpose_lhs_hint = false} : vector<8x1024xf32>, vector<8x128xf32>, vector<1024x128xf32> -> vector<1024x128xf32>
    %min3A_411 = arith.minimumf %min3A_399, %dot_general3A_410 : vector<1024x128xf32>
    %reduce_min3A_412 = arith.constant dense<0x7F800000> : vector<128xf32>
    %reduce_min3A_413 = vector.multi_reduction <minimumf>, %dot_general3A_410, %reduce_min3A_412 [0] : vector<1024x128xf32> to vector<128xf32>
    %reduce_sum3A_414 = vector.shape_cast %reduce_min3A_413 : vector<128xf32> to vector<1x128xf32>
    %reduce_sum3A_415 = arith.constant dense<0.000000e+00> : vector<1xf32>
    %reduce_sum3A_416 = vector.multi_reduction <add>, %reduce_sum3A_414, %reduce_sum3A_415 [1] : vector<1x128xf32> to vector<1xf32>
    %reduce_sum3A_417 = vector.shape_cast %reduce_sum3A_416 : vector<1xf32> to vector<1x1xf32>
    %reduce_sum3A_418 = vector.extract %reduce_sum3A_417[0, 0] : f32 from vector<1x1xf32>
    %add3A_419 = arith.addf %add3A_407, %reduce_sum3A_418 : f32
    %slice3A_420 = vector.extract_strided_slice %get3A_347 {offsets = [0, 768], sizes = [8, 128], strides = [1, 1]} : vector<8x1024xf32> to vector<8x128xf32>
    %dot_general3A_421 = arith.constant dense<0.000000e+00> : vector<1024x128xf32>
    %dot_general3A_422 = tpu.matmul %get3A_344, %slice3A_420, %dot_general3A_421 {dimension_numbers = #tpu.dot_dimension_numbers<[0], [0], [1], [1], [0, 1, 1, 1], [], []>, transpose_lhs_hint = false} : vector<8x1024xf32>, vector<8x128xf32>, vector<1024x128xf32> -> vector<1024x128xf32>
    %min3A_423 = arith.minimumf %min3A_411, %dot_general3A_422 : vector<1024x128xf32>
    %reduce_min3A_424 = arith.constant dense<0x7F800000> : vector<128xf32>
    %reduce_min3A_425 = vector.multi_reduction <minimumf>, %dot_general3A_422, %reduce_min3A_424 [0] : vector<1024x128xf32> to vector<128xf32>
    %reduce_sum3A_426 = vector.shape_cast %reduce_min3A_425 : vector<128xf32> to vector<1x128xf32>
    %reduce_sum3A_427 = arith.constant dense<0.000000e+00> : vector<1xf32>
    %reduce_sum3A_428 = vector.multi_reduction <add>, %reduce_sum3A_426, %reduce_sum3A_427 [1] : vector<1x128xf32> to vector<1xf32>
    %reduce_sum3A_429 = vector.shape_cast %reduce_sum3A_428 : vector<1xf32> to vector<1x1xf32>
    %reduce_sum3A_430 = vector.extract %reduce_sum3A_429[0, 0] : f32 from vector<1x1xf32>
    %add3A_431 = arith.addf %add3A_419, %reduce_sum3A_430 : f32
    %slice3A_432 = vector.extract_strided_slice %get3A_347 {offsets = [0, 896], sizes = [8, 128], strides = [1, 1]} : vector<8x1024xf32> to vector<8x128xf32>
    %dot_general3A_433 = arith.constant dense<0.000000e+00> : vector<1024x128xf32>
    %dot_general3A_434 = tpu.matmul %get3A_344, %slice3A_432, %dot_general3A_433 {dimension_numbers = #tpu.dot_dimension_numbers<[0], [0], [1], [1], [0, 1, 1, 1], [], []>, transpose_lhs_hint = false} : vector<8x1024xf32>, vector<8x128xf32>, vector<1024x128xf32> -> vector<1024x128xf32>
    %min3A_435 = arith.minimumf %min3A_423, %dot_general3A_434 : vector<1024x128xf32>
    %reduce_min3A_436 = arith.constant dense<0x7F800000> : vector<128xf32>
    %reduce_min3A_437 = vector.multi_reduction <minimumf>, %dot_general3A_434, %reduce_min3A_436 [0] : vector<1024x128xf32> to vector<128xf32>
    %reduce_sum3A_438 = vector.shape_cast %reduce_min3A_437 : vector<128xf32> to vector<1x128xf32>
    %reduce_sum3A_439 = arith.constant dense<0.000000e+00> : vector<1xf32>
    %reduce_sum3A_440 = vector.multi_reduction <add>, %reduce_sum3A_438, %reduce_sum3A_439 [1] : vector<1x128xf32> to vector<1xf32>
    %reduce_sum3A_441 = vector.shape_cast %reduce_sum3A_440 : vector<1xf32> to vector<1x1xf32>
    %reduce_sum3A_442 = vector.extract %reduce_sum3A_441[0, 0] : f32 from vector<1x1xf32>
    %add3A_443 = arith.addf %add3A_431, %reduce_sum3A_442 : f32
    %reduce_min3A_444 = arith.constant dense<0x7F800000> : vector<1024xf32>
    %reduce_min3A_445 = vector.multi_reduction <minimumf>, %min3A_435, %reduce_min3A_444 [1] : vector<1024x128xf32> to vector<1024xf32>
    %reduce_sum3A_446 = vector.shape_cast %reduce_min3A_445 : vector<1024xf32> to vector<1x1024xf32>
    %reduce_sum3A_447 = arith.constant dense<0.000000e+00> : vector<1xf32>
    %reduce_sum3A_448 = vector.multi_reduction <add>, %reduce_sum3A_446, %reduce_sum3A_447 [1] : vector<1x1024xf32> to vector<1xf32>
    %reduce_sum3A_449 = vector.shape_cast %reduce_sum3A_448 : vector<1xf32> to vector<1x1xf32>
    %reduce_sum3A_450 = vector.extract %reduce_sum3A_449[0, 0] : f32 from vector<1x1xf32>
    %mul3A_451 = arith.constant 8 : i32
    %mul3A_452 = arith.muli %arg0, %mul3A_451 : i32
    %add3A_453 = arith.constant 2 : i32
    %add3A_454 = arith.addi %mul3A_452, %add3A_453 : i32
    %jit3A_455 = arith.constant 8 : i32
    %eq3A_456 = arith.constant 0 : i32
    %eq3A_457 = arith.cmpi eq, %jit3A_455, %eq3A_456 : i32
    %jit3A_458 = arith.constant 1 : i32
    %select_n3A_459 = arith.select %eq3A_457, %jit3A_458, %jit3A_455 : i32
    %rem3A_460 = arith.remsi %add3A_454, %select_n3A_459 : i32
    %ne3A_461 = arith.constant 0 : i32
    %ne3A_462 = arith.cmpi ne, %rem3A_460, %ne3A_461 : i32
    %lt3A_463 = arith.constant 0 : i32
    %lt3A_464 = arith.cmpi slt, %rem3A_460, %lt3A_463 : i32
    %lt3A_465 = arith.constant 0 : i32
    %lt3A_466 = arith.cmpi slt, %select_n3A_459, %lt3A_465 : i32
    %ne3A_467 = arith.xori %lt3A_464, %lt3A_466 : i1
    %and3A_468 = arith.andi %ne3A_467, %ne3A_462 : i1
    %add3A_469 = arith.addi %rem3A_460, %select_n3A_459 : i32
    %select_n3A_470 = arith.select %and3A_468, %add3A_469, %rem3A_460 : i32
    %eq3A_471 = arith.constant 0 : i32
    %eq3A_472 = arith.cmpi eq, %select_n3A_470, %eq3A_471 : i32
    %jit3A_473 = arith.constant 2.000000e+00 : f32
    %jit3A_474 = arith.constant 1.000000e+00 : f32
    %select_n3A_475 = arith.select %eq3A_472, %jit3A_473, %jit3A_474 : f32
    %add3A_476 = arith.addf %reduce_sum3A_450, %add3A_443 : f32
    %mul3A_477 = arith.mulf %select_n3A_475, %add3A_476 : f32
    %add3A_478 = arith.addf %add3A_316, %mul3A_477 : f32
    %slice3A_479 = vector.extract_strided_slice %get3A_3 {offsets = [9, 0], sizes = [3, 1024], strides = [1, 1]} : vector<24x1024xf32> to vector<3x1024xf32>
    %slice3A_480 = vector.extract_strided_slice %get3A_6 {offsets = [9, 0], sizes = [3, 1024], strides = [1, 1]} : vector<24x1024xf32> to vector<3x1024xf32>
    %mul3A_481 = arith.mulf %slice3A_479, %slice3A_479 : vector<3x1024xf32>
    %reduce_sum3A_482 = arith.constant dense<0.000000e+00> : vector<1024xf32>
    %reduce_sum3A_483 = vector.multi_reduction <add>, %mul3A_481, %reduce_sum3A_482 [0] : vector<3x1024xf32> to vector<1024xf32>
    %mul3A_484 = arith.mulf %slice3A_480, %slice3A_480 : vector<3x1024xf32>
    %reduce_sum3A_485 = arith.constant dense<0.000000e+00> : vector<1024xf32>
    %reduce_sum3A_486 = vector.multi_reduction <add>, %mul3A_484, %reduce_sum3A_485 [0] : vector<3x1024xf32> to vector<1024xf32>
    %mul3A_487 = arith.constant -2.000000e+00 : f32
    %mul3A_488 = vector.broadcast %mul3A_487 : f32 to vector<3x1024xf32>
    %mul3A_489 = arith.mulf %slice3A_479, %mul3A_488 : vector<3x1024xf32>
    %swap3A_490 = arith.constant 0 : index
    %swap3A_491 = arith.constant 0 : index
    %swap3A_492 = vector.load %arg4[%swap3A_490, %swap3A_491] : memref<8x1024xf32, #tpu.memory_space<vmem>>, vector<3x1024xf32>
    tpu.vector_store %arg4[%swap3A_490, %swap3A_491], %mul3A_489 {strides = array<i32>} : memref<8x1024xf32, #tpu.memory_space<vmem>>, vector<3x1024xf32>,
    %broadcast_in_dim3A_493 = vector.shape_cast %reduce_sum3A_483 : vector<1024xf32> to vector<1x1024xf32>
    %swap3A_494 = arith.constant 3 : index
    %swap3A_495 = arith.constant 0 : index
    %swap3A_496 = vector.load %arg4[%swap3A_494, %swap3A_495] : memref<8x1024xf32, #tpu.memory_space<vmem>>, vector<1x1024xf32>
    tpu.vector_store %arg4[%swap3A_494, %swap3A_495], %broadcast_in_dim3A_493 {strides = array<i32>} : memref<8x1024xf32, #tpu.memory_space<vmem>>, vector<1x1024xf32>,
    %swap3A_497 = arith.constant 0 : index
    %swap3A_498 = arith.constant 0 : index
    %swap3A_499 = vector.load %arg5[%swap3A_497, %swap3A_498] : memref<8x1024xf32, #tpu.memory_space<vmem>>, vector<3x1024xf32>
    tpu.vector_store %arg5[%swap3A_497, %swap3A_498], %slice3A_480 {strides = array<i32>} : memref<8x1024xf32, #tpu.memory_space<vmem>>, vector<3x1024xf32>,
    %broadcast_in_dim3A_500 = vector.shape_cast %reduce_sum3A_486 : vector<1024xf32> to vector<1x1024xf32>
    %swap3A_501 = arith.constant 4 : index
    %swap3A_502 = arith.constant 0 : index
    %swap3A_503 = vector.load %arg5[%swap3A_501, %swap3A_502] : memref<8x1024xf32, #tpu.memory_space<vmem>>, vector<1x1024xf32>
    tpu.vector_store %arg5[%swap3A_501, %swap3A_502], %broadcast_in_dim3A_500 {strides = array<i32>} : memref<8x1024xf32, #tpu.memory_space<vmem>>, vector<1x1024xf32>,
    %get3A_504 = arith.constant 0 : index
    %get3A_505 = arith.constant 0 : index
    %get3A_506 = vector.load %arg4[%get3A_504, %get3A_505] : memref<8x1024xf32, #tpu.memory_space<vmem>>, vector<8x1024xf32>
    %get3A_507 = arith.constant 0 : index
    %get3A_508 = arith.constant 0 : index
    %get3A_509 = vector.load %arg5[%get3A_507, %get3A_508] : memref<8x1024xf32, #tpu.memory_space<vmem>>, vector<8x1024xf32>
    %slice3A_510 = vector.extract_strided_slice %get3A_509 {offsets = [0, 0], sizes = [8, 128], strides = [1, 1]} : vector<8x1024xf32> to vector<8x128xf32>
    %dot_general3A_511 = arith.constant dense<0.000000e+00> : vector<1024x128xf32>
    %dot_general3A_512 = tpu.matmul %get3A_506, %slice3A_510, %dot_general3A_511 {dimension_numbers = #tpu.dot_dimension_numbers<[0], [0], [1], [1], [0, 1, 1, 1], [], []>, transpose_lhs_hint = false} : vector<8x1024xf32>, vector<8x128xf32>, vector<1024x128xf32> -> vector<1024x128xf32>
    %reduce_min3A_513 = arith.constant dense<0x7F800000> : vector<128xf32>
    %reduce_min3A_514 = vector.multi_reduction <minimumf>, %dot_general3A_512, %reduce_min3A_513 [0] : vector<1024x128xf32> to vector<128xf32>
    %reduce_sum3A_515 = vector.shape_cast %reduce_min3A_514 : vector<128xf32> to vector<1x128xf32>
    %reduce_sum3A_516 = arith.constant dense<0.000000e+00> : vector<1xf32>
    %reduce_sum3A_517 = vector.multi_reduction <add>, %reduce_sum3A_515, %reduce_sum3A_516 [1] : vector<1x128xf32> to vector<1xf32>
    %reduce_sum3A_518 = vector.shape_cast %reduce_sum3A_517 : vector<1xf32> to vector<1x1xf32>
    %reduce_sum3A_519 = vector.extract %reduce_sum3A_518[0, 0] : f32 from vector<1x1xf32>
    %add3A_520 = arith.constant 0.000000e+00 : f32
    %add3A_521 = arith.addf %add3A_520, %reduce_sum3A_519 : f32
    %slice3A_522 = vector.extract_strided_slice %get3A_509 {offsets = [0, 128], sizes = [8, 128], strides = [1, 1]} : vector<8x1024xf32> to vector<8x128xf32>
    %dot_general3A_523 = arith.constant dense<0.000000e+00> : vector<1024x128xf32>
    %dot_general3A_524 = tpu.matmul %get3A_506, %slice3A_522, %dot_general3A_523 {dimension_numbers = #tpu.dot_dimension_numbers<[0], [0], [1], [1], [0, 1, 1, 1], [], []>, transpose_lhs_hint = false} : vector<8x1024xf32>, vector<8x128xf32>, vector<1024x128xf32> -> vector<1024x128xf32>
    %min3A_525 = arith.minimumf %dot_general3A_512, %dot_general3A_524 : vector<1024x128xf32>
    %reduce_min3A_526 = arith.constant dense<0x7F800000> : vector<128xf32>
    %reduce_min3A_527 = vector.multi_reduction <minimumf>, %dot_general3A_524, %reduce_min3A_526 [0] : vector<1024x128xf32> to vector<128xf32>
    %reduce_sum3A_528 = vector.shape_cast %reduce_min3A_527 : vector<128xf32> to vector<1x128xf32>
    %reduce_sum3A_529 = arith.constant dense<0.000000e+00> : vector<1xf32>
    %reduce_sum3A_530 = vector.multi_reduction <add>, %reduce_sum3A_528, %reduce_sum3A_529 [1] : vector<1x128xf32> to vector<1xf32>
    %reduce_sum3A_531 = vector.shape_cast %reduce_sum3A_530 : vector<1xf32> to vector<1x1xf32>
    %reduce_sum3A_532 = vector.extract %reduce_sum3A_531[0, 0] : f32 from vector<1x1xf32>
    %add3A_533 = arith.addf %add3A_521, %reduce_sum3A_532 : f32
    %slice3A_534 = vector.extract_strided_slice %get3A_509 {offsets = [0, 256], sizes = [8, 128], strides = [1, 1]} : vector<8x1024xf32> to vector<8x128xf32>
    %dot_general3A_535 = arith.constant dense<0.000000e+00> : vector<1024x128xf32>
    %dot_general3A_536 = tpu.matmul %get3A_506, %slice3A_534, %dot_general3A_535 {dimension_numbers = #tpu.dot_dimension_numbers<[0], [0], [1], [1], [0, 1, 1, 1], [], []>, transpose_lhs_hint = false} : vector<8x1024xf32>, vector<8x128xf32>, vector<1024x128xf32> -> vector<1024x128xf32>
    %min3A_537 = arith.minimumf %min3A_525, %dot_general3A_536 : vector<1024x128xf32>
    %reduce_min3A_538 = arith.constant dense<0x7F800000> : vector<128xf32>
    %reduce_min3A_539 = vector.multi_reduction <minimumf>, %dot_general3A_536, %reduce_min3A_538 [0] : vector<1024x128xf32> to vector<128xf32>
    %reduce_sum3A_540 = vector.shape_cast %reduce_min3A_539 : vector<128xf32> to vector<1x128xf32>
    %reduce_sum3A_541 = arith.constant dense<0.000000e+00> : vector<1xf32>
    %reduce_sum3A_542 = vector.multi_reduction <add>, %reduce_sum3A_540, %reduce_sum3A_541 [1] : vector<1x128xf32> to vector<1xf32>
    %reduce_sum3A_543 = vector.shape_cast %reduce_sum3A_542 : vector<1xf32> to vector<1x1xf32>
    %reduce_sum3A_544 = vector.extract %reduce_sum3A_543[0, 0] : f32 from vector<1x1xf32>
    %add3A_545 = arith.addf %add3A_533, %reduce_sum3A_544 : f32
    %slice3A_546 = vector.extract_strided_slice %get3A_509 {offsets = [0, 384], sizes = [8, 128], strides = [1, 1]} : vector<8x1024xf32> to vector<8x128xf32>
    %dot_general3A_547 = arith.constant dense<0.000000e+00> : vector<1024x128xf32>
    %dot_general3A_548 = tpu.matmul %get3A_506, %slice3A_546, %dot_general3A_547 {dimension_numbers = #tpu.dot_dimension_numbers<[0], [0], [1], [1], [0, 1, 1, 1], [], []>, transpose_lhs_hint = false} : vector<8x1024xf32>, vector<8x128xf32>, vector<1024x128xf32> -> vector<1024x128xf32>
    %min3A_549 = arith.minimumf %min3A_537, %dot_general3A_548 : vector<1024x128xf32>
    %reduce_min3A_550 = arith.constant dense<0x7F800000> : vector<128xf32>
    %reduce_min3A_551 = vector.multi_reduction <minimumf>, %dot_general3A_548, %reduce_min3A_550 [0] : vector<1024x128xf32> to vector<128xf32>
    %reduce_sum3A_552 = vector.shape_cast %reduce_min3A_551 : vector<128xf32> to vector<1x128xf32>
    %reduce_sum3A_553 = arith.constant dense<0.000000e+00> : vector<1xf32>
    %reduce_sum3A_554 = vector.multi_reduction <add>, %reduce_sum3A_552, %reduce_sum3A_553 [1] : vector<1x128xf32> to vector<1xf32>
    %reduce_sum3A_555 = vector.shape_cast %reduce_sum3A_554 : vector<1xf32> to vector<1x1xf32>
    %reduce_sum3A_556 = vector.extract %reduce_sum3A_555[0, 0] : f32 from vector<1x1xf32>
    %add3A_557 = arith.addf %add3A_545, %reduce_sum3A_556 : f32
    %slice3A_558 = vector.extract_strided_slice %get3A_509 {offsets = [0, 512], sizes = [8, 128], strides = [1, 1]} : vector<8x1024xf32> to vector<8x128xf32>
    %dot_general3A_559 = arith.constant dense<0.000000e+00> : vector<1024x128xf32>
    %dot_general3A_560 = tpu.matmul %get3A_506, %slice3A_558, %dot_general3A_559 {dimension_numbers = #tpu.dot_dimension_numbers<[0], [0], [1], [1], [0, 1, 1, 1], [], []>, transpose_lhs_hint = false} : vector<8x1024xf32>, vector<8x128xf32>, vector<1024x128xf32> -> vector<1024x128xf32>
    %min3A_561 = arith.minimumf %min3A_549, %dot_general3A_560 : vector<1024x128xf32>
    %reduce_min3A_562 = arith.constant dense<0x7F800000> : vector<128xf32>
    %reduce_min3A_563 = vector.multi_reduction <minimumf>, %dot_general3A_560, %reduce_min3A_562 [0] : vector<1024x128xf32> to vector<128xf32>
    %reduce_sum3A_564 = vector.shape_cast %reduce_min3A_563 : vector<128xf32> to vector<1x128xf32>
    %reduce_sum3A_565 = arith.constant dense<0.000000e+00> : vector<1xf32>
    %reduce_sum3A_566 = vector.multi_reduction <add>, %reduce_sum3A_564, %reduce_sum3A_565 [1] : vector<1x128xf32> to vector<1xf32>
    %reduce_sum3A_567 = vector.shape_cast %reduce_sum3A_566 : vector<1xf32> to vector<1x1xf32>
    %reduce_sum3A_568 = vector.extract %reduce_sum3A_567[0, 0] : f32 from vector<1x1xf32>
    %add3A_569 = arith.addf %add3A_557, %reduce_sum3A_568 : f32
    %slice3A_570 = vector.extract_strided_slice %get3A_509 {offsets = [0, 640], sizes = [8, 128], strides = [1, 1]} : vector<8x1024xf32> to vector<8x128xf32>
    %dot_general3A_571 = arith.constant dense<0.000000e+00> : vector<1024x128xf32>
    %dot_general3A_572 = tpu.matmul %get3A_506, %slice3A_570, %dot_general3A_571 {dimension_numbers = #tpu.dot_dimension_numbers<[0], [0], [1], [1], [0, 1, 1, 1], [], []>, transpose_lhs_hint = false} : vector<8x1024xf32>, vector<8x128xf32>, vector<1024x128xf32> -> vector<1024x128xf32>
    %min3A_573 = arith.minimumf %min3A_561, %dot_general3A_572 : vector<1024x128xf32>
    %reduce_min3A_574 = arith.constant dense<0x7F800000> : vector<128xf32>
    %reduce_min3A_575 = vector.multi_reduction <minimumf>, %dot_general3A_572, %reduce_min3A_574 [0] : vector<1024x128xf32> to vector<128xf32>
    %reduce_sum3A_576 = vector.shape_cast %reduce_min3A_575 : vector<128xf32> to vector<1x128xf32>
    %reduce_sum3A_577 = arith.constant dense<0.000000e+00> : vector<1xf32>
    %reduce_sum3A_578 = vector.multi_reduction <add>, %reduce_sum3A_576, %reduce_sum3A_577 [1] : vector<1x128xf32> to vector<1xf32>
    %reduce_sum3A_579 = vector.shape_cast %reduce_sum3A_578 : vector<1xf32> to vector<1x1xf32>
    %reduce_sum3A_580 = vector.extract %reduce_sum3A_579[0, 0] : f32 from vector<1x1xf32>
    %add3A_581 = arith.addf %add3A_569, %reduce_sum3A_580 : f32
    %slice3A_582 = vector.extract_strided_slice %get3A_509 {offsets = [0, 768], sizes = [8, 128], strides = [1, 1]} : vector<8x1024xf32> to vector<8x128xf32>
    %dot_general3A_583 = arith.constant dense<0.000000e+00> : vector<1024x128xf32>
    %dot_general3A_584 = tpu.matmul %get3A_506, %slice3A_582, %dot_general3A_583 {dimension_numbers = #tpu.dot_dimension_numbers<[0], [0], [1], [1], [0, 1, 1, 1], [], []>, transpose_lhs_hint = false} : vector<8x1024xf32>, vector<8x128xf32>, vector<1024x128xf32> -> vector<1024x128xf32>
    %min3A_585 = arith.minimumf %min3A_573, %dot_general3A_584 : vector<1024x128xf32>
    %reduce_min3A_586 = arith.constant dense<0x7F800000> : vector<128xf32>
    %reduce_min3A_587 = vector.multi_reduction <minimumf>, %dot_general3A_584, %reduce_min3A_586 [0] : vector<1024x128xf32> to vector<128xf32>
    %reduce_sum3A_588 = vector.shape_cast %reduce_min3A_587 : vector<128xf32> to vector<1x128xf32>
    %reduce_sum3A_589 = arith.constant dense<0.000000e+00> : vector<1xf32>
    %reduce_sum3A_590 = vector.multi_reduction <add>, %reduce_sum3A_588, %reduce_sum3A_589 [1] : vector<1x128xf32> to vector<1xf32>
    %reduce_sum3A_591 = vector.shape_cast %reduce_sum3A_590 : vector<1xf32> to vector<1x1xf32>
    %reduce_sum3A_592 = vector.extract %reduce_sum3A_591[0, 0] : f32 from vector<1x1xf32>
    %add3A_593 = arith.addf %add3A_581, %reduce_sum3A_592 : f32
    %slice3A_594 = vector.extract_strided_slice %get3A_509 {offsets = [0, 896], sizes = [8, 128], strides = [1, 1]} : vector<8x1024xf32> to vector<8x128xf32>
    %dot_general3A_595 = arith.constant dense<0.000000e+00> : vector<1024x128xf32>
    %dot_general3A_596 = tpu.matmul %get3A_506, %slice3A_594, %dot_general3A_595 {dimension_numbers = #tpu.dot_dimension_numbers<[0], [0], [1], [1], [0, 1, 1, 1], [], []>, transpose_lhs_hint = false} : vector<8x1024xf32>, vector<8x128xf32>, vector<1024x128xf32> -> vector<1024x128xf32>
    %min3A_597 = arith.minimumf %min3A_585, %dot_general3A_596 : vector<1024x128xf32>
    %reduce_min3A_598 = arith.constant dense<0x7F800000> : vector<128xf32>
    %reduce_min3A_599 = vector.multi_reduction <minimumf>, %dot_general3A_596, %reduce_min3A_598 [0] : vector<1024x128xf32> to vector<128xf32>
    %reduce_sum3A_600 = vector.shape_cast %reduce_min3A_599 : vector<128xf32> to vector<1x128xf32>
    %reduce_sum3A_601 = arith.constant dense<0.000000e+00> : vector<1xf32>
    %reduce_sum3A_602 = vector.multi_reduction <add>, %reduce_sum3A_600, %reduce_sum3A_601 [1] : vector<1x128xf32> to vector<1xf32>
    %reduce_sum3A_603 = vector.shape_cast %reduce_sum3A_602 : vector<1xf32> to vector<1x1xf32>
    %reduce_sum3A_604 = vector.extract %reduce_sum3A_603[0, 0] : f32 from vector<1x1xf32>
    %add3A_605 = arith.addf %add3A_593, %reduce_sum3A_604 : f32
    %reduce_min3A_606 = arith.constant dense<0x7F800000> : vector<1024xf32>
    %reduce_min3A_607 = vector.multi_reduction <minimumf>, %min3A_597, %reduce_min3A_606 [1] : vector<1024x128xf32> to vector<1024xf32>
    %reduce_sum3A_608 = vector.shape_cast %reduce_min3A_607 : vector<1024xf32> to vector<1x1024xf32>
    %reduce_sum3A_609 = arith.constant dense<0.000000e+00> : vector<1xf32>
    %reduce_sum3A_610 = vector.multi_reduction <add>, %reduce_sum3A_608, %reduce_sum3A_609 [1] : vector<1x1024xf32> to vector<1xf32>
    %reduce_sum3A_611 = vector.shape_cast %reduce_sum3A_610 : vector<1xf32> to vector<1x1xf32>
    %reduce_sum3A_612 = vector.extract %reduce_sum3A_611[0, 0] : f32 from vector<1x1xf32>
    %mul3A_613 = arith.constant 8 : i32
    %mul3A_614 = arith.muli %arg0, %mul3A_613 : i32
    %add3A_615 = arith.constant 3 : i32
    %add3A_616 = arith.addi %mul3A_614, %add3A_615 : i32
    %jit3A_617 = arith.constant 8 : i32
    %eq3A_618 = arith.constant 0 : i32
    %eq3A_619 = arith.cmpi eq, %jit3A_617, %eq3A_618 : i32
    %jit3A_620 = arith.constant 1 : i32
    %select_n3A_621 = arith.select %eq3A_619, %jit3A_620, %jit3A_617 : i32
    %rem3A_622 = arith.remsi %add3A_616, %select_n3A_621 : i32
    %ne3A_623 = arith.constant 0 : i32
    %ne3A_624 = arith.cmpi ne, %rem3A_622, %ne3A_623 : i32
    %lt3A_625 = arith.constant 0 : i32
    %lt3A_626 = arith.cmpi slt, %rem3A_622, %lt3A_625 : i32
    %lt3A_627 = arith.constant 0 : i32
    %lt3A_628 = arith.cmpi slt, %select_n3A_621, %lt3A_627 : i32
    %ne3A_629 = arith.xori %lt3A_626, %lt3A_628 : i1
    %and3A_630 = arith.andi %ne3A_629, %ne3A_624 : i1
    %add3A_631 = arith.addi %rem3A_622, %select_n3A_621 : i32
    %select_n3A_632 = arith.select %and3A_630, %add3A_631, %rem3A_622 : i32
    %eq3A_633 = arith.constant 0 : i32
    %eq3A_634 = arith.cmpi eq, %select_n3A_632, %eq3A_633 : i32
    %jit3A_635 = arith.constant 2.000000e+00 : f32
    %jit3A_636 = arith.constant 1.000000e+00 : f32
    %select_n3A_637 = arith.select %eq3A_634, %jit3A_635, %jit3A_636 : f32
    %add3A_638 = arith.addf %reduce_sum3A_612, %add3A_605 : f32
    %mul3A_639 = arith.mulf %select_n3A_637, %add3A_638 : f32
    %add3A_640 = arith.addf %add3A_478, %mul3A_639 : f32
    %slice3A_641 = vector.extract_strided_slice %get3A_3 {offsets = [12, 0], sizes = [3, 1024], strides = [1, 1]} : vector<24x1024xf32> to vector<3x1024xf32>
    %slice3A_642 = vector.extract_strided_slice %get3A_6 {offsets = [12, 0], sizes = [3, 1024], strides = [1, 1]} : vector<24x1024xf32> to vector<3x1024xf32>
    %mul3A_643 = arith.mulf %slice3A_641, %slice3A_641 : vector<3x1024xf32>
    %reduce_sum3A_644 = arith.constant dense<0.000000e+00> : vector<1024xf32>
    %reduce_sum3A_645 = vector.multi_reduction <add>, %mul3A_643, %reduce_sum3A_644 [0] : vector<3x1024xf32> to vector<1024xf32>
    %mul3A_646 = arith.mulf %slice3A_642, %slice3A_642 : vector<3x1024xf32>
    %reduce_sum3A_647 = arith.constant dense<0.000000e+00> : vector<1024xf32>
    %reduce_sum3A_648 = vector.multi_reduction <add>, %mul3A_646, %reduce_sum3A_647 [0] : vector<3x1024xf32> to vector<1024xf32>
    %mul3A_649 = arith.constant -2.000000e+00 : f32
    %mul3A_650 = vector.broadcast %mul3A_649 : f32 to vector<3x1024xf32>
    %mul3A_651 = arith.mulf %slice3A_641, %mul3A_650 : vector<3x1024xf32>
    %swap3A_652 = arith.constant 0 : index
    %swap3A_653 = arith.constant 0 : index
    %swap3A_654 = vector.load %arg4[%swap3A_652, %swap3A_653] : memref<8x1024xf32, #tpu.memory_space<vmem>>, vector<3x1024xf32>
    tpu.vector_store %arg4[%swap3A_652, %swap3A_653], %mul3A_651 {strides = array<i32>} : memref<8x1024xf32, #tpu.memory_space<vmem>>, vector<3x1024xf32>,
    %broadcast_in_dim3A_655 = vector.shape_cast %reduce_sum3A_645 : vector<1024xf32> to vector<1x1024xf32>
    %swap3A_656 = arith.constant 3 : index
    %swap3A_657 = arith.constant 0 : index
    %swap3A_658 = vector.load %arg4[%swap3A_656, %swap3A_657] : memref<8x1024xf32, #tpu.memory_space<vmem>>, vector<1x1024xf32>
    tpu.vector_store %arg4[%swap3A_656, %swap3A_657], %broadcast_in_dim3A_655 {strides = array<i32>} : memref<8x1024xf32, #tpu.memory_space<vmem>>, vector<1x1024xf32>,
    %swap3A_659 = arith.constant 0 : index
    %swap3A_660 = arith.constant 0 : index
    %swap3A_661 = vector.load %arg5[%swap3A_659, %swap3A_660] : memref<8x1024xf32, #tpu.memory_space<vmem>>, vector<3x1024xf32>
    tpu.vector_store %arg5[%swap3A_659, %swap3A_660], %slice3A_642 {strides = array<i32>} : memref<8x1024xf32, #tpu.memory_space<vmem>>, vector<3x1024xf32>,
    %broadcast_in_dim3A_662 = vector.shape_cast %reduce_sum3A_648 : vector<1024xf32> to vector<1x1024xf32>
    %swap3A_663 = arith.constant 4 : index
    %swap3A_664 = arith.constant 0 : index
    %swap3A_665 = vector.load %arg5[%swap3A_663, %swap3A_664] : memref<8x1024xf32, #tpu.memory_space<vmem>>, vector<1x1024xf32>
    tpu.vector_store %arg5[%swap3A_663, %swap3A_664], %broadcast_in_dim3A_662 {strides = array<i32>} : memref<8x1024xf32, #tpu.memory_space<vmem>>, vector<1x1024xf32>,
    %get3A_666 = arith.constant 0 : index
    %get3A_667 = arith.constant 0 : index
    %get3A_668 = vector.load %arg4[%get3A_666, %get3A_667] : memref<8x1024xf32, #tpu.memory_space<vmem>>, vector<8x1024xf32>
    %get3A_669 = arith.constant 0 : index
    %get3A_670 = arith.constant 0 : index
    %get3A_671 = vector.load %arg5[%get3A_669, %get3A_670] : memref<8x1024xf32, #tpu.memory_space<vmem>>, vector<8x1024xf32>
    %slice3A_672 = vector.extract_strided_slice %get3A_671 {offsets = [0, 0], sizes = [8, 128], strides = [1, 1]} : vector<8x1024xf32> to vector<8x128xf32>
    %dot_general3A_673 = arith.constant dense<0.000000e+00> : vector<1024x128xf32>
    %dot_general3A_674 = tpu.matmul %get3A_668, %slice3A_672, %dot_general3A_673 {dimension_numbers = #tpu.dot_dimension_numbers<[0], [0], [1], [1], [0, 1, 1, 1], [], []>, transpose_lhs_hint = false} : vector<8x1024xf32>, vector<8x128xf32>, vector<1024x128xf32> -> vector<1024x128xf32>
    %reduce_min3A_675 = arith.constant dense<0x7F800000> : vector<128xf32>
    %reduce_min3A_676 = vector.multi_reduction <minimumf>, %dot_general3A_674, %reduce_min3A_675 [0] : vector<1024x128xf32> to vector<128xf32>
    %reduce_sum3A_677 = vector.shape_cast %reduce_min3A_676 : vector<128xf32> to vector<1x128xf32>
    %reduce_sum3A_678 = arith.constant dense<0.000000e+00> : vector<1xf32>
    %reduce_sum3A_679 = vector.multi_reduction <add>, %reduce_sum3A_677, %reduce_sum3A_678 [1] : vector<1x128xf32> to vector<1xf32>
    %reduce_sum3A_680 = vector.shape_cast %reduce_sum3A_679 : vector<1xf32> to vector<1x1xf32>
    %reduce_sum3A_681 = vector.extract %reduce_sum3A_680[0, 0] : f32 from vector<1x1xf32>
    %add3A_682 = arith.constant 0.000000e+00 : f32
    %add3A_683 = arith.addf %add3A_682, %reduce_sum3A_681 : f32
    %slice3A_684 = vector.extract_strided_slice %get3A_671 {offsets = [0, 128], sizes = [8, 128], strides = [1, 1]} : vector<8x1024xf32> to vector<8x128xf32>
    %dot_general3A_685 = arith.constant dense<0.000000e+00> : vector<1024x128xf32>
    %dot_general3A_686 = tpu.matmul %get3A_668, %slice3A_684, %dot_general3A_685 {dimension_numbers = #tpu.dot_dimension_numbers<[0], [0], [1], [1], [0, 1, 1, 1], [], []>, transpose_lhs_hint = false} : vector<8x1024xf32>, vector<8x128xf32>, vector<1024x128xf32> -> vector<1024x128xf32>
    %min3A_687 = arith.minimumf %dot_general3A_674, %dot_general3A_686 : vector<1024x128xf32>
    %reduce_min3A_688 = arith.constant dense<0x7F800000> : vector<128xf32>
    %reduce_min3A_689 = vector.multi_reduction <minimumf>, %dot_general3A_686, %reduce_min3A_688 [0] : vector<1024x128xf32> to vector<128xf32>
    %reduce_sum3A_690 = vector.shape_cast %reduce_min3A_689 : vector<128xf32> to vector<1x128xf32>
    %reduce_sum3A_691 = arith.constant dense<0.000000e+00> : vector<1xf32>
    %reduce_sum3A_692 = vector.multi_reduction <add>, %reduce_sum3A_690, %reduce_sum3A_691 [1] : vector<1x128xf32> to vector<1xf32>
    %reduce_sum3A_693 = vector.shape_cast %reduce_sum3A_692 : vector<1xf32> to vector<1x1xf32>
    %reduce_sum3A_694 = vector.extract %reduce_sum3A_693[0, 0] : f32 from vector<1x1xf32>
    %add3A_695 = arith.addf %add3A_683, %reduce_sum3A_694 : f32
    %slice3A_696 = vector.extract_strided_slice %get3A_671 {offsets = [0, 256], sizes = [8, 128], strides = [1, 1]} : vector<8x1024xf32> to vector<8x128xf32>
    %dot_general3A_697 = arith.constant dense<0.000000e+00> : vector<1024x128xf32>
    %dot_general3A_698 = tpu.matmul %get3A_668, %slice3A_696, %dot_general3A_697 {dimension_numbers = #tpu.dot_dimension_numbers<[0], [0], [1], [1], [0, 1, 1, 1], [], []>, transpose_lhs_hint = false} : vector<8x1024xf32>, vector<8x128xf32>, vector<1024x128xf32> -> vector<1024x128xf32>
    %min3A_699 = arith.minimumf %min3A_687, %dot_general3A_698 : vector<1024x128xf32>
    %reduce_min3A_700 = arith.constant dense<0x7F800000> : vector<128xf32>
    %reduce_min3A_701 = vector.multi_reduction <minimumf>, %dot_general3A_698, %reduce_min3A_700 [0] : vector<1024x128xf32> to vector<128xf32>
    %reduce_sum3A_702 = vector.shape_cast %reduce_min3A_701 : vector<128xf32> to vector<1x128xf32>
    %reduce_sum3A_703 = arith.constant dense<0.000000e+00> : vector<1xf32>
    %reduce_sum3A_704 = vector.multi_reduction <add>, %reduce_sum3A_702, %reduce_sum3A_703 [1] : vector<1x128xf32> to vector<1xf32>
    %reduce_sum3A_705 = vector.shape_cast %reduce_sum3A_704 : vector<1xf32> to vector<1x1xf32>
    %reduce_sum3A_706 = vector.extract %reduce_sum3A_705[0, 0] : f32 from vector<1x1xf32>
    %add3A_707 = arith.addf %add3A_695, %reduce_sum3A_706 : f32
    %slice3A_708 = vector.extract_strided_slice %get3A_671 {offsets = [0, 384], sizes = [8, 128], strides = [1, 1]} : vector<8x1024xf32> to vector<8x128xf32>
    %dot_general3A_709 = arith.constant dense<0.000000e+00> : vector<1024x128xf32>
    %dot_general3A_710 = tpu.matmul %get3A_668, %slice3A_708, %dot_general3A_709 {dimension_numbers = #tpu.dot_dimension_numbers<[0], [0], [1], [1], [0, 1, 1, 1], [], []>, transpose_lhs_hint = false} : vector<8x1024xf32>, vector<8x128xf32>, vector<1024x128xf32> -> vector<1024x128xf32>
    %min3A_711 = arith.minimumf %min3A_699, %dot_general3A_710 : vector<1024x128xf32>
    %reduce_min3A_712 = arith.constant dense<0x7F800000> : vector<128xf32>
    %reduce_min3A_713 = vector.multi_reduction <minimumf>, %dot_general3A_710, %reduce_min3A_712 [0] : vector<1024x128xf32> to vector<128xf32>
    %reduce_sum3A_714 = vector.shape_cast %reduce_min3A_713 : vector<128xf32> to vector<1x128xf32>
    %reduce_sum3A_715 = arith.constant dense<0.000000e+00> : vector<1xf32>
    %reduce_sum3A_716 = vector.multi_reduction <add>, %reduce_sum3A_714, %reduce_sum3A_715 [1] : vector<1x128xf32> to vector<1xf32>
    %reduce_sum3A_717 = vector.shape_cast %reduce_sum3A_716 : vector<1xf32> to vector<1x1xf32>
    %reduce_sum3A_718 = vector.extract %reduce_sum3A_717[0, 0] : f32 from vector<1x1xf32>
    %add3A_719 = arith.addf %add3A_707, %reduce_sum3A_718 : f32
    %slice3A_720 = vector.extract_strided_slice %get3A_671 {offsets = [0, 512], sizes = [8, 128], strides = [1, 1]} : vector<8x1024xf32> to vector<8x128xf32>
    %dot_general3A_721 = arith.constant dense<0.000000e+00> : vector<1024x128xf32>
    %dot_general3A_722 = tpu.matmul %get3A_668, %slice3A_720, %dot_general3A_721 {dimension_numbers = #tpu.dot_dimension_numbers<[0], [0], [1], [1], [0, 1, 1, 1], [], []>, transpose_lhs_hint = false} : vector<8x1024xf32>, vector<8x128xf32>, vector<1024x128xf32> -> vector<1024x128xf32>
    %min3A_723 = arith.minimumf %min3A_711, %dot_general3A_722 : vector<1024x128xf32>
    %reduce_min3A_724 = arith.constant dense<0x7F800000> : vector<128xf32>
    %reduce_min3A_725 = vector.multi_reduction <minimumf>, %dot_general3A_722, %reduce_min3A_724 [0] : vector<1024x128xf32> to vector<128xf32>
    %reduce_sum3A_726 = vector.shape_cast %reduce_min3A_725 : vector<128xf32> to vector<1x128xf32>
    %reduce_sum3A_727 = arith.constant dense<0.000000e+00> : vector<1xf32>
    %reduce_sum3A_728 = vector.multi_reduction <add>, %reduce_sum3A_726, %reduce_sum3A_727 [1] : vector<1x128xf32> to vector<1xf32>
    %reduce_sum3A_729 = vector.shape_cast %reduce_sum3A_728 : vector<1xf32> to vector<1x1xf32>
    %reduce_sum3A_730 = vector.extract %reduce_sum3A_729[0, 0] : f32 from vector<1x1xf32>
    %add3A_731 = arith.addf %add3A_719, %reduce_sum3A_730 : f32
    %slice3A_732 = vector.extract_strided_slice %get3A_671 {offsets = [0, 640], sizes = [8, 128], strides = [1, 1]} : vector<8x1024xf32> to vector<8x128xf32>
    %dot_general3A_733 = arith.constant dense<0.000000e+00> : vector<1024x128xf32>
    %dot_general3A_734 = tpu.matmul %get3A_668, %slice3A_732, %dot_general3A_733 {dimension_numbers = #tpu.dot_dimension_numbers<[0], [0], [1], [1], [0, 1, 1, 1], [], []>, transpose_lhs_hint = false} : vector<8x1024xf32>, vector<8x128xf32>, vector<1024x128xf32> -> vector<1024x128xf32>
    %min3A_735 = arith.minimumf %min3A_723, %dot_general3A_734 : vector<1024x128xf32>
    %reduce_min3A_736 = arith.constant dense<0x7F800000> : vector<128xf32>
    %reduce_min3A_737 = vector.multi_reduction <minimumf>, %dot_general3A_734, %reduce_min3A_736 [0] : vector<1024x128xf32> to vector<128xf32>
    %reduce_sum3A_738 = vector.shape_cast %reduce_min3A_737 : vector<128xf32> to vector<1x128xf32>
    %reduce_sum3A_739 = arith.constant dense<0.000000e+00> : vector<1xf32>
    %reduce_sum3A_740 = vector.multi_reduction <add>, %reduce_sum3A_738, %reduce_sum3A_739 [1] : vector<1x128xf32> to vector<1xf32>
    %reduce_sum3A_741 = vector.shape_cast %reduce_sum3A_740 : vector<1xf32> to vector<1x1xf32>
    %reduce_sum3A_742 = vector.extract %reduce_sum3A_741[0, 0] : f32 from vector<1x1xf32>
    %add3A_743 = arith.addf %add3A_731, %reduce_sum3A_742 : f32
    %slice3A_744 = vector.extract_strided_slice %get3A_671 {offsets = [0, 768], sizes = [8, 128], strides = [1, 1]} : vector<8x1024xf32> to vector<8x128xf32>
    %dot_general3A_745 = arith.constant dense<0.000000e+00> : vector<1024x128xf32>
    %dot_general3A_746 = tpu.matmul %get3A_668, %slice3A_744, %dot_general3A_745 {dimension_numbers = #tpu.dot_dimension_numbers<[0], [0], [1], [1], [0, 1, 1, 1], [], []>, transpose_lhs_hint = false} : vector<8x1024xf32>, vector<8x128xf32>, vector<1024x128xf32> -> vector<1024x128xf32>
    %min3A_747 = arith.minimumf %min3A_735, %dot_general3A_746 : vector<1024x128xf32>
    %reduce_min3A_748 = arith.constant dense<0x7F800000> : vector<128xf32>
    %reduce_min3A_749 = vector.multi_reduction <minimumf>, %dot_general3A_746, %reduce_min3A_748 [0] : vector<1024x128xf32> to vector<128xf32>
    %reduce_sum3A_750 = vector.shape_cast %reduce_min3A_749 : vector<128xf32> to vector<1x128xf32>
    %reduce_sum3A_751 = arith.constant dense<0.000000e+00> : vector<1xf32>
    %reduce_sum3A_752 = vector.multi_reduction <add>, %reduce_sum3A_750, %reduce_sum3A_751 [1] : vector<1x128xf32> to vector<1xf32>
    %reduce_sum3A_753 = vector.shape_cast %reduce_sum3A_752 : vector<1xf32> to vector<1x1xf32>
    %reduce_sum3A_754 = vector.extract %reduce_sum3A_753[0, 0] : f32 from vector<1x1xf32>
    %add3A_755 = arith.addf %add3A_743, %reduce_sum3A_754 : f32
    %slice3A_756 = vector.extract_strided_slice %get3A_671 {offsets = [0, 896], sizes = [8, 128], strides = [1, 1]} : vector<8x1024xf32> to vector<8x128xf32>
    %dot_general3A_757 = arith.constant dense<0.000000e+00> : vector<1024x128xf32>
    %dot_general3A_758 = tpu.matmul %get3A_668, %slice3A_756, %dot_general3A_757 {dimension_numbers = #tpu.dot_dimension_numbers<[0], [0], [1], [1], [0, 1, 1, 1], [], []>, transpose_lhs_hint = false} : vector<8x1024xf32>, vector<8x128xf32>, vector<1024x128xf32> -> vector<1024x128xf32>
    %min3A_759 = arith.minimumf %min3A_747, %dot_general3A_758 : vector<1024x128xf32>
    %reduce_min3A_760 = arith.constant dense<0x7F800000> : vector<128xf32>
    %reduce_min3A_761 = vector.multi_reduction <minimumf>, %dot_general3A_758, %reduce_min3A_760 [0] : vector<1024x128xf32> to vector<128xf32>
    %reduce_sum3A_762 = vector.shape_cast %reduce_min3A_761 : vector<128xf32> to vector<1x128xf32>
    %reduce_sum3A_763 = arith.constant dense<0.000000e+00> : vector<1xf32>
    %reduce_sum3A_764 = vector.multi_reduction <add>, %reduce_sum3A_762, %reduce_sum3A_763 [1] : vector<1x128xf32> to vector<1xf32>
    %reduce_sum3A_765 = vector.shape_cast %reduce_sum3A_764 : vector<1xf32> to vector<1x1xf32>
    %reduce_sum3A_766 = vector.extract %reduce_sum3A_765[0, 0] : f32 from vector<1x1xf32>
    %add3A_767 = arith.addf %add3A_755, %reduce_sum3A_766 : f32
    %reduce_min3A_768 = arith.constant dense<0x7F800000> : vector<1024xf32>
    %reduce_min3A_769 = vector.multi_reduction <minimumf>, %min3A_759, %reduce_min3A_768 [1] : vector<1024x128xf32> to vector<1024xf32>
    %reduce_sum3A_770 = vector.shape_cast %reduce_min3A_769 : vector<1024xf32> to vector<1x1024xf32>
    %reduce_sum3A_771 = arith.constant dense<0.000000e+00> : vector<1xf32>
    %reduce_sum3A_772 = vector.multi_reduction <add>, %reduce_sum3A_770, %reduce_sum3A_771 [1] : vector<1x1024xf32> to vector<1xf32>
    %reduce_sum3A_773 = vector.shape_cast %reduce_sum3A_772 : vector<1xf32> to vector<1x1xf32>
    %reduce_sum3A_774 = vector.extract %reduce_sum3A_773[0, 0] : f32 from vector<1x1xf32>
    %mul3A_775 = arith.constant 8 : i32
    %mul3A_776 = arith.muli %arg0, %mul3A_775 : i32
    %add3A_777 = arith.constant 4 : i32
    %add3A_778 = arith.addi %mul3A_776, %add3A_777 : i32
    %jit3A_779 = arith.constant 8 : i32
    %eq3A_780 = arith.constant 0 : i32
    %eq3A_781 = arith.cmpi eq, %jit3A_779, %eq3A_780 : i32
    %jit3A_782 = arith.constant 1 : i32
    %select_n3A_783 = arith.select %eq3A_781, %jit3A_782, %jit3A_779 : i32
    %rem3A_784 = arith.remsi %add3A_778, %select_n3A_783 : i32
    %ne3A_785 = arith.constant 0 : i32
    %ne3A_786 = arith.cmpi ne, %rem3A_784, %ne3A_785 : i32
    %lt3A_787 = arith.constant 0 : i32
    %lt3A_788 = arith.cmpi slt, %rem3A_784, %lt3A_787 : i32
    %lt3A_789 = arith.constant 0 : i32
    %lt3A_790 = arith.cmpi slt, %select_n3A_783, %lt3A_789 : i32
    %ne3A_791 = arith.xori %lt3A_788, %lt3A_790 : i1
    %and3A_792 = arith.andi %ne3A_791, %ne3A_786 : i1
    %add3A_793 = arith.addi %rem3A_784, %select_n3A_783 : i32
    %select_n3A_794 = arith.select %and3A_792, %add3A_793, %rem3A_784 : i32
    %eq3A_795 = arith.constant 0 : i32
    %eq3A_796 = arith.cmpi eq, %select_n3A_794, %eq3A_795 : i32
    %jit3A_797 = arith.constant 2.000000e+00 : f32
    %jit3A_798 = arith.constant 1.000000e+00 : f32
    %select_n3A_799 = arith.select %eq3A_796, %jit3A_797, %jit3A_798 : f32
    %add3A_800 = arith.addf %reduce_sum3A_774, %add3A_767 : f32
    %mul3A_801 = arith.mulf %select_n3A_799, %add3A_800 : f32
    %add3A_802 = arith.addf %add3A_640, %mul3A_801 : f32
    %slice3A_803 = vector.extract_strided_slice %get3A_3 {offsets = [15, 0], sizes = [3, 1024], strides = [1, 1]} : vector<24x1024xf32> to vector<3x1024xf32>
    %slice3A_804 = vector.extract_strided_slice %get3A_6 {offsets = [15, 0], sizes = [3, 1024], strides = [1, 1]} : vector<24x1024xf32> to vector<3x1024xf32>
    %mul3A_805 = arith.mulf %slice3A_803, %slice3A_803 : vector<3x1024xf32>
    %reduce_sum3A_806 = arith.constant dense<0.000000e+00> : vector<1024xf32>
    %reduce_sum3A_807 = vector.multi_reduction <add>, %mul3A_805, %reduce_sum3A_806 [0] : vector<3x1024xf32> to vector<1024xf32>
    %mul3A_808 = arith.mulf %slice3A_804, %slice3A_804 : vector<3x1024xf32>
    %reduce_sum3A_809 = arith.constant dense<0.000000e+00> : vector<1024xf32>
    %reduce_sum3A_810 = vector.multi_reduction <add>, %mul3A_808, %reduce_sum3A_809 [0] : vector<3x1024xf32> to vector<1024xf32>
    %mul3A_811 = arith.constant -2.000000e+00 : f32
    %mul3A_812 = vector.broadcast %mul3A_811 : f32 to vector<3x1024xf32>
    %mul3A_813 = arith.mulf %slice3A_803, %mul3A_812 : vector<3x1024xf32>
    %swap3A_814 = arith.constant 0 : index
    %swap3A_815 = arith.constant 0 : index
    %swap3A_816 = vector.load %arg4[%swap3A_814, %swap3A_815] : memref<8x1024xf32, #tpu.memory_space<vmem>>, vector<3x1024xf32>
    tpu.vector_store %arg4[%swap3A_814, %swap3A_815], %mul3A_813 {strides = array<i32>} : memref<8x1024xf32, #tpu.memory_space<vmem>>, vector<3x1024xf32>,
    %broadcast_in_dim3A_817 = vector.shape_cast %reduce_sum3A_807 : vector<1024xf32> to vector<1x1024xf32>
    %swap3A_818 = arith.constant 3 : index
    %swap3A_819 = arith.constant 0 : index
    %swap3A_820 = vector.load %arg4[%swap3A_818, %swap3A_819] : memref<8x1024xf32, #tpu.memory_space<vmem>>, vector<1x1024xf32>
    tpu.vector_store %arg4[%swap3A_818, %swap3A_819], %broadcast_in_dim3A_817 {strides = array<i32>} : memref<8x1024xf32, #tpu.memory_space<vmem>>, vector<1x1024xf32>,
    %swap3A_821 = arith.constant 0 : index
    %swap3A_822 = arith.constant 0 : index
    %swap3A_823 = vector.load %arg5[%swap3A_821, %swap3A_822] : memref<8x1024xf32, #tpu.memory_space<vmem>>, vector<3x1024xf32>
    tpu.vector_store %arg5[%swap3A_821, %swap3A_822], %slice3A_804 {strides = array<i32>} : memref<8x1024xf32, #tpu.memory_space<vmem>>, vector<3x1024xf32>,
    %broadcast_in_dim3A_824 = vector.shape_cast %reduce_sum3A_810 : vector<1024xf32> to vector<1x1024xf32>
    %swap3A_825 = arith.constant 4 : index
    %swap3A_826 = arith.constant 0 : index
    %swap3A_827 = vector.load %arg5[%swap3A_825, %swap3A_826] : memref<8x1024xf32, #tpu.memory_space<vmem>>, vector<1x1024xf32>
    tpu.vector_store %arg5[%swap3A_825, %swap3A_826], %broadcast_in_dim3A_824 {strides = array<i32>} : memref<8x1024xf32, #tpu.memory_space<vmem>>, vector<1x1024xf32>,
    %get3A_828 = arith.constant 0 : index
    %get3A_829 = arith.constant 0 : index
    %get3A_830 = vector.load %arg4[%get3A_828, %get3A_829] : memref<8x1024xf32, #tpu.memory_space<vmem>>, vector<8x1024xf32>
    %get3A_831 = arith.constant 0 : index
    %get3A_832 = arith.constant 0 : index
    %get3A_833 = vector.load %arg5[%get3A_831, %get3A_832] : memref<8x1024xf32, #tpu.memory_space<vmem>>, vector<8x1024xf32>
    %slice3A_834 = vector.extract_strided_slice %get3A_833 {offsets = [0, 0], sizes = [8, 128], strides = [1, 1]} : vector<8x1024xf32> to vector<8x128xf32>
    %dot_general3A_835 = arith.constant dense<0.000000e+00> : vector<1024x128xf32>
    %dot_general3A_836 = tpu.matmul %get3A_830, %slice3A_834, %dot_general3A_835 {dimension_numbers = #tpu.dot_dimension_numbers<[0], [0], [1], [1], [0, 1, 1, 1], [], []>, transpose_lhs_hint = false} : vector<8x1024xf32>, vector<8x128xf32>, vector<1024x128xf32> -> vector<1024x128xf32>
    %reduce_min3A_837 = arith.constant dense<0x7F800000> : vector<128xf32>
    %reduce_min3A_838 = vector.multi_reduction <minimumf>, %dot_general3A_836, %reduce_min3A_837 [0] : vector<1024x128xf32> to vector<128xf32>
    %reduce_sum3A_839 = vector.shape_cast %reduce_min3A_838 : vector<128xf32> to vector<1x128xf32>
    %reduce_sum3A_840 = arith.constant dense<0.000000e+00> : vector<1xf32>
    %reduce_sum3A_841 = vector.multi_reduction <add>, %reduce_sum3A_839, %reduce_sum3A_840 [1] : vector<1x128xf32> to vector<1xf32>
    %reduce_sum3A_842 = vector.shape_cast %reduce_sum3A_841 : vector<1xf32> to vector<1x1xf32>
    %reduce_sum3A_843 = vector.extract %reduce_sum3A_842[0, 0] : f32 from vector<1x1xf32>
    %add3A_844 = arith.constant 0.000000e+00 : f32
    %add3A_845 = arith.addf %add3A_844, %reduce_sum3A_843 : f32
    %slice3A_846 = vector.extract_strided_slice %get3A_833 {offsets = [0, 128], sizes = [8, 128], strides = [1, 1]} : vector<8x1024xf32> to vector<8x128xf32>
    %dot_general3A_847 = arith.constant dense<0.000000e+00> : vector<1024x128xf32>
    %dot_general3A_848 = tpu.matmul %get3A_830, %slice3A_846, %dot_general3A_847 {dimension_numbers = #tpu.dot_dimension_numbers<[0], [0], [1], [1], [0, 1, 1, 1], [], []>, transpose_lhs_hint = false} : vector<8x1024xf32>, vector<8x128xf32>, vector<1024x128xf32> -> vector<1024x128xf32>
    %min3A_849 = arith.minimumf %dot_general3A_836, %dot_general3A_848 : vector<1024x128xf32>
    %reduce_min3A_850 = arith.constant dense<0x7F800000> : vector<128xf32>
    %reduce_min3A_851 = vector.multi_reduction <minimumf>, %dot_general3A_848, %reduce_min3A_850 [0] : vector<1024x128xf32> to vector<128xf32>
    %reduce_sum3A_852 = vector.shape_cast %reduce_min3A_851 : vector<128xf32> to vector<1x128xf32>
    %reduce_sum3A_853 = arith.constant dense<0.000000e+00> : vector<1xf32>
    %reduce_sum3A_854 = vector.multi_reduction <add>, %reduce_sum3A_852, %reduce_sum3A_853 [1] : vector<1x128xf32> to vector<1xf32>
    %reduce_sum3A_855 = vector.shape_cast %reduce_sum3A_854 : vector<1xf32> to vector<1x1xf32>
    %reduce_sum3A_856 = vector.extract %reduce_sum3A_855[0, 0] : f32 from vector<1x1xf32>
    %add3A_857 = arith.addf %add3A_845, %reduce_sum3A_856 : f32
    %slice3A_858 = vector.extract_strided_slice %get3A_833 {offsets = [0, 256], sizes = [8, 128], strides = [1, 1]} : vector<8x1024xf32> to vector<8x128xf32>
    %dot_general3A_859 = arith.constant dense<0.000000e+00> : vector<1024x128xf32>
    %dot_general3A_860 = tpu.matmul %get3A_830, %slice3A_858, %dot_general3A_859 {dimension_numbers = #tpu.dot_dimension_numbers<[0], [0], [1], [1], [0, 1, 1, 1], [], []>, transpose_lhs_hint = false} : vector<8x1024xf32>, vector<8x128xf32>, vector<1024x128xf32> -> vector<1024x128xf32>
    %min3A_861 = arith.minimumf %min3A_849, %dot_general3A_860 : vector<1024x128xf32>
    %reduce_min3A_862 = arith.constant dense<0x7F800000> : vector<128xf32>
    %reduce_min3A_863 = vector.multi_reduction <minimumf>, %dot_general3A_860, %reduce_min3A_862 [0] : vector<1024x128xf32> to vector<128xf32>
    %reduce_sum3A_864 = vector.shape_cast %reduce_min3A_863 : vector<128xf32> to vector<1x128xf32>
    %reduce_sum3A_865 = arith.constant dense<0.000000e+00> : vector<1xf32>
    %reduce_sum3A_866 = vector.multi_reduction <add>, %reduce_sum3A_864, %reduce_sum3A_865 [1] : vector<1x128xf32> to vector<1xf32>
    %reduce_sum3A_867 = vector.shape_cast %reduce_sum3A_866 : vector<1xf32> to vector<1x1xf32>
    %reduce_sum3A_868 = vector.extract %reduce_sum3A_867[0, 0] : f32 from vector<1x1xf32>
    %add3A_869 = arith.addf %add3A_857, %reduce_sum3A_868 : f32
    %slice3A_870 = vector.extract_strided_slice %get3A_833 {offsets = [0, 384], sizes = [8, 128], strides = [1, 1]} : vector<8x1024xf32> to vector<8x128xf32>
    %dot_general3A_871 = arith.constant dense<0.000000e+00> : vector<1024x128xf32>
    %dot_general3A_872 = tpu.matmul %get3A_830, %slice3A_870, %dot_general3A_871 {dimension_numbers = #tpu.dot_dimension_numbers<[0], [0], [1], [1], [0, 1, 1, 1], [], []>, transpose_lhs_hint = false} : vector<8x1024xf32>, vector<8x128xf32>, vector<1024x128xf32> -> vector<1024x128xf32>
    %min3A_873 = arith.minimumf %min3A_861, %dot_general3A_872 : vector<1024x128xf32>
    %reduce_min3A_874 = arith.constant dense<0x7F800000> : vector<128xf32>
    %reduce_min3A_875 = vector.multi_reduction <minimumf>, %dot_general3A_872, %reduce_min3A_874 [0] : vector<1024x128xf32> to vector<128xf32>
    %reduce_sum3A_876 = vector.shape_cast %reduce_min3A_875 : vector<128xf32> to vector<1x128xf32>
    %reduce_sum3A_877 = arith.constant dense<0.000000e+00> : vector<1xf32>
    %reduce_sum3A_878 = vector.multi_reduction <add>, %reduce_sum3A_876, %reduce_sum3A_877 [1] : vector<1x128xf32> to vector<1xf32>
    %reduce_sum3A_879 = vector.shape_cast %reduce_sum3A_878 : vector<1xf32> to vector<1x1xf32>
    %reduce_sum3A_880 = vector.extract %reduce_sum3A_879[0, 0] : f32 from vector<1x1xf32>
    %add3A_881 = arith.addf %add3A_869, %reduce_sum3A_880 : f32
    %slice3A_882 = vector.extract_strided_slice %get3A_833 {offsets = [0, 512], sizes = [8, 128], strides = [1, 1]} : vector<8x1024xf32> to vector<8x128xf32>
    %dot_general3A_883 = arith.constant dense<0.000000e+00> : vector<1024x128xf32>
    %dot_general3A_884 = tpu.matmul %get3A_830, %slice3A_882, %dot_general3A_883 {dimension_numbers = #tpu.dot_dimension_numbers<[0], [0], [1], [1], [0, 1, 1, 1], [], []>, transpose_lhs_hint = false} : vector<8x1024xf32>, vector<8x128xf32>, vector<1024x128xf32> -> vector<1024x128xf32>
    %min3A_885 = arith.minimumf %min3A_873, %dot_general3A_884 : vector<1024x128xf32>
    %reduce_min3A_886 = arith.constant dense<0x7F800000> : vector<128xf32>
    %reduce_min3A_887 = vector.multi_reduction <minimumf>, %dot_general3A_884, %reduce_min3A_886 [0] : vector<1024x128xf32> to vector<128xf32>
    %reduce_sum3A_888 = vector.shape_cast %reduce_min3A_887 : vector<128xf32> to vector<1x128xf32>
    %reduce_sum3A_889 = arith.constant dense<0.000000e+00> : vector<1xf32>
    %reduce_sum3A_890 = vector.multi_reduction <add>, %reduce_sum3A_888, %reduce_sum3A_889 [1] : vector<1x128xf32> to vector<1xf32>
    %reduce_sum3A_891 = vector.shape_cast %reduce_sum3A_890 : vector<1xf32> to vector<1x1xf32>
    %reduce_sum3A_892 = vector.extract %reduce_sum3A_891[0, 0] : f32 from vector<1x1xf32>
    %add3A_893 = arith.addf %add3A_881, %reduce_sum3A_892 : f32
    %slice3A_894 = vector.extract_strided_slice %get3A_833 {offsets = [0, 640], sizes = [8, 128], strides = [1, 1]} : vector<8x1024xf32> to vector<8x128xf32>
    %dot_general3A_895 = arith.constant dense<0.000000e+00> : vector<1024x128xf32>
    %dot_general3A_896 = tpu.matmul %get3A_830, %slice3A_894, %dot_general3A_895 {dimension_numbers = #tpu.dot_dimension_numbers<[0], [0], [1], [1], [0, 1, 1, 1], [], []>, transpose_lhs_hint = false} : vector<8x1024xf32>, vector<8x128xf32>, vector<1024x128xf32> -> vector<1024x128xf32>
    %min3A_897 = arith.minimumf %min3A_885, %dot_general3A_896 : vector<1024x128xf32>
    %reduce_min3A_898 = arith.constant dense<0x7F800000> : vector<128xf32>
    %reduce_min3A_899 = vector.multi_reduction <minimumf>, %dot_general3A_896, %reduce_min3A_898 [0] : vector<1024x128xf32> to vector<128xf32>
    %reduce_sum3A_900 = vector.shape_cast %reduce_min3A_899 : vector<128xf32> to vector<1x128xf32>
    %reduce_sum3A_901 = arith.constant dense<0.000000e+00> : vector<1xf32>
    %reduce_sum3A_902 = vector.multi_reduction <add>, %reduce_sum3A_900, %reduce_sum3A_901 [1] : vector<1x128xf32> to vector<1xf32>
    %reduce_sum3A_903 = vector.shape_cast %reduce_sum3A_902 : vector<1xf32> to vector<1x1xf32>
    %reduce_sum3A_904 = vector.extract %reduce_sum3A_903[0, 0] : f32 from vector<1x1xf32>
    %add3A_905 = arith.addf %add3A_893, %reduce_sum3A_904 : f32
    %slice3A_906 = vector.extract_strided_slice %get3A_833 {offsets = [0, 768], sizes = [8, 128], strides = [1, 1]} : vector<8x1024xf32> to vector<8x128xf32>
    %dot_general3A_907 = arith.constant dense<0.000000e+00> : vector<1024x128xf32>
    %dot_general3A_908 = tpu.matmul %get3A_830, %slice3A_906, %dot_general3A_907 {dimension_numbers = #tpu.dot_dimension_numbers<[0], [0], [1], [1], [0, 1, 1, 1], [], []>, transpose_lhs_hint = false} : vector<8x1024xf32>, vector<8x128xf32>, vector<1024x128xf32> -> vector<1024x128xf32>
    %min3A_909 = arith.minimumf %min3A_897, %dot_general3A_908 : vector<1024x128xf32>
    %reduce_min3A_910 = arith.constant dense<0x7F800000> : vector<128xf32>
    %reduce_min3A_911 = vector.multi_reduction <minimumf>, %dot_general3A_908, %reduce_min3A_910 [0] : vector<1024x128xf32> to vector<128xf32>
    %reduce_sum3A_912 = vector.shape_cast %reduce_min3A_911 : vector<128xf32> to vector<1x128xf32>
    %reduce_sum3A_913 = arith.constant dense<0.000000e+00> : vector<1xf32>
    %reduce_sum3A_914 = vector.multi_reduction <add>, %reduce_sum3A_912, %reduce_sum3A_913 [1] : vector<1x128xf32> to vector<1xf32>
    %reduce_sum3A_915 = vector.shape_cast %reduce_sum3A_914 : vector<1xf32> to vector<1x1xf32>
    %reduce_sum3A_916 = vector.extract %reduce_sum3A_915[0, 0] : f32 from vector<1x1xf32>
    %add3A_917 = arith.addf %add3A_905, %reduce_sum3A_916 : f32
    %slice3A_918 = vector.extract_strided_slice %get3A_833 {offsets = [0, 896], sizes = [8, 128], strides = [1, 1]} : vector<8x1024xf32> to vector<8x128xf32>
    %dot_general3A_919 = arith.constant dense<0.000000e+00> : vector<1024x128xf32>
    %dot_general3A_920 = tpu.matmul %get3A_830, %slice3A_918, %dot_general3A_919 {dimension_numbers = #tpu.dot_dimension_numbers<[0], [0], [1], [1], [0, 1, 1, 1], [], []>, transpose_lhs_hint = false} : vector<8x1024xf32>, vector<8x128xf32>, vector<1024x128xf32> -> vector<1024x128xf32>
    %min3A_921 = arith.minimumf %min3A_909, %dot_general3A_920 : vector<1024x128xf32>
    %reduce_min3A_922 = arith.constant dense<0x7F800000> : vector<128xf32>
    %reduce_min3A_923 = vector.multi_reduction <minimumf>, %dot_general3A_920, %reduce_min3A_922 [0] : vector<1024x128xf32> to vector<128xf32>
    %reduce_sum3A_924 = vector.shape_cast %reduce_min3A_923 : vector<128xf32> to vector<1x128xf32>
    %reduce_sum3A_925 = arith.constant dense<0.000000e+00> : vector<1xf32>
    %reduce_sum3A_926 = vector.multi_reduction <add>, %reduce_sum3A_924, %reduce_sum3A_925 [1] : vector<1x128xf32> to vector<1xf32>
    %reduce_sum3A_927 = vector.shape_cast %reduce_sum3A_926 : vector<1xf32> to vector<1x1xf32>
    %reduce_sum3A_928 = vector.extract %reduce_sum3A_927[0, 0] : f32 from vector<1x1xf32>
    %add3A_929 = arith.addf %add3A_917, %reduce_sum3A_928 : f32
    %reduce_min3A_930 = arith.constant dense<0x7F800000> : vector<1024xf32>
    %reduce_min3A_931 = vector.multi_reduction <minimumf>, %min3A_921, %reduce_min3A_930 [1] : vector<1024x128xf32> to vector<1024xf32>
    %reduce_sum3A_932 = vector.shape_cast %reduce_min3A_931 : vector<1024xf32> to vector<1x1024xf32>
    %reduce_sum3A_933 = arith.constant dense<0.000000e+00> : vector<1xf32>
    %reduce_sum3A_934 = vector.multi_reduction <add>, %reduce_sum3A_932, %reduce_sum3A_933 [1] : vector<1x1024xf32> to vector<1xf32>
    %reduce_sum3A_935 = vector.shape_cast %reduce_sum3A_934 : vector<1xf32> to vector<1x1xf32>
    %reduce_sum3A_936 = vector.extract %reduce_sum3A_935[0, 0] : f32 from vector<1x1xf32>
    %mul3A_937 = arith.constant 8 : i32
    %mul3A_938 = arith.muli %arg0, %mul3A_937 : i32
    %add3A_939 = arith.constant 5 : i32
    %add3A_940 = arith.addi %mul3A_938, %add3A_939 : i32
    %jit3A_941 = arith.constant 8 : i32
    %eq3A_942 = arith.constant 0 : i32
    %eq3A_943 = arith.cmpi eq, %jit3A_941, %eq3A_942 : i32
    %jit3A_944 = arith.constant 1 : i32
    %select_n3A_945 = arith.select %eq3A_943, %jit3A_944, %jit3A_941 : i32
    %rem3A_946 = arith.remsi %add3A_940, %select_n3A_945 : i32
    %ne3A_947 = arith.constant 0 : i32
    %ne3A_948 = arith.cmpi ne, %rem3A_946, %ne3A_947 : i32
    %lt3A_949 = arith.constant 0 : i32
    %lt3A_950 = arith.cmpi slt, %rem3A_946, %lt3A_949 : i32
    %lt3A_951 = arith.constant 0 : i32
    %lt3A_952 = arith.cmpi slt, %select_n3A_945, %lt3A_951 : i32
    %ne3A_953 = arith.xori %lt3A_950, %lt3A_952 : i1
    %and3A_954 = arith.andi %ne3A_953, %ne3A_948 : i1
    %add3A_955 = arith.addi %rem3A_946, %select_n3A_945 : i32
    %select_n3A_956 = arith.select %and3A_954, %add3A_955, %rem3A_946 : i32
    %eq3A_957 = arith.constant 0 : i32
    %eq3A_958 = arith.cmpi eq, %select_n3A_956, %eq3A_957 : i32
    %jit3A_959 = arith.constant 2.000000e+00 : f32
    %jit3A_960 = arith.constant 1.000000e+00 : f32
    %select_n3A_961 = arith.select %eq3A_958, %jit3A_959, %jit3A_960 : f32
    %add3A_962 = arith.addf %reduce_sum3A_936, %add3A_929 : f32
    %mul3A_963 = arith.mulf %select_n3A_961, %add3A_962 : f32
    %add3A_964 = arith.addf %add3A_802, %mul3A_963 : f32
    %slice3A_965 = vector.extract_strided_slice %get3A_3 {offsets = [18, 0], sizes = [3, 1024], strides = [1, 1]} : vector<24x1024xf32> to vector<3x1024xf32>
    %slice3A_966 = vector.extract_strided_slice %get3A_6 {offsets = [18, 0], sizes = [3, 1024], strides = [1, 1]} : vector<24x1024xf32> to vector<3x1024xf32>
    %mul3A_967 = arith.mulf %slice3A_965, %slice3A_965 : vector<3x1024xf32>
    %reduce_sum3A_968 = arith.constant dense<0.000000e+00> : vector<1024xf32>
    %reduce_sum3A_969 = vector.multi_reduction <add>, %mul3A_967, %reduce_sum3A_968 [0] : vector<3x1024xf32> to vector<1024xf32>
    %mul3A_970 = arith.mulf %slice3A_966, %slice3A_966 : vector<3x1024xf32>
    %reduce_sum3A_971 = arith.constant dense<0.000000e+00> : vector<1024xf32>
    %reduce_sum3A_972 = vector.multi_reduction <add>, %mul3A_970, %reduce_sum3A_971 [0] : vector<3x1024xf32> to vector<1024xf32>
    %mul3A_973 = arith.constant -2.000000e+00 : f32
    %mul3A_974 = vector.broadcast %mul3A_973 : f32 to vector<3x1024xf32>
    %mul3A_975 = arith.mulf %slice3A_965, %mul3A_974 : vector<3x1024xf32>
    %swap3A_976 = arith.constant 0 : index
    %swap3A_977 = arith.constant 0 : index
    %swap3A_978 = vector.load %arg4[%swap3A_976, %swap3A_977] : memref<8x1024xf32, #tpu.memory_space<vmem>>, vector<3x1024xf32>
    tpu.vector_store %arg4[%swap3A_976, %swap3A_977], %mul3A_975 {strides = array<i32>} : memref<8x1024xf32, #tpu.memory_space<vmem>>, vector<3x1024xf32>,
    %broadcast_in_dim3A_979 = vector.shape_cast %reduce_sum3A_969 : vector<1024xf32> to vector<1x1024xf32>
    %swap3A_980 = arith.constant 3 : index
    %swap3A_981 = arith.constant 0 : index
    %swap3A_982 = vector.load %arg4[%swap3A_980, %swap3A_981] : memref<8x1024xf32, #tpu.memory_space<vmem>>, vector<1x1024xf32>
    tpu.vector_store %arg4[%swap3A_980, %swap3A_981], %broadcast_in_dim3A_979 {strides = array<i32>} : memref<8x1024xf32, #tpu.memory_space<vmem>>, vector<1x1024xf32>,
    %swap3A_983 = arith.constant 0 : index
    %swap3A_984 = arith.constant 0 : index
    %swap3A_985 = vector.load %arg5[%swap3A_983, %swap3A_984] : memref<8x1024xf32, #tpu.memory_space<vmem>>, vector<3x1024xf32>
    tpu.vector_store %arg5[%swap3A_983, %swap3A_984], %slice3A_966 {strides = array<i32>} : memref<8x1024xf32, #tpu.memory_space<vmem>>, vector<3x1024xf32>,
    %broadcast_in_dim3A_986 = vector.shape_cast %reduce_sum3A_972 : vector<1024xf32> to vector<1x1024xf32>
    %swap3A_987 = arith.constant 4 : index
    %swap3A_988 = arith.constant 0 : index
    %swap3A_989 = vector.load %arg5[%swap3A_987, %swap3A_988] : memref<8x1024xf32, #tpu.memory_space<vmem>>, vector<1x1024xf32>
    tpu.vector_store %arg5[%swap3A_987, %swap3A_988], %broadcast_in_dim3A_986 {strides = array<i32>} : memref<8x1024xf32, #tpu.memory_space<vmem>>, vector<1x1024xf32>,
    %get3A_990 = arith.constant 0 : index
    %get3A_991 = arith.constant 0 : index
    %get3A_992 = vector.load %arg4[%get3A_990, %get3A_991] : memref<8x1024xf32, #tpu.memory_space<vmem>>, vector<8x1024xf32>
    %get3A_993 = arith.constant 0 : index
    %get3A_994 = arith.constant 0 : index
    %get3A_995 = vector.load %arg5[%get3A_993, %get3A_994] : memref<8x1024xf32, #tpu.memory_space<vmem>>, vector<8x1024xf32>
    %slice3A_996 = vector.extract_strided_slice %get3A_995 {offsets = [0, 0], sizes = [8, 128], strides = [1, 1]} : vector<8x1024xf32> to vector<8x128xf32>
    %dot_general3A_997 = arith.constant dense<0.000000e+00> : vector<1024x128xf32>
    %dot_general3A_998 = tpu.matmul %get3A_992, %slice3A_996, %dot_general3A_997 {dimension_numbers = #tpu.dot_dimension_numbers<[0], [0], [1], [1], [0, 1, 1, 1], [], []>, transpose_lhs_hint = false} : vector<8x1024xf32>, vector<8x128xf32>, vector<1024x128xf32> -> vector<1024x128xf32>
    %reduce_min3A_999 = arith.constant dense<0x7F800000> : vector<128xf32>
    %reduce_min3A_1000 = vector.multi_reduction <minimumf>, %dot_general3A_998, %reduce_min3A_999 [0] : vector<1024x128xf32> to vector<128xf32>
    %reduce_sum3A_1001 = vector.shape_cast %reduce_min3A_1000 : vector<128xf32> to vector<1x128xf32>
    %reduce_sum3A_1002 = arith.constant dense<0.000000e+00> : vector<1xf32>
    %reduce_sum3A_1003 = vector.multi_reduction <add>, %reduce_sum3A_1001, %reduce_sum3A_1002 [1] : vector<1x128xf32> to vector<1xf32>
    %reduce_sum3A_1004 = vector.shape_cast %reduce_sum3A_1003 : vector<1xf32> to vector<1x1xf32>
    %reduce_sum3A_1005 = vector.extract %reduce_sum3A_1004[0, 0] : f32 from vector<1x1xf32>
    %add3A_1006 = arith.constant 0.000000e+00 : f32
    %add3A_1007 = arith.addf %add3A_1006, %reduce_sum3A_1005 : f32
    %slice3A_1008 = vector.extract_strided_slice %get3A_995 {offsets = [0, 128], sizes = [8, 128], strides = [1, 1]} : vector<8x1024xf32> to vector<8x128xf32>
    %dot_general3A_1009 = arith.constant dense<0.000000e+00> : vector<1024x128xf32>
    %dot_general3A_1010 = tpu.matmul %get3A_992, %slice3A_1008, %dot_general3A_1009 {dimension_numbers = #tpu.dot_dimension_numbers<[0], [0], [1], [1], [0, 1, 1, 1], [], []>, transpose_lhs_hint = false} : vector<8x1024xf32>, vector<8x128xf32>, vector<1024x128xf32> -> vector<1024x128xf32>
    %min3A_1011 = arith.minimumf %dot_general3A_998, %dot_general3A_1010 : vector<1024x128xf32>
    %reduce_min3A_1012 = arith.constant dense<0x7F800000> : vector<128xf32>
    %reduce_min3A_1013 = vector.multi_reduction <minimumf>, %dot_general3A_1010, %reduce_min3A_1012 [0] : vector<1024x128xf32> to vector<128xf32>
    %reduce_sum3A_1014 = vector.shape_cast %reduce_min3A_1013 : vector<128xf32> to vector<1x128xf32>
    %reduce_sum3A_1015 = arith.constant dense<0.000000e+00> : vector<1xf32>
    %reduce_sum3A_1016 = vector.multi_reduction <add>, %reduce_sum3A_1014, %reduce_sum3A_1015 [1] : vector<1x128xf32> to vector<1xf32>
    %reduce_sum3A_1017 = vector.shape_cast %reduce_sum3A_1016 : vector<1xf32> to vector<1x1xf32>
    %reduce_sum3A_1018 = vector.extract %reduce_sum3A_1017[0, 0] : f32 from vector<1x1xf32>
    %add3A_1019 = arith.addf %add3A_1007, %reduce_sum3A_1018 : f32
    %slice3A_1020 = vector.extract_strided_slice %get3A_995 {offsets = [0, 256], sizes = [8, 128], strides = [1, 1]} : vector<8x1024xf32> to vector<8x128xf32>
    %dot_general3A_1021 = arith.constant dense<0.000000e+00> : vector<1024x128xf32>
    %dot_general3A_1022 = tpu.matmul %get3A_992, %slice3A_1020, %dot_general3A_1021 {dimension_numbers = #tpu.dot_dimension_numbers<[0], [0], [1], [1], [0, 1, 1, 1], [], []>, transpose_lhs_hint = false} : vector<8x1024xf32>, vector<8x128xf32>, vector<1024x128xf32> -> vector<1024x128xf32>
    %min3A_1023 = arith.minimumf %min3A_1011, %dot_general3A_1022 : vector<1024x128xf32>
    %reduce_min3A_1024 = arith.constant dense<0x7F800000> : vector<128xf32>
    %reduce_min3A_1025 = vector.multi_reduction <minimumf>, %dot_general3A_1022, %reduce_min3A_1024 [0] : vector<1024x128xf32> to vector<128xf32>
    %reduce_sum3A_1026 = vector.shape_cast %reduce_min3A_1025 : vector<128xf32> to vector<1x128xf32>
    %reduce_sum3A_1027 = arith.constant dense<0.000000e+00> : vector<1xf32>
    %reduce_sum3A_1028 = vector.multi_reduction <add>, %reduce_sum3A_1026, %reduce_sum3A_1027 [1] : vector<1x128xf32> to vector<1xf32>
    %reduce_sum3A_1029 = vector.shape_cast %reduce_sum3A_1028 : vector<1xf32> to vector<1x1xf32>
    %reduce_sum3A_1030 = vector.extract %reduce_sum3A_1029[0, 0] : f32 from vector<1x1xf32>
    %add3A_1031 = arith.addf %add3A_1019, %reduce_sum3A_1030 : f32
    %slice3A_1032 = vector.extract_strided_slice %get3A_995 {offsets = [0, 384], sizes = [8, 128], strides = [1, 1]} : vector<8x1024xf32> to vector<8x128xf32>
    %dot_general3A_1033 = arith.constant dense<0.000000e+00> : vector<1024x128xf32>
    %dot_general3A_1034 = tpu.matmul %get3A_992, %slice3A_1032, %dot_general3A_1033 {dimension_numbers = #tpu.dot_dimension_numbers<[0], [0], [1], [1], [0, 1, 1, 1], [], []>, transpose_lhs_hint = false} : vector<8x1024xf32>, vector<8x128xf32>, vector<1024x128xf32> -> vector<1024x128xf32>
    %min3A_1035 = arith.minimumf %min3A_1023, %dot_general3A_1034 : vector<1024x128xf32>
    %reduce_min3A_1036 = arith.constant dense<0x7F800000> : vector<128xf32>
    %reduce_min3A_1037 = vector.multi_reduction <minimumf>, %dot_general3A_1034, %reduce_min3A_1036 [0] : vector<1024x128xf32> to vector<128xf32>
    %reduce_sum3A_1038 = vector.shape_cast %reduce_min3A_1037 : vector<128xf32> to vector<1x128xf32>
    %reduce_sum3A_1039 = arith.constant dense<0.000000e+00> : vector<1xf32>
    %reduce_sum3A_1040 = vector.multi_reduction <add>, %reduce_sum3A_1038, %reduce_sum3A_1039 [1] : vector<1x128xf32> to vector<1xf32>
    %reduce_sum3A_1041 = vector.shape_cast %reduce_sum3A_1040 : vector<1xf32> to vector<1x1xf32>
    %reduce_sum3A_1042 = vector.extract %reduce_sum3A_1041[0, 0] : f32 from vector<1x1xf32>
    %add3A_1043 = arith.addf %add3A_1031, %reduce_sum3A_1042 : f32
    %slice3A_1044 = vector.extract_strided_slice %get3A_995 {offsets = [0, 512], sizes = [8, 128], strides = [1, 1]} : vector<8x1024xf32> to vector<8x128xf32>
    %dot_general3A_1045 = arith.constant dense<0.000000e+00> : vector<1024x128xf32>
    %dot_general3A_1046 = tpu.matmul %get3A_992, %slice3A_1044, %dot_general3A_1045 {dimension_numbers = #tpu.dot_dimension_numbers<[0], [0], [1], [1], [0, 1, 1, 1], [], []>, transpose_lhs_hint = false} : vector<8x1024xf32>, vector<8x128xf32>, vector<1024x128xf32> -> vector<1024x128xf32>
    %min3A_1047 = arith.minimumf %min3A_1035, %dot_general3A_1046 : vector<1024x128xf32>
    %reduce_min3A_1048 = arith.constant dense<0x7F800000> : vector<128xf32>
    %reduce_min3A_1049 = vector.multi_reduction <minimumf>, %dot_general3A_1046, %reduce_min3A_1048 [0] : vector<1024x128xf32> to vector<128xf32>
    %reduce_sum3A_1050 = vector.shape_cast %reduce_min3A_1049 : vector<128xf32> to vector<1x128xf32>
    %reduce_sum3A_1051 = arith.constant dense<0.000000e+00> : vector<1xf32>
    %reduce_sum3A_1052 = vector.multi_reduction <add>, %reduce_sum3A_1050, %reduce_sum3A_1051 [1] : vector<1x128xf32> to vector<1xf32>
    %reduce_sum3A_1053 = vector.shape_cast %reduce_sum3A_1052 : vector<1xf32> to vector<1x1xf32>
    %reduce_sum3A_1054 = vector.extract %reduce_sum3A_1053[0, 0] : f32 from vector<1x1xf32>
    %add3A_1055 = arith.addf %add3A_1043, %reduce_sum3A_1054 : f32
    %slice3A_1056 = vector.extract_strided_slice %get3A_995 {offsets = [0, 640], sizes = [8, 128], strides = [1, 1]} : vector<8x1024xf32> to vector<8x128xf32>
    %dot_general3A_1057 = arith.constant dense<0.000000e+00> : vector<1024x128xf32>
    %dot_general3A_1058 = tpu.matmul %get3A_992, %slice3A_1056, %dot_general3A_1057 {dimension_numbers = #tpu.dot_dimension_numbers<[0], [0], [1], [1], [0, 1, 1, 1], [], []>, transpose_lhs_hint = false} : vector<8x1024xf32>, vector<8x128xf32>, vector<1024x128xf32> -> vector<1024x128xf32>
    %min3A_1059 = arith.minimumf %min3A_1047, %dot_general3A_1058 : vector<1024x128xf32>
    %reduce_min3A_1060 = arith.constant dense<0x7F800000> : vector<128xf32>
    %reduce_min3A_1061 = vector.multi_reduction <minimumf>, %dot_general3A_1058, %reduce_min3A_1060 [0] : vector<1024x128xf32> to vector<128xf32>
    %reduce_sum3A_1062 = vector.shape_cast %reduce_min3A_1061 : vector<128xf32> to vector<1x128xf32>
    %reduce_sum3A_1063 = arith.constant dense<0.000000e+00> : vector<1xf32>
    %reduce_sum3A_1064 = vector.multi_reduction <add>, %reduce_sum3A_1062, %reduce_sum3A_1063 [1] : vector<1x128xf32> to vector<1xf32>
    %reduce_sum3A_1065 = vector.shape_cast %reduce_sum3A_1064 : vector<1xf32> to vector<1x1xf32>
    %reduce_sum3A_1066 = vector.extract %reduce_sum3A_1065[0, 0] : f32 from vector<1x1xf32>
    %add3A_1067 = arith.addf %add3A_1055, %reduce_sum3A_1066 : f32
    %slice3A_1068 = vector.extract_strided_slice %get3A_995 {offsets = [0, 768], sizes = [8, 128], strides = [1, 1]} : vector<8x1024xf32> to vector<8x128xf32>
    %dot_general3A_1069 = arith.constant dense<0.000000e+00> : vector<1024x128xf32>
    %dot_general3A_1070 = tpu.matmul %get3A_992, %slice3A_1068, %dot_general3A_1069 {dimension_numbers = #tpu.dot_dimension_numbers<[0], [0], [1], [1], [0, 1, 1, 1], [], []>, transpose_lhs_hint = false} : vector<8x1024xf32>, vector<8x128xf32>, vector<1024x128xf32> -> vector<1024x128xf32>
    %min3A_1071 = arith.minimumf %min3A_1059, %dot_general3A_1070 : vector<1024x128xf32>
    %reduce_min3A_1072 = arith.constant dense<0x7F800000> : vector<128xf32>
    %reduce_min3A_1073 = vector.multi_reduction <minimumf>, %dot_general3A_1070, %reduce_min3A_1072 [0] : vector<1024x128xf32> to vector<128xf32>
    %reduce_sum3A_1074 = vector.shape_cast %reduce_min3A_1073 : vector<128xf32> to vector<1x128xf32>
    %reduce_sum3A_1075 = arith.constant dense<0.000000e+00> : vector<1xf32>
    %reduce_sum3A_1076 = vector.multi_reduction <add>, %reduce_sum3A_1074, %reduce_sum3A_1075 [1] : vector<1x128xf32> to vector<1xf32>
    %reduce_sum3A_1077 = vector.shape_cast %reduce_sum3A_1076 : vector<1xf32> to vector<1x1xf32>
    %reduce_sum3A_1078 = vector.extract %reduce_sum3A_1077[0, 0] : f32 from vector<1x1xf32>
    %add3A_1079 = arith.addf %add3A_1067, %reduce_sum3A_1078 : f32
    %slice3A_1080 = vector.extract_strided_slice %get3A_995 {offsets = [0, 896], sizes = [8, 128], strides = [1, 1]} : vector<8x1024xf32> to vector<8x128xf32>
    %dot_general3A_1081 = arith.constant dense<0.000000e+00> : vector<1024x128xf32>
    %dot_general3A_1082 = tpu.matmul %get3A_992, %slice3A_1080, %dot_general3A_1081 {dimension_numbers = #tpu.dot_dimension_numbers<[0], [0], [1], [1], [0, 1, 1, 1], [], []>, transpose_lhs_hint = false} : vector<8x1024xf32>, vector<8x128xf32>, vector<1024x128xf32> -> vector<1024x128xf32>
    %min3A_1083 = arith.minimumf %min3A_1071, %dot_general3A_1082 : vector<1024x128xf32>
    %reduce_min3A_1084 = arith.constant dense<0x7F800000> : vector<128xf32>
    %reduce_min3A_1085 = vector.multi_reduction <minimumf>, %dot_general3A_1082, %reduce_min3A_1084 [0] : vector<1024x128xf32> to vector<128xf32>
    %reduce_sum3A_1086 = vector.shape_cast %reduce_min3A_1085 : vector<128xf32> to vector<1x128xf32>
    %reduce_sum3A_1087 = arith.constant dense<0.000000e+00> : vector<1xf32>
    %reduce_sum3A_1088 = vector.multi_reduction <add>, %reduce_sum3A_1086, %reduce_sum3A_1087 [1] : vector<1x128xf32> to vector<1xf32>
    %reduce_sum3A_1089 = vector.shape_cast %reduce_sum3A_1088 : vector<1xf32> to vector<1x1xf32>
    %reduce_sum3A_1090 = vector.extract %reduce_sum3A_1089[0, 0] : f32 from vector<1x1xf32>
    %add3A_1091 = arith.addf %add3A_1079, %reduce_sum3A_1090 : f32
    %reduce_min3A_1092 = arith.constant dense<0x7F800000> : vector<1024xf32>
    %reduce_min3A_1093 = vector.multi_reduction <minimumf>, %min3A_1083, %reduce_min3A_1092 [1] : vector<1024x128xf32> to vector<1024xf32>
    %reduce_sum3A_1094 = vector.shape_cast %reduce_min3A_1093 : vector<1024xf32> to vector<1x1024xf32>
    %reduce_sum3A_1095 = arith.constant dense<0.000000e+00> : vector<1xf32>
    %reduce_sum3A_1096 = vector.multi_reduction <add>, %reduce_sum3A_1094, %reduce_sum3A_1095 [1] : vector<1x1024xf32> to vector<1xf32>
    %reduce_sum3A_1097 = vector.shape_cast %reduce_sum3A_1096 : vector<1xf32> to vector<1x1xf32>
    %reduce_sum3A_1098 = vector.extract %reduce_sum3A_1097[0, 0] : f32 from vector<1x1xf32>
    %mul3A_1099 = arith.constant 8 : i32
    %mul3A_1100 = arith.muli %arg0, %mul3A_1099 : i32
    %add3A_1101 = arith.constant 6 : i32
    %add3A_1102 = arith.addi %mul3A_1100, %add3A_1101 : i32
    %jit3A_1103 = arith.constant 8 : i32
    %eq3A_1104 = arith.constant 0 : i32
    %eq3A_1105 = arith.cmpi eq, %jit3A_1103, %eq3A_1104 : i32
    %jit3A_1106 = arith.constant 1 : i32
    %select_n3A_1107 = arith.select %eq3A_1105, %jit3A_1106, %jit3A_1103 : i32
    %rem3A_1108 = arith.remsi %add3A_1102, %select_n3A_1107 : i32
    %ne3A_1109 = arith.constant 0 : i32
    %ne3A_1110 = arith.cmpi ne, %rem3A_1108, %ne3A_1109 : i32
    %lt3A_1111 = arith.constant 0 : i32
    %lt3A_1112 = arith.cmpi slt, %rem3A_1108, %lt3A_1111 : i32
    %lt3A_1113 = arith.constant 0 : i32
    %lt3A_1114 = arith.cmpi slt, %select_n3A_1107, %lt3A_1113 : i32
    %ne3A_1115 = arith.xori %lt3A_1112, %lt3A_1114 : i1
    %and3A_1116 = arith.andi %ne3A_1115, %ne3A_1110 : i1
    %add3A_1117 = arith.addi %rem3A_1108, %select_n3A_1107 : i32
    %select_n3A_1118 = arith.select %and3A_1116, %add3A_1117, %rem3A_1108 : i32
    %eq3A_1119 = arith.constant 0 : i32
    %eq3A_1120 = arith.cmpi eq, %select_n3A_1118, %eq3A_1119 : i32
    %jit3A_1121 = arith.constant 2.000000e+00 : f32
    %jit3A_1122 = arith.constant 1.000000e+00 : f32
    %select_n3A_1123 = arith.select %eq3A_1120, %jit3A_1121, %jit3A_1122 : f32
    %add3A_1124 = arith.addf %reduce_sum3A_1098, %add3A_1091 : f32
    %mul3A_1125 = arith.mulf %select_n3A_1123, %add3A_1124 : f32
    %add3A_1126 = arith.addf %add3A_964, %mul3A_1125 : f32
    %slice3A_1127 = vector.extract_strided_slice %get3A_3 {offsets = [21, 0], sizes = [3, 1024], strides = [1, 1]} : vector<24x1024xf32> to vector<3x1024xf32>
    %slice3A_1128 = vector.extract_strided_slice %get3A_6 {offsets = [21, 0], sizes = [3, 1024], strides = [1, 1]} : vector<24x1024xf32> to vector<3x1024xf32>
    %mul3A_1129 = arith.mulf %slice3A_1127, %slice3A_1127 : vector<3x1024xf32>
    %reduce_sum3A_1130 = arith.constant dense<0.000000e+00> : vector<1024xf32>
    %reduce_sum3A_1131 = vector.multi_reduction <add>, %mul3A_1129, %reduce_sum3A_1130 [0] : vector<3x1024xf32> to vector<1024xf32>
    %mul3A_1132 = arith.mulf %slice3A_1128, %slice3A_1128 : vector<3x1024xf32>
    %reduce_sum3A_1133 = arith.constant dense<0.000000e+00> : vector<1024xf32>
    %reduce_sum3A_1134 = vector.multi_reduction <add>, %mul3A_1132, %reduce_sum3A_1133 [0] : vector<3x1024xf32> to vector<1024xf32>
    %mul3A_1135 = arith.constant -2.000000e+00 : f32
    %mul3A_1136 = vector.broadcast %mul3A_1135 : f32 to vector<3x1024xf32>
    %mul3A_1137 = arith.mulf %slice3A_1127, %mul3A_1136 : vector<3x1024xf32>
    %swap3A_1138 = arith.constant 0 : index
    %swap3A_1139 = arith.constant 0 : index
    %swap3A_1140 = vector.load %arg4[%swap3A_1138, %swap3A_1139] : memref<8x1024xf32, #tpu.memory_space<vmem>>, vector<3x1024xf32>
    tpu.vector_store %arg4[%swap3A_1138, %swap3A_1139], %mul3A_1137 {strides = array<i32>} : memref<8x1024xf32, #tpu.memory_space<vmem>>, vector<3x1024xf32>,
    %broadcast_in_dim3A_1141 = vector.shape_cast %reduce_sum3A_1131 : vector<1024xf32> to vector<1x1024xf32>
    %swap3A_1142 = arith.constant 3 : index
    %swap3A_1143 = arith.constant 0 : index
    %swap3A_1144 = vector.load %arg4[%swap3A_1142, %swap3A_1143] : memref<8x1024xf32, #tpu.memory_space<vmem>>, vector<1x1024xf32>
    tpu.vector_store %arg4[%swap3A_1142, %swap3A_1143], %broadcast_in_dim3A_1141 {strides = array<i32>} : memref<8x1024xf32, #tpu.memory_space<vmem>>, vector<1x1024xf32>,
    %swap3A_1145 = arith.constant 0 : index
    %swap3A_1146 = arith.constant 0 : index
    %swap3A_1147 = vector.load %arg5[%swap3A_1145, %swap3A_1146] : memref<8x1024xf32, #tpu.memory_space<vmem>>, vector<3x1024xf32>
    tpu.vector_store %arg5[%swap3A_1145, %swap3A_1146], %slice3A_1128 {strides = array<i32>} : memref<8x1024xf32, #tpu.memory_space<vmem>>, vector<3x1024xf32>,
    %broadcast_in_dim3A_1148 = vector.shape_cast %reduce_sum3A_1134 : vector<1024xf32> to vector<1x1024xf32>
    %swap3A_1149 = arith.constant 4 : index
    %swap3A_1150 = arith.constant 0 : index
    %swap3A_1151 = vector.load %arg5[%swap3A_1149, %swap3A_1150] : memref<8x1024xf32, #tpu.memory_space<vmem>>, vector<1x1024xf32>
    tpu.vector_store %arg5[%swap3A_1149, %swap3A_1150], %broadcast_in_dim3A_1148 {strides = array<i32>} : memref<8x1024xf32, #tpu.memory_space<vmem>>, vector<1x1024xf32>,
    %get3A_1152 = arith.constant 0 : index
    %get3A_1153 = arith.constant 0 : index
    %get3A_1154 = vector.load %arg4[%get3A_1152, %get3A_1153] : memref<8x1024xf32, #tpu.memory_space<vmem>>, vector<8x1024xf32>
    %get3A_1155 = arith.constant 0 : index
    %get3A_1156 = arith.constant 0 : index
    %get3A_1157 = vector.load %arg5[%get3A_1155, %get3A_1156] : memref<8x1024xf32, #tpu.memory_space<vmem>>, vector<8x1024xf32>
    %slice3A_1158 = vector.extract_strided_slice %get3A_1157 {offsets = [0, 0], sizes = [8, 128], strides = [1, 1]} : vector<8x1024xf32> to vector<8x128xf32>
    %dot_general3A_1159 = arith.constant dense<0.000000e+00> : vector<1024x128xf32>
    %dot_general3A_1160 = tpu.matmul %get3A_1154, %slice3A_1158, %dot_general3A_1159 {dimension_numbers = #tpu.dot_dimension_numbers<[0], [0], [1], [1], [0, 1, 1, 1], [], []>, transpose_lhs_hint = false} : vector<8x1024xf32>, vector<8x128xf32>, vector<1024x128xf32> -> vector<1024x128xf32>
    %reduce_min3A_1161 = arith.constant dense<0x7F800000> : vector<128xf32>
    %reduce_min3A_1162 = vector.multi_reduction <minimumf>, %dot_general3A_1160, %reduce_min3A_1161 [0] : vector<1024x128xf32> to vector<128xf32>
    %reduce_sum3A_1163 = vector.shape_cast %reduce_min3A_1162 : vector<128xf32> to vector<1x128xf32>
    %reduce_sum3A_1164 = arith.constant dense<0.000000e+00> : vector<1xf32>
    %reduce_sum3A_1165 = vector.multi_reduction <add>, %reduce_sum3A_1163, %reduce_sum3A_1164 [1] : vector<1x128xf32> to vector<1xf32>
    %reduce_sum3A_1166 = vector.shape_cast %reduce_sum3A_1165 : vector<1xf32> to vector<1x1xf32>
    %reduce_sum3A_1167 = vector.extract %reduce_sum3A_1166[0, 0] : f32 from vector<1x1xf32>
    %add3A_1168 = arith.constant 0.000000e+00 : f32
    %add3A_1169 = arith.addf %add3A_1168, %reduce_sum3A_1167 : f32
    %slice3A_1170 = vector.extract_strided_slice %get3A_1157 {offsets = [0, 128], sizes = [8, 128], strides = [1, 1]} : vector<8x1024xf32> to vector<8x128xf32>
    %dot_general3A_1171 = arith.constant dense<0.000000e+00> : vector<1024x128xf32>
    %dot_general3A_1172 = tpu.matmul %get3A_1154, %slice3A_1170, %dot_general3A_1171 {dimension_numbers = #tpu.dot_dimension_numbers<[0], [0], [1], [1], [0, 1, 1, 1], [], []>, transpose_lhs_hint = false} : vector<8x1024xf32>, vector<8x128xf32>, vector<1024x128xf32> -> vector<1024x128xf32>
    %min3A_1173 = arith.minimumf %dot_general3A_1160, %dot_general3A_1172 : vector<1024x128xf32>
    %reduce_min3A_1174 = arith.constant dense<0x7F800000> : vector<128xf32>
    %reduce_min3A_1175 = vector.multi_reduction <minimumf>, %dot_general3A_1172, %reduce_min3A_1174 [0] : vector<1024x128xf32> to vector<128xf32>
    %reduce_sum3A_1176 = vector.shape_cast %reduce_min3A_1175 : vector<128xf32> to vector<1x128xf32>
    %reduce_sum3A_1177 = arith.constant dense<0.000000e+00> : vector<1xf32>
    %reduce_sum3A_1178 = vector.multi_reduction <add>, %reduce_sum3A_1176, %reduce_sum3A_1177 [1] : vector<1x128xf32> to vector<1xf32>
    %reduce_sum3A_1179 = vector.shape_cast %reduce_sum3A_1178 : vector<1xf32> to vector<1x1xf32>
    %reduce_sum3A_1180 = vector.extract %reduce_sum3A_1179[0, 0] : f32 from vector<1x1xf32>
    %add3A_1181 = arith.addf %add3A_1169, %reduce_sum3A_1180 : f32
    %slice3A_1182 = vector.extract_strided_slice %get3A_1157 {offsets = [0, 256], sizes = [8, 128], strides = [1, 1]} : vector<8x1024xf32> to vector<8x128xf32>
    %dot_general3A_1183 = arith.constant dense<0.000000e+00> : vector<1024x128xf32>
    %dot_general3A_1184 = tpu.matmul %get3A_1154, %slice3A_1182, %dot_general3A_1183 {dimension_numbers = #tpu.dot_dimension_numbers<[0], [0], [1], [1], [0, 1, 1, 1], [], []>, transpose_lhs_hint = false} : vector<8x1024xf32>, vector<8x128xf32>, vector<1024x128xf32> -> vector<1024x128xf32>
    %min3A_1185 = arith.minimumf %min3A_1173, %dot_general3A_1184 : vector<1024x128xf32>
    %reduce_min3A_1186 = arith.constant dense<0x7F800000> : vector<128xf32>
    %reduce_min3A_1187 = vector.multi_reduction <minimumf>, %dot_general3A_1184, %reduce_min3A_1186 [0] : vector<1024x128xf32> to vector<128xf32>
    %reduce_sum3A_1188 = vector.shape_cast %reduce_min3A_1187 : vector<128xf32> to vector<1x128xf32>
    %reduce_sum3A_1189 = arith.constant dense<0.000000e+00> : vector<1xf32>
    %reduce_sum3A_1190 = vector.multi_reduction <add>, %reduce_sum3A_1188, %reduce_sum3A_1189 [1] : vector<1x128xf32> to vector<1xf32>
    %reduce_sum3A_1191 = vector.shape_cast %reduce_sum3A_1190 : vector<1xf32> to vector<1x1xf32>
    %reduce_sum3A_1192 = vector.extract %reduce_sum3A_1191[0, 0] : f32 from vector<1x1xf32>
    %add3A_1193 = arith.addf %add3A_1181, %reduce_sum3A_1192 : f32
    %slice3A_1194 = vector.extract_strided_slice %get3A_1157 {offsets = [0, 384], sizes = [8, 128], strides = [1, 1]} : vector<8x1024xf32> to vector<8x128xf32>
    %dot_general3A_1195 = arith.constant dense<0.000000e+00> : vector<1024x128xf32>
    %dot_general3A_1196 = tpu.matmul %get3A_1154, %slice3A_1194, %dot_general3A_1195 {dimension_numbers = #tpu.dot_dimension_numbers<[0], [0], [1], [1], [0, 1, 1, 1], [], []>, transpose_lhs_hint = false} : vector<8x1024xf32>, vector<8x128xf32>, vector<1024x128xf32> -> vector<1024x128xf32>
    %min3A_1197 = arith.minimumf %min3A_1185, %dot_general3A_1196 : vector<1024x128xf32>
    %reduce_min3A_1198 = arith.constant dense<0x7F800000> : vector<128xf32>
    %reduce_min3A_1199 = vector.multi_reduction <minimumf>, %dot_general3A_1196, %reduce_min3A_1198 [0] : vector<1024x128xf32> to vector<128xf32>
    %reduce_sum3A_1200 = vector.shape_cast %reduce_min3A_1199 : vector<128xf32> to vector<1x128xf32>
    %reduce_sum3A_1201 = arith.constant dense<0.000000e+00> : vector<1xf32>
    %reduce_sum3A_1202 = vector.multi_reduction <add>, %reduce_sum3A_1200, %reduce_sum3A_1201 [1] : vector<1x128xf32> to vector<1xf32>
    %reduce_sum3A_1203 = vector.shape_cast %reduce_sum3A_1202 : vector<1xf32> to vector<1x1xf32>
    %reduce_sum3A_1204 = vector.extract %reduce_sum3A_1203[0, 0] : f32 from vector<1x1xf32>
    %add3A_1205 = arith.addf %add3A_1193, %reduce_sum3A_1204 : f32
    %slice3A_1206 = vector.extract_strided_slice %get3A_1157 {offsets = [0, 512], sizes = [8, 128], strides = [1, 1]} : vector<8x1024xf32> to vector<8x128xf32>
    %dot_general3A_1207 = arith.constant dense<0.000000e+00> : vector<1024x128xf32>
    %dot_general3A_1208 = tpu.matmul %get3A_1154, %slice3A_1206, %dot_general3A_1207 {dimension_numbers = #tpu.dot_dimension_numbers<[0], [0], [1], [1], [0, 1, 1, 1], [], []>, transpose_lhs_hint = false} : vector<8x1024xf32>, vector<8x128xf32>, vector<1024x128xf32> -> vector<1024x128xf32>
    %min3A_1209 = arith.minimumf %min3A_1197, %dot_general3A_1208 : vector<1024x128xf32>
    %reduce_min3A_1210 = arith.constant dense<0x7F800000> : vector<128xf32>
    %reduce_min3A_1211 = vector.multi_reduction <minimumf>, %dot_general3A_1208, %reduce_min3A_1210 [0] : vector<1024x128xf32> to vector<128xf32>
    %reduce_sum3A_1212 = vector.shape_cast %reduce_min3A_1211 : vector<128xf32> to vector<1x128xf32>
    %reduce_sum3A_1213 = arith.constant dense<0.000000e+00> : vector<1xf32>
    %reduce_sum3A_1214 = vector.multi_reduction <add>, %reduce_sum3A_1212, %reduce_sum3A_1213 [1] : vector<1x128xf32> to vector<1xf32>
    %reduce_sum3A_1215 = vector.shape_cast %reduce_sum3A_1214 : vector<1xf32> to vector<1x1xf32>
    %reduce_sum3A_1216 = vector.extract %reduce_sum3A_1215[0, 0] : f32 from vector<1x1xf32>
    %add3A_1217 = arith.addf %add3A_1205, %reduce_sum3A_1216 : f32
    %slice3A_1218 = vector.extract_strided_slice %get3A_1157 {offsets = [0, 640], sizes = [8, 128], strides = [1, 1]} : vector<8x1024xf32> to vector<8x128xf32>
    %dot_general3A_1219 = arith.constant dense<0.000000e+00> : vector<1024x128xf32>
    %dot_general3A_1220 = tpu.matmul %get3A_1154, %slice3A_1218, %dot_general3A_1219 {dimension_numbers = #tpu.dot_dimension_numbers<[0], [0], [1], [1], [0, 1, 1, 1], [], []>, transpose_lhs_hint = false} : vector<8x1024xf32>, vector<8x128xf32>, vector<1024x128xf32> -> vector<1024x128xf32>
    %min3A_1221 = arith.minimumf %min3A_1209, %dot_general3A_1220 : vector<1024x128xf32>
    %reduce_min3A_1222 = arith.constant dense<0x7F800000> : vector<128xf32>
    %reduce_min3A_1223 = vector.multi_reduction <minimumf>, %dot_general3A_1220, %reduce_min3A_1222 [0] : vector<1024x128xf32> to vector<128xf32>
    %reduce_sum3A_1224 = vector.shape_cast %reduce_min3A_1223 : vector<128xf32> to vector<1x128xf32>
    %reduce_sum3A_1225 = arith.constant dense<0.000000e+00> : vector<1xf32>
    %reduce_sum3A_1226 = vector.multi_reduction <add>, %reduce_sum3A_1224, %reduce_sum3A_1225 [1] : vector<1x128xf32> to vector<1xf32>
    %reduce_sum3A_1227 = vector.shape_cast %reduce_sum3A_1226 : vector<1xf32> to vector<1x1xf32>
    %reduce_sum3A_1228 = vector.extract %reduce_sum3A_1227[0, 0] : f32 from vector<1x1xf32>
    %add3A_1229 = arith.addf %add3A_1217, %reduce_sum3A_1228 : f32
    %slice3A_1230 = vector.extract_strided_slice %get3A_1157 {offsets = [0, 768], sizes = [8, 128], strides = [1, 1]} : vector<8x1024xf32> to vector<8x128xf32>
    %dot_general3A_1231 = arith.constant dense<0.000000e+00> : vector<1024x128xf32>
    %dot_general3A_1232 = tpu.matmul %get3A_1154, %slice3A_1230, %dot_general3A_1231 {dimension_numbers = #tpu.dot_dimension_numbers<[0], [0], [1], [1], [0, 1, 1, 1], [], []>, transpose_lhs_hint = false} : vector<8x1024xf32>, vector<8x128xf32>, vector<1024x128xf32> -> vector<1024x128xf32>
    %min3A_1233 = arith.minimumf %min3A_1221, %dot_general3A_1232 : vector<1024x128xf32>
    %reduce_min3A_1234 = arith.constant dense<0x7F800000> : vector<128xf32>
    %reduce_min3A_1235 = vector.multi_reduction <minimumf>, %dot_general3A_1232, %reduce_min3A_1234 [0] : vector<1024x128xf32> to vector<128xf32>
    %reduce_sum3A_1236 = vector.shape_cast %reduce_min3A_1235 : vector<128xf32> to vector<1x128xf32>
    %reduce_sum3A_1237 = arith.constant dense<0.000000e+00> : vector<1xf32>
    %reduce_sum3A_1238 = vector.multi_reduction <add>, %reduce_sum3A_1236, %reduce_sum3A_1237 [1] : vector<1x128xf32> to vector<1xf32>
    %reduce_sum3A_1239 = vector.shape_cast %reduce_sum3A_1238 : vector<1xf32> to vector<1x1xf32>
    %reduce_sum3A_1240 = vector.extract %reduce_sum3A_1239[0, 0] : f32 from vector<1x1xf32>
    %add3A_1241 = arith.addf %add3A_1229, %reduce_sum3A_1240 : f32
    %slice3A_1242 = vector.extract_strided_slice %get3A_1157 {offsets = [0, 896], sizes = [8, 128], strides = [1, 1]} : vector<8x1024xf32> to vector<8x128xf32>
    %dot_general3A_1243 = arith.constant dense<0.000000e+00> : vector<1024x128xf32>
    %dot_general3A_1244 = tpu.matmul %get3A_1154, %slice3A_1242, %dot_general3A_1243 {dimension_numbers = #tpu.dot_dimension_numbers<[0], [0], [1], [1], [0, 1, 1, 1], [], []>, transpose_lhs_hint = false} : vector<8x1024xf32>, vector<8x128xf32>, vector<1024x128xf32> -> vector<1024x128xf32>
    %min3A_1245 = arith.minimumf %min3A_1233, %dot_general3A_1244 : vector<1024x128xf32>
    %reduce_min3A_1246 = arith.constant dense<0x7F800000> : vector<128xf32>
    %reduce_min3A_1247 = vector.multi_reduction <minimumf>, %dot_general3A_1244, %reduce_min3A_1246 [0] : vector<1024x128xf32> to vector<128xf32>
    %reduce_sum3A_1248 = vector.shape_cast %reduce_min3A_1247 : vector<128xf32> to vector<1x128xf32>
    %reduce_sum3A_1249 = arith.constant dense<0.000000e+00> : vector<1xf32>
    %reduce_sum3A_1250 = vector.multi_reduction <add>, %reduce_sum3A_1248, %reduce_sum3A_1249 [1] : vector<1x128xf32> to vector<1xf32>
    %reduce_sum3A_1251 = vector.shape_cast %reduce_sum3A_1250 : vector<1xf32> to vector<1x1xf32>
    %reduce_sum3A_1252 = vector.extract %reduce_sum3A_1251[0, 0] : f32 from vector<1x1xf32>
    %add3A_1253 = arith.addf %add3A_1241, %reduce_sum3A_1252 : f32
    %reduce_min3A_1254 = arith.constant dense<0x7F800000> : vector<1024xf32>
    %reduce_min3A_1255 = vector.multi_reduction <minimumf>, %min3A_1245, %reduce_min3A_1254 [1] : vector<1024x128xf32> to vector<1024xf32>
    %reduce_sum3A_1256 = vector.shape_cast %reduce_min3A_1255 : vector<1024xf32> to vector<1x1024xf32>
    %reduce_sum3A_1257 = arith.constant dense<0.000000e+00> : vector<1xf32>
    %reduce_sum3A_1258 = vector.multi_reduction <add>, %reduce_sum3A_1256, %reduce_sum3A_1257 [1] : vector<1x1024xf32> to vector<1xf32>
    %reduce_sum3A_1259 = vector.shape_cast %reduce_sum3A_1258 : vector<1xf32> to vector<1x1xf32>
    %reduce_sum3A_1260 = vector.extract %reduce_sum3A_1259[0, 0] : f32 from vector<1x1xf32>
    %mul3A_1261 = arith.constant 8 : i32
    %mul3A_1262 = arith.muli %arg0, %mul3A_1261 : i32
    %add3A_1263 = arith.constant 7 : i32
    %add3A_1264 = arith.addi %mul3A_1262, %add3A_1263 : i32
    %jit3A_1265 = arith.constant 8 : i32
    %eq3A_1266 = arith.constant 0 : i32
    %eq3A_1267 = arith.cmpi eq, %jit3A_1265, %eq3A_1266 : i32
    %jit3A_1268 = arith.constant 1 : i32
    %select_n3A_1269 = arith.select %eq3A_1267, %jit3A_1268, %jit3A_1265 : i32
    %rem3A_1270 = arith.remsi %add3A_1264, %select_n3A_1269 : i32
    %ne3A_1271 = arith.constant 0 : i32
    %ne3A_1272 = arith.cmpi ne, %rem3A_1270, %ne3A_1271 : i32
    %lt3A_1273 = arith.constant 0 : i32
    %lt3A_1274 = arith.cmpi slt, %rem3A_1270, %lt3A_1273 : i32
    %lt3A_1275 = arith.constant 0 : i32
    %lt3A_1276 = arith.cmpi slt, %select_n3A_1269, %lt3A_1275 : i32
    %ne3A_1277 = arith.xori %lt3A_1274, %lt3A_1276 : i1
    %and3A_1278 = arith.andi %ne3A_1277, %ne3A_1272 : i1
    %add3A_1279 = arith.addi %rem3A_1270, %select_n3A_1269 : i32
    %select_n3A_1280 = arith.select %and3A_1278, %add3A_1279, %rem3A_1270 : i32
    %eq3A_1281 = arith.constant 0 : i32
    %eq3A_1282 = arith.cmpi eq, %select_n3A_1280, %eq3A_1281 : i32
    %jit3A_1283 = arith.constant 2.000000e+00 : f32
    %jit3A_1284 = arith.constant 1.000000e+00 : f32
    %select_n3A_1285 = arith.select %eq3A_1282, %jit3A_1283, %jit3A_1284 : f32
    %add3A_1286 = arith.addf %reduce_sum3A_1260, %add3A_1253 : f32
    %mul3A_1287 = arith.mulf %select_n3A_1285, %add3A_1286 : f32
    %add3A_1288 = arith.addf %add3A_1126, %mul3A_1287 : f32
    %get3A_1289 = arith.constant 0 : index
    %get3A_1290 = arith.constant 0 : index
    %get3A_1291 = memref.load %arg3[%get3A_1289, %get3A_1290] : memref<1x1xf32, #tpu.memory_space<smem>>
    %add3A_1292 = arith.addf %get3A_1291, %add3A_1288 : f32
    %swap3A_1293 = arith.constant 0 : index
    %swap3A_1294 = arith.constant 0 : index
    %swap3A_1295 = memref.load %arg3[%swap3A_1293, %swap3A_1294] : memref<1x1xf32, #tpu.memory_space<smem>>
    memref.store %add3A_1292, %arg3[%swap3A_1293, %swap3A_1294] : memref<1x1xf32, #tpu.memory_space<smem>>
    return
  }
  func.func @transform_0(%arg0: i32) -> (i32, i32) {
    %c0_i32 = arith.constant 0 : i32
    %c0_i32_0 = arith.constant 0 : i32
    return %arg0, %c0_i32 : i32, i32
  }
  func.func @transform_1(%arg0: i32) -> (i32, i32) {
    %c0_i32 = arith.constant 0 : i32
    %c0_i32_0 = arith.constant 0 : i32
    return %arg0, %c0_i32 : i32, i32
  }
  func.func @transform_2(%arg0: i32) -> (i32, i32) {
    %c0_i32 = arith.constant 0 : i32
    %c0_i32_0 = arith.constant 0 : i32
    %c0_i32_1 = arith.constant 0 : i32
    return %c0_i32, %c0_i32_0 : i32, i32
  }
}

</mosaic_0001>

<sc_bundles>
// kernel: kernel.4.cloned.1.call-start
scs
__scs_entry_jumppad:
0x0: {  	(pc) =	sbr.rel $0x88, $3  }
0x1: {  	(tag) =	ssettag $0x0;
	lr =	simm.s32 $0x1  }
0x2: {  	[smem:$0x3F9F] =	sst lr;
	_ =	strace $0xD0000000  }
0x3: {  	_ = 	snop  }
0x4: {  	_ = 	snop  }
0x5: {  	_ = 	snop  }
0x6: {  	_ = 	snop  }
0x7: {  	_ = 	snop  }
__scs_overlays_trampoline_lowered:
0x8: {  	[smem:$0x3FAE] =	sst s0  }
0x9: {  	[smem:$0x3FAF] =	sst s1  }
0xa: {  	[smem:$0x3FB0] =	sst s2  }
0xb: {  	[smem:$0x3FB1] =	sst s3  }
0xc: {  	[smem:$0x3FB2] =	sst s4  }
0xd: {  	[smem:$0x3FB3] =	sst s5  }
0xe: {  	[smem:$0x3FB4] =	sst s6  }
0xf: {  	[smem:$0x3FB5] =	sst s7  }
0x10: {  	[smem:$0x3FB6] =	sst s8  }
0x11: {  	[smem:$0x3FB7] =	sst s9;
	s0 =	simm.s32 @!p0 $0x0  }
0x12: {  	s1 =	sld [smem:$0x3F9D];
	s0 =	simm.s32 @p0 $0x1  }
0x13: {  	[smem:$0x3FB8] =	sst s0;
	s0 =	simm.s32 @!p1 $0x0  }
0x14: {  	s2 =	sld [smem:$0x3F9C];
	s0 =	simm.s32 @p1 $0x1  }
0x15: {  	[smem:$0x3FB9] =	sst s0;
	s0 =	simm.s32 @!p2 $0x0  }
0x16: {  	s3 =	sld [smem:$0x3FDB];
	s0 =	simm.s32 @p2 $0x1  }
0x17: {  	s4 =	simm.s32 $0x1BF5;
	[smem:$0x3FBB] =	sst s0  }
0x18: {  	s0 =	sld [smem:$0x3F9E];
	_ =	swait.ge [sflag:s4], $0x0  }
0x19: {  	s7 =	sld [smem:$0x3F9F]  }
0x1a: {  	s8 =	sadd.s32 $0xFFFFE003, lr  }
0x1b: {  	s9 =	sadd.s32 $0xFFFFFEF7, lr;
	s5 =	simm.s32 $0xFFFFFFFF;
	p2 =	slt.u32 s8, $0xFFFFF086  }
0x1c: {  	p1 =	slt.u32 s9, $0xF7A;
	s5 =	simm.s32 @!p2 $0x0  }
0x1d: {  	s5 =	simm.s32 @p1 $0x1;
	p0 =	seq.s32 s7, s2  }
0x1e: {  	s7 =	smul.u32 @!p0 $0xF7A, s2;
	p2 =	seq.s32 @!p0 s5, $0x0  }
0x1f: {  	s9 =	smul.u32 $0xF7A, s1;
	s8 =	simm.s32 @!p0 $0x1BF5;
	p2 =	por !p2, p0  }
0x20: {  	[sflag:s8] =	ssyncset.s32 @!p0 $0xFFFFF086;
	s6 =	sadd.s32 @!p0 s3, s7;
	s7 =	simm.s32 @!p0 $0x108  }
0x21: {  	s3 =	sadd.s32 s3, s9;
	s6 =	sadd.s32 @!p0 $0x88, s6;
	s7 =	simm.s32 @p2 $0x1082  }
0x22: {  	[simem:s7], [sflag:s8] =	dma.local @!p0 [hbm:s6], $0xF7A  }
0x23: {  	s9 =	sor.u32 $0xD0000000, s2;
	s6 =	simm.s32 $0x108;
	_ =	swait.ge @!p0 [sflag:s8], $0x0  }
0x24: {  	s3 =	sadd.s32 $0x88, s3;
	s6 =	simm.s32 @!p1 $0x1082;
	[sflag:s4] =	ssyncset.s32 $0xFFFFF086  }
0x25: {  	[simem:s6], [sflag:s4] =	dma.local [hbm:s3], $0xF7A  }
0x26: {  	[smem:$0x3F9F] =	sst s1;
	(tag) =	ssettag s2;
	_ =	strace s9  }
0x27: {  	s1 =	sld [smem:$0x3FAF]  }
0x28: {  	s2 =	sld [smem:$0x3FB0]  }
0x29: {  	s4 =	sld [smem:$0x3FB2]  }
0x2a: {  	p0 =	seq.s32 s5, $0x0;
	s5 =	sld [smem:$0x3FB3]  }
0x2b: {  	s6 =	sld [smem:$0x3FB4]  }
0x2c: {  	s7 =	sld [smem:$0x3FB5]  }
0x2d: {  	s3 =	simm.s32 $0x108;
	s8 =	sld [smem:$0x3FB6]  }
0x2e: {  	s3 =	simm.s32 @!p0 $0x1082;
	s9 =	sld [smem:$0x3FB7]  }
0x2f: {  	lr =	sadd.s32 s0, s3;
	s0 =	sld [smem:$0x3FAE]  }
0x30: {  	s3 =	sld [smem:$0x3FB1]  }
0x31: {  	[smem:$0x3FBA] =	sst s10  }
0x32: {  	s10 =	sld [smem:$0x3FB8];
	_ =	sdelay $0x3  }
0x33: {  	p0 =	seq.s32 s10, $0x1;
	s10 =	sld [smem:$0x3FBA];
	_ =	sdelay $0x3  }
0x34: {  	[smem:$0x3FBA] =	sst s10  }
0x35: {  	s10 =	sld [smem:$0x3FB9];
	_ =	sdelay $0x3  }
0x36: {  	p1 =	seq.s32 s10, $0x1;
	s10 =	sld [smem:$0x3FBA];
	_ =	sdelay $0x3  }
0x37: {  	[smem:$0x3FBA] =	sst s10  }
0x38: {  	s10 =	sld [smem:$0x3FBB]  }
0x39: {  	_ = 	snop;
	(pc) =	sbr.ind lr, $3  }
0x3a: {  	_ = 	snop  }
0x3b: {  	_ = 	snop  }
0x3c: {  	p2 =	seq.s32 s10, $0x1;
	s10 =	sld [smem:$0x3FBA]  }
0x3d: {  	_ =	shalt  }
0x3e: {  	_ =	shalt  }
0x3f: {  	_ =	shalt  }
0x40: {  	_ =	shalt  }
0x41: {  	_ =	shalt  }
0x42: {  	_ =	shalt  }
0x43: {  	_ =	shalt  }
0x44: {  	_ =	shalt  }
0x45: {  	_ =	shalt  }
0x46: {  	_ =	shalt  }
0x47: {  	_ =	shalt  }
0x48: {  	_ =	shalt  }
0x49: {  	_ =	shalt  }
0x4a: {  	_ =	shalt  }
0x4b: {  	_ =	shalt  }
0x4c: {  	_ =	shalt  }
0x4d: {  	_ =	shalt  }
0x4e: {  	_ =	shalt  }
0x4f: {  	_ =	shalt  }
0x50: {  	_ =	shalt  }
0x51: {  	_ =	shalt  }
0x52: {  	_ =	shalt  }
0x53: {  	_ =	shalt  }
0x54: {  	_ =	shalt  }
0x55: {  	_ =	shalt  }
0x56: {  	_ =	shalt  }
0x57: {  	_ =	shalt  }
0x58: {  	_ =	shalt  }
0x59: {  	_ =	shalt  }
0x5a: {  	_ =	shalt  }
0x5b: {  	_ =	shalt  }
0x5c: {  	_ =	shalt  }
0x5d: {  	_ =	shalt  }
0x5e: {  	_ =	shalt  }
0x5f: {  	_ =	shalt  }
0x60: {  	_ =	shalt  }
0x61: {  	_ =	shalt  }
0x62: {  	_ =	shalt  }
0x63: {  	_ =	shalt  }
0x64: {  	_ =	shalt  }
0x65: {  	_ =	shalt  }
0x66: {  	_ =	shalt  }
0x67: {  	_ =	shalt  }
0x68: {  	_ =	shalt  }
0x69: {  	_ =	shalt  }
0x6a: {  	_ =	shalt  }
0x6b: {  	_ =	shalt  }
0x6c: {  	_ =	shalt  }
0x6d: {  	_ =	shalt  }
0x6e: {  	_ =	shalt  }
0x6f: {  	_ =	shalt  }
0x70: {  	_ =	shalt  }
0x71: {  	_ =	shalt  }
0x72: {  	_ =	shalt  }
0x73: {  	_ =	shalt  }
0x74: {  	_ =	shalt  }
0x75: {  	_ =	shalt  }
0x76: {  	_ =	shalt  }
0x77: {  	_ =	shalt  }
0x78: {  	_ =	shalt  }
0x79: {  	_ =	shalt  }
0x7a: {  	_ =	shalt  }
0x7b: {  	_ =	shalt  }
0x7c: {  	_ =	shalt  }
0x7d: {  	_ =	shalt  }
0x7e: {  	_ =	shalt  }
0x7f: {  	_ =	shalt  }
0x80: {  	_ =	shalt  }
0x81: {  	_ =	shalt  }
0x82: {  	_ =	shalt  }
0x83: {  	_ =	shalt  }
0x84: {  	_ =	shalt  }
0x85: {  	_ =	shalt  }
0x86: {  	_ =	shalt  }
0x87: {  	_ =	shalt  }
.Lfunc_end0:
.L_simem_size_0:
called_computation_lowered:
.L_overlay_start_0:
0x88: {  	s2 =	sld [smem:$0x3FD9]  }
0x89: {  	s3 =	sld [smem:$0x3FFE];
	_ =	sdelay $0x1  }
0x8a: {  	s1 =	srdreg.scid  }
0x8b: {  	s0 =	sand.u32 $0x1, s1  }
0x8c: {  	s16 =	sshll.u32 s0, $0xA;
	s2 =	sadd.s32 s3, s2  }
0x8d: {  	s2 =	sadd.s32 s2, s16  }
0x8e: {  	[smem:$0x3FC6] =	sst s2  }
0x8f: {  	_ = 	snop  }
0x90: {  	(tm) =	ssettm $0x1  }
0x91: {  	s17 =	sld [smem:$0x3FFB];
	_ =	sdelay $0x3  }
0x92: {  	_ =	strace s17  }
0x93: {  	s2 =	sld [smem:$0x3FFC];
	_ =	sdelay $0x3  }
0x94: {  	_ =	strace s2  }
0x95: {  	s2 =	sld [smem:$0x3FFD];
	_ =	sdelay $0x3  }
0x96: {  	_ =	strace s2  }
0x97: {  	_ =	strace $0x8FFFFFFF  }
0x98: {  	s18 =	sld [smem:$0x3FDB];
	_ =	sdelay $0x1  }
0x99: {  	s19 =	simm.s32 $_scs_section_size  }
0x9a: {  	s4 =	simm.s32 $_size__tile_overlayer_lowered;
	s5 =	simm.s32 $_tile_overlayer_lowered  }
0x9b: {  	s22 =	simm.s32 $0x1BFF;
	s21 =	sshll.u32 s5, $0x1;
	s2 =	sadd.s32 s19, s18  }
0x9c: {  	s6 =	simm.s32 $0x0;
	s20 =	sshll.u32 s4, $0x1;
	s4 =	sadd.s32 s21, s2  }
0x9d: {  	[timem:s6], [sflag:s22] =	dma.local [hbm:s4], s20  }
0x9e: {  	_ =	swait.ge [sflag:s22], s20  }
0x9f: {  	s3 =	ssub.s32 $0x0, s20;
	[sflag:s22] =	ssyncset.done $0x0  }
0xa0: {  	[sflag:s22] =	ssyncadd.s32 s3;
	_ =	sdelay $0x1  }
0xa1: {  	s23 =	simm.s32 $0x1B8B  }
0xa2: {  	_ =	swait.ge [sflag:s23], $0x1  }
0xa3: {  	[sflag:s23] =	ssyncset.done $0x0  }
0xa4: {  	s25 =	simm.s32 $0x1B8E;
	s24 =	sld [smem:$0x3FFE];
	[sflag:s23] =	ssyncadd.s32 $0xFFFFFFFF  }
0xa5: {  	s26 =	simm.s32 $execute0_lowered;
	[smem:$0x3FD2] =	sst s25  }
0xa6: {  	s4 =	sshll.u32 s26, $0x1;
	_ =	strace $0x80000046;
	[dreg:$0x1] =	wrdreg $0xFFFFFFFF  }
0xa7: {  	s28 =	simm.s32 $_size_execute0_lowered;
	s2 =	sadd.s32 s2, s4;
	[dreg:$0x0] =	wrdreg $0x0  }
0xa8: {  	s4 =	sshll.u32 s28, $0x1;
	[dreg:$0x2] =	wrdreg s2  }
0xa9: {  	[dreg:$0x3] =	wrdreg s4  }
0xaa: {  	[dreg:$0x4] =	wrdreg $0xC0  }
0xab: {  	_ =	task [dreg:s6], $0x5FFFF  }
0xac: {  	[dreg:$0x1] =	wrdreg $0xFFFFFFFF  }
0xad: {  	[dreg:$0x0] =	wrdreg $0x60  }
0xae: {  	[dreg:$0x2] =	wrdreg s24  }
0xaf: {  	[dreg:$0x3] =	wrdreg $0x9  }
0xb0: {  	_ =	task.clear_ibuf [dreg:s6], $0x4FFFF;
	_ =	strace $0x90000046  }
0xb1: {  	s29 =	simm.s32 $0x9;
	_ =	strace $0x80000048  }
0xb2: {  	_ =	swait.ge [sflag:s29], $0x1  }
0xb3: {  	[sflag:s29] =	ssyncadd.s32 $0xFFFFFFFF  }
0xb4: {  	_ =	strace $0x90000048  }
0xb5: {  	_ =	sfence  }
0xb6: {  	s30 =	sld [smem:$0x0];
	_ =	sdelay $0x2  }
0xb7: {  	s31 =	sshll.u32 s1, $0xD;
	s1 =	sshrl.u32 s1, $0x2  }
0xb8: {  	s3 =	sand.u32 $0x4000, s31;
	s1 =	sadd.s32 s1, s30  }
0xb9: {  	s0 =	sor.u32 s3, s0;
	s1 =	sshll.u32 s1, $0x11  }
0xba: {  	s0 =	sor.u32 s1, s0  }
0xbb: {  	s0 =	sadd.s32 $0x8F2B, s0  }
0xbc: {  	[sflag:s0] =	ssyncadd.remote.s32 $0x1  }
0xbd: {  	_ =	sfence.sel $0xFFFF  }
0xbe: {  	[dreg:$0x0] =	wrdreg $0xFFFFFFFF;
	(pc) =	sbr.abs _section_cstart, $3  }
0xbf: {  	[dreg:$0x1] =	wrdreg $0xFFFFFFFF  }
0xc0: {  	_ =	task.clear_ibuf [dreg:s6], $0x2FFFF;
	_ =	strace $0x9FFFFFFF  }
0xc1: {  	(tm) =	ssettm $0x7FFFFFFF  }
tec
execute0_lowered:
.L_overlay_start_1:
0x0: {  	(tag) =	ssettag $0x1  }
0x1: {  	s1 =	srdreg.scid  }
0x2: {  	s0 =	stileid.u32;
	s5 =	rddreg [dreg:$0x0]  }
0x3: {  	s16 =	simm.s32 $0x800;
	s17 =	simm.s32 $0x1000;
	s18 =	simm.s32 $0x1400  }
0x4: {  	s12 =	sand.u32 $0x1, s1;
	s2 =	sshll.u32 s0, $0x1;
	s1 =	rddreg [dreg:$0x1]  }
0x5: {  	s4 =	sshrl.u32 s0, $0x2;
	s8 =	sadd.s32 $0x6000, s5;
	s9 =	sshrl.u32 s0, $0x1  }
0x6: {  	s31 =	sshll.u32 s0, $0x9;
	s3 =	sor.u32 s12, s2;
	s19 =	smul.u32 $0xC00, s9  }
0x7: {  	s2 =	simm.s32 $0x0;
	s7 =	sshll.u32 s4, $0xA;
	s11 =	smul.u32 $0x180, s9  }
0x8: {  	s4 =	sshll.u32 s4, $0xD;
	s20 =	ssub.s32 $0x2, s12;
	s9 =	smul.u32 $0x3, s9  }
0x9: {  	s12 =	sshll.u32 s12, $0x8;
	s6 =	sshll.u32 s3, $0x7;
	[smem:$0x7FF] =	sst s2  }
0xa: {  	s13 =	sshrl.u32 s20, $0x1;
	s12 =	sor.u32 s12, s31;
	s6 =	sand.u32 $0x380, s6  }
0xb: {  	_ =	strace $0x80000047;
	s13 =	ssub.s32 s20, s13;
	s21 =	sor.u32 s11, s19  }
0xc: {  	v0 =	vimm.s32 $0xFEDCBA98;
	v1 =	vimm.s32 $0x76543210;
	s20 =	sshll.u32 s3, $0x8;
	s23 =	sadd.s32 $0xA9, s9;
	s25 =	sadd.s32 $0xAA, s9  }
0xd: {  	v2 =	vimm.s32 $0xBA98FEDC;
	v3 =	vimm.s32 $0x32107654;
	s19 =	simm.s32 $0x1800;
	s7 =	sor.u32 s7, s6;
	s4 =	sor.u32 s4, s6  }
0xe: {  	v4 =	vimm.s32 $0xDCFE98BA;
	v5 =	vimm.s32 $0x54761032;
	s22 =	sand.u32 $0x6380, s21;
	s24 =	sshll.u32 s23, $0x7;
	s28 =	sshll.u32 s25, $0x7  }
0xf: {  	v6 =	vimm.s32 $0xEFCDAB89;
	v7 =	vimm.s32 $0x67452301;
	s11 =	smax.u32 s13, $0x1;
	s13 =	simm.s32 $0x80;
	s20 =	sand.u32 $0x380, s20  }
0x10: {  	v0 =	vunpack.c.l.s4.s8 v0;
	v1 =	vunpack.c.l.s4.s8 v1;
	v2 =	vunpack.c.l.s4.s8 v2;
	s21 =	simm.s32 $0x2400;
	s7 =	sshrl.u32 s7, $0x3;
	s4 =	sshrl.u32 s4, $0x3  }
0x11: {  	v3 =	vunpack.c.l.s4.s8 v3;
	v4 =	vunpack.c.l.s4.s8 v4;
	v5 =	vunpack.c.l.s4.s8 v5;
	s3 =	sadd.s32 $0x2A000, s22;
	s6 =	sand.u32 $0x7C00, s24;
	s30 =	sand.u32 $0x7C00, s28  }
0x12: {  	v6 =	vunpack.c.l.s4.s8 v6;
	v7 =	vunpack.c.l.s4.s8 v7;
	v0 =	vunpack.c.0.s8.s32 v0;
	s22 =	simm.s32 $0x2000;
	s10 =	sadd.s32 s7, s5;
	s14 =	sadd.s32 s4, s5  }
0x13: {  	v2 =	vunpack.c.0.s8.s32 v2;
	v3 =	vunpack.c.0.s8.s32 v3;
	v4 =	vunpack.c.0.s8.s32 v4;
	s4 =	sshll.u32 s23, $0x4;
	s26 =	sshrl.u32 s3, $0x3;
	s7 =	sshll.u32 s25, $0x4  }
0x14: {  	v5 =	vunpack.c.0.s8.s32 v5;
	v6 =	vunpack.c.0.s8.s32 v6;
	v7 =	vunpack.c.0.s8.s32 v7;
	s23 =	simm.s32 $0x0;
	s4 =	sand.u32 $0x70, s4;
	s7 =	sand.u32 $0x70, s7  }
0x15: {  	v1 =	vunpack.c.0.s8.s32 v1;
	v2 =	vcombine.low v3, v2;
	s3 =	sadd.s32 s5, s26;
	s9 =	sadd.s32 $0xC000, s10;
	s10 =	sadd.s32 $0xC200, s14  }
0x16: {  	v3 =	vcombine.low v5, v4;
	v4 =	vand.u32 $0xF, v0;
	v5 =	vcombine.low v7, v6;
	s14 =	simm.s32 $0x400;
	s29 =	sor.u32 s4, s6;
	s15 =	sor.u32 s7, s30  }
0x17: {  	v0 =	vimm.f32 $+Inf;
	v1 =	vcombine.low v4, v1;
	s6 =	sadd.s32 s8, s26;
	s4 =	sadd.s32 s5, s29;
	s5 =	sadd.s32 s5, s15  }
0x18: {  	v2 =	vand.u32 $0xF, v2;
	v3 =	vand.u32 $0xF, v3;
	v4 =	vand.u32 $0xF, v5;
	s7 =	sadd.s32 s8, s29;
	s8 =	sadd.s32 s8, s15;
	s15 =	simm.s32 $0x1  }
.LBB2_1:
0x19: {  	[tilespmem:s2], [sflag:$0x1] =	stream.strided.gather [hbm4b:s3+s13], $0x400, s14, s13, $0x38;
	[tilespmem:$0x2480] =	vst v63  }
0x1a: {  	_ =	swait.ge [sflag:s15], $0x400  }
0x1b: {  	[sflag:s15] =	ssyncset.done $0x0  }
0x1c: {  	[sflag:s15] =	ssyncadd.s32 $0xFFFFFC00  }
0x1d: {  	[tilespmem:s14], [sflag:$0x1] =	stream.strided.gather [hbm4b:s4+s13], $0x400, s14, s13, $0x38;
	[tilespmem:$0x2480] =	vst v63  }
0x1e: {  	_ =	swait.ge [sflag:s15], $0x400  }
0x1f: {  	[sflag:s15] =	ssyncset.done $0x0  }
0x20: {  	[sflag:s15] =	ssyncadd.s32 $0xFFFFFC00  }
0x21: {  	[tilespmem:s16], [sflag:$0x1] =	stream.strided.gather [hbm4b:s5+s13], $0x400, s14, s13, $0x38;
	[tilespmem:$0x2480] =	vst v63  }
0x22: {  	_ =	swait.ge [sflag:s15], $0x400  }
0x23: {  	[sflag:s15] =	ssyncset.done $0x0  }
0x24: {  	[sflag:s15] =	ssyncadd.s32 $0xFFFFFC00  }
0x25: {  	[tilespmem:s17], [sflag:$0x1] =	stream.strided.gather [hbm4b:s6+s13], $0x400, s14, s13, $0x38;
	[tilespmem:$0x2480] =	vst v63  }
0x26: {  	_ =	swait.ge [sflag:s15], $0x400  }
0x27: {  	[sflag:s15] =	ssyncset.done $0x0  }
0x28: {  	[sflag:s15] =	ssyncadd.s32 $0xFFFFFC00  }
0x29: {  	[tilespmem:s18], [sflag:$0x1] =	stream.strided.gather [hbm4b:s7+s13], $0x400, s14, s13, $0x38;
	[tilespmem:$0x2480] =	vst v63  }
0x2a: {  	_ =	swait.ge [sflag:s15], $0x400  }
0x2b: {  	[sflag:s15] =	ssyncset.done $0x0  }
0x2c: {  	[sflag:s15] =	ssyncadd.s32 $0xFFFFFC00  }
0x2d: {  	[tilespmem:s19], [sflag:$0x1] =	stream.strided.gather [hbm4b:s8+s13], $0x400, s14, s13, $0x38;
	[tilespmem:$0x2480] =	vst v63  }
0x2e: {  	_ =	swait.ge [sflag:s15], $0x400  }
0x2f: {  	[sflag:s15] =	ssyncset.done $0x0  }
0x30: {  	s24 =	simm.s32 $0x0;
	[sflag:s15] =	ssyncadd.s32 $0xFFFFFC00  }
0x31: {  	v8 =	vld [tilespmem:s24+$0x1000]  }
0x32: {  	v6 =	vld [tilespmem:s24+$0x1400]  }
0x33: {  	v5 =	vld [tilespmem:s24+$0x1800];
	_ =	sdelay $0x2  }
0x34: {  	s25 =	simm.s32 $0x40;
	s26 =	simm.s32 $0x80;
	[tilespmem:s24+$0x2000] =	vst v0;
	v7 =	vmul.f32 v8, v8;
	v8 =	vmul.f32 $-2.000000000e+00, v8  }
.LBB2_2:
0x35: {  	p0 =	sne.s32 s26, $0xFC0;
	v9 =	vmul.f32 v6, v6;
	v6 =	vmul.f32 $-2.000000000e+00, v6  }
0x36: {  	s28 =	sshra.s32 s25, $0x2;
	s25 =	smov.u32 s26;
	v10 =	vmul.f32 v5, v5;
	[tilespmem:s24+$0x1000] =	vst v8;
	v5 =	vmul.f32 $-2.000000000e+00, v5  }
0x37: {  	v8 =	vld [tilespmem:s28+$0x1000];
	v7 =	vadd.f32 v9, v7;
	[tilespmem:s24+$0x1400] =	vst v6  }
.Ltmp0:
0x38: {  	v6 =	vld [tilespmem:s28+$0x1400];
	[tilespmem:s24+$0x1800] =	vst v5;
	(pc) =	sbr.rel @p0 .LBB2_2-.Ltmp0, $3  }
0x39: {  	v5 =	vld [tilespmem:s28+$0x1800];
	[tilespmem:s28+$0x2000] =	vst v0;
	v7 =	vadd.f32 v10, v7;
	_ =	sdelay $0x1  }
0x3a: {  	[tilespmem:s24+$0x1C00] =	vst v7;
	s24 =	smov.u32 s28  }
0x3b: {  	s26 =	sadd.s32 $0x40, s26;
	v7 =	vmul.f32 v8, v8;
	v8 =	vmul.f32 $-2.000000000e+00, v8  }
0x3c: {  	v9 =	vmul.f32 $-2.000000000e+00, v6  }
0x3d: {  	s25 =	sshra.s32 s25, $0x2;
	[tilespmem:s24+$0x1000] =	vst v8  }
0x3e: {  	v10 =	vmul.f32 $-2.000000000e+00, v5;
	v8 =	vld [tilespmem:s25+$0x1000];
	[tilespmem:s24+$0x1400] =	vst v9  }
0x3f: {  	v9 =	vld [tilespmem:s25+$0x1400]  }
0x40: {  	v6 =	vmul.f32 v6, v6;
	[tilespmem:s24+$0x1800] =	vst v10  }
0x41: {  	v10 =	vld [tilespmem:s25+$0x1800]  }
0x42: {  	v5 =	vmul.f32 v5, v5;
	v6 =	vadd.f32 v6, v7;
	_ =	sdelay $0x1  }
0x43: {  	v5 =	vadd.f32 v5, v6;
	v6 =	vmul.f32 v8, v8;
	v7 =	vmul.f32 v9, v9  }
0x44: {  	[tilespmem:s25+$0x2000] =	vst v0;
	v8 =	vmul.f32 $-2.000000000e+00, v8  }
0x45: {  	[tilespmem:s24+$0x1C00] =	vst v5;
	v5 =	vmul.f32 $-2.000000000e+00, v9;
	v9 =	vmul.f32 v10, v10;
	v6 =	vadd.f32 v7, v6  }
0x46: {  	[tilespmem:s25+$0x1000] =	vst v8;
	v7 =	vmul.f32 $-2.000000000e+00, v10  }
0x47: {  	s26 =	sadd.s32 $0x0, s12;
	s24 =	simm.s32 $0x0;
	[tilespmem:s25+$0x1400] =	vst v5;
	v5 =	vadd.f32 v9, v6  }
0x48: {  	s26 =	sand.u32 $0x380, s26;
	s28 =	sand.u32 $0x70, s24;
	[tilespmem:s25+$0x1800] =	vst v7  }
0x49: {  	[tilespmem:s25+$0x1C00] =	vst v5;
	s25 =	sor.u32 s28, s26  }
0x4a: {  	v5 =	vld [tilespmem:s25+$0x0]  }
0x4b: {  	v6 =	vld [tilespmem:s25+$0x400];
	_ =	sdelay $0x1  }
0x4c: {  	s31 =	simm.s32 $0x10;
	s28 =	sadd.s32 $0x10, s12;
	v8 =	vld [tilespmem:s25+$0x800]  }
0x4d: {  	s26 =	sand.u32 $0x70, s31;
	s28 =	sand.u32 $0x380, s28  }
0x4e: {  	s26 =	sor.u32 s26, s28  }
0x4f: {  	v7 =	vmul.f32 v5, v5;
	v9 =	vmul.f32 v6, v6;
	v5 =	vld [tilespmem:s26+$0x0]  }
0x50: {  	v6 =	vld [tilespmem:s26+$0x400]  }
0x51: {  	s28 =	simm.s32 $0x20;
	v8 =	vmul.f32 v8, v8;
	v7 =	vadd.f32 v9, v7  }
.LBB2_4:
0x52: {  	s29 =	sadd.s32 s28, s12;
	s30 =	sand.u32 $0x70, s28;
	v9 =	vld [tilespmem:s26+$0x800];
	p0 =	sne.s32 s28, $0xF0  }
.Ltmp1:
0x53: {  	s28 =	sadd.s32 $0x10, s28;
	s29 =	sand.u32 $0x380, s29;
	v7 =	vadd.f32 v8, v7;
	(pc) =	sbr.rel @p0 .LBB2_4-.Ltmp1, $4  }
0x54: {  	s29 =	sor.u32 s30, s29  }
0x55: {  	v8 =	vmul.f32 v5, v5;
	v5 =	vld [tilespmem:s29+$0x0];
	v10 =	vmul.f32 v6, v6;
	[tilespmem:s25+$0xC00] =	vst v7;
	s25 =	smov.u32 s26;
	s26 =	smov.u32 s29  }
0x56: {  	v6 =	vld [tilespmem:s26+$0x400]  }
0x57: {  	v7 =	vadd.f32 v10, v8;
	v8 =	vmul.f32 v9, v9  }
0x58: {  	v9 =	vld [tilespmem:s26+$0x800];
	_ =	sdelay $0x2  }
0x59: {  	v5 =	vmul.f32 v5, v5;
	v6 =	vmul.f32 v6, v6;
	_ =	sdelay $0x1  }
0x5a: {  	v5 =	vadd.f32 v6, v5;
	v6 =	vmul.f32 v9, v9  }
0x5b: {  	v7 =	vadd.f32 v8, v7  }
0x5c: {  	v5 =	vadd.f32 v6, v5  }
0x5d: {  	[tilespmem:s25+$0xC00] =	vst v7  }
0x5e: {  	[tilespmem:s26+$0xC00] =	vst v5;
	v5 =	vimm.f32 $0.0e+00  }
.LBB2_6:
0x5f: {  	s25 =	sshll.u32 s24, $0x4  }
0x60: {  	s25 =	sand.u32 $0x3F0, s25  }
0x61: {  	s25 =	sor.u32 s20, s25  }
0x62: {  	v6 =	vld [tilespmem:s25+$0x0]  }
0x63: {  	v7 =	vld [tilespmem:s25+$0x400]  }
0x64: {  	v8 =	vld [tilespmem:s25+$0x800]  }
0x65: {  	v9 =	vld [tilespmem:s25+$0xC00];
	_ =	sdelay $0x3  }
0x66: {  	s26 =	simm.s32 $0x0;
	v13 =	vbroadcast v6, $0x0;
	v12 =	vbroadcast v7, $0x0  }
0x67: {  	v26 =	vld [tilespmem:s26+$0x1800];
	v19 =	vbroadcast v8, $0x0;
	v17 =	vbroadcast v9, $0x0  }
0x68: {  	v27 =	vld [tilespmem:s26+$0x1400];
	v15 =	vbroadcast v6, $0x1;
	v20 =	vbroadcast v7, $0x1  }
0x69: {  	v28 =	vld [tilespmem:s26+$0x1000];
	v24 =	vbroadcast v8, $0x1;
	v21 =	vbroadcast v9, $0x1  }
0x6a: {  	v29 =	vld [tilespmem:s26+$0x1C00];
	v18 =	vbroadcast v6, $0x2;
	v14 =	vbroadcast v7, $0x2  }
0x6b: {  	v10 =	vbroadcast v8, $0x2;
	v23 =	vbroadcast v9, $0x2  }
0x6c: {  	v22 =	vbroadcast v6, $0x3;
	v16 =	vbroadcast v7, $0x3  }
0x6d: {  	s25 =	simm.s32 $0x10;
	v11 =	vbroadcast v8, $0x3;
	v25 =	vbroadcast v9, $0x3  }
0x6e: {  	v55 =	vld [tilespmem:s25+$0x1C00];
	v30 =	vmul.f32 v26, v19;
	v31 =	vmul.f32 v26, v24  }
0x6f: {  	v52 =	vld [tilespmem:s25+$0x1000];
	v32 =	vadd.f32 v29, v17;
	v33 =	vmul.f32 v28, v13;
	v34 =	vmul.f32 v27, v20  }
0x70: {  	v40 =	vld [tilespmem:s25+$0x1400];
	v35 =	vmul.f32 v27, v12;
	v36 =	vadd.f32 v29, v21;
	v37 =	vmul.f32 v28, v15  }
0x71: {  	v49 =	vadd.f32 v29, v23;
	v38 =	vmul.f32 v28, v18;
	v28 =	vmul.f32 v28, v22  }
0x72: {  	v50 =	vadd.f32 v29, v25;
	v51 =	vmul.f32 v27, v14;
	v27 =	vmul.f32 v27, v16  }
0x73: {  	v54 =	vmul.f32 v26, v10;
	v58 =	vadd.f32 v55, v17;
	v32 =	vadd.f32 v32, v33  }
0x74: {  	v39 =	vld [tilespmem:s26+$0x2000];
	v59 =	vmul.f32 v52, v13;
	v43 =	vadd.f32 v55, v21;
	v36 =	vadd.f32 v36, v37  }
0x75: {  	v60 =	vmul.f32 v40, v20;
	v33 =	vadd.f32 v49, v38;
	v32 =	vadd.f32 v32, v35  }
0x76: {  	v42 =	vmul.f32 v40, v12;
	v28 =	vadd.f32 v50, v28;
	v34 =	vadd.f32 v36, v34  }
0x77: {  	v44 =	vmul.f32 v52, v15;
	v53 =	vadd.f32 v33, v51;
	v30 =	vadd.f32 v32, v30  }
0x78: {  	v27 =	vadd.f32 v28, v27;
	v28 =	vmul.f32 v26, v11;
	v31 =	vadd.f32 v34, v31  }
0x79: {  	v29 =	vld [tilespmem:s25+$0x1800];
	v62 =	vadd.f32 v55, v23;
	v32 =	vadd.f32 v53, v54;
	v56 =	vmin.f32 v39, v30  }
0x7a: {  	v26 =	vimm.f32 $+Inf;
	v28 =	vadd.f32 v27, v28;
	v57 =	vmin.f32 v56, v31  }
0x7b: {  	v45 =	vmul.f32 v52, v18;
	v27 =	vmin.f32 v26, v32;
	v32 =	vmin.f32 v57, v32  }
0x7c: {  	v63 =	vmul.f32 v52, v22;
	v61 =	vadd.f32 v58, v59;
	v32 =	vmin.f32 v32, v28  }
0x7d: {  	v46 =	vmul.f32 v40, v14;
	v43 =	vadd.f32 v43, v44;
	v38 =	vadd.f32 v55, v25;
	[tilespmem:s26+$0x2000] =	vst v32  }
0x7e: {  	v45 =	vadd.f32 v62, v45;
	v42 =	vadd.f32 v61, v42;
	v41 =	vmul.f32 v29, v19;
	s26 =	simm.s32 $0x20;
	v36 =	vld [tilespmem:s25+$0x2000]  }
0x7f: {  	v37 =	vadd.f32 v43, v60;
	v38 =	vadd.f32 v38, v63;
	v35 =	vmul.f32 v29, v24;
	v33 =	vld [tilespmem:s26+$0x1800]  }
0x80: {  	v30 =	vmin.f32 v26, v30;
	v39 =	vmul.f32 v40, v16;
	v40 =	vadd.f32 v42, v41;
	v32 =	vld [tilespmem:s26+$0x1400]  }
0x81: {  	s28 =	simm.s32 $0xC0;
	v41 =	vadd.f32 v45, v46;
	v42 =	vmul.f32 v29, v10;
	v31 =	vmin.f32 v26, v31;
	v34 =	vld [tilespmem:s26+$0x1000]  }
.LBB2_7:
0x82: {  	p0 =	sne.s32 s28, $0xFC0;
	v43 =	vld [tilespmem:s26+$0x1C00];
	v35 =	vadd.f32 v37, v35;
	v37 =	vadd.f32 v38, v39;
	v39 =	vmul.f32 v29, v11  }
0x83: {  	v30 =	vmin.f32 v30, v40;
	v36 =	vmin.f32 v36, v40;
	v38 =	vadd.f32 v41, v42  }
0x84: {  	v31 =	vmin.f32 v31, v35;
	v35 =	vmin.f32 v36, v35;
	v36 =	vadd.f32 v37, v39;
	v29 =	vmovc v33  }
0x85: {  	v26 =	vmin.f32 v26, v28;
	v27 =	vmin.f32 v27, v38;
	v33 =	vmin.f32 v35, v38  }
0x86: {  	v40 =	vmul.f32 v29, v19;
	v35 =	vmul.f32 v29, v24;
	v33 =	vmin.f32 v33, v36;
	v28 =	vmovc v36  }
0x87: {  	v38 =	vmul.f32 v32, v20;
	v37 =	vmul.f32 v34, v13;
	v36 =	vadd.f32 v43, v17;
	[tilespmem:s25+$0x2000] =	vst v33;
	s25 =	smov.u32 s26  }
0x88: {  	v39 =	vmul.f32 v32, v12;
	v41 =	vmul.f32 v34, v15;
	v33 =	vadd.f32 v43, v21  }
.Ltmp2:
0x89: {  	v44 =	vmul.f32 v34, v18;
	v42 =	vadd.f32 v43, v23;
	v37 =	vadd.f32 v36, v37;
	(pc) =	sbr.rel @p0 .LBB2_7-.Ltmp2, $4  }
0x8a: {  	v34 =	vmul.f32 v34, v22;
	s26 =	sshra.s32 s28, $0x2;
	v43 =	vadd.f32 v43, v25;
	v41 =	vadd.f32 v33, v41;
	v36 =	vld [tilespmem:s25+$0x2000]  }
0x8b: {  	v42 =	vadd.f32 v42, v44;
	v44 =	vmul.f32 v32, v14;
	v33 =	vld [tilespmem:s26+$0x1800];
	v45 =	vadd.f32 v37, v39  }
0x8c: {  	v37 =	vadd.f32 v41, v38;
	v38 =	vadd.f32 v43, v34;
	v39 =	vmul.f32 v32, v16;
	v32 =	vld [tilespmem:s26+$0x1400]  }
0x8d: {  	s28 =	sadd.s32 $0x40, s28;
	v41 =	vadd.f32 v42, v44;
	v42 =	vmul.f32 v29, v10;
	v34 =	vld [tilespmem:s26+$0x1000];
	v40 =	vadd.f32 v45, v40  }
0x8e: {  	v43 =	vld [tilespmem:s26+$0x1C00];
	v35 =	vadd.f32 v37, v35;
	v61 =	vadd.f32 v38, v39  }
0x8f: {  	v29 =	vmul.f32 v29, v11;
	v30 =	vmin.f32 v30, v40;
	v36 =	vmin.f32 v36, v40  }
0x90: {  	v62 =	vadd.f32 v41, v42;
	v31 =	vmin.f32 v31, v35;
	v35 =	vmin.f32 v36, v35  }
0x91: {  	v29 =	vadd.f32 v61, v29;
	v19 =	vmul.f32 v33, v19;
	v24 =	vmul.f32 v33, v24  }
0x92: {  	v10 =	vmul.f32 v33, v10;
	v11 =	vmul.f32 v33, v11;
	v35 =	vmin.f32 v35, v62  }
0x93: {  	v20 =	vmul.f32 v32, v20;
	v13 =	vmul.f32 v34, v13;
	v17 =	vadd.f32 v43, v17  }
0x94: {  	v12 =	vmul.f32 v32, v12;
	v15 =	vmul.f32 v34, v15;
	v21 =	vadd.f32 v43, v21  }
0x95: {  	v18 =	vmul.f32 v34, v18;
	v13 =	vadd.f32 v17, v13;
	v17 =	vadd.f32 v43, v23  }
0x96: {  	v22 =	vmul.f32 v34, v22;
	v15 =	vadd.f32 v21, v15;
	v21 =	vadd.f32 v43, v25  }
0x97: {  	v14 =	vmul.f32 v32, v14;
	v12 =	vadd.f32 v13, v12;
	v13 =	vadd.f32 v17, v18  }
0x98: {  	v16 =	vmul.f32 v32, v16;
	v17 =	vadd.f32 v21, v22;
	v18 =	vmin.f32 v35, v29  }
0x99: {  	v33 =	vbroadcast v9, $0x7;
	[tilespmem:s25+$0x2000] =	vst v18;
	v12 =	vadd.f32 v12, v19;
	v13 =	vadd.f32 v13, v14  }
0x9a: {  	v15 =	vadd.f32 v15, v20;
	v14 =	vadd.f32 v17, v16;
	v16 =	vmin.f32 v27, v62;
	v18 =	vld [tilespmem:s26+$0x2000]  }
0x9b: {  	v17 =	vmin.f32 v26, v28;
	v19 =	vmin.f32 v30, v12;
	v10 =	vadd.f32 v13, v10  }
0x9c: {  	v11 =	vadd.f32 v14, v11;
	v14 =	vmin.f32 v17, v29;
	v17 =	vperm.xlane v19, v1  }
0x9d: {  	v32 =	vbroadcast v8, $0x5;
	v15 =	vadd.f32 v15, v24;
	v16 =	vmin.f32 v16, v10  }
0x9e: {  	v25 =	vbroadcast v9, $0x4;
	v17 =	vmin.f32 v19, v17;
	v19 =	vperm.xlane v16, v1  }
0x9f: {  	v13 =	vmin.f32 v31, v15;
	v12 =	vmin.f32 v18, v12;
	v18 =	vperm.xlane v17, v2  }
0xa0: {  	v27 =	vbroadcast v8, $0x4;
	v20 =	vperm.xlane v13, v1;
	v16 =	vmin.f32 v16, v19  }
0xa1: {  	v14 =	vmin.f32 v14, v11;
	v17 =	vmin.f32 v17, v18;
	v18 =	vperm.xlane v16, v2  }
0xa2: {  	v28 =	vbroadcast v7, $0x5;
	v21 =	vperm.xlane v14, v1  }
0xa3: {  	v26 =	vbroadcast v6, $0x6;
	v13 =	vmin.f32 v13, v20;
	v18 =	vmin.f32 v16, v18  }
0xa4: {  	v12 =	vmin.f32 v12, v15;
	v14 =	vmin.f32 v14, v21;
	v21 =	vperm.xlane v18, v3  }
0xa5: {  	v24 =	vbroadcast v7, $0x7;
	v20 =	vperm.xlane v13, v2;
	v23 =	vmin.f32 v12, v10  }
0xa6: {  	v19 =	vperm.xlane v14, v2;
	v12 =	vmin.f32 v18, v21;
	v18 =	vmin.f32 v23, v11  }
0xa7: {  	s31 =	simm.s32 $0x0;
	v29 =	vbroadcast v9, $0x5;
	v13 =	vmin.f32 v13, v20;
	v15 =	vperm.xlane v17, v3;
	[tilespmem:s26+$0x2000] =	vst v18  }
0xa8: {  	v31 =	vbroadcast v9, $0x6;
	v20 =	vperm.xlane v13, v3;
	v19 =	vmin.f32 v14, v19;
	v34 =	vld [tilespmem:s31+$0x1800]  }
0xa9: {  	v30 =	vbroadcast v6, $0x7;
	v15 =	vmin.f32 v17, v15;
	v22 =	vperm.xlane v19, v3;
	v63 =	vld [tilespmem:s31+$0x1400]  }
0xaa: {  	v14 =	vmin.f32 v13, v20;
	v20 =	vbroadcast v7, $0x4;
	v17 =	vperm.xlane v15, v4;
	v50 =	vld [tilespmem:s31+$0x1000]  }
0xab: {  	v10 =	vperm.xlane v14, v4;
	v21 =	vbroadcast v6, $0x4;
	v51 =	vld [tilespmem:s31+$0x1C00]  }
0xac: {  	v23 =	vbroadcast v6, $0x5;
	v11 =	vperm.xlane v12, v4  }
0xad: {  	[tilespmem:$0x1FFD0] =	vst v10;
	v10 =	vmin.f32 v19, v22;
	v22 =	vbroadcast v7, $0x6;
	v18 =	vbroadcast v8, $0x6  }
0xae: {  	s25 =	simm.s32 $0x10;
	v19 =	vbroadcast v8, $0x7;
	[tilespmem:$0x1FFE0] =	vst v11;
	v11 =	vperm.xlane v10, v4  }
0xaf: {  	v37 =	vld [tilespmem:s25+$0x1800];
	v52 =	vmul.f32 v34, v27;
	v53 =	vmul.f32 v34, v32  }
0xb0: {  	v54 =	vadd.f32 v51, v25;
	v55 =	vmul.f32 v50, v21;
	v56 =	vmul.f32 v63, v28  }
0xb1: {  	v48 =	vld [tilespmem:s25+$0x1400];
	v57 =	vmul.f32 v63, v20;
	v44 =	vadd.f32 v51, v29;
	v45 =	vmul.f32 v50, v23  }
0xb2: {  	v58 =	vadd.f32 v51, v31;
	v46 =	vmul.f32 v50, v26;
	v36 =	vmul.f32 v50, v30  }
0xb3: {  	v59 =	vadd.f32 v51, v33;
	v60 =	vmul.f32 v63, v22;
	v35 =	vmul.f32 v63, v24  }
0xb4: {  	v47 =	vld [tilespmem:s31+$0x2000];
	v62 =	vmul.f32 v34, v18;
	v49 =	vmul.f32 v37, v27;
	v40 =	vadd.f32 v54, v55  }
0xb5: {  	v63 =	vld [tilespmem:s25+$0x1C00];
	v43 =	vmul.f32 v37, v32;
	v44 =	vadd.f32 v44, v45;
	v41 =	vadd.f32 v58, v46  }
0xb6: {  	v50 =	vmul.f32 v48, v20;
	v36 =	vadd.f32 v59, v36;
	v40 =	vadd.f32 v40, v57  }
0xb7: {  	v45 =	vld [tilespmem:s25+$0x1000];
	v55 =	vmul.f32 v34, v19;
	v34 =	vimm.f32 $+Inf;
	v42 =	vadd.f32 v44, v56  }
0xb8: {  	v54 =	vmul.f32 v48, v22;
	v61 =	vadd.f32 v41, v60;
	v38 =	vadd.f32 v40, v52  }
0xb9: {  	v35 =	vadd.f32 v36, v35;
	v60 =	vmul.f32 v48, v28;
	v39 =	vadd.f32 v42, v53  }
0xba: {  	v58 =	vadd.f32 v63, v25;
	v40 =	vadd.f32 v61, v62;
	v56 =	vmin.f32 v47, v38  }
0xbb: {  	v51 =	vadd.f32 v63, v29;
	v36 =	vadd.f32 v35, v55;
	v57 =	vmin.f32 v56, v39  }
0xbc: {  	v59 =	vmul.f32 v45, v21;
	v35 =	vmin.f32 v34, v40;
	v40 =	vmin.f32 v57, v40  }
0xbd: {  	v46 =	vadd.f32 v63, v33;
	v52 =	vmul.f32 v45, v23;
	v40 =	vmin.f32 v40, v36  }
0xbe: {  	v62 =	vadd.f32 v63, v31;
	v53 =	vmul.f32 v45, v26;
	v61 =	vadd.f32 v58, v59;
	[tilespmem:s31+$0x2000] =	vst v40  }
0xbf: {  	s26 =	simm.s32 $0x20;
	v63 =	vmul.f32 v45, v30;
	v38 =	vmin.f32 v34, v38;
	v51 =	vadd.f32 v51, v52;
	v44 =	vld [tilespmem:s25+$0x2000]  }
0xc0: {  	v47 =	vmul.f32 v48, v24;
	v53 =	vadd.f32 v62, v53;
	v50 =	vadd.f32 v61, v50;
	v41 =	vld [tilespmem:s26+$0x1800]  }
0xc1: {  	v39 =	vmin.f32 v34, v39;
	v46 =	vadd.f32 v46, v63;
	v45 =	vadd.f32 v51, v60;
	v40 =	vld [tilespmem:s26+$0x1400]  }
0xc2: {  	s28 =	simm.s32 $0xC0;
	[tilespmem:$0x1FFF0] =	vst v11;
	v42 =	vld [tilespmem:s26+$0x1000];
	v48 =	vadd.f32 v50, v49;
	v49 =	vadd.f32 v53, v54;
	v50 =	vmul.f32 v37, v18  }
.LBB2_9:
0xc3: {  	p0 =	sne.s32 s28, $0xFC0;
	v51 =	vld [tilespmem:s26+$0x1C00];
	v43 =	vadd.f32 v45, v43;
	v45 =	vadd.f32 v46, v47;
	v11 =	vmul.f32 v37, v19  }
0xc4: {  	v38 =	vmin.f32 v38, v48;
	v44 =	vmin.f32 v44, v48;
	v46 =	vadd.f32 v49, v50  }
0xc5: {  	v39 =	vmin.f32 v39, v43;
	v43 =	vmin.f32 v44, v43;
	v44 =	vadd.f32 v45, v11;
	v37 =	vmovc v41  }
0xc6: {  	v34 =	vmin.f32 v34, v36;
	v35 =	vmin.f32 v35, v46;
	v41 =	vmin.f32 v43, v46  }
0xc7: {  	v48 =	vmul.f32 v37, v27;
	v43 =	vmul.f32 v37, v32;
	v41 =	vmin.f32 v41, v44;
	v36 =	vmovc v44  }
0xc8: {  	v46 =	vmul.f32 v40, v28;
	v45 =	vmul.f32 v42, v21;
	v44 =	vadd.f32 v51, v25;
	[tilespmem:s25+$0x2000] =	vst v41;
	s25 =	smov.u32 s26  }
0xc9: {  	v47 =	vmul.f32 v40, v20;
	v49 =	vmul.f32 v42, v23;
	v41 =	vadd.f32 v51, v29  }
.Ltmp3:
0xca: {  	v52 =	vmul.f32 v42, v26;
	v50 =	vadd.f32 v51, v31;
	v45 =	vadd.f32 v44, v45;
	(pc) =	sbr.rel @p0 .LBB2_9-.Ltmp3, $4  }
0xcb: {  	v42 =	vmul.f32 v42, v30;
	s26 =	sshra.s32 s28, $0x2;
	v51 =	vadd.f32 v51, v33;
	v49 =	vadd.f32 v41, v49;
	v44 =	vld [tilespmem:s25+$0x2000]  }
0xcc: {  	v50 =	vadd.f32 v50, v52;
	v52 =	vmul.f32 v40, v22;
	v41 =	vld [tilespmem:s26+$0x1800];
	v53 =	vadd.f32 v45, v47  }
0xcd: {  	v45 =	vadd.f32 v49, v46;
	v46 =	vadd.f32 v51, v42;
	v47 =	vmul.f32 v40, v24;
	v40 =	vld [tilespmem:s26+$0x1400]  }
0xce: {  	s28 =	sadd.s32 $0x40, s28;
	v49 =	vadd.f32 v50, v52;
	v50 =	vmul.f32 v37, v18;
	v42 =	vld [tilespmem:s26+$0x1000];
	v48 =	vadd.f32 v53, v48  }
0xcf: {  	v51 =	vld [tilespmem:s26+$0x1C00];
	v43 =	vadd.f32 v45, v43;
	v61 =	vadd.f32 v46, v47  }
0xd0: {  	v37 =	vmul.f32 v37, v19;
	v38 =	vmin.f32 v38, v48;
	v44 =	vmin.f32 v44, v48  }
0xd1: {  	v62 =	vadd.f32 v49, v50;
	v39 =	vmin.f32 v39, v43;
	v43 =	vmin.f32 v44, v43  }
0xd2: {  	v37 =	vadd.f32 v61, v37;
	v27 =	vmul.f32 v41, v27;
	v32 =	vmul.f32 v41, v32  }
0xd3: {  	v18 =	vmul.f32 v41, v18;
	v19 =	vmul.f32 v41, v19;
	v43 =	vmin.f32 v43, v62  }
0xd4: {  	v28 =	vmul.f32 v40, v28;
	v21 =	vmul.f32 v42, v21;
	v25 =	vadd.f32 v51, v25  }
0xd5: {  	v20 =	vmul.f32 v40, v20;
	v23 =	vmul.f32 v42, v23;
	v29 =	vadd.f32 v51, v29  }
0xd6: {  	v26 =	vmul.f32 v42, v26;
	v21 =	vadd.f32 v25, v21;
	v25 =	vadd.f32 v51, v31  }
0xd7: {  	v30 =	vmul.f32 v42, v30;
	v23 =	vadd.f32 v29, v23;
	v29 =	vadd.f32 v51, v33  }
0xd8: {  	v22 =	vmul.f32 v40, v22;
	v20 =	vadd.f32 v21, v20;
	v21 =	vadd.f32 v25, v26  }
0xd9: {  	v24 =	vmul.f32 v40, v24;
	v25 =	vadd.f32 v29, v30;
	v26 =	vmin.f32 v43, v37  }
0xda: {  	v41 =	vbroadcast v9, $0xB;
	[tilespmem:s25+$0x2000] =	vst v26;
	v20 =	vadd.f32 v20, v27;
	v21 =	vadd.f32 v21, v22  }
0xdb: {  	v23 =	vadd.f32 v23, v28;
	v22 =	vadd.f32 v25, v24;
	v24 =	vmin.f32 v35, v62;
	v26 =	vld [tilespmem:s26+$0x2000]  }
0xdc: {  	v25 =	vmin.f32 v34, v36;
	v27 =	vmin.f32 v38, v20;
	v18 =	vadd.f32 v21, v18  }
0xdd: {  	v19 =	vadd.f32 v22, v19;
	v22 =	vmin.f32 v25, v37;
	v25 =	vperm.xlane v27, v1  }
0xde: {  	v40 =	vbroadcast v8, $0x9;
	v23 =	vadd.f32 v23, v32;
	v24 =	vmin.f32 v24, v18  }
0xdf: {  	v33 =	vbroadcast v9, $0x8;
	v25 =	vmin.f32 v27, v25;
	v27 =	vperm.xlane v24, v1  }
0xe0: {  	v21 =	vmin.f32 v39, v23;
	v20 =	vmin.f32 v26, v20;
	v26 =	vperm.xlane v25, v2  }
0xe1: {  	v35 =	vbroadcast v8, $0x8;
	v28 =	vperm.xlane v21, v1;
	v24 =	vmin.f32 v24, v27  }
0xe2: {  	v22 =	vmin.f32 v22, v19;
	v25 =	vmin.f32 v25, v26;
	v26 =	vperm.xlane v24, v2  }
0xe3: {  	v36 =	vbroadcast v7, $0x9;
	v29 =	vperm.xlane v22, v1  }
0xe4: {  	v34 =	vbroadcast v6, $0xA;
	v21 =	vmin.f32 v21, v28;
	v26 =	vmin.f32 v24, v26  }
0xe5: {  	v20 =	vmin.f32 v20, v23;
	v22 =	vmin.f32 v22, v29;
	v29 =	vperm.xlane v26, v3  }
0xe6: {  	v32 =	vbroadcast v7, $0xB;
	v28 =	vperm.xlane v21, v2;
	v31 =	vmin.f32 v20, v18  }
0xe7: {  	v27 =	vperm.xlane v22, v2;
	v20 =	vmin.f32 v26, v29;
	v26 =	vmin.f32 v31, v19  }
0xe8: {  	s31 =	simm.s32 $0x0;
	v37 =	vbroadcast v9, $0x9;
	v21 =	vmin.f32 v21, v28;
	v23 =	vperm.xlane v25, v3;
	[tilespmem:s26+$0x2000] =	vst v26  }
0xe9: {  	v39 =	vbroadcast v9, $0xA;
	v28 =	vperm.xlane v21, v3;
	v27 =	vmin.f32 v22, v27;
	v42 =	vld [tilespmem:s31+$0x1800]  }
0xea: {  	v38 =	vbroadcast v6, $0xB;
	v23 =	vmin.f32 v25, v23;
	v30 =	vperm.xlane v27, v3;
	v43 =	vld [tilespmem:s31+$0x1400]  }
0xeb: {  	v22 =	vmin.f32 v21, v28;
	v28 =	vbroadcast v7, $0x8;
	v25 =	vperm.xlane v23, v4;
	v63 =	vld [tilespmem:s31+$0x1000]  }
0xec: {  	v24 =	vperm.xlane v22, v4;
	v29 =	vbroadcast v6, $0x8;
	v57 =	vld [tilespmem:s31+$0x1C00]  }
0xed: {  	v18 =	vmin.f32 v27, v30;
	v31 =	vbroadcast v6, $0x9;
	v30 =	vbroadcast v7, $0xA  }
0xee: {  	v27 =	vbroadcast v8, $0xB;
	v21 =	vperm.xlane v20, v4  }
0xef: {  	s25 =	simm.s32 $0x10;
	v19 =	vperm.xlane v18, v4;
	v26 =	vbroadcast v8, $0xA  }
0xf0: {  	v45 =	vld [tilespmem:s25+$0x1800];
	v46 =	vmul.f32 v42, v35;
	v47 =	vmul.f32 v42, v40  }
0xf1: {  	v58 =	vadd.f32 v57, v33;
	v59 =	vmul.f32 v63, v29;
	v50 =	vmul.f32 v43, v36  }
0xf2: {  	v60 =	vmul.f32 v43, v28;
	v52 =	vadd.f32 v57, v37;
	v53 =	vmul.f32 v63, v31  }
0xf3: {  	v55 =	vld [tilespmem:s31+$0x2000];
	v61 =	vadd.f32 v57, v39;
	v54 =	vmul.f32 v63, v34;
	v44 =	vmul.f32 v63, v38  }
0xf4: {  	v56 =	vld [tilespmem:s25+$0x1400];
	v62 =	vadd.f32 v57, v41;
	v63 =	vmul.f32 v43, v30;
	v43 =	vmul.f32 v43, v32  }
0xf5: {  	v57 =	vmul.f32 v45, v35;
	v48 =	vadd.f32 v58, v59;
	v52 =	vadd.f32 v52, v53;
	v53 =	vld [tilespmem:s25+$0x1000]  }
0xf6: {  	v51 =	vmul.f32 v45, v40;
	v49 =	vadd.f32 v61, v54;
	v44 =	vadd.f32 v62, v44;
	v54 =	vld [tilespmem:s25+$0x1C00]  }
0xf7: {  	v61 =	vmul.f32 v42, v27;
	v48 =	vadd.f32 v48, v60;
	v50 =	vadd.f32 v52, v50  }
0xf8: {  	v59 =	vadd.f32 v49, v63;
	v60 =	vmul.f32 v42, v26;
	v43 =	vadd.f32 v44, v43  }
0xf9: {  	v58 =	vmul.f32 v56, v28;
	v46 =	vadd.f32 v48, v46;
	v47 =	vadd.f32 v50, v47  }
0xfa: {  	v42 =	vimm.f32 $+Inf;
	v48 =	vadd.f32 v59, v60;
	v44 =	vadd.f32 v43, v61  }
0xfb: {  	v49 =	vadd.f32 v54, v33;
	v50 =	vmul.f32 v53, v29;
	v62 =	vmin.f32 v55, v46  }
0xfc: {  	v59 =	vadd.f32 v54, v37;
	v60 =	vmul.f32 v53, v31;
	v63 =	vmin.f32 v62, v47  }
0xfd: {  	v61 =	vmul.f32 v53, v34;
	v43 =	vmin.f32 v42, v48;
	v48 =	vmin.f32 v63, v48  }
0xfe: {  	v46 =	vmin.f32 v42, v46;
	v55 =	vmul.f32 v56, v36;
	v48 =	vmin.f32 v48, v44  }
0xff: {  	v47 =	vmin.f32 v42, v47;
	[tilespmem:s31+$0x2000] =	vst v48;
	v48 =	vadd.f32 v49, v50;
	v50 =	vadd.f32 v54, v39  }
0x100: {  	s26 =	simm.s32 $0x20;
	v59 =	vadd.f32 v59, v60;
	v60 =	vmul.f32 v53, v38;
	v54 =	vadd.f32 v54, v41;
	v52 =	vld [tilespmem:s25+$0x2000]  }
0x101: {  	v62 =	vmul.f32 v56, v30;
	v49 =	vld [tilespmem:s26+$0x1800];
	v58 =	vadd.f32 v48, v58;
	v61 =	vadd.f32 v50, v61  }
0x102: {  	v53 =	vadd.f32 v59, v55;
	v55 =	vmul.f32 v56, v32;
	v48 =	vld [tilespmem:s26+$0x1400];
	v54 =	vadd.f32 v54, v60  }
0x103: {  	s28 =	simm.s32 $0xC0;
	v50 =	vld [tilespmem:s26+$0x1000];
	v56 =	vadd.f32 v58, v57;
	v57 =	vadd.f32 v61, v62;
	v58 =	vmul.f32 v45, v26  }
.LBB2_11:
0x104: {  	p0 =	sne.s32 s28, $0xFC0;
	v59 =	vld [tilespmem:s26+$0x1C00];
	v51 =	vadd.f32 v53, v51;
	v53 =	vadd.f32 v54, v55;
	v11 =	vmul.f32 v45, v27  }
0x105: {  	v46 =	vmin.f32 v46, v56;
	v52 =	vmin.f32 v52, v56;
	v54 =	vadd.f32 v57, v58  }
0x106: {  	v47 =	vmin.f32 v47, v51;
	v51 =	vmin.f32 v52, v51;
	v52 =	vadd.f32 v53, v11;
	v45 =	vmovc v49  }
0x107: {  	v42 =	vmin.f32 v42, v44;
	v43 =	vmin.f32 v43, v54;
	v49 =	vmin.f32 v51, v54  }
0x108: {  	v56 =	vmul.f32 v45, v35;
	v51 =	vmul.f32 v45, v40;
	v49 =	vmin.f32 v49, v52;
	v44 =	vmovc v52  }
0x109: {  	v54 =	vmul.f32 v48, v36;
	v53 =	vmul.f32 v50, v29;
	v52 =	vadd.f32 v59, v33;
	[tilespmem:s25+$0x2000] =	vst v49;
	s25 =	smov.u32 s26  }
0x10a: {  	v55 =	vmul.f32 v48, v28;
	v57 =	vmul.f32 v50, v31;
	v49 =	vadd.f32 v59, v37  }
.Ltmp4:
0x10b: {  	v60 =	vmul.f32 v50, v34;
	v58 =	vadd.f32 v59, v39;
	v53 =	vadd.f32 v52, v53;
	(pc) =	sbr.rel @p0 .LBB2_11-.Ltmp4, $4  }
0x10c: {  	v50 =	vmul.f32 v50, v38;
	s26 =	sshra.s32 s28, $0x2;
	v59 =	vadd.f32 v59, v41;
	v57 =	vadd.f32 v49, v57;
	v52 =	vld [tilespmem:s25+$0x2000]  }
0x10d: {  	v58 =	vadd.f32 v58, v60;
	v60 =	vmul.f32 v48, v30;
	v49 =	vld [tilespmem:s26+$0x1800];
	v61 =	vadd.f32 v53, v55  }
0x10e: {  	v53 =	vadd.f32 v57, v54;
	v54 =	vadd.f32 v59, v50;
	v55 =	vmul.f32 v48, v32;
	v48 =	vld [tilespmem:s26+$0x1400]  }
0x10f: {  	s28 =	sadd.s32 $0x40, s28;
	v57 =	vadd.f32 v58, v60;
	v58 =	vmul.f32 v45, v26;
	v50 =	vld [tilespmem:s26+$0x1000];
	v56 =	vadd.f32 v61, v56  }
0x110: {  	_ = 	snop  }
0x111: {  	v51 =	vadd.f32 v53, v51;
	v60 =	vadd.f32 v54, v55;
	v45 =	vmul.f32 v45, v27  }
0x112: {  	v46 =	vmin.f32 v46, v56;
	v52 =	vmin.f32 v52, v56;
	v35 =	vmul.f32 v49, v35  }
0x113: {  	v59 =	vld [tilespmem:s26+$0x1C00];
	v61 =	vadd.f32 v57, v58;
	v40 =	vmul.f32 v49, v40;
	v26 =	vmul.f32 v49, v26  }
0x114: {  	v47 =	vmin.f32 v47, v51;
	v27 =	vmul.f32 v49, v27;
	v36 =	vmul.f32 v48, v36  }
0x115: {  	v51 =	vmin.f32 v52, v51;
	v28 =	vmul.f32 v48, v28;
	v30 =	vmul.f32 v48, v30  }
0x116: {  	v45 =	vadd.f32 v60, v45;
	v32 =	vmul.f32 v48, v32;
	v29 =	vmul.f32 v50, v29  }
0x117: {  	v51 =	vmin.f32 v51, v61;
	v31 =	vmul.f32 v50, v31;
	v34 =	vmul.f32 v50, v34  }
0x118: {  	v38 =	vmul.f32 v50, v38;
	v48 =	vmin.f32 v51, v45;
	v33 =	vadd.f32 v59, v33  }
0x119: {  	v50 =	vmin.f32 v43, v61;
	v51 =	vmin.f32 v42, v44;
	v42 =	vbroadcast v7, $0xD  }
0x11a: {  	v43 =	vbroadcast v9, $0xD;
	v37 =	vadd.f32 v59, v37;
	v29 =	vadd.f32 v33, v29  }
0x11b: {  	v44 =	vbroadcast v9, $0xE;
	v62 =	vadd.f32 v59, v39;
	v63 =	vadd.f32 v59, v41  }
0x11c: {  	v39 =	vbroadcast v6, $0xD;
	v31 =	vadd.f32 v37, v31;
	v28 =	vadd.f32 v29, v28  }
0x11d: {  	[tilespmem:s25+$0x2000] =	vst v48;
	v41 =	vadd.f32 v63, v38;
	v37 =	vbroadcast v6, $0xC;
	v29 =	vadd.f32 v62, v34  }
0x11e: {  	v38 =	vbroadcast v6, $0xE;
	v31 =	vadd.f32 v31, v36;
	v34 =	vld [tilespmem:s26+$0x2000];
	v28 =	vadd.f32 v28, v35  }
0x11f: {  	v29 =	vadd.f32 v29, v30;
	v30 =	vadd.f32 v41, v32;
	v41 =	vbroadcast v9, $0xC  }
0x120: {  	v31 =	vadd.f32 v31, v40;
	v40 =	vbroadcast v6, $0xF;
	v6 =	vbroadcast v8, $0xF  }
0x121: {  	v35 =	vmin.f32 v46, v28;
	v26 =	vadd.f32 v29, v26;
	v27 =	vadd.f32 v30, v27  }
0x122: {  	v29 =	vmin.f32 v47, v31;
	v30 =	vmin.f32 v51, v45;
	v45 =	vbroadcast v8, $0xC  }
0x123: {  	v52 =	vperm.xlane v35, v1;
	v53 =	vperm.xlane v29, v1;
	v28 =	vmin.f32 v34, v28  }
0x124: {  	v32 =	vmin.f32 v50, v26;
	v30 =	vmin.f32 v30, v27;
	v28 =	vmin.f32 v28, v31  }
0x125: {  	v33 =	vmin.f32 v35, v52;
	v54 =	vperm.xlane v32, v1;
	v55 =	vperm.xlane v30, v1  }
0x126: {  	v29 =	vmin.f32 v29, v53;
	v61 =	vmin.f32 v28, v26;
	v56 =	vperm.xlane v33, v2  }
0x127: {  	v36 =	vperm.xlane v29, v2;
	v62 =	vmin.f32 v61, v27;
	v32 =	vmin.f32 v32, v54  }
0x128: {  	v30 =	vmin.f32 v30, v55;
	v33 =	vmin.f32 v33, v56;
	v57 =	vperm.xlane v32, v2  }
0x129: {  	s31 =	simm.s32 $0x0;
	[tilespmem:s26+$0x2000] =	vst v62;
	v58 =	vperm.xlane v30, v2;
	v29 =	vmin.f32 v29, v36;
	v31 =	vperm.xlane v33, v3  }
0x12a: {  	v46 =	vbroadcast v8, $0xD;
	v47 =	vld [tilespmem:s31+$0x1800];
	v36 =	vperm.xlane v29, v3;
	v34 =	vmin.f32 v32, v57  }
0x12b: {  	v49 =	vld [tilespmem:s31+$0x1400];
	v35 =	vmin.f32 v30, v58;
	v30 =	vmin.f32 v33, v31;
	v59 =	vperm.xlane v34, v3  }
0x12c: {  	v48 =	vld [tilespmem:s31+$0x1000];
	v60 =	vperm.xlane v35, v3;
	v31 =	vmin.f32 v29, v36;
	v36 =	vbroadcast v7, $0xC  }
0x12d: {  	v50 =	vld [tilespmem:s31+$0x1C00];
	v33 =	vperm.xlane v30, v4;
	v32 =	vperm.xlane v31, v4;
	v28 =	vmin.f32 v34, v59  }
0x12e: {  	v26 =	vmin.f32 v35, v60;
	v35 =	vbroadcast v7, $0xE;
	v34 =	vbroadcast v8, $0xE  }
0x12f: {  	v7 =	vbroadcast v7, $0xF;
	v8 =	vbroadcast v9, $0xF  }
0x130: {  	v9 =	vmul.f32 v47, v45;
	v51 =	vmul.f32 v47, v46  }
0x131: {  	v60 =	vmul.f32 v48, v37;
	v54 =	vmul.f32 v49, v42  }
0x132: {  	v63 =	vadd.f32 v50, v41;
	v55 =	vmul.f32 v49, v36;
	v62 =	vmul.f32 v48, v39  }
0x133: {  	v61 =	vadd.f32 v50, v43;
	v57 =	vmul.f32 v48, v40;
	v29 =	vperm.xlane v28, v4  }
0x134: {  	s25 =	simm.s32 $0x10;
	v59 =	vld [tilespmem:s31+$0x2000];
	v52 =	vadd.f32 v63, v60;
	v63 =	vadd.f32 v50, v44;
	v60 =	vmul.f32 v48, v38  }
0x135: {  	v27 =	vperm.xlane v26, v4;
	v56 =	vadd.f32 v61, v62;
	v50 =	vadd.f32 v50, v8;
	v48 =	vld [tilespmem:s25+$0x1800]  }
0x136: {  	v52 =	vadd.f32 v52, v55;
	v53 =	vadd.f32 v63, v60;
	v55 =	vmul.f32 v49, v35  }
0x137: {  	v54 =	vadd.f32 v56, v54;
	v50 =	vadd.f32 v50, v57;
	v49 =	vmul.f32 v49, v7;
	v57 =	vld [tilespmem:s25+$0x1000]  }
0x138: {  	v61 =	vmul.f32 v47, v34;
	v60 =	vld [tilespmem:s25+$0x1400];
	v52 =	vadd.f32 v52, v9;
	v53 =	vadd.f32 v53, v55  }
0x139: {  	v58 =	vld [tilespmem:s25+$0x1C00];
	v47 =	vmul.f32 v47, v6;
	v54 =	vadd.f32 v54, v51;
	v49 =	vadd.f32 v50, v49  }
0x13a: {  	v9 =	vimm.f32 $+Inf;
	v55 =	vmul.f32 v48, v46;
	v62 =	vmin.f32 v59, v52  }
0x13b: {  	v53 =	vadd.f32 v53, v61;
	v51 =	vmin.f32 v9, v52;
	v52 =	vmin.f32 v9, v54  }
0x13c: {  	v61 =	vmul.f32 v48, v45;
	v63 =	vmin.f32 v62, v54;
	v54 =	vmul.f32 v57, v37  }
0x13d: {  	v50 =	vadd.f32 v49, v47;
	v62 =	vmul.f32 v60, v36;
	v11 =	vmul.f32 v57, v39  }
0x13e: {  	v49 =	vmin.f32 v9, v53;
	v59 =	vmin.f32 v63, v53;
	v53 =	vadd.f32 v58, v41  }
0x13f: {  	v13 =	vmul.f32 v57, v38;
	v63 =	vadd.f32 v58, v43;
	v47 =	vmin.f32 v59, v50  }
0x140: {  	v57 =	vmul.f32 v57, v40;
	[tilespmem:s31+$0x2000] =	vst v47;
	v47 =	vadd.f32 v53, v54;
	v54 =	vadd.f32 v58, v44  }
0x141: {  	s26 =	simm.s32 $0x20;
	v59 =	vmul.f32 v60, v42;
	v11 =	vadd.f32 v63, v11;
	v63 =	vadd.f32 v58, v8;
	v56 =	vld [tilespmem:s25+$0x2000]  }
0x142: {  	v16 =	vmul.f32 v60, v35;
	v53 =	vld [tilespmem:s26+$0x1800];
	v62 =	vadd.f32 v47, v62;
	v13 =	vadd.f32 v54, v13  }
0x143: {  	v47 =	vld [tilespmem:s26+$0x1400];
	v58 =	vadd.f32 v11, v59;
	v57 =	vadd.f32 v63, v57;
	v59 =	vmul.f32 v60, v7  }
0x144: {  	s28 =	simm.s32 $0xC0;
	v54 =	vld [tilespmem:s26+$0x1000];
	v60 =	vadd.f32 v62, v61;
	v61 =	vadd.f32 v13, v16;
	v62 =	vmul.f32 v48, v34  }
.LBB2_13:
0x145: {  	p0 =	sne.s32 s28, $0xFC0;
	v11 =	vld [tilespmem:s26+$0x1C00];
	v13 =	vadd.f32 v58, v55;
	v16 =	vadd.f32 v57, v59;
	v57 =	vmul.f32 v48, v6  }
0x146: {  	v51 =	vmin.f32 v51, v60;
	v55 =	vmin.f32 v56, v60;
	v56 =	vadd.f32 v61, v62  }
0x147: {  	v52 =	vmin.f32 v52, v13;
	v13 =	vmin.f32 v55, v13;
	v16 =	vadd.f32 v16, v57;
	v48 =	vmovc v53  }
0x148: {  	v9 =	vmin.f32 v9, v50;
	v49 =	vmin.f32 v49, v56;
	v13 =	vmin.f32 v13, v56  }
0x149: {  	v60 =	vmul.f32 v48, v45;
	v55 =	vmul.f32 v48, v46;
	v13 =	vmin.f32 v13, v16;
	v50 =	vmovc v16  }
0x14a: {  	v57 =	vmul.f32 v47, v42;
	v53 =	vmul.f32 v54, v37;
	v16 =	vadd.f32 v11, v41;
	[tilespmem:s25+$0x2000] =	vst v13;
	s25 =	smov.u32 s26  }
0x14b: {  	v59 =	vmul.f32 v54, v39;
	v13 =	vmul.f32 v47, v36;
	v58 =	vadd.f32 v11, v43  }
.Ltmp5:
0x14c: {  	v62 =	vmul.f32 v54, v38;
	v61 =	vadd.f32 v11, v44;
	v16 =	vadd.f32 v16, v53;
	(pc) =	sbr.rel @p0 .LBB2_13-.Ltmp5, $4  }
0x14d: {  	v54 =	vmul.f32 v54, v40;
	s26 =	sshra.s32 s28, $0x2;
	v11 =	vadd.f32 v11, v8;
	v58 =	vadd.f32 v58, v59;
	v56 =	vld [tilespmem:s25+$0x2000]  }
0x14e: {  	v53 =	vld [tilespmem:s26+$0x1800];
	v13 =	vadd.f32 v16, v13;
	v16 =	vadd.f32 v61, v62;
	v61 =	vmul.f32 v47, v35  }
0x14f: {  	v59 =	vmul.f32 v47, v7;
	v58 =	vadd.f32 v58, v57;
	v57 =	vadd.f32 v11, v54;
	v47 =	vld [tilespmem:s26+$0x1400]  }
0x150: {  	s28 =	sadd.s32 $0x40, s28;
	v62 =	vmul.f32 v48, v34;
	v54 =	vld [tilespmem:s26+$0x1000];
	v60 =	vadd.f32 v13, v60;
	v61 =	vadd.f32 v16, v61  }
0x151: {  	v11 =	vadd.f32 v58, v55  }
0x152: {  	v16 =	vadd.f32 v57, v59;
	v48 =	vmul.f32 v48, v6;
	v9 =	vmin.f32 v9, v50;
	v55 =	vld [tilespmem:$0x1FFD0]  }
0x153: {  	v15 =	vmin.f32 v15, v17;
	v25 =	vmin.f32 v23, v25;
	v63 =	vadd.f32 v61, v62  }
0x154: {  	v58 =	vld [tilespmem:$0x1FFE0];
	v51 =	vmin.f32 v51, v60;
	v56 =	vmin.f32 v56, v60;
	v5 =	vadd.f32 v15, v5  }
0x155: {  	v13 =	vld [tilespmem:s26+$0x1C00];
	v52 =	vmin.f32 v52, v11;
	v11 =	vmin.f32 v56, v11;
	v16 =	vadd.f32 v16, v48  }
0x156: {  	v60 =	vld [tilespmem:$0x1FFF0];
	v17 =	vmul.f32 v53, v45;
	v6 =	vmul.f32 v53, v6;
	v48 =	vmin.f32 v49, v63  }
0x157: {  	v11 =	vmin.f32 v11, v63;
	v49 =	vmul.f32 v53, v46;
	v14 =	vmin.f32 v14, v55  }
0x158: {  	v56 =	vmul.f32 v47, v42;
	v36 =	vmul.f32 v47, v36;
	v5 =	vadd.f32 v14, v5  }
0x159: {  	v7 =	vmul.f32 v47, v7;
	v11 =	vmin.f32 v11, v16;
	v12 =	vmin.f32 v12, v58  }
0x15a: {  	v37 =	vmul.f32 v54, v37;
	v39 =	vmul.f32 v54, v39;
	v5 =	vadd.f32 v12, v5  }
0x15b: {  	v61 =	vmul.f32 v54, v38;
	v50 =	vadd.f32 v13, v41;
	v10 =	vmin.f32 v10, v60  }
0x15c: {  	v62 =	vmul.f32 v54, v40;
	v57 =	vadd.f32 v13, v43;
	v5 =	vadd.f32 v10, v5  }
0x15d: {  	v40 =	vmin.f32 v20, v21;
	v59 =	vadd.f32 v13, v44;
	v8 =	vadd.f32 v13, v8  }
0x15e: {  	v9 =	vmin.f32 v9, v16;
	v15 =	vadd.f32 v50, v37;
	v5 =	vadd.f32 v25, v5  }
0x15f: {  	v14 =	vadd.f32 v57, v39;
	v8 =	vadd.f32 v8, v62;
	v37 =	vmin.f32 v22, v24  }
0x160: {  	v41 =	vmul.f32 v53, v34;
	v63 =	vadd.f32 v15, v36;
	v5 =	vadd.f32 v37, v5  }
0x161: {  	v12 =	vadd.f32 v59, v61;
	v36 =	vmul.f32 v47, v35;
	v14 =	vadd.f32 v14, v56  }
0x162: {  	v43 =	vmin.f32 v18, v19;
	v13 =	vadd.f32 v63, v17;
	v5 =	vadd.f32 v40, v5  }
0x163: {  	v53 =	vmin.f32 v26, v27;
	v7 =	vadd.f32 v8, v7;
	v38 =	vadd.f32 v12, v36  }
0x164: {  	v39 =	vadd.f32 v14, v49;
	v42 =	vmin.f32 v51, v13;
	v5 =	vadd.f32 v43, v5  }
0x165: {  	v6 =	vadd.f32 v7, v6;
	v7 =	vmin.f32 v30, v33;
	v45 =	vperm.xlane v42, v1  }
0x166: {  	v10 =	vadd.f32 v38, v41;
	v44 =	vmin.f32 v52, v39;
	v5 =	vadd.f32 v7, v5  }
0x167: {  	v47 =	vperm.xlane v44, v1;
	v8 =	vmin.f32 v42, v45;
	v7 =	vmin.f32 v31, v32  }
0x168: {  	v46 =	vmin.f32 v48, v10;
	v5 =	vadd.f32 v7, v5;
	v7 =	vperm.xlane v8, v2  }
0x169: {  	v9 =	vmin.f32 v9, v6;
	v14 =	vmin.f32 v44, v47;
	v49 =	vperm.xlane v46, v1  }
0x16a: {  	v52 =	vperm.xlane v9, v1;
	v50 =	vperm.xlane v14, v2;
	v7 =	vmin.f32 v8, v7  }
0x16b: {  	v48 =	vmin.f32 v28, v29;
	v15 =	vmin.f32 v46, v49;
	v51 =	vperm.xlane v7, v3  }
0x16c: {  	v9 =	vmin.f32 v9, v52;
	v54 =	vperm.xlane v15, v2;
	v8 =	vmin.f32 v14, v50  }
0x16d: {  	[tilespmem:s25+$0x2000] =	vst v11;
	v5 =	vadd.f32 v48, v5;
	v55 =	vperm.xlane v8, v3;
	v7 =	vmin.f32 v7, v51  }
0x16e: {  	v56 =	vld [tilespmem:s26+$0x2000];
	v58 =	vperm.xlane v9, v2;
	v14 =	vmin.f32 v15, v54;
	v57 =	vperm.xlane v7, v4  }
0x16f: {  	v59 =	vperm.xlane v14, v3;
	v5 =	vadd.f32 v53, v5;
	v8 =	vmin.f32 v8, v55  }
0x170: {  	v9 =	vmin.f32 v9, v58;
	v60 =	vperm.xlane v8, v4;
	v7 =	vmin.f32 v7, v57  }
0x171: {  	s24 =	sadd.s32 $0x1, s24;
	v61 =	vperm.xlane v9, v3;
	v5 =	vadd.f32 v7, v5;
	v7 =	vmin.f32 v14, v59  }
0x172: {  	p0 =	sne.s32 s24, $0x10;
	v8 =	vmin.f32 v8, v60;
	v14 =	vperm.xlane v7, v4  }
.Ltmp6:
0x173: {  	v13 =	vmin.f32 v56, v13;
	v62 =	vmin.f32 v9, v61;
	v5 =	vadd.f32 v8, v5;
	(pc) =	sbr.rel @p0 .LBB2_6-.Ltmp6, $4  }
0x174: {  	v63 =	vmin.f32 v13, v39;
	v11 =	vperm.xlane v62, v4;
	v7 =	vmin.f32 v7, v14  }
0x175: {  	v9 =	vmin.f32 v63, v10;
	v5 =	vadd.f32 v7, v5  }
0x176: {  	v6 =	vmin.f32 v9, v6;
	v7 =	vmin.f32 v62, v11  }
0x177: {  	[tilespmem:s26+$0x2000] =	vst v6;
	v5 =	vadd.f32 v7, v5  }
0x178: {  	_ = 	snop  }
0x179: {  	v5 =	vmul.f32 $6.250000000e-02, v5;
	_ =	sdelay $0x1  }
0x17a: {  	[tilespmem:$0x2400] =	vst v5  }
0x17b: {  	[hbm4b:s9+s2] =	stream.linear.scatter [tilespmem:s21], [sflag:$0x1], $0x80, $0x38;
	[tilespmem:$0x2480] =	vst v63  }
0x17c: {  	s23 =	sadd.s32 $0x1, s23;
	_ =	swait.ge [sflag:s15], $0x80  }
0x17d: {  	p0 =	sne.s32 s23, s11;
	[sflag:s15] =	ssyncset.done $0x0  }
.Ltmp7:
0x17e: {  	[sflag:s15] =	ssyncadd.s32 $0xFFFFFF80;
	(pc) =	sbr.rel @p0 .LBB2_1-.Ltmp7, $4  }
0x17f: {  	[hbm4b:s10+s13] =	stream.strided.scatter [tilespmem:s22], [sflag:$0x1], $0x400, s14, s13, $0x38;
	[tilespmem:$0x2480] =	vst v63  }
0x180: {  	_ =	swait.ge [sflag:s15], $0x400  }
0x181: {  	[sflag:s15] =	ssyncset.done $0x0  }
0x182: {  	[sflag:s15] =	ssyncadd.s32 $0xFFFFFC00  }
0x183: {  	_ =	sfence.sel $0x180000  }
0x184: {  	[bflag:$0x0] =	sbarrier.arrive $0xFFFF  }
0x185: {  	p0 =	sne.s32 s0, $0x0;
	_ =	strace $0x90000047  }
0x186: {  	s0 =	sadd.s32 @!p0 $0x100000, s1;
	[bflag:$0x2] =	sbarrier.arrive $0xFFFF  }
0x187: {  	[sflag:s0] =	ssyncadd.tile.s32 @!p0 $0x1;
	_ =	shalt  }
.Lfunc_end2:
_tile_overlayer_lowered:
.L_overlay_start_2:
0x188: {  	(tag) =	ssettag $0x2  }
0x189: {  	s0 =	rddreg [dreg:$0x0];
	s2 =	stileid.u32  }
0x18a: {  	s1 =	rddreg [dreg:$0x1];
	p0 =	sne.s32 s2, $0x0  }
0x18b: {  	s3 =	rddreg [dreg:$0x2];
	[bflag:$0x3] =	sbarrier.arrive $0xFFFF;
	s2 =	simm.s32 @!p0 $0x1C01  }
0x18c: {  	[timem:s3], [sflag:s2] =	dma.local @!p0 [hbm:s0], s1  }
0x18d: {  	s0 =	simm.s32 @!p0 $0x1  }
0x18e: {  	_ =	swait.ge @!p0 [sflag:s0], s1  }
0x18f: {  	s1 =	ssub.s32 @!p0 $0x0, s1;
	[sflag:s0] =	ssyncset.done @!p0 $0x0  }
0x190: {  	[sflag:s0] =	ssyncadd.s32 @!p0 s1  }
0x191: {  	[bflag:$0x3] =	sbarrier.arrive $0xFFFF  }
0x192: {  	_ =	shalt  }

</sc_bundles>
